<compile_context>
chip_gen: v7x
topology: tpu7x:2x2x1
jax: 0.10.2.dev20260603
libtpu: 0.0.44.dev20260713+nightly
codegen_flags: <defaults>
</compile_context>

<pallas_src>
import functools

import jax
import jax.numpy as jnp
from jax import lax
from jax.experimental import pallas as pl
from jax.experimental.pallas import tpu as pltpu
from jax.experimental.pallas import tpu_sc as plsc

N = 10000
E = 320000
HID = 128
OUT = 40
B = 8

NC = 2
NS = 16
L = 16
NW = NC * NS

C = 80
NCHUNK = 128
EPT = NCHUNK * C
EP = NW * EPT
NP = 10112
RPW = NP // NS
DUMMY = N

_f32 = jnp.float32



def _ewb_body(ea_ref, we_ref, bm_ref, o0_ref, o1_ref, o2_ref):
    ea = ea_ref[...]
    outs = (o0_ref, o1_ref, o2_ref)
    for l in range(3):
        outs[l][...] = (
            jnp.dot(ea, we_ref[l], preferred_element_type=_f32) + bm_ref[l]
        )


_EWB_R = 4096


def _ewb_call(ea_pad, we_s, bm_s):
    grid = (EP // _EWB_R,)
    return pl.pallas_call(
        _ewb_body,
        grid=grid,
        in_specs=[
            pl.BlockSpec((_EWB_R, 8), lambda i: (i, 0)),
            pl.BlockSpec((3, 8, HID), lambda i: (0, 0, 0)),
            pl.BlockSpec((3, 1, HID), lambda i: (0, 0, 0)),
        ],
        out_specs=[
            pl.BlockSpec((_EWB_R, HID), lambda i: (i, 0)),
            pl.BlockSpec((_EWB_R, HID), lambda i: (i, 0)),
            pl.BlockSpec((_EWB_R, HID), lambda i: (i, 0)),
        ],
        out_shape=[jax.ShapeDtypeStruct((EP, HID), _f32)] * 3,
    )(ea_pad, we_s, bm_s)


def _transform_body(h_ref, wn_ref, ws_ref, hn_ref, hs_ref):
    h = h_ref[...]
    hn_ref[...] = jnp.dot(h, wn_ref[...], preferred_element_type=_f32)
    hs_ref[...] = jnp.dot(h, ws_ref[...], preferred_element_type=_f32)


def _transform_call(h, wn, ws):
    return pl.pallas_call(
        _transform_body,
        out_shape=[jax.ShapeDtypeStruct((N, HID), _f32)] * 2,
    )(h, wn, ws)


def _update_body(hs_ref, agg_ref, bu_ref, out_ref):
    a0 = agg_ref[pl.ds(0, N), :]
    a1 = agg_ref[pl.ds(NP, N), :]
    out_ref[...] = jnp.maximum(hs_ref[...] + a0 + a1 + bu_ref[...], 0.0)


def _update_call(hs, agg, bu):
    return pl.pallas_call(
        _update_body,
        out_shape=jax.ShapeDtypeStruct((N, HID), _f32),
    )(hs, agg, bu)


def _pool_body(h_ref, b_ref, wc1_ref, bc1_ref, wc2_ref, bc2_ref, out_ref):
    h = h_ref[...]
    bv = b_ref[...]
    neg = jnp.full_like(h, -jnp.inf)
    rows = [
        jnp.max(jnp.where(bv == g, h, neg), axis=0, keepdims=True)
        for g in range(B)
    ]
    pooled = jnp.concatenate(rows, axis=0)
    z = jnp.maximum(
        jnp.dot(pooled, wc1_ref[...], preferred_element_type=_f32)
        + bc1_ref[...], 0.0)
    out_ref[...] = (
        jnp.dot(z, wc2_ref[...], preferred_element_type=_f32) + bc2_ref[...]
    )


def _pool_call(h, batch2d, wc1, bc1, wc2, bc2):
    return pl.pallas_call(
        _pool_body,
        out_shape=jax.ShapeDtypeStruct((B, HID), _f32),
    )(h, batch2d, wc1, bc1, wc2, bc2)



_sc_mesh = plsc.VectorSubcoreMesh(
    core_axis_name="c", subcore_axis_name="s", num_cores=NC, num_subcores=NS)


@functools.partial(
    pl.kernel,
    out_type=jax.ShapeDtypeStruct((NC * NP, HID), _f32),
    mesh=_sc_mesh,
    scratch_types=[
        pltpu.VMEM((C,), jnp.int32),
        pltpu.VMEM((C,), jnp.int32),
        pltpu.VMEM((C,), jnp.int32),
        pltpu.VMEM((C,), jnp.int32),
        pltpu.VMEM((C, HID), _f32),
        pltpu.VMEM((C, HID), _f32),
        pltpu.VMEM((C, HID), _f32),
        pltpu.VMEM((C, HID), _f32),
        pltpu.VMEM_SHARED((NP, HID), _f32),
        pltpu.SemaphoreType.DMA,
        pltpu.SemaphoreType.DMA,
        pltpu.SemaphoreType.DMA,
        pltpu.SemaphoreType.DMA,
        pltpu.SemaphoreType.DMA,
        pltpu.SemaphoreType.DMA,
        pltpu.SemaphoreType.DMA,
        pltpu.SemaphoreType.DMA,
    ],
)
def _edge_sc(hn_hbm, ewb_hbm, src_hbm, dst_hbm, zeros_hbm, out_hbm,
             s0, s1, d0, d1, rows0, rows1, ews0, ews1, acc,
             ss0, ss1, ds0, ds1, g0, g1, e0, e1):
    cid = lax.axis_index("c")
    sid = lax.axis_index("s")
    wid = sid * NC + cid
    base = wid * EPT

    sidx = (s0, s1)
    didx = (d0, d1)
    rows = (rows0, rows1)
    ews = (ews0, ews1)
    ssem = (ss0, ss1)
    dsem = (ds0, ds1)
    gsem = (g0, g1)
    esem = (e0, e1)

    pltpu.sync_copy(zeros_hbm.at[pl.ds(sid * RPW, RPW)],
                    acc.at[pl.ds(sid * RPW, RPW)])
    plsc.subcore_barrier()

    def start_src(i, b):
        pltpu.async_copy(src_hbm.at[wid, i], sidx[b], ssem[b])

    def start_dst(i, b):
        pltpu.async_copy(dst_hbm.at[wid, i], didx[b], dsem[b])

    def wait_src(b):
        pltpu.make_async_copy(src_hbm.at[0, 0], sidx[b], ssem[b]).wait()

    def wait_dst(b):
        pltpu.make_async_copy(dst_hbm.at[0, 0], didx[b], dsem[b]).wait()

    def start_main(i, b):
        pltpu.async_copy(ewb_hbm.at[pl.ds(base + i * C, C)], ews[b], esem[b])
        pltpu.async_copy(hn_hbm.at[sidx[b]], rows[b], gsem[b])

    def wait_main(b):
        pltpu.make_async_copy(ewb_hbm.at[pl.ds(0, C)], ews[b], esem[b]).wait()
        pltpu.make_async_copy(ewb_hbm.at[pl.ds(0, C)], rows[b], gsem[b]).wait()

    def relu(b):
        def relu_body(e, _):
            for j in range(HID // L):
                sl = pl.ds(j * L, L)
                rows[b][e, sl] = jnp.maximum(rows[b][e, sl] + ews[b][e, sl],
                                             0.0)
            return 0

        lax.fori_loop(0, C, relu_body, 0)

    def scat(b):
        pltpu.sync_copy(rows[b], acc.at[didx[b]], add=True)

    start_src(0, 0)
    start_dst(0, 0)
    start_src(1, 1)
    start_dst(1, 1)
    wait_src(0)
    start_main(0, 0)

    def body(k, _):
        i = 2 * k
        wait_src(1)
        start_main(i + 1, 1)
        wait_main(0)
        start_src(i + 2, 0)
        relu(0)
        wait_dst(0)
        scat(0)
        start_dst(i + 2, 0)
        wait_src(0)
        start_main(i + 2, 0)
        wait_main(1)
        start_src(i + 3, 1)
        relu(1)
        wait_dst(1)
        scat(1)
        start_dst(i + 3, 1)
        return 0

    lax.fori_loop(0, NCHUNK // 2 - 1, body, 0)

    wait_src(1)
    start_main(NCHUNK - 1, 1)
    wait_main(0)
    relu(0)
    wait_dst(0)
    scat(0)
    wait_main(1)
    relu(1)
    wait_dst(1)
    scat(1)

    plsc.subcore_barrier()
    pltpu.sync_copy(acc.at[pl.ds(sid * RPW, RPW)],
                    out_hbm.at[pl.ds(cid * NP + sid * RPW, RPW)])



def kernel(x, edge_index, edge_attr, batch, params):
    src = edge_index[0]
    dst = edge_index[1]
    srcp = jnp.pad(src, (0, EP - E)).reshape(NW, NCHUNK, C)
    dstp = jnp.pad(dst, (0, EP - E),
                   constant_values=DUMMY).reshape(NW, NCHUNK, C)
    ea_pad = jnp.pad(edge_attr, ((0, EP - E), (0, 8 - edge_attr.shape[1])))

    layers = params["layers"]
    we_s = jnp.stack([
        jnp.pad(lp["We"], ((0, 8 - lp["We"].shape[0]), (0, 0)))
        for lp in layers])
    bm_s = jnp.stack([lp["bm"][None, :] for lp in layers])
    ewbs = _ewb_call(ea_pad, we_s, bm_s)

    zeros = jnp.zeros((NP, HID), _f32)
    batch2d = batch[:, None]

    h = jnp.pad(x, ((0, 0), (0, 8 - x.shape[1])))
    for l, lp in enumerate(layers):
        d = h.shape[1]
        wn = jnp.pad(lp["Wn"], ((0, d - lp["Wn"].shape[0]), (0, 0)))
        ws = jnp.pad(lp["Ws"], ((0, d - lp["Ws"].shape[0]), (0, 0)))
        hn, hs = _transform_call(h, wn, ws)
        agg = _edge_sc(hn, ewbs[l], srcp, dstp, zeros)
        h = _update_call(hs, agg, lp["bu"][None, :])

    wc2 = jnp.pad(params["Wc2"], ((0, 0), (0, HID - OUT)))
    bc2 = jnp.pad(params["bc2"], (0, HID - OUT))[None, :]
    logits = _pool_call(h, batch2d, params["Wc1"], params["bc1"][None, :],
                        wc2, bc2)
    return logits[:, :OUT]

# --- scband reference (transcript-rebuilt; emitter-appended) ---
"""Pipeline reference for scband-delaunay-gnnmodel-82841329205987 (READ-ONLY COPY).

The authoritative reference and input builder live on the scoring server;
editing this copy changes nothing except your own understanding.
"""

import jax, jax.numpy as jnp
import numpy as np

N = 10000      # nodes
E = 320000     # edges (avg_degree=32)
IN_DIM = 3
HID = 128
OUT = 40
N_LAYERS = 3
EDGE_DIM = 4
B = 8          # graphs in the packed batch


def _init_linear(key, fan_in, fan_out):
    return jax.random.normal(key, (fan_in, fan_out), dtype=jnp.float32) * (1.0 / np.sqrt(fan_in))


def setup_inputs(seed: int = 0) -> dict:
    key = jax.random.key(seed)
    ks = jax.random.split(key, 32)
    x = jax.random.normal(ks[0], (N, IN_DIM), dtype=jnp.float32)
    edge_index = jax.random.randint(ks[1], (2, E), 0, N, dtype=jnp.int32)
    edge_attr = jax.random.normal(ks[2], (E, EDGE_DIM), dtype=jnp.float32)
    batch = jnp.sort(jax.random.randint(ks[3], (N,), 0, B, dtype=jnp.int32))

    layers = []
    kidx = 4
    d_in = IN_DIM
    for _ in range(N_LAYERS):
        layers.append({
            "Wn": _init_linear(ks[kidx + 0], d_in, HID),      # neighbor transform
            "We": _init_linear(ks[kidx + 1], EDGE_DIM, HID),  # edge-conditioned transform
            "bm": jnp.zeros((HID,), dtype=jnp.float32),
            "Ws": _init_linear(ks[kidx + 2], d_in, HID),      # self/root transform
            "bu": jnp.zeros((HID,), dtype=jnp.float32),
        })
        kidx += 3
        d_in = HID
    params = {
        "layers": layers,
        "Wc1": _init_linear(ks[kidx + 0], HID, HID),
        "bc1": jnp.zeros((HID,), dtype=jnp.float32),
        "Wc2": _init_linear(ks[kidx + 1], HID, OUT),
        "bc2": jnp.zeros((OUT,), dtype=jnp.float32),
    }
    return {"x": x, "edge_index": edge_index, "edge_attr": edge_attr, "batch": batch, "params": params}


def reference(x, edge_index, edge_attr, batch, params):
    # DelaunayGNNModel: GraphConvBlock (n_layers of edge-conditioned message passing
    # with sum aggregation) -> global max pool per graph -> FCClassifier.
    src = edge_index[0]
    dst = edge_index[1]
    h = x
    for lp in params["layers"]:
        msg = jax.nn.relu(h[src] @ lp["Wn"] + edge_attr @ lp["We"] + lp["bm"])   # gather + edge cond
        agg = jax.ops.segment_sum(msg, dst, num_segments=N)                        # scatter-add
        h = jax.nn.relu(h @ lp["Ws"] + agg + lp["bu"])
    pooled = jax.ops.segment_max(h, batch, num_segments=B)                         # global max pool
    z = jax.nn.relu(pooled @ params["Wc1"] + params["bc1"])
    logits = z @ params["Wc2"] + params["bc2"]
    return logits

if __name__ == "__main__":
    import jax
    _d = setup_inputs()
    print(jax.jit(kernel)(*tuple(_d.values())))

</pallas_src>

<mosaic_0001>
#map = affine_map<(d0, d1) -> (0, 0)>
#map1 = affine_map<(d0, d1) -> (0, 0, 0)>
module attributes {stable_mosaic.version = 14 : i64} {
  func.func @_edge_sc(%arg0: i32, %arg1: i32, %arg2: memref<10000x128xf32, #tpu.memory_space<hbm>>, %arg3: memref<327680x128xf32, #tpu.memory_space<hbm>>, %arg4: memref<32x128x80xi32, #tpu.memory_space<hbm>>, %arg5: memref<32x128x80xi32, #tpu.memory_space<hbm>>, %arg6: memref<10112x128xf32, #tpu.memory_space<hbm>>, %arg7: memref<20224x128xf32, #tpu.memory_space<hbm>>, %arg8: memref<80xi32, #tpu.memory_space<vmem>>, %arg9: memref<80xi32, #tpu.memory_space<vmem>>, %arg10: memref<80xi32, #tpu.memory_space<vmem>>, %arg11: memref<80xi32, #tpu.memory_space<vmem>>, %arg12: memref<80x128xf32, #tpu.memory_space<vmem>>, %arg13: memref<80x128xf32, #tpu.memory_space<vmem>>, %arg14: memref<80x128xf32, #tpu.memory_space<vmem>>, %arg15: memref<80x128xf32, #tpu.memory_space<vmem>>, %arg16: memref<10112x128xf32, #tpu.memory_space<vmem_shared>>, %arg17: memref<!tpu.dma_semaphore, #tpu.memory_space<semaphore_mem>>, %arg18: memref<!tpu.dma_semaphore, #tpu.memory_space<semaphore_mem>>, %arg19: memref<!tpu.dma_semaphore, #tpu.memory_space<semaphore_mem>>, %arg20: memref<!tpu.dma_semaphore, #tpu.memory_space<semaphore_mem>>, %arg21: memref<!tpu.dma_semaphore, #tpu.memory_space<semaphore_mem>>, %arg22: memref<!tpu.dma_semaphore, #tpu.memory_space<semaphore_mem>>, %arg23: memref<!tpu.dma_semaphore, #tpu.memory_space<semaphore_mem>>, %arg24: memref<!tpu.dma_semaphore, #tpu.memory_space<semaphore_mem>>) attributes {dimension_semantics = [#tpu.dimension_semantics<core_parallel>, #tpu.dimension_semantics<subcore_parallel>], iteration_bounds = array<i64: 2, 16>, scalar_prefetch = 0 : i64, scratch_operands = 17 : i64, tpu.core_type = #tpu.core_type<sc_vector_subcore>, window_params = [{transform_indices = #map}, {transform_indices = #map}, {transform_indices = #map1}, {transform_indices = #map1}, {transform_indices = #map}, {transform_indices = #map}]} {
    %mul3A = arith.constant 2 : i32
    %mul3A_0 = arith.muli %arg1, %mul3A : i32
    %add3A = arith.addi %mul3A_0, %arg0 : i32
    %mul3A_1 = arith.constant 10240 : i32
    %mul3A_2 = arith.muli %add3A, %mul3A_1 : i32
    %mul3A_3 = arith.constant 632 : i32
    %mul3A_4 = arith.muli %arg1, %mul3A_3 : i32
    %mul3A_5 = arith.constant 632 : i32
    %mul3A_6 = arith.muli %arg1, %mul3A_5 : i32
    "tpu.region"() ({
      %run_scoped3A = tpu.sem_alloc : memref<!tpu.dma_semaphore, #tpu.memory_space<semaphore_mem>>
      %dma_start3A_135 = arith.constant 0 : i32
      %dma_start3A_136 = tpu.memref_slice %arg16[%mul3A_6, %dma_start3A_135] : memref<10112x128xf32, #tpu.memory_space<vmem_shared>> -> memref<632x128xf32, #tpu.memory_space<vmem_shared>>
      %dma_start3A_137 = arith.constant 0 : i32
      %dma_start3A_138 = tpu.memref_slice %arg6[%mul3A_4, %dma_start3A_137] : memref<10112x128xf32, #tpu.memory_space<hbm>> -> memref<632x128xf32, #tpu.memory_space<hbm>>
      tpu.enqueue_dma source(%dma_start3A_138 : memref<632x128xf32, #tpu.memory_space<hbm>>) target(%dma_start3A_136 : memref<632x128xf32, #tpu.memory_space<vmem_shared>>) target_semaphore(%run_scoped3A : memref<!tpu.dma_semaphore, #tpu.memory_space<semaphore_mem>>)
      %dma_wait3A_139 = arith.constant 0 : i32
      %dma_wait3A_140 = tpu.memref_slice %arg16[%mul3A_6, %dma_wait3A_139] : memref<10112x128xf32, #tpu.memory_space<vmem_shared>> -> memref<632x128xf32, #tpu.memory_space<vmem_shared>>
      %dma_wait3A_141 = arith.constant 0 : i32
      %dma_wait3A_142 = tpu.memref_slice %arg6[%mul3A_4, %dma_wait3A_141] : memref<10112x128xf32, #tpu.memory_space<hbm>> -> memref<632x128xf32, #tpu.memory_space<hbm>>
      tpu.wait_dma2 semaphore(%run_scoped3A : memref<!tpu.dma_semaphore, #tpu.memory_space<semaphore_mem>>) src(%dma_wait3A_142 : memref<632x128xf32, #tpu.memory_space<hbm>>) dst(%dma_wait3A_140 : memref<632x128xf32, #tpu.memory_space<vmem_shared>>)
      tpu.yield
    }) : () -> ()
    %barrier3A = arith.constant 0 : index
    tpu.barrier barrier_id(%barrier3A)
    %dma_start3A = arith.constant 0 : i32
    %dma_start3A_7 = arith.constant 0 : i32
    %dma_start3A_8 = tpu.memref_slice %arg4[%add3A, %dma_start3A, %dma_start3A_7] : memref<32x128x80xi32, #tpu.memory_space<hbm>> -> memref<1x1x80xi32, #tpu.memory_space<hbm>>
    %dma_start3A_9 = tpu.memref_squeeze %dma_start3A_8 : memref<1x1x80xi32, #tpu.memory_space<hbm>> -> memref<80xi32, #tpu.memory_space<hbm>>
    %dma_start3A_10 = arith.constant 0 : i32
    %dma_start3A_11 = tpu.memref_slice %arg4[%add3A, %dma_start3A, %dma_start3A_10] : memref<32x128x80xi32, #tpu.memory_space<hbm>> -> memref<1x1x80xi32, #tpu.memory_space<hbm>>
    %dma_start3A_12 = tpu.memref_squeeze %dma_start3A_11 : memref<1x1x80xi32, #tpu.memory_space<hbm>> -> memref<80xi32, #tpu.memory_space<hbm>>
    tpu.enqueue_dma source(%dma_start3A_12 : memref<80xi32, #tpu.memory_space<hbm>>) target(%arg8 : memref<80xi32, #tpu.memory_space<vmem>>) target_semaphore(%arg17 : memref<!tpu.dma_semaphore, #tpu.memory_space<semaphore_mem>>)
    %dma_start3A_13 = arith.constant 0 : i32
    %dma_start3A_14 = arith.constant 0 : i32
    %dma_start3A_15 = tpu.memref_slice %arg5[%add3A, %dma_start3A_13, %dma_start3A_14] : memref<32x128x80xi32, #tpu.memory_space<hbm>> -> memref<1x1x80xi32, #tpu.memory_space<hbm>>
    %dma_start3A_16 = tpu.memref_squeeze %dma_start3A_15 : memref<1x1x80xi32, #tpu.memory_space<hbm>> -> memref<80xi32, #tpu.memory_space<hbm>>
    %dma_start3A_17 = arith.constant 0 : i32
    %dma_start3A_18 = tpu.memref_slice %arg5[%add3A, %dma_start3A_13, %dma_start3A_17] : memref<32x128x80xi32, #tpu.memory_space<hbm>> -> memref<1x1x80xi32, #tpu.memory_space<hbm>>
    %dma_start3A_19 = tpu.memref_squeeze %dma_start3A_18 : memref<1x1x80xi32, #tpu.memory_space<hbm>> -> memref<80xi32, #tpu.memory_space<hbm>>
    tpu.enqueue_dma source(%dma_start3A_19 : memref<80xi32, #tpu.memory_space<hbm>>) target(%arg10 : memref<80xi32, #tpu.memory_space<vmem>>) target_semaphore(%arg19 : memref<!tpu.dma_semaphore, #tpu.memory_space<semaphore_mem>>)
    %dma_start3A_20 = arith.constant 1 : i32
    %dma_start3A_21 = arith.constant 0 : i32
    %dma_start3A_22 = tpu.memref_slice %arg4[%add3A, %dma_start3A_20, %dma_start3A_21] : memref<32x128x80xi32, #tpu.memory_space<hbm>> -> memref<1x1x80xi32, #tpu.memory_space<hbm>>
    %dma_start3A_23 = tpu.memref_squeeze %dma_start3A_22 : memref<1x1x80xi32, #tpu.memory_space<hbm>> -> memref<80xi32, #tpu.memory_space<hbm>>
    %dma_start3A_24 = arith.constant 0 : i32
    %dma_start3A_25 = tpu.memref_slice %arg4[%add3A, %dma_start3A_20, %dma_start3A_24] : memref<32x128x80xi32, #tpu.memory_space<hbm>> -> memref<1x1x80xi32, #tpu.memory_space<hbm>>
    %dma_start3A_26 = tpu.memref_squeeze %dma_start3A_25 : memref<1x1x80xi32, #tpu.memory_space<hbm>> -> memref<80xi32, #tpu.memory_space<hbm>>
    tpu.enqueue_dma source(%dma_start3A_26 : memref<80xi32, #tpu.memory_space<hbm>>) target(%arg9 : memref<80xi32, #tpu.memory_space<vmem>>) target_semaphore(%arg18 : memref<!tpu.dma_semaphore, #tpu.memory_space<semaphore_mem>>)
    %dma_start3A_27 = arith.constant 1 : i32
    %dma_start3A_28 = arith.constant 0 : i32
    %dma_start3A_29 = tpu.memref_slice %arg5[%add3A, %dma_start3A_27, %dma_start3A_28] : memref<32x128x80xi32, #tpu.memory_space<hbm>> -> memref<1x1x80xi32, #tpu.memory_space<hbm>>
    %dma_start3A_30 = tpu.memref_squeeze %dma_start3A_29 : memref<1x1x80xi32, #tpu.memory_space<hbm>> -> memref<80xi32, #tpu.memory_space<hbm>>
    %dma_start3A_31 = arith.constant 0 : i32
    %dma_start3A_32 = tpu.memref_slice %arg5[%add3A, %dma_start3A_27, %dma_start3A_31] : memref<32x128x80xi32, #tpu.memory_space<hbm>> -> memref<1x1x80xi32, #tpu.memory_space<hbm>>
    %dma_start3A_33 = tpu.memref_squeeze %dma_start3A_32 : memref<1x1x80xi32, #tpu.memory_space<hbm>> -> memref<80xi32, #tpu.memory_space<hbm>>
    tpu.enqueue_dma source(%dma_start3A_33 : memref<80xi32, #tpu.memory_space<hbm>>) target(%arg11 : memref<80xi32, #tpu.memory_space<vmem>>) target_semaphore(%arg20 : memref<!tpu.dma_semaphore, #tpu.memory_space<semaphore_mem>>)
    %dma_wait3A = arith.constant 0 : i32
    %dma_wait3A_34 = arith.constant 0 : i32
    %dma_wait3A_35 = arith.constant 0 : i32
    %dma_wait3A_36 = tpu.memref_slice %arg4[%dma_wait3A, %dma_wait3A_34, %dma_wait3A_35] : memref<32x128x80xi32, #tpu.memory_space<hbm>> -> memref<1x1x80xi32, #tpu.memory_space<hbm>>
    %dma_wait3A_37 = tpu.memref_squeeze %dma_wait3A_36 : memref<1x1x80xi32, #tpu.memory_space<hbm>> -> memref<80xi32, #tpu.memory_space<hbm>>
    %dma_wait3A_38 = arith.constant 0 : i32
    %dma_wait3A_39 = tpu.memref_slice %arg4[%dma_wait3A, %dma_wait3A_34, %dma_wait3A_38] : memref<32x128x80xi32, #tpu.memory_space<hbm>> -> memref<1x1x80xi32, #tpu.memory_space<hbm>>
    %dma_wait3A_40 = tpu.memref_squeeze %dma_wait3A_39 : memref<1x1x80xi32, #tpu.memory_space<hbm>> -> memref<80xi32, #tpu.memory_space<hbm>>
    tpu.wait_dma2 semaphore(%arg17 : memref<!tpu.dma_semaphore, #tpu.memory_space<semaphore_mem>>) src(%dma_wait3A_40 : memref<80xi32, #tpu.memory_space<hbm>>) dst(%arg8 : memref<80xi32, #tpu.memory_space<vmem>>)
    %add3A_41 = arith.constant 0 : i32
    %add3A_42 = arith.addi %mul3A_2, %add3A_41 : i32
    %dma_start3A_43 = arith.constant 0 : i32
    %dma_start3A_44 = tpu.memref_slice %arg3[%add3A_42, %dma_start3A_43] : memref<327680x128xf32, #tpu.memory_space<hbm>> -> memref<80x128xf32, #tpu.memory_space<hbm>>
    %dma_start3A_45 = arith.constant 0 : i32
    %dma_start3A_46 = tpu.memref_slice %arg3[%add3A_42, %dma_start3A_45] : memref<327680x128xf32, #tpu.memory_space<hbm>> -> memref<80x128xf32, #tpu.memory_space<hbm>>
    tpu.enqueue_dma source(%dma_start3A_46 : memref<80x128xf32, #tpu.memory_space<hbm>>) target(%arg14 : memref<80x128xf32, #tpu.memory_space<vmem>>) target_semaphore(%arg23 : memref<!tpu.dma_semaphore, #tpu.memory_space<semaphore_mem>>)
    %dma_start3A_47 = arith.constant 0 : i32
    %dma_start3A_48 = arith.constant 0 : i32
    %dma_start3A_49 = tpu.memref_slice %arg2[%dma_start3A_47, %dma_start3A_48] : memref<10000x128xf32, #tpu.memory_space<hbm>> -> memref<10000x128xf32, #tpu.memory_space<hbm>>
    tpu.enqueue_indirect_dma source(%dma_start3A_49 : memref<10000x128xf32, #tpu.memory_space<hbm>>) target(%arg12 : memref<80x128xf32, #tpu.memory_space<vmem>>) offsets(%arg8 : memref<80xi32, #tpu.memory_space<vmem>>) semaphore(%arg21 : memref<!tpu.dma_semaphore, #tpu.memory_space<semaphore_mem>>)
    %scan3A = arith.constant 0 : i32
    %scan3A_50 = arith.constant 0 : i32
    %scan3A_51 = arith.constant 63 : i32
    %scan3A_52 = arith.addi %scan3A_50, %scan3A_51 : i32
    %scan3A_53 = arith.constant 1 : i32
    %scan3A_54 = scf.for %scan3A_135 = %scan3A_50 to %scan3A_52 step %scan3A_53 iter_args(%scan3A_136 = %scan3A) -> (i32)  : i32 {
      %mul3A_137 = arith.constant 2 : i32
      %mul3A_138 = arith.muli %mul3A_137, %scan3A_135 : i32
      %dma_wait3A_139 = arith.constant 0 : i32
      %dma_wait3A_140 = arith.constant 0 : i32
      %dma_wait3A_141 = arith.constant 0 : i32
      %dma_wait3A_142 = tpu.memref_slice %arg4[%dma_wait3A_139, %dma_wait3A_140, %dma_wait3A_141] : memref<32x128x80xi32, #tpu.memory_space<hbm>> -> memref<1x1x80xi32, #tpu.memory_space<hbm>>
      %dma_wait3A_143 = tpu.memref_squeeze %dma_wait3A_142 : memref<1x1x80xi32, #tpu.memory_space<hbm>> -> memref<80xi32, #tpu.memory_space<hbm>>
      %dma_wait3A_144 = arith.constant 0 : i32
      %dma_wait3A_145 = tpu.memref_slice %arg4[%dma_wait3A_139, %dma_wait3A_140, %dma_wait3A_144] : memref<32x128x80xi32, #tpu.memory_space<hbm>> -> memref<1x1x80xi32, #tpu.memory_space<hbm>>
      %dma_wait3A_146 = tpu.memref_squeeze %dma_wait3A_145 : memref<1x1x80xi32, #tpu.memory_space<hbm>> -> memref<80xi32, #tpu.memory_space<hbm>>
      tpu.wait_dma2 semaphore(%arg18 : memref<!tpu.dma_semaphore, #tpu.memory_space<semaphore_mem>>) src(%dma_wait3A_146 : memref<80xi32, #tpu.memory_space<hbm>>) dst(%arg9 : memref<80xi32, #tpu.memory_space<vmem>>)
      %add3A_147 = arith.constant 1 : i32
      %add3A_148 = arith.addi %mul3A_138, %add3A_147 : i32
      %mul3A_149 = arith.constant 80 : i32
      %mul3A_150 = arith.muli %add3A_148, %mul3A_149 : i32
      %add3A_151 = arith.addi %mul3A_2, %mul3A_150 : i32
      %dma_start3A_152 = arith.constant 0 : i32
      %dma_start3A_153 = tpu.memref_slice %arg3[%add3A_151, %dma_start3A_152] : memref<327680x128xf32, #tpu.memory_space<hbm>> -> memref<80x128xf32, #tpu.memory_space<hbm>>
      %dma_start3A_154 = arith.constant 0 : i32
      %dma_start3A_155 = tpu.memref_slice %arg3[%add3A_151, %dma_start3A_154] : memref<327680x128xf32, #tpu.memory_space<hbm>> -> memref<80x128xf32, #tpu.memory_space<hbm>>
      tpu.enqueue_dma source(%dma_start3A_155 : memref<80x128xf32, #tpu.memory_space<hbm>>) target(%arg15 : memref<80x128xf32, #tpu.memory_space<vmem>>) target_semaphore(%arg24 : memref<!tpu.dma_semaphore, #tpu.memory_space<semaphore_mem>>)
      %dma_start3A_156 = arith.constant 0 : i32
      %dma_start3A_157 = arith.constant 0 : i32
      %dma_start3A_158 = tpu.memref_slice %arg2[%dma_start3A_156, %dma_start3A_157] : memref<10000x128xf32, #tpu.memory_space<hbm>> -> memref<10000x128xf32, #tpu.memory_space<hbm>>
      tpu.enqueue_indirect_dma source(%dma_start3A_158 : memref<10000x128xf32, #tpu.memory_space<hbm>>) target(%arg13 : memref<80x128xf32, #tpu.memory_space<vmem>>) offsets(%arg9 : memref<80xi32, #tpu.memory_space<vmem>>) semaphore(%arg22 : memref<!tpu.dma_semaphore, #tpu.memory_space<semaphore_mem>>)
      %dma_wait3A_159 = arith.constant 0 : i32
      %dma_wait3A_160 = arith.constant 0 : i32
      %dma_wait3A_161 = tpu.memref_slice %arg3[%dma_wait3A_159, %dma_wait3A_160] : memref<327680x128xf32, #tpu.memory_space<hbm>> -> memref<80x128xf32, #tpu.memory_space<hbm>>
      %dma_wait3A_162 = arith.constant 0 : i32
      %dma_wait3A_163 = arith.constant 0 : i32
      %dma_wait3A_164 = tpu.memref_slice %arg3[%dma_wait3A_162, %dma_wait3A_163] : memref<327680x128xf32, #tpu.memory_space<hbm>> -> memref<80x128xf32, #tpu.memory_space<hbm>>
      tpu.wait_dma2 semaphore(%arg23 : memref<!tpu.dma_semaphore, #tpu.memory_space<semaphore_mem>>) src(%dma_wait3A_164 : memref<80x128xf32, #tpu.memory_space<hbm>>) dst(%arg14 : memref<80x128xf32, #tpu.memory_space<vmem>>)
      %dma_wait3A_165 = arith.constant 0 : i32
      %dma_wait3A_166 = arith.constant 0 : i32
      %dma_wait3A_167 = tpu.memref_slice %arg3[%dma_wait3A_165, %dma_wait3A_166] : memref<327680x128xf32, #tpu.memory_space<hbm>> -> memref<80x128xf32, #tpu.memory_space<hbm>>
      %dma_wait3A_168 = arith.constant 0 : i32
      %dma_wait3A_169 = arith.constant 0 : i32
      %dma_wait3A_170 = tpu.memref_slice %arg3[%dma_wait3A_168, %dma_wait3A_169] : memref<327680x128xf32, #tpu.memory_space<hbm>> -> memref<80x128xf32, #tpu.memory_space<hbm>>
      tpu.wait_dma2 semaphore(%arg21 : memref<!tpu.dma_semaphore, #tpu.memory_space<semaphore_mem>>) src(%dma_wait3A_170 : memref<80x128xf32, #tpu.memory_space<hbm>>) dst(%arg12 : memref<80x128xf32, #tpu.memory_space<vmem>>)
      %add3A_171 = arith.constant 2 : i32
      %add3A_172 = arith.addi %mul3A_138, %add3A_171 : i32
      %dma_start3A_173 = arith.constant 0 : i32
      %dma_start3A_174 = tpu.memref_slice %arg4[%add3A, %add3A_172, %dma_start3A_173] : memref<32x128x80xi32, #tpu.memory_space<hbm>> -> memref<1x1x80xi32, #tpu.memory_space<hbm>>
      %dma_start3A_175 = tpu.memref_squeeze %dma_start3A_174 : memref<1x1x80xi32, #tpu.memory_space<hbm>> -> memref<80xi32, #tpu.memory_space<hbm>>
      %dma_start3A_176 = arith.constant 0 : i32
      %dma_start3A_177 = tpu.memref_slice %arg4[%add3A, %add3A_172, %dma_start3A_176] : memref<32x128x80xi32, #tpu.memory_space<hbm>> -> memref<1x1x80xi32, #tpu.memory_space<hbm>>
      %dma_start3A_178 = tpu.memref_squeeze %dma_start3A_177 : memref<1x1x80xi32, #tpu.memory_space<hbm>> -> memref<80xi32, #tpu.memory_space<hbm>>
      tpu.enqueue_dma source(%dma_start3A_178 : memref<80xi32, #tpu.memory_space<hbm>>) target(%arg8 : memref<80xi32, #tpu.memory_space<vmem>>) target_semaphore(%arg17 : memref<!tpu.dma_semaphore, #tpu.memory_space<semaphore_mem>>)
      %scan3A_179 = arith.constant 0 : i32
      %scan3A_180 = arith.constant 0 : i32
      %scan3A_181 = arith.constant 80 : i32
      %scan3A_182 = arith.addi %scan3A_180, %scan3A_181 : i32
      %scan3A_183 = arith.constant 1 : i32
      %scan3A_184 = scf.for %scan3A_266 = %scan3A_180 to %scan3A_182 step %scan3A_183 iter_args(%scan3A_267 = %scan3A_179) -> (i32)  : i32 {
        %get3A = arith.index_cast %scan3A_266 : i32 to index
        %get3A_268 = arith.constant 0 : index
        %get3A_269 = tpu.vector_load %arg12[%get3A, %get3A_268] {strides = array<i32>} : memref<80x128xf32, #tpu.memory_space<vmem>>, vector<1x16xf32>,
        %get3A_270 = vector.shape_cast %get3A_269 : vector<1x16xf32> to vector<16xf32>
        %get3A_271 = arith.index_cast %scan3A_266 : i32 to index
        %get3A_272 = arith.constant 0 : index
        %get3A_273 = tpu.vector_load %arg14[%get3A_271, %get3A_272] {strides = array<i32>} : memref<80x128xf32, #tpu.memory_space<vmem>>, vector<1x16xf32>,
        %get3A_274 = vector.shape_cast %get3A_273 : vector<1x16xf32> to vector<16xf32>
        %add3A_275 = arith.addf %get3A_270, %get3A_274 : vector<16xf32>
        %max3A = arith.constant 0.000000e+00 : f32
        %max3A_276 = vector.broadcast %max3A : f32 to vector<16xf32>
        %max3A_277 = arith.maximumf %add3A_275, %max3A_276 : vector<16xf32>
        %swap3A = arith.index_cast %scan3A_266 : i32 to index
        %swap3A_278 = arith.constant 0 : index
        %swap3A_279 = tpu.vector_load %arg12[%swap3A, %swap3A_278] {strides = array<i32>} : memref<80x128xf32, #tpu.memory_space<vmem>>, vector<1x16xf32>,
        %swap3A_280 = vector.shape_cast %swap3A_279 : vector<1x16xf32> to vector<16xf32>
        %swap3A_281 = vector.shape_cast %max3A_277 : vector<16xf32> to vector<1x16xf32>
        tpu.vector_store %arg12[%swap3A, %swap3A_278], %swap3A_281 {strides = array<i32>} : memref<80x128xf32, #tpu.memory_space<vmem>>, vector<1x16xf32>,
        %get3A_282 = arith.index_cast %scan3A_266 : i32 to index
        %get3A_283 = arith.constant 16 : index
        %get3A_284 = tpu.vector_load %arg12[%get3A_282, %get3A_283] {strides = array<i32>} : memref<80x128xf32, #tpu.memory_space<vmem>>, vector<1x16xf32>,
        %get3A_285 = vector.shape_cast %get3A_284 : vector<1x16xf32> to vector<16xf32>
        %get3A_286 = arith.index_cast %scan3A_266 : i32 to index
        %get3A_287 = arith.constant 16 : index
        %get3A_288 = tpu.vector_load %arg14[%get3A_286, %get3A_287] {strides = array<i32>} : memref<80x128xf32, #tpu.memory_space<vmem>>, vector<1x16xf32>,
        %get3A_289 = vector.shape_cast %get3A_288 : vector<1x16xf32> to vector<16xf32>
        %add3A_290 = arith.addf %get3A_285, %get3A_289 : vector<16xf32>
        %max3A_291 = arith.constant 0.000000e+00 : f32
        %max3A_292 = vector.broadcast %max3A_291 : f32 to vector<16xf32>
        %max3A_293 = arith.maximumf %add3A_290, %max3A_292 : vector<16xf32>
        %swap3A_294 = arith.index_cast %scan3A_266 : i32 to index
        %swap3A_295 = arith.constant 16 : index
        %swap3A_296 = tpu.vector_load %arg12[%swap3A_294, %swap3A_295] {strides = array<i32>} : memref<80x128xf32, #tpu.memory_space<vmem>>, vector<1x16xf32>,
        %swap3A_297 = vector.shape_cast %swap3A_296 : vector<1x16xf32> to vector<16xf32>
        %swap3A_298 = vector.shape_cast %max3A_293 : vector<16xf32> to vector<1x16xf32>
        tpu.vector_store %arg12[%swap3A_294, %swap3A_295], %swap3A_298 {strides = array<i32>} : memref<80x128xf32, #tpu.memory_space<vmem>>, vector<1x16xf32>,
        %get3A_299 = arith.index_cast %scan3A_266 : i32 to index
        %get3A_300 = arith.constant 32 : index
        %get3A_301 = tpu.vector_load %arg12[%get3A_299, %get3A_300] {strides = array<i32>} : memref<80x128xf32, #tpu.memory_space<vmem>>, vector<1x16xf32>,
        %get3A_302 = vector.shape_cast %get3A_301 : vector<1x16xf32> to vector<16xf32>
        %get3A_303 = arith.index_cast %scan3A_266 : i32 to index
        %get3A_304 = arith.constant 32 : index
        %get3A_305 = tpu.vector_load %arg14[%get3A_303, %get3A_304] {strides = array<i32>} : memref<80x128xf32, #tpu.memory_space<vmem>>, vector<1x16xf32>,
        %get3A_306 = vector.shape_cast %get3A_305 : vector<1x16xf32> to vector<16xf32>
        %add3A_307 = arith.addf %get3A_302, %get3A_306 : vector<16xf32>
        %max3A_308 = arith.constant 0.000000e+00 : f32
        %max3A_309 = vector.broadcast %max3A_308 : f32 to vector<16xf32>
        %max3A_310 = arith.maximumf %add3A_307, %max3A_309 : vector<16xf32>
        %swap3A_311 = arith.index_cast %scan3A_266 : i32 to index
        %swap3A_312 = arith.constant 32 : index
        %swap3A_313 = tpu.vector_load %arg12[%swap3A_311, %swap3A_312] {strides = array<i32>} : memref<80x128xf32, #tpu.memory_space<vmem>>, vector<1x16xf32>,
        %swap3A_314 = vector.shape_cast %swap3A_313 : vector<1x16xf32> to vector<16xf32>
        %swap3A_315 = vector.shape_cast %max3A_310 : vector<16xf32> to vector<1x16xf32>
        tpu.vector_store %arg12[%swap3A_311, %swap3A_312], %swap3A_315 {strides = array<i32>} : memref<80x128xf32, #tpu.memory_space<vmem>>, vector<1x16xf32>,
        %get3A_316 = arith.index_cast %scan3A_266 : i32 to index
        %get3A_317 = arith.constant 48 : index
        %get3A_318 = tpu.vector_load %arg12[%get3A_316, %get3A_317] {strides = array<i32>} : memref<80x128xf32, #tpu.memory_space<vmem>>, vector<1x16xf32>,
        %get3A_319 = vector.shape_cast %get3A_318 : vector<1x16xf32> to vector<16xf32>
        %get3A_320 = arith.index_cast %scan3A_266 : i32 to index
        %get3A_321 = arith.constant 48 : index
        %get3A_322 = tpu.vector_load %arg14[%get3A_320, %get3A_321] {strides = array<i32>} : memref<80x128xf32, #tpu.memory_space<vmem>>, vector<1x16xf32>,
        %get3A_323 = vector.shape_cast %get3A_322 : vector<1x16xf32> to vector<16xf32>
        %add3A_324 = arith.addf %get3A_319, %get3A_323 : vector<16xf32>
        %max3A_325 = arith.constant 0.000000e+00 : f32
        %max3A_326 = vector.broadcast %max3A_325 : f32 to vector<16xf32>
        %max3A_327 = arith.maximumf %add3A_324, %max3A_326 : vector<16xf32>
        %swap3A_328 = arith.index_cast %scan3A_266 : i32 to index
        %swap3A_329 = arith.constant 48 : index
        %swap3A_330 = tpu.vector_load %arg12[%swap3A_328, %swap3A_329] {strides = array<i32>} : memref<80x128xf32, #tpu.memory_space<vmem>>, vector<1x16xf32>,
        %swap3A_331 = vector.shape_cast %swap3A_330 : vector<1x16xf32> to vector<16xf32>
        %swap3A_332 = vector.shape_cast %max3A_327 : vector<16xf32> to vector<1x16xf32>
        tpu.vector_store %arg12[%swap3A_328, %swap3A_329], %swap3A_332 {strides = array<i32>} : memref<80x128xf32, #tpu.memory_space<vmem>>, vector<1x16xf32>,
        %get3A_333 = arith.index_cast %scan3A_266 : i32 to index
        %get3A_334 = arith.constant 64 : index
        %get3A_335 = tpu.vector_load %arg12[%get3A_333, %get3A_334] {strides = array<i32>} : memref<80x128xf32, #tpu.memory_space<vmem>>, vector<1x16xf32>,
        %get3A_336 = vector.shape_cast %get3A_335 : vector<1x16xf32> to vector<16xf32>
        %get3A_337 = arith.index_cast %scan3A_266 : i32 to index
        %get3A_338 = arith.constant 64 : index
        %get3A_339 = tpu.vector_load %arg14[%get3A_337, %get3A_338] {strides = array<i32>} : memref<80x128xf32, #tpu.memory_space<vmem>>, vector<1x16xf32>,
        %get3A_340 = vector.shape_cast %get3A_339 : vector<1x16xf32> to vector<16xf32>
        %add3A_341 = arith.addf %get3A_336, %get3A_340 : vector<16xf32>
        %max3A_342 = arith.constant 0.000000e+00 : f32
        %max3A_343 = vector.broadcast %max3A_342 : f32 to vector<16xf32>
        %max3A_344 = arith.maximumf %add3A_341, %max3A_343 : vector<16xf32>
        %swap3A_345 = arith.index_cast %scan3A_266 : i32 to index
        %swap3A_346 = arith.constant 64 : index
        %swap3A_347 = tpu.vector_load %arg12[%swap3A_345, %swap3A_346] {strides = array<i32>} : memref<80x128xf32, #tpu.memory_space<vmem>>, vector<1x16xf32>,
        %swap3A_348 = vector.shape_cast %swap3A_347 : vector<1x16xf32> to vector<16xf32>
        %swap3A_349 = vector.shape_cast %max3A_344 : vector<16xf32> to vector<1x16xf32>
        tpu.vector_store %arg12[%swap3A_345, %swap3A_346], %swap3A_349 {strides = array<i32>} : memref<80x128xf32, #tpu.memory_space<vmem>>, vector<1x16xf32>,
        %get3A_350 = arith.index_cast %scan3A_266 : i32 to index
        %get3A_351 = arith.constant 80 : index
        %get3A_352 = tpu.vector_load %arg12[%get3A_350, %get3A_351] {strides = array<i32>} : memref<80x128xf32, #tpu.memory_space<vmem>>, vector<1x16xf32>,
        %get3A_353 = vector.shape_cast %get3A_352 : vector<1x16xf32> to vector<16xf32>
        %get3A_354 = arith.index_cast %scan3A_266 : i32 to index
        %get3A_355 = arith.constant 80 : index
        %get3A_356 = tpu.vector_load %arg14[%get3A_354, %get3A_355] {strides = array<i32>} : memref<80x128xf32, #tpu.memory_space<vmem>>, vector<1x16xf32>,
        %get3A_357 = vector.shape_cast %get3A_356 : vector<1x16xf32> to vector<16xf32>
        %add3A_358 = arith.addf %get3A_353, %get3A_357 : vector<16xf32>
        %max3A_359 = arith.constant 0.000000e+00 : f32
        %max3A_360 = vector.broadcast %max3A_359 : f32 to vector<16xf32>
        %max3A_361 = arith.maximumf %add3A_358, %max3A_360 : vector<16xf32>
        %swap3A_362 = arith.index_cast %scan3A_266 : i32 to index
        %swap3A_363 = arith.constant 80 : index
        %swap3A_364 = tpu.vector_load %arg12[%swap3A_362, %swap3A_363] {strides = array<i32>} : memref<80x128xf32, #tpu.memory_space<vmem>>, vector<1x16xf32>,
        %swap3A_365 = vector.shape_cast %swap3A_364 : vector<1x16xf32> to vector<16xf32>
        %swap3A_366 = vector.shape_cast %max3A_361 : vector<16xf32> to vector<1x16xf32>
        tpu.vector_store %arg12[%swap3A_362, %swap3A_363], %swap3A_366 {strides = array<i32>} : memref<80x128xf32, #tpu.memory_space<vmem>>, vector<1x16xf32>,
        %get3A_367 = arith.index_cast %scan3A_266 : i32 to index
        %get3A_368 = arith.constant 96 : index
        %get3A_369 = tpu.vector_load %arg12[%get3A_367, %get3A_368] {strides = array<i32>} : memref<80x128xf32, #tpu.memory_space<vmem>>, vector<1x16xf32>,
        %get3A_370 = vector.shape_cast %get3A_369 : vector<1x16xf32> to vector<16xf32>
        %get3A_371 = arith.index_cast %scan3A_266 : i32 to index
        %get3A_372 = arith.constant 96 : index
        %get3A_373 = tpu.vector_load %arg14[%get3A_371, %get3A_372] {strides = array<i32>} : memref<80x128xf32, #tpu.memory_space<vmem>>, vector<1x16xf32>,
        %get3A_374 = vector.shape_cast %get3A_373 : vector<1x16xf32> to vector<16xf32>
        %add3A_375 = arith.addf %get3A_370, %get3A_374 : vector<16xf32>
        %max3A_376 = arith.constant 0.000000e+00 : f32
        %max3A_377 = vector.broadcast %max3A_376 : f32 to vector<16xf32>
        %max3A_378 = arith.maximumf %add3A_375, %max3A_377 : vector<16xf32>
        %swap3A_379 = arith.index_cast %scan3A_266 : i32 to index
        %swap3A_380 = arith.constant 96 : index
        %swap3A_381 = tpu.vector_load %arg12[%swap3A_379, %swap3A_380] {strides = array<i32>} : memref<80x128xf32, #tpu.memory_space<vmem>>, vector<1x16xf32>,
        %swap3A_382 = vector.shape_cast %swap3A_381 : vector<1x16xf32> to vector<16xf32>
        %swap3A_383 = vector.shape_cast %max3A_378 : vector<16xf32> to vector<1x16xf32>
        tpu.vector_store %arg12[%swap3A_379, %swap3A_380], %swap3A_383 {strides = array<i32>} : memref<80x128xf32, #tpu.memory_space<vmem>>, vector<1x16xf32>,
        %get3A_384 = arith.index_cast %scan3A_266 : i32 to index
        %get3A_385 = arith.constant 112 : index
        %get3A_386 = tpu.vector_load %arg12[%get3A_384, %get3A_385] {strides = array<i32>} : memref<80x128xf32, #tpu.memory_space<vmem>>, vector<1x16xf32>,
        %get3A_387 = vector.shape_cast %get3A_386 : vector<1x16xf32> to vector<16xf32>
        %get3A_388 = arith.index_cast %scan3A_266 : i32 to index
        %get3A_389 = arith.constant 112 : index
        %get3A_390 = tpu.vector_load %arg14[%get3A_388, %get3A_389] {strides = array<i32>} : memref<80x128xf32, #tpu.memory_space<vmem>>, vector<1x16xf32>,
        %get3A_391 = vector.shape_cast %get3A_390 : vector<1x16xf32> to vector<16xf32>
        %add3A_392 = arith.addf %get3A_387, %get3A_391 : vector<16xf32>
        %max3A_393 = arith.constant 0.000000e+00 : f32
        %max3A_394 = vector.broadcast %max3A_393 : f32 to vector<16xf32>
        %max3A_395 = arith.maximumf %add3A_392, %max3A_394 : vector<16xf32>
        %swap3A_396 = arith.index_cast %scan3A_266 : i32 to index
        %swap3A_397 = arith.constant 112 : index
        %swap3A_398 = tpu.vector_load %arg12[%swap3A_396, %swap3A_397] {strides = array<i32>} : memref<80x128xf32, #tpu.memory_space<vmem>>, vector<1x16xf32>,
        %swap3A_399 = vector.shape_cast %swap3A_398 : vector<1x16xf32> to vector<16xf32>
        %swap3A_400 = vector.shape_cast %max3A_395 : vector<16xf32> to vector<1x16xf32>
        tpu.vector_store %arg12[%swap3A_396, %swap3A_397], %swap3A_400 {strides = array<i32>} : memref<80x128xf32, #tpu.memory_space<vmem>>, vector<1x16xf32>,
        %scan3A_401 = arith.constant 0 : i32
        scf.yield %scan3A_401 : i32
      }
      %scan3A_185 = arith.constant 80 : i32
      %dma_wait3A_186 = arith.constant 0 : i32
      %dma_wait3A_187 = arith.constant 0 : i32
      %dma_wait3A_188 = arith.constant 0 : i32
      %dma_wait3A_189 = tpu.memref_slice %arg5[%dma_wait3A_186, %dma_wait3A_187, %dma_wait3A_188] : memref<32x128x80xi32, #tpu.memory_space<hbm>> -> memref<1x1x80xi32, #tpu.memory_space<hbm>>
      %dma_wait3A_190 = tpu.memref_squeeze %dma_wait3A_189 : memref<1x1x80xi32, #tpu.memory_space<hbm>> -> memref<80xi32, #tpu.memory_space<hbm>>
      %dma_wait3A_191 = arith.constant 0 : i32
      %dma_wait3A_192 = tpu.memref_slice %arg5[%dma_wait3A_186, %dma_wait3A_187, %dma_wait3A_191] : memref<32x128x80xi32, #tpu.memory_space<hbm>> -> memref<1x1x80xi32, #tpu.memory_space<hbm>>
      %dma_wait3A_193 = tpu.memref_squeeze %dma_wait3A_192 : memref<1x1x80xi32, #tpu.memory_space<hbm>> -> memref<80xi32, #tpu.memory_space<hbm>>
      tpu.wait_dma2 semaphore(%arg19 : memref<!tpu.dma_semaphore, #tpu.memory_space<semaphore_mem>>) src(%dma_wait3A_193 : memref<80xi32, #tpu.memory_space<hbm>>) dst(%arg10 : memref<80xi32, #tpu.memory_space<vmem>>)
      "tpu.region"() ({
        %run_scoped3A = tpu.sem_alloc : memref<!tpu.dma_semaphore, #tpu.memory_space<semaphore_mem>>
        %dma_start3A_266 = arith.constant 0 : i32
        %dma_start3A_267 = arith.constant 0 : i32
        %dma_start3A_268 = tpu.memref_slice %arg16[%dma_start3A_266, %dma_start3A_267] : memref<10112x128xf32, #tpu.memory_space<vmem_shared>> -> memref<10112x128xf32, #tpu.memory_space<vmem_shared>>
        tpu.enqueue_indirect_dma source(%arg12 : memref<80x128xf32, #tpu.memory_space<vmem>>) target(%dma_start3A_268 : memref<10112x128xf32, #tpu.memory_space<vmem_shared>>) offsets(%arg10 : memref<80xi32, #tpu.memory_space<vmem>>) semaphore(%run_scoped3A : memref<!tpu.dma_semaphore, #tpu.memory_space<semaphore_mem>>) {add = true}
        %dma_wait3A_269 = arith.constant 0 : i32
        %dma_wait3A_270 = arith.constant 0 : i32
        %dma_wait3A_271 = tpu.memref_slice %arg16[%dma_wait3A_269, %dma_wait3A_270] : memref<10112x128xf32, #tpu.memory_space<vmem_shared>> -> memref<10112x128xf32, #tpu.memory_space<vmem_shared>>
        tpu.wait_indirect_dma semaphore(%run_scoped3A : memref<!tpu.dma_semaphore, #tpu.memory_space<semaphore_mem>>) src(%arg12 : memref<80x128xf32, #tpu.memory_space<vmem>>) dst(%dma_wait3A_271 : memref<10112x128xf32, #tpu.memory_space<vmem_shared>>)
        tpu.yield
      }) : () -> ()
      %add3A_194 = arith.constant 2 : i32
      %add3A_195 = arith.addi %mul3A_138, %add3A_194 : i32
      %dma_start3A_196 = arith.constant 0 : i32
      %dma_start3A_197 = tpu.memref_slice %arg5[%add3A, %add3A_195, %dma_start3A_196] : memref<32x128x80xi32, #tpu.memory_space<hbm>> -> memref<1x1x80xi32, #tpu.memory_space<hbm>>
      %dma_start3A_198 = tpu.memref_squeeze %dma_start3A_197 : memref<1x1x80xi32, #tpu.memory_space<hbm>> -> memref<80xi32, #tpu.memory_space<hbm>>
      %dma_start3A_199 = arith.constant 0 : i32
      %dma_start3A_200 = tpu.memref_slice %arg5[%add3A, %add3A_195, %dma_start3A_199] : memref<32x128x80xi32, #tpu.memory_space<hbm>> -> memref<1x1x80xi32, #tpu.memory_space<hbm>>
      %dma_start3A_201 = tpu.memref_squeeze %dma_start3A_200 : memref<1x1x80xi32, #tpu.memory_space<hbm>> -> memref<80xi32, #tpu.memory_space<hbm>>
      tpu.enqueue_dma source(%dma_start3A_201 : memref<80xi32, #tpu.memory_space<hbm>>) target(%arg10 : memref<80xi32, #tpu.memory_space<vmem>>) target_semaphore(%arg19 : memref<!tpu.dma_semaphore, #tpu.memory_space<semaphore_mem>>)
      %dma_wait3A_202 = arith.constant 0 : i32
      %dma_wait3A_203 = arith.constant 0 : i32
      %dma_wait3A_204 = arith.constant 0 : i32
      %dma_wait3A_205 = tpu.memref_slice %arg4[%dma_wait3A_202, %dma_wait3A_203, %dma_wait3A_204] : memref<32x128x80xi32, #tpu.memory_space<hbm>> -> memref<1x1x80xi32, #tpu.memory_space<hbm>>
      %dma_wait3A_206 = tpu.memref_squeeze %dma_wait3A_205 : memref<1x1x80xi32, #tpu.memory_space<hbm>> -> memref<80xi32, #tpu.memory_space<hbm>>
      %dma_wait3A_207 = arith.constant 0 : i32
      %dma_wait3A_208 = tpu.memref_slice %arg4[%dma_wait3A_202, %dma_wait3A_203, %dma_wait3A_207] : memref<32x128x80xi32, #tpu.memory_space<hbm>> -> memref<1x1x80xi32, #tpu.memory_space<hbm>>
      %dma_wait3A_209 = tpu.memref_squeeze %dma_wait3A_208 : memref<1x1x80xi32, #tpu.memory_space<hbm>> -> memref<80xi32, #tpu.memory_space<hbm>>
      tpu.wait_dma2 semaphore(%arg17 : memref<!tpu.dma_semaphore, #tpu.memory_space<semaphore_mem>>) src(%dma_wait3A_209 : memref<80xi32, #tpu.memory_space<hbm>>) dst(%arg8 : memref<80xi32, #tpu.memory_space<vmem>>)
      %add3A_210 = arith.constant 2 : i32
      %add3A_211 = arith.addi %mul3A_138, %add3A_210 : i32
      %mul3A_212 = arith.constant 80 : i32
      %mul3A_213 = arith.muli %add3A_211, %mul3A_212 : i32
      %add3A_214 = arith.addi %mul3A_2, %mul3A_213 : i32
      %dma_start3A_215 = arith.constant 0 : i32
      %dma_start3A_216 = tpu.memref_slice %arg3[%add3A_214, %dma_start3A_215] : memref<327680x128xf32, #tpu.memory_space<hbm>> -> memref<80x128xf32, #tpu.memory_space<hbm>>
      %dma_start3A_217 = arith.constant 0 : i32
      %dma_start3A_218 = tpu.memref_slice %arg3[%add3A_214, %dma_start3A_217] : memref<327680x128xf32, #tpu.memory_space<hbm>> -> memref<80x128xf32, #tpu.memory_space<hbm>>
      tpu.enqueue_dma source(%dma_start3A_218 : memref<80x128xf32, #tpu.memory_space<hbm>>) target(%arg14 : memref<80x128xf32, #tpu.memory_space<vmem>>) target_semaphore(%arg23 : memref<!tpu.dma_semaphore, #tpu.memory_space<semaphore_mem>>)
      %dma_start3A_219 = arith.constant 0 : i32
      %dma_start3A_220 = arith.constant 0 : i32
      %dma_start3A_221 = tpu.memref_slice %arg2[%dma_start3A_219, %dma_start3A_220] : memref<10000x128xf32, #tpu.memory_space<hbm>> -> memref<10000x128xf32, #tpu.memory_space<hbm>>
      tpu.enqueue_indirect_dma source(%dma_start3A_221 : memref<10000x128xf32, #tpu.memory_space<hbm>>) target(%arg12 : memref<80x128xf32, #tpu.memory_space<vmem>>) offsets(%arg8 : memref<80xi32, #tpu.memory_space<vmem>>) semaphore(%arg21 : memref<!tpu.dma_semaphore, #tpu.memory_space<semaphore_mem>>)
      %dma_wait3A_222 = arith.constant 0 : i32
      %dma_wait3A_223 = arith.constant 0 : i32
      %dma_wait3A_224 = tpu.memref_slice %arg3[%dma_wait3A_222, %dma_wait3A_223] : memref<327680x128xf32, #tpu.memory_space<hbm>> -> memref<80x128xf32, #tpu.memory_space<hbm>>
      %dma_wait3A_225 = arith.constant 0 : i32
      %dma_wait3A_226 = arith.constant 0 : i32
      %dma_wait3A_227 = tpu.memref_slice %arg3[%dma_wait3A_225, %dma_wait3A_226] : memref<327680x128xf32, #tpu.memory_space<hbm>> -> memref<80x128xf32, #tpu.memory_space<hbm>>
      tpu.wait_dma2 semaphore(%arg24 : memref<!tpu.dma_semaphore, #tpu.memory_space<semaphore_mem>>) src(%dma_wait3A_227 : memref<80x128xf32, #tpu.memory_space<hbm>>) dst(%arg15 : memref<80x128xf32, #tpu.memory_space<vmem>>)
      %dma_wait3A_228 = arith.constant 0 : i32
      %dma_wait3A_229 = arith.constant 0 : i32
      %dma_wait3A_230 = tpu.memref_slice %arg3[%dma_wait3A_228, %dma_wait3A_229] : memref<327680x128xf32, #tpu.memory_space<hbm>> -> memref<80x128xf32, #tpu.memory_space<hbm>>
      %dma_wait3A_231 = arith.constant 0 : i32
      %dma_wait3A_232 = arith.constant 0 : i32
      %dma_wait3A_233 = tpu.memref_slice %arg3[%dma_wait3A_231, %dma_wait3A_232] : memref<327680x128xf32, #tpu.memory_space<hbm>> -> memref<80x128xf32, #tpu.memory_space<hbm>>
      tpu.wait_dma2 semaphore(%arg22 : memref<!tpu.dma_semaphore, #tpu.memory_space<semaphore_mem>>) src(%dma_wait3A_233 : memref<80x128xf32, #tpu.memory_space<hbm>>) dst(%arg13 : memref<80x128xf32, #tpu.memory_space<vmem>>)
      %add3A_234 = arith.constant 3 : i32
      %add3A_235 = arith.addi %mul3A_138, %add3A_234 : i32
      %dma_start3A_236 = arith.constant 0 : i32
      %dma_start3A_237 = tpu.memref_slice %arg4[%add3A, %add3A_235, %dma_start3A_236] : memref<32x128x80xi32, #tpu.memory_space<hbm>> -> memref<1x1x80xi32, #tpu.memory_space<hbm>>
      %dma_start3A_238 = tpu.memref_squeeze %dma_start3A_237 : memref<1x1x80xi32, #tpu.memory_space<hbm>> -> memref<80xi32, #tpu.memory_space<hbm>>
      %dma_start3A_239 = arith.constant 0 : i32
      %dma_start3A_240 = tpu.memref_slice %arg4[%add3A, %add3A_235, %dma_start3A_239] : memref<32x128x80xi32, #tpu.memory_space<hbm>> -> memref<1x1x80xi32, #tpu.memory_space<hbm>>
      %dma_start3A_241 = tpu.memref_squeeze %dma_start3A_240 : memref<1x1x80xi32, #tpu.memory_space<hbm>> -> memref<80xi32, #tpu.memory_space<hbm>>
      tpu.enqueue_dma source(%dma_start3A_241 : memref<80xi32, #tpu.memory_space<hbm>>) target(%arg9 : memref<80xi32, #tpu.memory_space<vmem>>) target_semaphore(%arg18 : memref<!tpu.dma_semaphore, #tpu.memory_space<semaphore_mem>>)
      %scan3A_242 = arith.constant 0 : i32
      %scan3A_243 = arith.constant 0 : i32
      %scan3A_244 = arith.constant 80 : i32
      %scan3A_245 = arith.addi %scan3A_243, %scan3A_244 : i32
      %scan3A_246 = arith.constant 1 : i32
      %scan3A_247 = scf.for %scan3A_266 = %scan3A_243 to %scan3A_245 step %scan3A_246 iter_args(%scan3A_267 = %scan3A_242) -> (i32)  : i32 {
        %get3A = arith.index_cast %scan3A_266 : i32 to index
        %get3A_268 = arith.constant 0 : index
        %get3A_269 = tpu.vector_load %arg13[%get3A, %get3A_268] {strides = array<i32>} : memref<80x128xf32, #tpu.memory_space<vmem>>, vector<1x16xf32>,
        %get3A_270 = vector.shape_cast %get3A_269 : vector<1x16xf32> to vector<16xf32>
        %get3A_271 = arith.index_cast %scan3A_266 : i32 to index
        %get3A_272 = arith.constant 0 : index
        %get3A_273 = tpu.vector_load %arg15[%get3A_271, %get3A_272] {strides = array<i32>} : memref<80x128xf32, #tpu.memory_space<vmem>>, vector<1x16xf32>,
        %get3A_274 = vector.shape_cast %get3A_273 : vector<1x16xf32> to vector<16xf32>
        %add3A_275 = arith.addf %get3A_270, %get3A_274 : vector<16xf32>
        %max3A = arith.constant 0.000000e+00 : f32
        %max3A_276 = vector.broadcast %max3A : f32 to vector<16xf32>
        %max3A_277 = arith.maximumf %add3A_275, %max3A_276 : vector<16xf32>
        %swap3A = arith.index_cast %scan3A_266 : i32 to index
        %swap3A_278 = arith.constant 0 : index
        %swap3A_279 = tpu.vector_load %arg13[%swap3A, %swap3A_278] {strides = array<i32>} : memref<80x128xf32, #tpu.memory_space<vmem>>, vector<1x16xf32>,
        %swap3A_280 = vector.shape_cast %swap3A_279 : vector<1x16xf32> to vector<16xf32>
        %swap3A_281 = vector.shape_cast %max3A_277 : vector<16xf32> to vector<1x16xf32>
        tpu.vector_store %arg13[%swap3A, %swap3A_278], %swap3A_281 {strides = array<i32>} : memref<80x128xf32, #tpu.memory_space<vmem>>, vector<1x16xf32>,
        %get3A_282 = arith.index_cast %scan3A_266 : i32 to index
        %get3A_283 = arith.constant 16 : index
        %get3A_284 = tpu.vector_load %arg13[%get3A_282, %get3A_283] {strides = array<i32>} : memref<80x128xf32, #tpu.memory_space<vmem>>, vector<1x16xf32>,
        %get3A_285 = vector.shape_cast %get3A_284 : vector<1x16xf32> to vector<16xf32>
        %get3A_286 = arith.index_cast %scan3A_266 : i32 to index
        %get3A_287 = arith.constant 16 : index
        %get3A_288 = tpu.vector_load %arg15[%get3A_286, %get3A_287] {strides = array<i32>} : memref<80x128xf32, #tpu.memory_space<vmem>>, vector<1x16xf32>,
        %get3A_289 = vector.shape_cast %get3A_288 : vector<1x16xf32> to vector<16xf32>
        %add3A_290 = arith.addf %get3A_285, %get3A_289 : vector<16xf32>
        %max3A_291 = arith.constant 0.000000e+00 : f32
        %max3A_292 = vector.broadcast %max3A_291 : f32 to vector<16xf32>
        %max3A_293 = arith.maximumf %add3A_290, %max3A_292 : vector<16xf32>
        %swap3A_294 = arith.index_cast %scan3A_266 : i32 to index
        %swap3A_295 = arith.constant 16 : index
        %swap3A_296 = tpu.vector_load %arg13[%swap3A_294, %swap3A_295] {strides = array<i32>} : memref<80x128xf32, #tpu.memory_space<vmem>>, vector<1x16xf32>,
        %swap3A_297 = vector.shape_cast %swap3A_296 : vector<1x16xf32> to vector<16xf32>
        %swap3A_298 = vector.shape_cast %max3A_293 : vector<16xf32> to vector<1x16xf32>
        tpu.vector_store %arg13[%swap3A_294, %swap3A_295], %swap3A_298 {strides = array<i32>} : memref<80x128xf32, #tpu.memory_space<vmem>>, vector<1x16xf32>,
        %get3A_299 = arith.index_cast %scan3A_266 : i32 to index
        %get3A_300 = arith.constant 32 : index
        %get3A_301 = tpu.vector_load %arg13[%get3A_299, %get3A_300] {strides = array<i32>} : memref<80x128xf32, #tpu.memory_space<vmem>>, vector<1x16xf32>,
        %get3A_302 = vector.shape_cast %get3A_301 : vector<1x16xf32> to vector<16xf32>
        %get3A_303 = arith.index_cast %scan3A_266 : i32 to index
        %get3A_304 = arith.constant 32 : index
        %get3A_305 = tpu.vector_load %arg15[%get3A_303, %get3A_304] {strides = array<i32>} : memref<80x128xf32, #tpu.memory_space<vmem>>, vector<1x16xf32>,
        %get3A_306 = vector.shape_cast %get3A_305 : vector<1x16xf32> to vector<16xf32>
        %add3A_307 = arith.addf %get3A_302, %get3A_306 : vector<16xf32>
        %max3A_308 = arith.constant 0.000000e+00 : f32
        %max3A_309 = vector.broadcast %max3A_308 : f32 to vector<16xf32>
        %max3A_310 = arith.maximumf %add3A_307, %max3A_309 : vector<16xf32>
        %swap3A_311 = arith.index_cast %scan3A_266 : i32 to index
        %swap3A_312 = arith.constant 32 : index
        %swap3A_313 = tpu.vector_load %arg13[%swap3A_311, %swap3A_312] {strides = array<i32>} : memref<80x128xf32, #tpu.memory_space<vmem>>, vector<1x16xf32>,
        %swap3A_314 = vector.shape_cast %swap3A_313 : vector<1x16xf32> to vector<16xf32>
        %swap3A_315 = vector.shape_cast %max3A_310 : vector<16xf32> to vector<1x16xf32>
        tpu.vector_store %arg13[%swap3A_311, %swap3A_312], %swap3A_315 {strides = array<i32>} : memref<80x128xf32, #tpu.memory_space<vmem>>, vector<1x16xf32>,
        %get3A_316 = arith.index_cast %scan3A_266 : i32 to index
        %get3A_317 = arith.constant 48 : index
        %get3A_318 = tpu.vector_load %arg13[%get3A_316, %get3A_317] {strides = array<i32>} : memref<80x128xf32, #tpu.memory_space<vmem>>, vector<1x16xf32>,
        %get3A_319 = vector.shape_cast %get3A_318 : vector<1x16xf32> to vector<16xf32>
        %get3A_320 = arith.index_cast %scan3A_266 : i32 to index
        %get3A_321 = arith.constant 48 : index
        %get3A_322 = tpu.vector_load %arg15[%get3A_320, %get3A_321] {strides = array<i32>} : memref<80x128xf32, #tpu.memory_space<vmem>>, vector<1x16xf32>,
        %get3A_323 = vector.shape_cast %get3A_322 : vector<1x16xf32> to vector<16xf32>
        %add3A_324 = arith.addf %get3A_319, %get3A_323 : vector<16xf32>
        %max3A_325 = arith.constant 0.000000e+00 : f32
        %max3A_326 = vector.broadcast %max3A_325 : f32 to vector<16xf32>
        %max3A_327 = arith.maximumf %add3A_324, %max3A_326 : vector<16xf32>
        %swap3A_328 = arith.index_cast %scan3A_266 : i32 to index
        %swap3A_329 = arith.constant 48 : index
        %swap3A_330 = tpu.vector_load %arg13[%swap3A_328, %swap3A_329] {strides = array<i32>} : memref<80x128xf32, #tpu.memory_space<vmem>>, vector<1x16xf32>,
        %swap3A_331 = vector.shape_cast %swap3A_330 : vector<1x16xf32> to vector<16xf32>
        %swap3A_332 = vector.shape_cast %max3A_327 : vector<16xf32> to vector<1x16xf32>
        tpu.vector_store %arg13[%swap3A_328, %swap3A_329], %swap3A_332 {strides = array<i32>} : memref<80x128xf32, #tpu.memory_space<vmem>>, vector<1x16xf32>,
        %get3A_333 = arith.index_cast %scan3A_266 : i32 to index
        %get3A_334 = arith.constant 64 : index
        %get3A_335 = tpu.vector_load %arg13[%get3A_333, %get3A_334] {strides = array<i32>} : memref<80x128xf32, #tpu.memory_space<vmem>>, vector<1x16xf32>,
        %get3A_336 = vector.shape_cast %get3A_335 : vector<1x16xf32> to vector<16xf32>
        %get3A_337 = arith.index_cast %scan3A_266 : i32 to index
        %get3A_338 = arith.constant 64 : index
        %get3A_339 = tpu.vector_load %arg15[%get3A_337, %get3A_338] {strides = array<i32>} : memref<80x128xf32, #tpu.memory_space<vmem>>, vector<1x16xf32>,
        %get3A_340 = vector.shape_cast %get3A_339 : vector<1x16xf32> to vector<16xf32>
        %add3A_341 = arith.addf %get3A_336, %get3A_340 : vector<16xf32>
        %max3A_342 = arith.constant 0.000000e+00 : f32
        %max3A_343 = vector.broadcast %max3A_342 : f32 to vector<16xf32>
        %max3A_344 = arith.maximumf %add3A_341, %max3A_343 : vector<16xf32>
        %swap3A_345 = arith.index_cast %scan3A_266 : i32 to index
        %swap3A_346 = arith.constant 64 : index
        %swap3A_347 = tpu.vector_load %arg13[%swap3A_345, %swap3A_346] {strides = array<i32>} : memref<80x128xf32, #tpu.memory_space<vmem>>, vector<1x16xf32>,
        %swap3A_348 = vector.shape_cast %swap3A_347 : vector<1x16xf32> to vector<16xf32>
        %swap3A_349 = vector.shape_cast %max3A_344 : vector<16xf32> to vector<1x16xf32>
        tpu.vector_store %arg13[%swap3A_345, %swap3A_346], %swap3A_349 {strides = array<i32>} : memref<80x128xf32, #tpu.memory_space<vmem>>, vector<1x16xf32>,
        %get3A_350 = arith.index_cast %scan3A_266 : i32 to index
        %get3A_351 = arith.constant 80 : index
        %get3A_352 = tpu.vector_load %arg13[%get3A_350, %get3A_351] {strides = array<i32>} : memref<80x128xf32, #tpu.memory_space<vmem>>, vector<1x16xf32>,
        %get3A_353 = vector.shape_cast %get3A_352 : vector<1x16xf32> to vector<16xf32>
        %get3A_354 = arith.index_cast %scan3A_266 : i32 to index
        %get3A_355 = arith.constant 80 : index
        %get3A_356 = tpu.vector_load %arg15[%get3A_354, %get3A_355] {strides = array<i32>} : memref<80x128xf32, #tpu.memory_space<vmem>>, vector<1x16xf32>,
        %get3A_357 = vector.shape_cast %get3A_356 : vector<1x16xf32> to vector<16xf32>
        %add3A_358 = arith.addf %get3A_353, %get3A_357 : vector<16xf32>
        %max3A_359 = arith.constant 0.000000e+00 : f32
        %max3A_360 = vector.broadcast %max3A_359 : f32 to vector<16xf32>
        %max3A_361 = arith.maximumf %add3A_358, %max3A_360 : vector<16xf32>
        %swap3A_362 = arith.index_cast %scan3A_266 : i32 to index
        %swap3A_363 = arith.constant 80 : index
        %swap3A_364 = tpu.vector_load %arg13[%swap3A_362, %swap3A_363] {strides = array<i32>} : memref<80x128xf32, #tpu.memory_space<vmem>>, vector<1x16xf32>,
        %swap3A_365 = vector.shape_cast %swap3A_364 : vector<1x16xf32> to vector<16xf32>
        %swap3A_366 = vector.shape_cast %max3A_361 : vector<16xf32> to vector<1x16xf32>
        tpu.vector_store %arg13[%swap3A_362, %swap3A_363], %swap3A_366 {strides = array<i32>} : memref<80x128xf32, #tpu.memory_space<vmem>>, vector<1x16xf32>,
        %get3A_367 = arith.index_cast %scan3A_266 : i32 to index
        %get3A_368 = arith.constant 96 : index
        %get3A_369 = tpu.vector_load %arg13[%get3A_367, %get3A_368] {strides = array<i32>} : memref<80x128xf32, #tpu.memory_space<vmem>>, vector<1x16xf32>,
        %get3A_370 = vector.shape_cast %get3A_369 : vector<1x16xf32> to vector<16xf32>
        %get3A_371 = arith.index_cast %scan3A_266 : i32 to index
        %get3A_372 = arith.constant 96 : index
        %get3A_373 = tpu.vector_load %arg15[%get3A_371, %get3A_372] {strides = array<i32>} : memref<80x128xf32, #tpu.memory_space<vmem>>, vector<1x16xf32>,
        %get3A_374 = vector.shape_cast %get3A_373 : vector<1x16xf32> to vector<16xf32>
        %add3A_375 = arith.addf %get3A_370, %get3A_374 : vector<16xf32>
        %max3A_376 = arith.constant 0.000000e+00 : f32
        %max3A_377 = vector.broadcast %max3A_376 : f32 to vector<16xf32>
        %max3A_378 = arith.maximumf %add3A_375, %max3A_377 : vector<16xf32>
        %swap3A_379 = arith.index_cast %scan3A_266 : i32 to index
        %swap3A_380 = arith.constant 96 : index
        %swap3A_381 = tpu.vector_load %arg13[%swap3A_379, %swap3A_380] {strides = array<i32>} : memref<80x128xf32, #tpu.memory_space<vmem>>, vector<1x16xf32>,
        %swap3A_382 = vector.shape_cast %swap3A_381 : vector<1x16xf32> to vector<16xf32>
        %swap3A_383 = vector.shape_cast %max3A_378 : vector<16xf32> to vector<1x16xf32>
        tpu.vector_store %arg13[%swap3A_379, %swap3A_380], %swap3A_383 {strides = array<i32>} : memref<80x128xf32, #tpu.memory_space<vmem>>, vector<1x16xf32>,
        %get3A_384 = arith.index_cast %scan3A_266 : i32 to index
        %get3A_385 = arith.constant 112 : index
        %get3A_386 = tpu.vector_load %arg13[%get3A_384, %get3A_385] {strides = array<i32>} : memref<80x128xf32, #tpu.memory_space<vmem>>, vector<1x16xf32>,
        %get3A_387 = vector.shape_cast %get3A_386 : vector<1x16xf32> to vector<16xf32>
        %get3A_388 = arith.index_cast %scan3A_266 : i32 to index
        %get3A_389 = arith.constant 112 : index
        %get3A_390 = tpu.vector_load %arg15[%get3A_388, %get3A_389] {strides = array<i32>} : memref<80x128xf32, #tpu.memory_space<vmem>>, vector<1x16xf32>,
        %get3A_391 = vector.shape_cast %get3A_390 : vector<1x16xf32> to vector<16xf32>
        %add3A_392 = arith.addf %get3A_387, %get3A_391 : vector<16xf32>
        %max3A_393 = arith.constant 0.000000e+00 : f32
        %max3A_394 = vector.broadcast %max3A_393 : f32 to vector<16xf32>
        %max3A_395 = arith.maximumf %add3A_392, %max3A_394 : vector<16xf32>
        %swap3A_396 = arith.index_cast %scan3A_266 : i32 to index
        %swap3A_397 = arith.constant 112 : index
        %swap3A_398 = tpu.vector_load %arg13[%swap3A_396, %swap3A_397] {strides = array<i32>} : memref<80x128xf32, #tpu.memory_space<vmem>>, vector<1x16xf32>,
        %swap3A_399 = vector.shape_cast %swap3A_398 : vector<1x16xf32> to vector<16xf32>
        %swap3A_400 = vector.shape_cast %max3A_395 : vector<16xf32> to vector<1x16xf32>
        tpu.vector_store %arg13[%swap3A_396, %swap3A_397], %swap3A_400 {strides = array<i32>} : memref<80x128xf32, #tpu.memory_space<vmem>>, vector<1x16xf32>,
        %scan3A_401 = arith.constant 0 : i32
        scf.yield %scan3A_401 : i32
      }
      %scan3A_248 = arith.constant 80 : i32
      %dma_wait3A_249 = arith.constant 0 : i32
      %dma_wait3A_250 = arith.constant 0 : i32
      %dma_wait3A_251 = arith.constant 0 : i32
      %dma_wait3A_252 = tpu.memref_slice %arg5[%dma_wait3A_249, %dma_wait3A_250, %dma_wait3A_251] : memref<32x128x80xi32, #tpu.memory_space<hbm>> -> memref<1x1x80xi32, #tpu.memory_space<hbm>>
      %dma_wait3A_253 = tpu.memref_squeeze %dma_wait3A_252 : memref<1x1x80xi32, #tpu.memory_space<hbm>> -> memref<80xi32, #tpu.memory_space<hbm>>
      %dma_wait3A_254 = arith.constant 0 : i32
      %dma_wait3A_255 = tpu.memref_slice %arg5[%dma_wait3A_249, %dma_wait3A_250, %dma_wait3A_254] : memref<32x128x80xi32, #tpu.memory_space<hbm>> -> memref<1x1x80xi32, #tpu.memory_space<hbm>>
      %dma_wait3A_256 = tpu.memref_squeeze %dma_wait3A_255 : memref<1x1x80xi32, #tpu.memory_space<hbm>> -> memref<80xi32, #tpu.memory_space<hbm>>
      tpu.wait_dma2 semaphore(%arg20 : memref<!tpu.dma_semaphore, #tpu.memory_space<semaphore_mem>>) src(%dma_wait3A_256 : memref<80xi32, #tpu.memory_space<hbm>>) dst(%arg11 : memref<80xi32, #tpu.memory_space<vmem>>)
      "tpu.region"() ({
        %run_scoped3A = tpu.sem_alloc : memref<!tpu.dma_semaphore, #tpu.memory_space<semaphore_mem>>
        %dma_start3A_266 = arith.constant 0 : i32
        %dma_start3A_267 = arith.constant 0 : i32
        %dma_start3A_268 = tpu.memref_slice %arg16[%dma_start3A_266, %dma_start3A_267] : memref<10112x128xf32, #tpu.memory_space<vmem_shared>> -> memref<10112x128xf32, #tpu.memory_space<vmem_shared>>
        tpu.enqueue_indirect_dma source(%arg13 : memref<80x128xf32, #tpu.memory_space<vmem>>) target(%dma_start3A_268 : memref<10112x128xf32, #tpu.memory_space<vmem_shared>>) offsets(%arg11 : memref<80xi32, #tpu.memory_space<vmem>>) semaphore(%run_scoped3A : memref<!tpu.dma_semaphore, #tpu.memory_space<semaphore_mem>>) {add = true}
        %dma_wait3A_269 = arith.constant 0 : i32
        %dma_wait3A_270 = arith.constant 0 : i32
        %dma_wait3A_271 = tpu.memref_slice %arg16[%dma_wait3A_269, %dma_wait3A_270] : memref<10112x128xf32, #tpu.memory_space<vmem_shared>> -> memref<10112x128xf32, #tpu.memory_space<vmem_shared>>
        tpu.wait_indirect_dma semaphore(%run_scoped3A : memref<!tpu.dma_semaphore, #tpu.memory_space<semaphore_mem>>) src(%arg13 : memref<80x128xf32, #tpu.memory_space<vmem>>) dst(%dma_wait3A_271 : memref<10112x128xf32, #tpu.memory_space<vmem_shared>>)
        tpu.yield
      }) : () -> ()
      %add3A_257 = arith.constant 3 : i32
      %add3A_258 = arith.addi %mul3A_138, %add3A_257 : i32
      %dma_start3A_259 = arith.constant 0 : i32
      %dma_start3A_260 = tpu.memref_slice %arg5[%add3A, %add3A_258, %dma_start3A_259] : memref<32x128x80xi32, #tpu.memory_space<hbm>> -> memref<1x1x80xi32, #tpu.memory_space<hbm>>
      %dma_start3A_261 = tpu.memref_squeeze %dma_start3A_260 : memref<1x1x80xi32, #tpu.memory_space<hbm>> -> memref<80xi32, #tpu.memory_space<hbm>>
      %dma_start3A_262 = arith.constant 0 : i32
      %dma_start3A_263 = tpu.memref_slice %arg5[%add3A, %add3A_258, %dma_start3A_262] : memref<32x128x80xi32, #tpu.memory_space<hbm>> -> memref<1x1x80xi32, #tpu.memory_space<hbm>>
      %dma_start3A_264 = tpu.memref_squeeze %dma_start3A_263 : memref<1x1x80xi32, #tpu.memory_space<hbm>> -> memref<80xi32, #tpu.memory_space<hbm>>
      tpu.enqueue_dma source(%dma_start3A_264 : memref<80xi32, #tpu.memory_space<hbm>>) target(%arg11 : memref<80xi32, #tpu.memory_space<vmem>>) target_semaphore(%arg20 : memref<!tpu.dma_semaphore, #tpu.memory_space<semaphore_mem>>)
      %scan3A_265 = arith.constant 0 : i32
      scf.yield %scan3A_265 : i32
    }
    %scan3A_55 = arith.constant 63 : i32
    %dma_wait3A_56 = arith.constant 0 : i32
    %dma_wait3A_57 = arith.constant 0 : i32
    %dma_wait3A_58 = arith.constant 0 : i32
    %dma_wait3A_59 = tpu.memref_slice %arg4[%dma_wait3A_56, %dma_wait3A_57, %dma_wait3A_58] : memref<32x128x80xi32, #tpu.memory_space<hbm>> -> memref<1x1x80xi32, #tpu.memory_space<hbm>>
    %dma_wait3A_60 = tpu.memref_squeeze %dma_wait3A_59 : memref<1x1x80xi32, #tpu.memory_space<hbm>> -> memref<80xi32, #tpu.memory_space<hbm>>
    %dma_wait3A_61 = arith.constant 0 : i32
    %dma_wait3A_62 = tpu.memref_slice %arg4[%dma_wait3A_56, %dma_wait3A_57, %dma_wait3A_61] : memref<32x128x80xi32, #tpu.memory_space<hbm>> -> memref<1x1x80xi32, #tpu.memory_space<hbm>>
    %dma_wait3A_63 = tpu.memref_squeeze %dma_wait3A_62 : memref<1x1x80xi32, #tpu.memory_space<hbm>> -> memref<80xi32, #tpu.memory_space<hbm>>
    tpu.wait_dma2 semaphore(%arg18 : memref<!tpu.dma_semaphore, #tpu.memory_space<semaphore_mem>>) src(%dma_wait3A_63 : memref<80xi32, #tpu.memory_space<hbm>>) dst(%arg9 : memref<80xi32, #tpu.memory_space<vmem>>)
    %add3A_64 = arith.constant 10160 : i32
    %add3A_65 = arith.addi %mul3A_2, %add3A_64 : i32
    %dma_start3A_66 = arith.constant 0 : i32
    %dma_start3A_67 = tpu.memref_slice %arg3[%add3A_65, %dma_start3A_66] : memref<327680x128xf32, #tpu.memory_space<hbm>> -> memref<80x128xf32, #tpu.memory_space<hbm>>
    %dma_start3A_68 = arith.constant 0 : i32
    %dma_start3A_69 = tpu.memref_slice %arg3[%add3A_65, %dma_start3A_68] : memref<327680x128xf32, #tpu.memory_space<hbm>> -> memref<80x128xf32, #tpu.memory_space<hbm>>
    tpu.enqueue_dma source(%dma_start3A_69 : memref<80x128xf32, #tpu.memory_space<hbm>>) target(%arg15 : memref<80x128xf32, #tpu.memory_space<vmem>>) target_semaphore(%arg24 : memref<!tpu.dma_semaphore, #tpu.memory_space<semaphore_mem>>)
    %dma_start3A_70 = arith.constant 0 : i32
    %dma_start3A_71 = arith.constant 0 : i32
    %dma_start3A_72 = tpu.memref_slice %arg2[%dma_start3A_70, %dma_start3A_71] : memref<10000x128xf32, #tpu.memory_space<hbm>> -> memref<10000x128xf32, #tpu.memory_space<hbm>>
    tpu.enqueue_indirect_dma source(%dma_start3A_72 : memref<10000x128xf32, #tpu.memory_space<hbm>>) target(%arg13 : memref<80x128xf32, #tpu.memory_space<vmem>>) offsets(%arg9 : memref<80xi32, #tpu.memory_space<vmem>>) semaphore(%arg22 : memref<!tpu.dma_semaphore, #tpu.memory_space<semaphore_mem>>)
    %dma_wait3A_73 = arith.constant 0 : i32
    %dma_wait3A_74 = arith.constant 0 : i32
    %dma_wait3A_75 = tpu.memref_slice %arg3[%dma_wait3A_73, %dma_wait3A_74] : memref<327680x128xf32, #tpu.memory_space<hbm>> -> memref<80x128xf32, #tpu.memory_space<hbm>>
    %dma_wait3A_76 = arith.constant 0 : i32
    %dma_wait3A_77 = arith.constant 0 : i32
    %dma_wait3A_78 = tpu.memref_slice %arg3[%dma_wait3A_76, %dma_wait3A_77] : memref<327680x128xf32, #tpu.memory_space<hbm>> -> memref<80x128xf32, #tpu.memory_space<hbm>>
    tpu.wait_dma2 semaphore(%arg23 : memref<!tpu.dma_semaphore, #tpu.memory_space<semaphore_mem>>) src(%dma_wait3A_78 : memref<80x128xf32, #tpu.memory_space<hbm>>) dst(%arg14 : memref<80x128xf32, #tpu.memory_space<vmem>>)
    %dma_wait3A_79 = arith.constant 0 : i32
    %dma_wait3A_80 = arith.constant 0 : i32
    %dma_wait3A_81 = tpu.memref_slice %arg3[%dma_wait3A_79, %dma_wait3A_80] : memref<327680x128xf32, #tpu.memory_space<hbm>> -> memref<80x128xf32, #tpu.memory_space<hbm>>
    %dma_wait3A_82 = arith.constant 0 : i32
    %dma_wait3A_83 = arith.constant 0 : i32
    %dma_wait3A_84 = tpu.memref_slice %arg3[%dma_wait3A_82, %dma_wait3A_83] : memref<327680x128xf32, #tpu.memory_space<hbm>> -> memref<80x128xf32, #tpu.memory_space<hbm>>
    tpu.wait_dma2 semaphore(%arg21 : memref<!tpu.dma_semaphore, #tpu.memory_space<semaphore_mem>>) src(%dma_wait3A_84 : memref<80x128xf32, #tpu.memory_space<hbm>>) dst(%arg12 : memref<80x128xf32, #tpu.memory_space<vmem>>)
    %scan3A_85 = arith.constant 0 : i32
    %scan3A_86 = arith.constant 0 : i32
    %scan3A_87 = arith.constant 80 : i32
    %scan3A_88 = arith.addi %scan3A_86, %scan3A_87 : i32
    %scan3A_89 = arith.constant 1 : i32
    %scan3A_90 = scf.for %scan3A_135 = %scan3A_86 to %scan3A_88 step %scan3A_89 iter_args(%scan3A_136 = %scan3A_85) -> (i32)  : i32 {
      %get3A = arith.index_cast %scan3A_135 : i32 to index
      %get3A_137 = arith.constant 0 : index
      %get3A_138 = tpu.vector_load %arg12[%get3A, %get3A_137] {strides = array<i32>} : memref<80x128xf32, #tpu.memory_space<vmem>>, vector<1x16xf32>,
      %get3A_139 = vector.shape_cast %get3A_138 : vector<1x16xf32> to vector<16xf32>
      %get3A_140 = arith.index_cast %scan3A_135 : i32 to index
      %get3A_141 = arith.constant 0 : index
      %get3A_142 = tpu.vector_load %arg14[%get3A_140, %get3A_141] {strides = array<i32>} : memref<80x128xf32, #tpu.memory_space<vmem>>, vector<1x16xf32>,
      %get3A_143 = vector.shape_cast %get3A_142 : vector<1x16xf32> to vector<16xf32>
      %add3A_144 = arith.addf %get3A_139, %get3A_143 : vector<16xf32>
      %max3A = arith.constant 0.000000e+00 : f32
      %max3A_145 = vector.broadcast %max3A : f32 to vector<16xf32>
      %max3A_146 = arith.maximumf %add3A_144, %max3A_145 : vector<16xf32>
      %swap3A = arith.index_cast %scan3A_135 : i32 to index
      %swap3A_147 = arith.constant 0 : index
      %swap3A_148 = tpu.vector_load %arg12[%swap3A, %swap3A_147] {strides = array<i32>} : memref<80x128xf32, #tpu.memory_space<vmem>>, vector<1x16xf32>,
      %swap3A_149 = vector.shape_cast %swap3A_148 : vector<1x16xf32> to vector<16xf32>
      %swap3A_150 = vector.shape_cast %max3A_146 : vector<16xf32> to vector<1x16xf32>
      tpu.vector_store %arg12[%swap3A, %swap3A_147], %swap3A_150 {strides = array<i32>} : memref<80x128xf32, #tpu.memory_space<vmem>>, vector<1x16xf32>,
      %get3A_151 = arith.index_cast %scan3A_135 : i32 to index
      %get3A_152 = arith.constant 16 : index
      %get3A_153 = tpu.vector_load %arg12[%get3A_151, %get3A_152] {strides = array<i32>} : memref<80x128xf32, #tpu.memory_space<vmem>>, vector<1x16xf32>,
      %get3A_154 = vector.shape_cast %get3A_153 : vector<1x16xf32> to vector<16xf32>
      %get3A_155 = arith.index_cast %scan3A_135 : i32 to index
      %get3A_156 = arith.constant 16 : index
      %get3A_157 = tpu.vector_load %arg14[%get3A_155, %get3A_156] {strides = array<i32>} : memref<80x128xf32, #tpu.memory_space<vmem>>, vector<1x16xf32>,
      %get3A_158 = vector.shape_cast %get3A_157 : vector<1x16xf32> to vector<16xf32>
      %add3A_159 = arith.addf %get3A_154, %get3A_158 : vector<16xf32>
      %max3A_160 = arith.constant 0.000000e+00 : f32
      %max3A_161 = vector.broadcast %max3A_160 : f32 to vector<16xf32>
      %max3A_162 = arith.maximumf %add3A_159, %max3A_161 : vector<16xf32>
      %swap3A_163 = arith.index_cast %scan3A_135 : i32 to index
      %swap3A_164 = arith.constant 16 : index
      %swap3A_165 = tpu.vector_load %arg12[%swap3A_163, %swap3A_164] {strides = array<i32>} : memref<80x128xf32, #tpu.memory_space<vmem>>, vector<1x16xf32>,
      %swap3A_166 = vector.shape_cast %swap3A_165 : vector<1x16xf32> to vector<16xf32>
      %swap3A_167 = vector.shape_cast %max3A_162 : vector<16xf32> to vector<1x16xf32>
      tpu.vector_store %arg12[%swap3A_163, %swap3A_164], %swap3A_167 {strides = array<i32>} : memref<80x128xf32, #tpu.memory_space<vmem>>, vector<1x16xf32>,
      %get3A_168 = arith.index_cast %scan3A_135 : i32 to index
      %get3A_169 = arith.constant 32 : index
      %get3A_170 = tpu.vector_load %arg12[%get3A_168, %get3A_169] {strides = array<i32>} : memref<80x128xf32, #tpu.memory_space<vmem>>, vector<1x16xf32>,
      %get3A_171 = vector.shape_cast %get3A_170 : vector<1x16xf32> to vector<16xf32>
      %get3A_172 = arith.index_cast %scan3A_135 : i32 to index
      %get3A_173 = arith.constant 32 : index
      %get3A_174 = tpu.vector_load %arg14[%get3A_172, %get3A_173] {strides = array<i32>} : memref<80x128xf32, #tpu.memory_space<vmem>>, vector<1x16xf32>,
      %get3A_175 = vector.shape_cast %get3A_174 : vector<1x16xf32> to vector<16xf32>
      %add3A_176 = arith.addf %get3A_171, %get3A_175 : vector<16xf32>
      %max3A_177 = arith.constant 0.000000e+00 : f32
      %max3A_178 = vector.broadcast %max3A_177 : f32 to vector<16xf32>
      %max3A_179 = arith.maximumf %add3A_176, %max3A_178 : vector<16xf32>
      %swap3A_180 = arith.index_cast %scan3A_135 : i32 to index
      %swap3A_181 = arith.constant 32 : index
      %swap3A_182 = tpu.vector_load %arg12[%swap3A_180, %swap3A_181] {strides = array<i32>} : memref<80x128xf32, #tpu.memory_space<vmem>>, vector<1x16xf32>,
      %swap3A_183 = vector.shape_cast %swap3A_182 : vector<1x16xf32> to vector<16xf32>
      %swap3A_184 = vector.shape_cast %max3A_179 : vector<16xf32> to vector<1x16xf32>
      tpu.vector_store %arg12[%swap3A_180, %swap3A_181], %swap3A_184 {strides = array<i32>} : memref<80x128xf32, #tpu.memory_space<vmem>>, vector<1x16xf32>,
      %get3A_185 = arith.index_cast %scan3A_135 : i32 to index
      %get3A_186 = arith.constant 48 : index
      %get3A_187 = tpu.vector_load %arg12[%get3A_185, %get3A_186] {strides = array<i32>} : memref<80x128xf32, #tpu.memory_space<vmem>>, vector<1x16xf32>,
      %get3A_188 = vector.shape_cast %get3A_187 : vector<1x16xf32> to vector<16xf32>
      %get3A_189 = arith.index_cast %scan3A_135 : i32 to index
      %get3A_190 = arith.constant 48 : index
      %get3A_191 = tpu.vector_load %arg14[%get3A_189, %get3A_190] {strides = array<i32>} : memref<80x128xf32, #tpu.memory_space<vmem>>, vector<1x16xf32>,
      %get3A_192 = vector.shape_cast %get3A_191 : vector<1x16xf32> to vector<16xf32>
      %add3A_193 = arith.addf %get3A_188, %get3A_192 : vector<16xf32>
      %max3A_194 = arith.constant 0.000000e+00 : f32
      %max3A_195 = vector.broadcast %max3A_194 : f32 to vector<16xf32>
      %max3A_196 = arith.maximumf %add3A_193, %max3A_195 : vector<16xf32>
      %swap3A_197 = arith.index_cast %scan3A_135 : i32 to index
      %swap3A_198 = arith.constant 48 : index
      %swap3A_199 = tpu.vector_load %arg12[%swap3A_197, %swap3A_198] {strides = array<i32>} : memref<80x128xf32, #tpu.memory_space<vmem>>, vector<1x16xf32>,
      %swap3A_200 = vector.shape_cast %swap3A_199 : vector<1x16xf32> to vector<16xf32>
      %swap3A_201 = vector.shape_cast %max3A_196 : vector<16xf32> to vector<1x16xf32>
      tpu.vector_store %arg12[%swap3A_197, %swap3A_198], %swap3A_201 {strides = array<i32>} : memref<80x128xf32, #tpu.memory_space<vmem>>, vector<1x16xf32>,
      %get3A_202 = arith.index_cast %scan3A_135 : i32 to index
      %get3A_203 = arith.constant 64 : index
      %get3A_204 = tpu.vector_load %arg12[%get3A_202, %get3A_203] {strides = array<i32>} : memref<80x128xf32, #tpu.memory_space<vmem>>, vector<1x16xf32>,
      %get3A_205 = vector.shape_cast %get3A_204 : vector<1x16xf32> to vector<16xf32>
      %get3A_206 = arith.index_cast %scan3A_135 : i32 to index
      %get3A_207 = arith.constant 64 : index
      %get3A_208 = tpu.vector_load %arg14[%get3A_206, %get3A_207] {strides = array<i32>} : memref<80x128xf32, #tpu.memory_space<vmem>>, vector<1x16xf32>,
      %get3A_209 = vector.shape_cast %get3A_208 : vector<1x16xf32> to vector<16xf32>
      %add3A_210 = arith.addf %get3A_205, %get3A_209 : vector<16xf32>
      %max3A_211 = arith.constant 0.000000e+00 : f32
      %max3A_212 = vector.broadcast %max3A_211 : f32 to vector<16xf32>
      %max3A_213 = arith.maximumf %add3A_210, %max3A_212 : vector<16xf32>
      %swap3A_214 = arith.index_cast %scan3A_135 : i32 to index
      %swap3A_215 = arith.constant 64 : index
      %swap3A_216 = tpu.vector_load %arg12[%swap3A_214, %swap3A_215] {strides = array<i32>} : memref<80x128xf32, #tpu.memory_space<vmem>>, vector<1x16xf32>,
      %swap3A_217 = vector.shape_cast %swap3A_216 : vector<1x16xf32> to vector<16xf32>
      %swap3A_218 = vector.shape_cast %max3A_213 : vector<16xf32> to vector<1x16xf32>
      tpu.vector_store %arg12[%swap3A_214, %swap3A_215], %swap3A_218 {strides = array<i32>} : memref<80x128xf32, #tpu.memory_space<vmem>>, vector<1x16xf32>,
      %get3A_219 = arith.index_cast %scan3A_135 : i32 to index
      %get3A_220 = arith.constant 80 : index
      %get3A_221 = tpu.vector_load %arg12[%get3A_219, %get3A_220] {strides = array<i32>} : memref<80x128xf32, #tpu.memory_space<vmem>>, vector<1x16xf32>,
      %get3A_222 = vector.shape_cast %get3A_221 : vector<1x16xf32> to vector<16xf32>
      %get3A_223 = arith.index_cast %scan3A_135 : i32 to index
      %get3A_224 = arith.constant 80 : index
      %get3A_225 = tpu.vector_load %arg14[%get3A_223, %get3A_224] {strides = array<i32>} : memref<80x128xf32, #tpu.memory_space<vmem>>, vector<1x16xf32>,
      %get3A_226 = vector.shape_cast %get3A_225 : vector<1x16xf32> to vector<16xf32>
      %add3A_227 = arith.addf %get3A_222, %get3A_226 : vector<16xf32>
      %max3A_228 = arith.constant 0.000000e+00 : f32
      %max3A_229 = vector.broadcast %max3A_228 : f32 to vector<16xf32>
      %max3A_230 = arith.maximumf %add3A_227, %max3A_229 : vector<16xf32>
      %swap3A_231 = arith.index_cast %scan3A_135 : i32 to index
      %swap3A_232 = arith.constant 80 : index
      %swap3A_233 = tpu.vector_load %arg12[%swap3A_231, %swap3A_232] {strides = array<i32>} : memref<80x128xf32, #tpu.memory_space<vmem>>, vector<1x16xf32>,
      %swap3A_234 = vector.shape_cast %swap3A_233 : vector<1x16xf32> to vector<16xf32>
      %swap3A_235 = vector.shape_cast %max3A_230 : vector<16xf32> to vector<1x16xf32>
      tpu.vector_store %arg12[%swap3A_231, %swap3A_232], %swap3A_235 {strides = array<i32>} : memref<80x128xf32, #tpu.memory_space<vmem>>, vector<1x16xf32>,
      %get3A_236 = arith.index_cast %scan3A_135 : i32 to index
      %get3A_237 = arith.constant 96 : index
      %get3A_238 = tpu.vector_load %arg12[%get3A_236, %get3A_237] {strides = array<i32>} : memref<80x128xf32, #tpu.memory_space<vmem>>, vector<1x16xf32>,
      %get3A_239 = vector.shape_cast %get3A_238 : vector<1x16xf32> to vector<16xf32>
      %get3A_240 = arith.index_cast %scan3A_135 : i32 to index
      %get3A_241 = arith.constant 96 : index
      %get3A_242 = tpu.vector_load %arg14[%get3A_240, %get3A_241] {strides = array<i32>} : memref<80x128xf32, #tpu.memory_space<vmem>>, vector<1x16xf32>,
      %get3A_243 = vector.shape_cast %get3A_242 : vector<1x16xf32> to vector<16xf32>
      %add3A_244 = arith.addf %get3A_239, %get3A_243 : vector<16xf32>
      %max3A_245 = arith.constant 0.000000e+00 : f32
      %max3A_246 = vector.broadcast %max3A_245 : f32 to vector<16xf32>
      %max3A_247 = arith.maximumf %add3A_244, %max3A_246 : vector<16xf32>
      %swap3A_248 = arith.index_cast %scan3A_135 : i32 to index
      %swap3A_249 = arith.constant 96 : index
      %swap3A_250 = tpu.vector_load %arg12[%swap3A_248, %swap3A_249] {strides = array<i32>} : memref<80x128xf32, #tpu.memory_space<vmem>>, vector<1x16xf32>,
      %swap3A_251 = vector.shape_cast %swap3A_250 : vector<1x16xf32> to vector<16xf32>
      %swap3A_252 = vector.shape_cast %max3A_247 : vector<16xf32> to vector<1x16xf32>
      tpu.vector_store %arg12[%swap3A_248, %swap3A_249], %swap3A_252 {strides = array<i32>} : memref<80x128xf32, #tpu.memory_space<vmem>>, vector<1x16xf32>,
      %get3A_253 = arith.index_cast %scan3A_135 : i32 to index
      %get3A_254 = arith.constant 112 : index
      %get3A_255 = tpu.vector_load %arg12[%get3A_253, %get3A_254] {strides = array<i32>} : memref<80x128xf32, #tpu.memory_space<vmem>>, vector<1x16xf32>,
      %get3A_256 = vector.shape_cast %get3A_255 : vector<1x16xf32> to vector<16xf32>
      %get3A_257 = arith.index_cast %scan3A_135 : i32 to index
      %get3A_258 = arith.constant 112 : index
      %get3A_259 = tpu.vector_load %arg14[%get3A_257, %get3A_258] {strides = array<i32>} : memref<80x128xf32, #tpu.memory_space<vmem>>, vector<1x16xf32>,
      %get3A_260 = vector.shape_cast %get3A_259 : vector<1x16xf32> to vector<16xf32>
      %add3A_261 = arith.addf %get3A_256, %get3A_260 : vector<16xf32>
      %max3A_262 = arith.constant 0.000000e+00 : f32
      %max3A_263 = vector.broadcast %max3A_262 : f32 to vector<16xf32>
      %max3A_264 = arith.maximumf %add3A_261, %max3A_263 : vector<16xf32>
      %swap3A_265 = arith.index_cast %scan3A_135 : i32 to index
      %swap3A_266 = arith.constant 112 : index
      %swap3A_267 = tpu.vector_load %arg12[%swap3A_265, %swap3A_266] {strides = array<i32>} : memref<80x128xf32, #tpu.memory_space<vmem>>, vector<1x16xf32>,
      %swap3A_268 = vector.shape_cast %swap3A_267 : vector<1x16xf32> to vector<16xf32>
      %swap3A_269 = vector.shape_cast %max3A_264 : vector<16xf32> to vector<1x16xf32>
      tpu.vector_store %arg12[%swap3A_265, %swap3A_266], %swap3A_269 {strides = array<i32>} : memref<80x128xf32, #tpu.memory_space<vmem>>, vector<1x16xf32>,
      %scan3A_270 = arith.constant 0 : i32
      scf.yield %scan3A_270 : i32
    }
    %scan3A_91 = arith.constant 80 : i32
    %dma_wait3A_92 = arith.constant 0 : i32
    %dma_wait3A_93 = arith.constant 0 : i32
    %dma_wait3A_94 = arith.constant 0 : i32
    %dma_wait3A_95 = tpu.memref_slice %arg5[%dma_wait3A_92, %dma_wait3A_93, %dma_wait3A_94] : memref<32x128x80xi32, #tpu.memory_space<hbm>> -> memref<1x1x80xi32, #tpu.memory_space<hbm>>
    %dma_wait3A_96 = tpu.memref_squeeze %dma_wait3A_95 : memref<1x1x80xi32, #tpu.memory_space<hbm>> -> memref<80xi32, #tpu.memory_space<hbm>>
    %dma_wait3A_97 = arith.constant 0 : i32
    %dma_wait3A_98 = tpu.memref_slice %arg5[%dma_wait3A_92, %dma_wait3A_93, %dma_wait3A_97] : memref<32x128x80xi32, #tpu.memory_space<hbm>> -> memref<1x1x80xi32, #tpu.memory_space<hbm>>
    %dma_wait3A_99 = tpu.memref_squeeze %dma_wait3A_98 : memref<1x1x80xi32, #tpu.memory_space<hbm>> -> memref<80xi32, #tpu.memory_space<hbm>>
    tpu.wait_dma2 semaphore(%arg19 : memref<!tpu.dma_semaphore, #tpu.memory_space<semaphore_mem>>) src(%dma_wait3A_99 : memref<80xi32, #tpu.memory_space<hbm>>) dst(%arg10 : memref<80xi32, #tpu.memory_space<vmem>>)
    "tpu.region"() ({
      %run_scoped3A = tpu.sem_alloc : memref<!tpu.dma_semaphore, #tpu.memory_space<semaphore_mem>>
      %dma_start3A_135 = arith.constant 0 : i32
      %dma_start3A_136 = arith.constant 0 : i32
      %dma_start3A_137 = tpu.memref_slice %arg16[%dma_start3A_135, %dma_start3A_136] : memref<10112x128xf32, #tpu.memory_space<vmem_shared>> -> memref<10112x128xf32, #tpu.memory_space<vmem_shared>>
      tpu.enqueue_indirect_dma source(%arg12 : memref<80x128xf32, #tpu.memory_space<vmem>>) target(%dma_start3A_137 : memref<10112x128xf32, #tpu.memory_space<vmem_shared>>) offsets(%arg10 : memref<80xi32, #tpu.memory_space<vmem>>) semaphore(%run_scoped3A : memref<!tpu.dma_semaphore, #tpu.memory_space<semaphore_mem>>) {add = true}
      %dma_wait3A_138 = arith.constant 0 : i32
      %dma_wait3A_139 = arith.constant 0 : i32
      %dma_wait3A_140 = tpu.memref_slice %arg16[%dma_wait3A_138, %dma_wait3A_139] : memref<10112x128xf32, #tpu.memory_space<vmem_shared>> -> memref<10112x128xf32, #tpu.memory_space<vmem_shared>>
      tpu.wait_indirect_dma semaphore(%run_scoped3A : memref<!tpu.dma_semaphore, #tpu.memory_space<semaphore_mem>>) src(%arg12 : memref<80x128xf32, #tpu.memory_space<vmem>>) dst(%dma_wait3A_140 : memref<10112x128xf32, #tpu.memory_space<vmem_shared>>)
      tpu.yield
    }) : () -> ()
    %dma_wait3A_100 = arith.constant 0 : i32
    %dma_wait3A_101 = arith.constant 0 : i32
    %dma_wait3A_102 = tpu.memref_slice %arg3[%dma_wait3A_100, %dma_wait3A_101] : memref<327680x128xf32, #tpu.memory_space<hbm>> -> memref<80x128xf32, #tpu.memory_space<hbm>>
    %dma_wait3A_103 = arith.constant 0 : i32
    %dma_wait3A_104 = arith.constant 0 : i32
    %dma_wait3A_105 = tpu.memref_slice %arg3[%dma_wait3A_103, %dma_wait3A_104] : memref<327680x128xf32, #tpu.memory_space<hbm>> -> memref<80x128xf32, #tpu.memory_space<hbm>>
    tpu.wait_dma2 semaphore(%arg24 : memref<!tpu.dma_semaphore, #tpu.memory_space<semaphore_mem>>) src(%dma_wait3A_105 : memref<80x128xf32, #tpu.memory_space<hbm>>) dst(%arg15 : memref<80x128xf32, #tpu.memory_space<vmem>>)
    %dma_wait3A_106 = arith.constant 0 : i32
    %dma_wait3A_107 = arith.constant 0 : i32
    %dma_wait3A_108 = tpu.memref_slice %arg3[%dma_wait3A_106, %dma_wait3A_107] : memref<327680x128xf32, #tpu.memory_space<hbm>> -> memref<80x128xf32, #tpu.memory_space<hbm>>
    %dma_wait3A_109 = arith.constant 0 : i32
    %dma_wait3A_110 = arith.constant 0 : i32
    %dma_wait3A_111 = tpu.memref_slice %arg3[%dma_wait3A_109, %dma_wait3A_110] : memref<327680x128xf32, #tpu.memory_space<hbm>> -> memref<80x128xf32, #tpu.memory_space<hbm>>
    tpu.wait_dma2 semaphore(%arg22 : memref<!tpu.dma_semaphore, #tpu.memory_space<semaphore_mem>>) src(%dma_wait3A_111 : memref<80x128xf32, #tpu.memory_space<hbm>>) dst(%arg13 : memref<80x128xf32, #tpu.memory_space<vmem>>)
    %scan3A_112 = arith.constant 0 : i32
    %scan3A_113 = arith.constant 0 : i32
    %scan3A_114 = arith.constant 80 : i32
    %scan3A_115 = arith.addi %scan3A_113, %scan3A_114 : i32
    %scan3A_116 = arith.constant 1 : i32
    %scan3A_117 = scf.for %scan3A_135 = %scan3A_113 to %scan3A_115 step %scan3A_116 iter_args(%scan3A_136 = %scan3A_112) -> (i32)  : i32 {
      %get3A = arith.index_cast %scan3A_135 : i32 to index
      %get3A_137 = arith.constant 0 : index
      %get3A_138 = tpu.vector_load %arg13[%get3A, %get3A_137] {strides = array<i32>} : memref<80x128xf32, #tpu.memory_space<vmem>>, vector<1x16xf32>,
      %get3A_139 = vector.shape_cast %get3A_138 : vector<1x16xf32> to vector<16xf32>
      %get3A_140 = arith.index_cast %scan3A_135 : i32 to index
      %get3A_141 = arith.constant 0 : index
      %get3A_142 = tpu.vector_load %arg15[%get3A_140, %get3A_141] {strides = array<i32>} : memref<80x128xf32, #tpu.memory_space<vmem>>, vector<1x16xf32>,
      %get3A_143 = vector.shape_cast %get3A_142 : vector<1x16xf32> to vector<16xf32>
      %add3A_144 = arith.addf %get3A_139, %get3A_143 : vector<16xf32>
      %max3A = arith.constant 0.000000e+00 : f32
      %max3A_145 = vector.broadcast %max3A : f32 to vector<16xf32>
      %max3A_146 = arith.maximumf %add3A_144, %max3A_145 : vector<16xf32>
      %swap3A = arith.index_cast %scan3A_135 : i32 to index
      %swap3A_147 = arith.constant 0 : index
      %swap3A_148 = tpu.vector_load %arg13[%swap3A, %swap3A_147] {strides = array<i32>} : memref<80x128xf32, #tpu.memory_space<vmem>>, vector<1x16xf32>,
      %swap3A_149 = vector.shape_cast %swap3A_148 : vector<1x16xf32> to vector<16xf32>
      %swap3A_150 = vector.shape_cast %max3A_146 : vector<16xf32> to vector<1x16xf32>
      tpu.vector_store %arg13[%swap3A, %swap3A_147], %swap3A_150 {strides = array<i32>} : memref<80x128xf32, #tpu.memory_space<vmem>>, vector<1x16xf32>,
      %get3A_151 = arith.index_cast %scan3A_135 : i32 to index
      %get3A_152 = arith.constant 16 : index
      %get3A_153 = tpu.vector_load %arg13[%get3A_151, %get3A_152] {strides = array<i32>} : memref<80x128xf32, #tpu.memory_space<vmem>>, vector<1x16xf32>,
      %get3A_154 = vector.shape_cast %get3A_153 : vector<1x16xf32> to vector<16xf32>
      %get3A_155 = arith.index_cast %scan3A_135 : i32 to index
      %get3A_156 = arith.constant 16 : index
      %get3A_157 = tpu.vector_load %arg15[%get3A_155, %get3A_156] {strides = array<i32>} : memref<80x128xf32, #tpu.memory_space<vmem>>, vector<1x16xf32>,
      %get3A_158 = vector.shape_cast %get3A_157 : vector<1x16xf32> to vector<16xf32>
      %add3A_159 = arith.addf %get3A_154, %get3A_158 : vector<16xf32>
      %max3A_160 = arith.constant 0.000000e+00 : f32
      %max3A_161 = vector.broadcast %max3A_160 : f32 to vector<16xf32>
      %max3A_162 = arith.maximumf %add3A_159, %max3A_161 : vector<16xf32>
      %swap3A_163 = arith.index_cast %scan3A_135 : i32 to index
      %swap3A_164 = arith.constant 16 : index
      %swap3A_165 = tpu.vector_load %arg13[%swap3A_163, %swap3A_164] {strides = array<i32>} : memref<80x128xf32, #tpu.memory_space<vmem>>, vector<1x16xf32>,
      %swap3A_166 = vector.shape_cast %swap3A_165 : vector<1x16xf32> to vector<16xf32>
      %swap3A_167 = vector.shape_cast %max3A_162 : vector<16xf32> to vector<1x16xf32>
      tpu.vector_store %arg13[%swap3A_163, %swap3A_164], %swap3A_167 {strides = array<i32>} : memref<80x128xf32, #tpu.memory_space<vmem>>, vector<1x16xf32>,
      %get3A_168 = arith.index_cast %scan3A_135 : i32 to index
      %get3A_169 = arith.constant 32 : index
      %get3A_170 = tpu.vector_load %arg13[%get3A_168, %get3A_169] {strides = array<i32>} : memref<80x128xf32, #tpu.memory_space<vmem>>, vector<1x16xf32>,
      %get3A_171 = vector.shape_cast %get3A_170 : vector<1x16xf32> to vector<16xf32>
      %get3A_172 = arith.index_cast %scan3A_135 : i32 to index
      %get3A_173 = arith.constant 32 : index
      %get3A_174 = tpu.vector_load %arg15[%get3A_172, %get3A_173] {strides = array<i32>} : memref<80x128xf32, #tpu.memory_space<vmem>>, vector<1x16xf32>,
      %get3A_175 = vector.shape_cast %get3A_174 : vector<1x16xf32> to vector<16xf32>
      %add3A_176 = arith.addf %get3A_171, %get3A_175 : vector<16xf32>
      %max3A_177 = arith.constant 0.000000e+00 : f32
      %max3A_178 = vector.broadcast %max3A_177 : f32 to vector<16xf32>
      %max3A_179 = arith.maximumf %add3A_176, %max3A_178 : vector<16xf32>
      %swap3A_180 = arith.index_cast %scan3A_135 : i32 to index
      %swap3A_181 = arith.constant 32 : index
      %swap3A_182 = tpu.vector_load %arg13[%swap3A_180, %swap3A_181] {strides = array<i32>} : memref<80x128xf32, #tpu.memory_space<vmem>>, vector<1x16xf32>,
      %swap3A_183 = vector.shape_cast %swap3A_182 : vector<1x16xf32> to vector<16xf32>
      %swap3A_184 = vector.shape_cast %max3A_179 : vector<16xf32> to vector<1x16xf32>
      tpu.vector_store %arg13[%swap3A_180, %swap3A_181], %swap3A_184 {strides = array<i32>} : memref<80x128xf32, #tpu.memory_space<vmem>>, vector<1x16xf32>,
      %get3A_185 = arith.index_cast %scan3A_135 : i32 to index
      %get3A_186 = arith.constant 48 : index
      %get3A_187 = tpu.vector_load %arg13[%get3A_185, %get3A_186] {strides = array<i32>} : memref<80x128xf32, #tpu.memory_space<vmem>>, vector<1x16xf32>,
      %get3A_188 = vector.shape_cast %get3A_187 : vector<1x16xf32> to vector<16xf32>
      %get3A_189 = arith.index_cast %scan3A_135 : i32 to index
      %get3A_190 = arith.constant 48 : index
      %get3A_191 = tpu.vector_load %arg15[%get3A_189, %get3A_190] {strides = array<i32>} : memref<80x128xf32, #tpu.memory_space<vmem>>, vector<1x16xf32>,
      %get3A_192 = vector.shape_cast %get3A_191 : vector<1x16xf32> to vector<16xf32>
      %add3A_193 = arith.addf %get3A_188, %get3A_192 : vector<16xf32>
      %max3A_194 = arith.constant 0.000000e+00 : f32
      %max3A_195 = vector.broadcast %max3A_194 : f32 to vector<16xf32>
      %max3A_196 = arith.maximumf %add3A_193, %max3A_195 : vector<16xf32>
      %swap3A_197 = arith.index_cast %scan3A_135 : i32 to index
      %swap3A_198 = arith.constant 48 : index
      %swap3A_199 = tpu.vector_load %arg13[%swap3A_197, %swap3A_198] {strides = array<i32>} : memref<80x128xf32, #tpu.memory_space<vmem>>, vector<1x16xf32>,
      %swap3A_200 = vector.shape_cast %swap3A_199 : vector<1x16xf32> to vector<16xf32>
      %swap3A_201 = vector.shape_cast %max3A_196 : vector<16xf32> to vector<1x16xf32>
      tpu.vector_store %arg13[%swap3A_197, %swap3A_198], %swap3A_201 {strides = array<i32>} : memref<80x128xf32, #tpu.memory_space<vmem>>, vector<1x16xf32>,
      %get3A_202 = arith.index_cast %scan3A_135 : i32 to index
      %get3A_203 = arith.constant 64 : index
      %get3A_204 = tpu.vector_load %arg13[%get3A_202, %get3A_203] {strides = array<i32>} : memref<80x128xf32, #tpu.memory_space<vmem>>, vector<1x16xf32>,
      %get3A_205 = vector.shape_cast %get3A_204 : vector<1x16xf32> to vector<16xf32>
      %get3A_206 = arith.index_cast %scan3A_135 : i32 to index
      %get3A_207 = arith.constant 64 : index
      %get3A_208 = tpu.vector_load %arg15[%get3A_206, %get3A_207] {strides = array<i32>} : memref<80x128xf32, #tpu.memory_space<vmem>>, vector<1x16xf32>,
      %get3A_209 = vector.shape_cast %get3A_208 : vector<1x16xf32> to vector<16xf32>
      %add3A_210 = arith.addf %get3A_205, %get3A_209 : vector<16xf32>
      %max3A_211 = arith.constant 0.000000e+00 : f32
      %max3A_212 = vector.broadcast %max3A_211 : f32 to vector<16xf32>
      %max3A_213 = arith.maximumf %add3A_210, %max3A_212 : vector<16xf32>
      %swap3A_214 = arith.index_cast %scan3A_135 : i32 to index
      %swap3A_215 = arith.constant 64 : index
      %swap3A_216 = tpu.vector_load %arg13[%swap3A_214, %swap3A_215] {strides = array<i32>} : memref<80x128xf32, #tpu.memory_space<vmem>>, vector<1x16xf32>,
      %swap3A_217 = vector.shape_cast %swap3A_216 : vector<1x16xf32> to vector<16xf32>
      %swap3A_218 = vector.shape_cast %max3A_213 : vector<16xf32> to vector<1x16xf32>
      tpu.vector_store %arg13[%swap3A_214, %swap3A_215], %swap3A_218 {strides = array<i32>} : memref<80x128xf32, #tpu.memory_space<vmem>>, vector<1x16xf32>,
      %get3A_219 = arith.index_cast %scan3A_135 : i32 to index
      %get3A_220 = arith.constant 80 : index
      %get3A_221 = tpu.vector_load %arg13[%get3A_219, %get3A_220] {strides = array<i32>} : memref<80x128xf32, #tpu.memory_space<vmem>>, vector<1x16xf32>,
      %get3A_222 = vector.shape_cast %get3A_221 : vector<1x16xf32> to vector<16xf32>
      %get3A_223 = arith.index_cast %scan3A_135 : i32 to index
      %get3A_224 = arith.constant 80 : index
      %get3A_225 = tpu.vector_load %arg15[%get3A_223, %get3A_224] {strides = array<i32>} : memref<80x128xf32, #tpu.memory_space<vmem>>, vector<1x16xf32>,
      %get3A_226 = vector.shape_cast %get3A_225 : vector<1x16xf32> to vector<16xf32>
      %add3A_227 = arith.addf %get3A_222, %get3A_226 : vector<16xf32>
      %max3A_228 = arith.constant 0.000000e+00 : f32
      %max3A_229 = vector.broadcast %max3A_228 : f32 to vector<16xf32>
      %max3A_230 = arith.maximumf %add3A_227, %max3A_229 : vector<16xf32>
      %swap3A_231 = arith.index_cast %scan3A_135 : i32 to index
      %swap3A_232 = arith.constant 80 : index
      %swap3A_233 = tpu.vector_load %arg13[%swap3A_231, %swap3A_232] {strides = array<i32>} : memref<80x128xf32, #tpu.memory_space<vmem>>, vector<1x16xf32>,
      %swap3A_234 = vector.shape_cast %swap3A_233 : vector<1x16xf32> to vector<16xf32>
      %swap3A_235 = vector.shape_cast %max3A_230 : vector<16xf32> to vector<1x16xf32>
      tpu.vector_store %arg13[%swap3A_231, %swap3A_232], %swap3A_235 {strides = array<i32>} : memref<80x128xf32, #tpu.memory_space<vmem>>, vector<1x16xf32>,
      %get3A_236 = arith.index_cast %scan3A_135 : i32 to index
      %get3A_237 = arith.constant 96 : index
      %get3A_238 = tpu.vector_load %arg13[%get3A_236, %get3A_237] {strides = array<i32>} : memref<80x128xf32, #tpu.memory_space<vmem>>, vector<1x16xf32>,
      %get3A_239 = vector.shape_cast %get3A_238 : vector<1x16xf32> to vector<16xf32>
      %get3A_240 = arith.index_cast %scan3A_135 : i32 to index
      %get3A_241 = arith.constant 96 : index
      %get3A_242 = tpu.vector_load %arg15[%get3A_240, %get3A_241] {strides = array<i32>} : memref<80x128xf32, #tpu.memory_space<vmem>>, vector<1x16xf32>,
      %get3A_243 = vector.shape_cast %get3A_242 : vector<1x16xf32> to vector<16xf32>
      %add3A_244 = arith.addf %get3A_239, %get3A_243 : vector<16xf32>
      %max3A_245 = arith.constant 0.000000e+00 : f32
      %max3A_246 = vector.broadcast %max3A_245 : f32 to vector<16xf32>
      %max3A_247 = arith.maximumf %add3A_244, %max3A_246 : vector<16xf32>
      %swap3A_248 = arith.index_cast %scan3A_135 : i32 to index
      %swap3A_249 = arith.constant 96 : index
      %swap3A_250 = tpu.vector_load %arg13[%swap3A_248, %swap3A_249] {strides = array<i32>} : memref<80x128xf32, #tpu.memory_space<vmem>>, vector<1x16xf32>,
      %swap3A_251 = vector.shape_cast %swap3A_250 : vector<1x16xf32> to vector<16xf32>
      %swap3A_252 = vector.shape_cast %max3A_247 : vector<16xf32> to vector<1x16xf32>
      tpu.vector_store %arg13[%swap3A_248, %swap3A_249], %swap3A_252 {strides = array<i32>} : memref<80x128xf32, #tpu.memory_space<vmem>>, vector<1x16xf32>,
      %get3A_253 = arith.index_cast %scan3A_135 : i32 to index
      %get3A_254 = arith.constant 112 : index
      %get3A_255 = tpu.vector_load %arg13[%get3A_253, %get3A_254] {strides = array<i32>} : memref<80x128xf32, #tpu.memory_space<vmem>>, vector<1x16xf32>,
      %get3A_256 = vector.shape_cast %get3A_255 : vector<1x16xf32> to vector<16xf32>
      %get3A_257 = arith.index_cast %scan3A_135 : i32 to index
      %get3A_258 = arith.constant 112 : index
      %get3A_259 = tpu.vector_load %arg15[%get3A_257, %get3A_258] {strides = array<i32>} : memref<80x128xf32, #tpu.memory_space<vmem>>, vector<1x16xf32>,
      %get3A_260 = vector.shape_cast %get3A_259 : vector<1x16xf32> to vector<16xf32>
      %add3A_261 = arith.addf %get3A_256, %get3A_260 : vector<16xf32>
      %max3A_262 = arith.constant 0.000000e+00 : f32
      %max3A_263 = vector.broadcast %max3A_262 : f32 to vector<16xf32>
      %max3A_264 = arith.maximumf %add3A_261, %max3A_263 : vector<16xf32>
      %swap3A_265 = arith.index_cast %scan3A_135 : i32 to index
      %swap3A_266 = arith.constant 112 : index
      %swap3A_267 = tpu.vector_load %arg13[%swap3A_265, %swap3A_266] {strides = array<i32>} : memref<80x128xf32, #tpu.memory_space<vmem>>, vector<1x16xf32>,
      %swap3A_268 = vector.shape_cast %swap3A_267 : vector<1x16xf32> to vector<16xf32>
      %swap3A_269 = vector.shape_cast %max3A_264 : vector<16xf32> to vector<1x16xf32>
      tpu.vector_store %arg13[%swap3A_265, %swap3A_266], %swap3A_269 {strides = array<i32>} : memref<80x128xf32, #tpu.memory_space<vmem>>, vector<1x16xf32>,
      %scan3A_270 = arith.constant 0 : i32
      scf.yield %scan3A_270 : i32
    }
    %scan3A_118 = arith.constant 80 : i32
    %dma_wait3A_119 = arith.constant 0 : i32
    %dma_wait3A_120 = arith.constant 0 : i32
    %dma_wait3A_121 = arith.constant 0 : i32
    %dma_wait3A_122 = tpu.memref_slice %arg5[%dma_wait3A_119, %dma_wait3A_120, %dma_wait3A_121] : memref<32x128x80xi32, #tpu.memory_space<hbm>> -> memref<1x1x80xi32, #tpu.memory_space<hbm>>
    %dma_wait3A_123 = tpu.memref_squeeze %dma_wait3A_122 : memref<1x1x80xi32, #tpu.memory_space<hbm>> -> memref<80xi32, #tpu.memory_space<hbm>>
    %dma_wait3A_124 = arith.constant 0 : i32
    %dma_wait3A_125 = tpu.memref_slice %arg5[%dma_wait3A_119, %dma_wait3A_120, %dma_wait3A_124] : memref<32x128x80xi32, #tpu.memory_space<hbm>> -> memref<1x1x80xi32, #tpu.memory_space<hbm>>
    %dma_wait3A_126 = tpu.memref_squeeze %dma_wait3A_125 : memref<1x1x80xi32, #tpu.memory_space<hbm>> -> memref<80xi32, #tpu.memory_space<hbm>>
    tpu.wait_dma2 semaphore(%arg20 : memref<!tpu.dma_semaphore, #tpu.memory_space<semaphore_mem>>) src(%dma_wait3A_126 : memref<80xi32, #tpu.memory_space<hbm>>) dst(%arg11 : memref<80xi32, #tpu.memory_space<vmem>>)
    "tpu.region"() ({
      %run_scoped3A = tpu.sem_alloc : memref<!tpu.dma_semaphore, #tpu.memory_space<semaphore_mem>>
      %dma_start3A_135 = arith.constant 0 : i32
      %dma_start3A_136 = arith.constant 0 : i32
      %dma_start3A_137 = tpu.memref_slice %arg16[%dma_start3A_135, %dma_start3A_136] : memref<10112x128xf32, #tpu.memory_space<vmem_shared>> -> memref<10112x128xf32, #tpu.memory_space<vmem_shared>>
      tpu.enqueue_indirect_dma source(%arg13 : memref<80x128xf32, #tpu.memory_space<vmem>>) target(%dma_start3A_137 : memref<10112x128xf32, #tpu.memory_space<vmem_shared>>) offsets(%arg11 : memref<80xi32, #tpu.memory_space<vmem>>) semaphore(%run_scoped3A : memref<!tpu.dma_semaphore, #tpu.memory_space<semaphore_mem>>) {add = true}
      %dma_wait3A_138 = arith.constant 0 : i32
      %dma_wait3A_139 = arith.constant 0 : i32
      %dma_wait3A_140 = tpu.memref_slice %arg16[%dma_wait3A_138, %dma_wait3A_139] : memref<10112x128xf32, #tpu.memory_space<vmem_shared>> -> memref<10112x128xf32, #tpu.memory_space<vmem_shared>>
      tpu.wait_indirect_dma semaphore(%run_scoped3A : memref<!tpu.dma_semaphore, #tpu.memory_space<semaphore_mem>>) src(%arg13 : memref<80x128xf32, #tpu.memory_space<vmem>>) dst(%dma_wait3A_140 : memref<10112x128xf32, #tpu.memory_space<vmem_shared>>)
      tpu.yield
    }) : () -> ()
    %barrier3A_127 = arith.constant 0 : index
    tpu.barrier barrier_id(%barrier3A_127)
    %mul3A_128 = arith.constant 632 : i32
    %mul3A_129 = arith.muli %arg1, %mul3A_128 : i32
    %mul3A_130 = arith.constant 10112 : i32
    %mul3A_131 = arith.muli %arg0, %mul3A_130 : i32
    %mul3A_132 = arith.constant 632 : i32
    %mul3A_133 = arith.muli %arg1, %mul3A_132 : i32
    %add3A_134 = arith.addi %mul3A_131, %mul3A_133 : i32
    "tpu.region"() ({
      %run_scoped3A = tpu.sem_alloc : memref<!tpu.dma_semaphore, #tpu.memory_space<semaphore_mem>>
      %dma_start3A_135 = arith.constant 0 : i32
      %dma_start3A_136 = tpu.memref_slice %arg7[%add3A_134, %dma_start3A_135] : memref<20224x128xf32, #tpu.memory_space<hbm>> -> memref<632x128xf32, #tpu.memory_space<hbm>>
      %dma_start3A_137 = arith.constant 0 : i32
      %dma_start3A_138 = tpu.memref_slice %arg16[%mul3A_129, %dma_start3A_137] : memref<10112x128xf32, #tpu.memory_space<vmem_shared>> -> memref<632x128xf32, #tpu.memory_space<vmem_shared>>
      tpu.enqueue_dma source(%dma_start3A_138 : memref<632x128xf32, #tpu.memory_space<vmem_shared>>) target(%dma_start3A_136 : memref<632x128xf32, #tpu.memory_space<hbm>>) target_semaphore(%run_scoped3A : memref<!tpu.dma_semaphore, #tpu.memory_space<semaphore_mem>>)
      %dma_wait3A_139 = arith.constant 0 : i32
      %dma_wait3A_140 = tpu.memref_slice %arg7[%add3A_134, %dma_wait3A_139] : memref<20224x128xf32, #tpu.memory_space<hbm>> -> memref<632x128xf32, #tpu.memory_space<hbm>>
      %dma_wait3A_141 = arith.constant 0 : i32
      %dma_wait3A_142 = tpu.memref_slice %arg16[%mul3A_129, %dma_wait3A_141] : memref<10112x128xf32, #tpu.memory_space<vmem_shared>> -> memref<632x128xf32, #tpu.memory_space<vmem_shared>>
      tpu.wait_dma2 semaphore(%run_scoped3A : memref<!tpu.dma_semaphore, #tpu.memory_space<semaphore_mem>>) src(%dma_wait3A_142 : memref<632x128xf32, #tpu.memory_space<vmem_shared>>) dst(%dma_wait3A_140 : memref<632x128xf32, #tpu.memory_space<hbm>>)
      tpu.yield
    }) : () -> ()
    return
  }
}

#map = affine_map<(d0, d1) -> (0, 0)>
#map1 = affine_map<(d0, d1) -> (0, 0, 0)>
module attributes {stable_mosaic.version = 14 : i64} {
  func.func @_edge_sc(%arg0: i32, %arg1: i32, %arg2: memref<10000x128xf32, #tpu.memory_space<hbm>>, %arg3: memref<327680x128xf32, #tpu.memory_space<hbm>>, %arg4: memref<32x128x80xi32, #tpu.memory_space<hbm>>, %arg5: memref<32x128x80xi32, #tpu.memory_space<hbm>>, %arg6: memref<10112x128xf32, #tpu.memory_space<hbm>>, %arg7: memref<20224x128xf32, #tpu.memory_space<hbm>>, %arg8: memref<80xi32, #tpu.memory_space<vmem>>, %arg9: memref<80xi32, #tpu.memory_space<vmem>>, %arg10: memref<80xi32, #tpu.memory_space<vmem>>, %arg11: memref<80xi32, #tpu.memory_space<vmem>>, %arg12: memref<80x128xf32, #tpu.memory_space<vmem>>, %arg13: memref<80x128xf32, #tpu.memory_space<vmem>>, %arg14: memref<80x128xf32, #tpu.memory_space<vmem>>, %arg15: memref<80x128xf32, #tpu.memory_space<vmem>>, %arg16: memref<10112x128xf32, #tpu.memory_space<vmem_shared>>, %arg17: memref<!tpu.dma_semaphore, #tpu.memory_space<semaphore_mem>>, %arg18: memref<!tpu.dma_semaphore, #tpu.memory_space<semaphore_mem>>, %arg19: memref<!tpu.dma_semaphore, #tpu.memory_space<semaphore_mem>>, %arg20: memref<!tpu.dma_semaphore, #tpu.memory_space<semaphore_mem>>, %arg21: memref<!tpu.dma_semaphore, #tpu.memory_space<semaphore_mem>>, %arg22: memref<!tpu.dma_semaphore, #tpu.memory_space<semaphore_mem>>, %arg23: memref<!tpu.dma_semaphore, #tpu.memory_space<semaphore_mem>>, %arg24: memref<!tpu.dma_semaphore, #tpu.memory_space<semaphore_mem>>) attributes {dimension_semantics = [#tpu.dimension_semantics<core_parallel>, #tpu.dimension_semantics<subcore_parallel>], iteration_bounds = array<i64: 2, 16>, scalar_prefetch = 0 : i64, scratch_operands = 17 : i64, tpu.core_type = #tpu.core_type<sc_vector_subcore>, window_params = [{transform_indices = #map}, {transform_indices = #map}, {transform_indices = #map1}, {transform_indices = #map1}, {transform_indices = #map}, {transform_indices = #map}]} {
    %mul3A = arith.constant 2 : i32
    %mul3A_0 = arith.muli %arg1, %mul3A : i32
    %add3A = arith.addi %mul3A_0, %arg0 : i32
    %mul3A_1 = arith.constant 10240 : i32
    %mul3A_2 = arith.muli %add3A, %mul3A_1 : i32
    %mul3A_3 = arith.constant 632 : i32
    %mul3A_4 = arith.muli %arg1, %mul3A_3 : i32
    %mul3A_5 = arith.constant 632 : i32
    %mul3A_6 = arith.muli %arg1, %mul3A_5 : i32
    "tpu.region"() ({
      %run_scoped3A = tpu.sem_alloc : memref<!tpu.dma_semaphore, #tpu.memory_space<semaphore_mem>>
      %dma_start3A_135 = arith.constant 0 : i32
      %dma_start3A_136 = tpu.memref_slice %arg16[%mul3A_6, %dma_start3A_135] : memref<10112x128xf32, #tpu.memory_space<vmem_shared>> -> memref<632x128xf32, #tpu.memory_space<vmem_shared>>
      %dma_start3A_137 = arith.constant 0 : i32
      %dma_start3A_138 = tpu.memref_slice %arg6[%mul3A_4, %dma_start3A_137] : memref<10112x128xf32, #tpu.memory_space<hbm>> -> memref<632x128xf32, #tpu.memory_space<hbm>>
      tpu.enqueue_dma source(%dma_start3A_138 : memref<632x128xf32, #tpu.memory_space<hbm>>) target(%dma_start3A_136 : memref<632x128xf32, #tpu.memory_space<vmem_shared>>) target_semaphore(%run_scoped3A : memref<!tpu.dma_semaphore, #tpu.memory_space<semaphore_mem>>)
      %dma_wait3A_139 = arith.constant 0 : i32
      %dma_wait3A_140 = tpu.memref_slice %arg16[%mul3A_6, %dma_wait3A_139] : memref<10112x128xf32, #tpu.memory_space<vmem_shared>> -> memref<632x128xf32, #tpu.memory_space<vmem_shared>>
      %dma_wait3A_141 = arith.constant 0 : i32
      %dma_wait3A_142 = tpu.memref_slice %arg6[%mul3A_4, %dma_wait3A_141] : memref<10112x128xf32, #tpu.memory_space<hbm>> -> memref<632x128xf32, #tpu.memory_space<hbm>>
      tpu.wait_dma2 semaphore(%run_scoped3A : memref<!tpu.dma_semaphore, #tpu.memory_space<semaphore_mem>>) src(%dma_wait3A_142 : memref<632x128xf32, #tpu.memory_space<hbm>>) dst(%dma_wait3A_140 : memref<632x128xf32, #tpu.memory_space<vmem_shared>>)
      tpu.yield
    }) : () -> ()
    %barrier3A = arith.constant 0 : index
    tpu.barrier barrier_id(%barrier3A)
    %dma_start3A = arith.constant 0 : i32
    %dma_start3A_7 = arith.constant 0 : i32
    %dma_start3A_8 = tpu.memref_slice %arg4[%add3A, %dma_start3A, %dma_start3A_7] : memref<32x128x80xi32, #tpu.memory_space<hbm>> -> memref<1x1x80xi32, #tpu.memory_space<hbm>>
    %dma_start3A_9 = tpu.memref_squeeze %dma_start3A_8 : memref<1x1x80xi32, #tpu.memory_space<hbm>> -> memref<80xi32, #tpu.memory_space<hbm>>
    %dma_start3A_10 = arith.constant 0 : i32
    %dma_start3A_11 = tpu.memref_slice %arg4[%add3A, %dma_start3A, %dma_start3A_10] : memref<32x128x80xi32, #tpu.memory_space<hbm>> -> memref<1x1x80xi32, #tpu.memory_space<hbm>>
    %dma_start3A_12 = tpu.memref_squeeze %dma_start3A_11 : memref<1x1x80xi32, #tpu.memory_space<hbm>> -> memref<80xi32, #tpu.memory_space<hbm>>
    tpu.enqueue_dma source(%dma_start3A_12 : memref<80xi32, #tpu.memory_space<hbm>>) target(%arg8 : memref<80xi32, #tpu.memory_space<vmem>>) target_semaphore(%arg17 : memref<!tpu.dma_semaphore, #tpu.memory_space<semaphore_mem>>)
    %dma_start3A_13 = arith.constant 0 : i32
    %dma_start3A_14 = arith.constant 0 : i32
    %dma_start3A_15 = tpu.memref_slice %arg5[%add3A, %dma_start3A_13, %dma_start3A_14] : memref<32x128x80xi32, #tpu.memory_space<hbm>> -> memref<1x1x80xi32, #tpu.memory_space<hbm>>
    %dma_start3A_16 = tpu.memref_squeeze %dma_start3A_15 : memref<1x1x80xi32, #tpu.memory_space<hbm>> -> memref<80xi32, #tpu.memory_space<hbm>>
    %dma_start3A_17 = arith.constant 0 : i32
    %dma_start3A_18 = tpu.memref_slice %arg5[%add3A, %dma_start3A_13, %dma_start3A_17] : memref<32x128x80xi32, #tpu.memory_space<hbm>> -> memref<1x1x80xi32, #tpu.memory_space<hbm>>
    %dma_start3A_19 = tpu.memref_squeeze %dma_start3A_18 : memref<1x1x80xi32, #tpu.memory_space<hbm>> -> memref<80xi32, #tpu.memory_space<hbm>>
    tpu.enqueue_dma source(%dma_start3A_19 : memref<80xi32, #tpu.memory_space<hbm>>) target(%arg10 : memref<80xi32, #tpu.memory_space<vmem>>) target_semaphore(%arg19 : memref<!tpu.dma_semaphore, #tpu.memory_space<semaphore_mem>>)
    %dma_start3A_20 = arith.constant 1 : i32
    %dma_start3A_21 = arith.constant 0 : i32
    %dma_start3A_22 = tpu.memref_slice %arg4[%add3A, %dma_start3A_20, %dma_start3A_21] : memref<32x128x80xi32, #tpu.memory_space<hbm>> -> memref<1x1x80xi32, #tpu.memory_space<hbm>>
    %dma_start3A_23 = tpu.memref_squeeze %dma_start3A_22 : memref<1x1x80xi32, #tpu.memory_space<hbm>> -> memref<80xi32, #tpu.memory_space<hbm>>
    %dma_start3A_24 = arith.constant 0 : i32
    %dma_start3A_25 = tpu.memref_slice %arg4[%add3A, %dma_start3A_20, %dma_start3A_24] : memref<32x128x80xi32, #tpu.memory_space<hbm>> -> memref<1x1x80xi32, #tpu.memory_space<hbm>>
    %dma_start3A_26 = tpu.memref_squeeze %dma_start3A_25 : memref<1x1x80xi32, #tpu.memory_space<hbm>> -> memref<80xi32, #tpu.memory_space<hbm>>
    tpu.enqueue_dma source(%dma_start3A_26 : memref<80xi32, #tpu.memory_space<hbm>>) target(%arg9 : memref<80xi32, #tpu.memory_space<vmem>>) target_semaphore(%arg18 : memref<!tpu.dma_semaphore, #tpu.memory_space<semaphore_mem>>)
    %dma_start3A_27 = arith.constant 1 : i32
    %dma_start3A_28 = arith.constant 0 : i32
    %dma_start3A_29 = tpu.memref_slice %arg5[%add3A, %dma_start3A_27, %dma_start3A_28] : memref<32x128x80xi32, #tpu.memory_space<hbm>> -> memref<1x1x80xi32, #tpu.memory_space<hbm>>
    %dma_start3A_30 = tpu.memref_squeeze %dma_start3A_29 : memref<1x1x80xi32, #tpu.memory_space<hbm>> -> memref<80xi32, #tpu.memory_space<hbm>>
    %dma_start3A_31 = arith.constant 0 : i32
    %dma_start3A_32 = tpu.memref_slice %arg5[%add3A, %dma_start3A_27, %dma_start3A_31] : memref<32x128x80xi32, #tpu.memory_space<hbm>> -> memref<1x1x80xi32, #tpu.memory_space<hbm>>
    %dma_start3A_33 = tpu.memref_squeeze %dma_start3A_32 : memref<1x1x80xi32, #tpu.memory_space<hbm>> -> memref<80xi32, #tpu.memory_space<hbm>>
    tpu.enqueue_dma source(%dma_start3A_33 : memref<80xi32, #tpu.memory_space<hbm>>) target(%arg11 : memref<80xi32, #tpu.memory_space<vmem>>) target_semaphore(%arg20 : memref<!tpu.dma_semaphore, #tpu.memory_space<semaphore_mem>>)
    %dma_wait3A = arith.constant 0 : i32
    %dma_wait3A_34 = arith.constant 0 : i32
    %dma_wait3A_35 = arith.constant 0 : i32
    %dma_wait3A_36 = tpu.memref_slice %arg4[%dma_wait3A, %dma_wait3A_34, %dma_wait3A_35] : memref<32x128x80xi32, #tpu.memory_space<hbm>> -> memref<1x1x80xi32, #tpu.memory_space<hbm>>
    %dma_wait3A_37 = tpu.memref_squeeze %dma_wait3A_36 : memref<1x1x80xi32, #tpu.memory_space<hbm>> -> memref<80xi32, #tpu.memory_space<hbm>>
    %dma_wait3A_38 = arith.constant 0 : i32
    %dma_wait3A_39 = tpu.memref_slice %arg4[%dma_wait3A, %dma_wait3A_34, %dma_wait3A_38] : memref<32x128x80xi32, #tpu.memory_space<hbm>> -> memref<1x1x80xi32, #tpu.memory_space<hbm>>
    %dma_wait3A_40 = tpu.memref_squeeze %dma_wait3A_39 : memref<1x1x80xi32, #tpu.memory_space<hbm>> -> memref<80xi32, #tpu.memory_space<hbm>>
    tpu.wait_dma2 semaphore(%arg17 : memref<!tpu.dma_semaphore, #tpu.memory_space<semaphore_mem>>) src(%dma_wait3A_40 : memref<80xi32, #tpu.memory_space<hbm>>) dst(%arg8 : memref<80xi32, #tpu.memory_space<vmem>>)
    %add3A_41 = arith.constant 0 : i32
    %add3A_42 = arith.addi %mul3A_2, %add3A_41 : i32
    %dma_start3A_43 = arith.constant 0 : i32
    %dma_start3A_44 = tpu.memref_slice %arg3[%add3A_42, %dma_start3A_43] : memref<327680x128xf32, #tpu.memory_space<hbm>> -> memref<80x128xf32, #tpu.memory_space<hbm>>
    %dma_start3A_45 = arith.constant 0 : i32
    %dma_start3A_46 = tpu.memref_slice %arg3[%add3A_42, %dma_start3A_45] : memref<327680x128xf32, #tpu.memory_space<hbm>> -> memref<80x128xf32, #tpu.memory_space<hbm>>
    tpu.enqueue_dma source(%dma_start3A_46 : memref<80x128xf32, #tpu.memory_space<hbm>>) target(%arg14 : memref<80x128xf32, #tpu.memory_space<vmem>>) target_semaphore(%arg23 : memref<!tpu.dma_semaphore, #tpu.memory_space<semaphore_mem>>)
    %dma_start3A_47 = arith.constant 0 : i32
    %dma_start3A_48 = arith.constant 0 : i32
    %dma_start3A_49 = tpu.memref_slice %arg2[%dma_start3A_47, %dma_start3A_48] : memref<10000x128xf32, #tpu.memory_space<hbm>> -> memref<10000x128xf32, #tpu.memory_space<hbm>>
    tpu.enqueue_indirect_dma source(%dma_start3A_49 : memref<10000x128xf32, #tpu.memory_space<hbm>>) target(%arg12 : memref<80x128xf32, #tpu.memory_space<vmem>>) offsets(%arg8 : memref<80xi32, #tpu.memory_space<vmem>>) semaphore(%arg21 : memref<!tpu.dma_semaphore, #tpu.memory_space<semaphore_mem>>)
    %scan3A = arith.constant 0 : i32
    %scan3A_50 = arith.constant 0 : i32
    %scan3A_51 = arith.constant 63 : i32
    %scan3A_52 = arith.addi %scan3A_50, %scan3A_51 : i32
    %scan3A_53 = arith.constant 1 : i32
    %scan3A_54 = scf.for %scan3A_135 = %scan3A_50 to %scan3A_52 step %scan3A_53 iter_args(%scan3A_136 = %scan3A) -> (i32)  : i32 {
      %mul3A_137 = arith.constant 2 : i32
      %mul3A_138 = arith.muli %mul3A_137, %scan3A_135 : i32
      %dma_wait3A_139 = arith.constant 0 : i32
      %dma_wait3A_140 = arith.constant 0 : i32
      %dma_wait3A_141 = arith.constant 0 : i32
      %dma_wait3A_142 = tpu.memref_slice %arg4[%dma_wait3A_139, %dma_wait3A_140, %dma_wait3A_141] : memref<32x128x80xi32, #tpu.memory_space<hbm>> -> memref<1x1x80xi32, #tpu.memory_space<hbm>>
      %dma_wait3A_143 = tpu.memref_squeeze %dma_wait3A_142 : memref<1x1x80xi32, #tpu.memory_space<hbm>> -> memref<80xi32, #tpu.memory_space<hbm>>
      %dma_wait3A_144 = arith.constant 0 : i32
      %dma_wait3A_145 = tpu.memref_slice %arg4[%dma_wait3A_139, %dma_wait3A_140, %dma_wait3A_144] : memref<32x128x80xi32, #tpu.memory_space<hbm>> -> memref<1x1x80xi32, #tpu.memory_space<hbm>>
      %dma_wait3A_146 = tpu.memref_squeeze %dma_wait3A_145 : memref<1x1x80xi32, #tpu.memory_space<hbm>> -> memref<80xi32, #tpu.memory_space<hbm>>
      tpu.wait_dma2 semaphore(%arg18 : memref<!tpu.dma_semaphore, #tpu.memory_space<semaphore_mem>>) src(%dma_wait3A_146 : memref<80xi32, #tpu.memory_space<hbm>>) dst(%arg9 : memref<80xi32, #tpu.memory_space<vmem>>)
      %add3A_147 = arith.constant 1 : i32
      %add3A_148 = arith.addi %mul3A_138, %add3A_147 : i32
      %mul3A_149 = arith.constant 80 : i32
      %mul3A_150 = arith.muli %add3A_148, %mul3A_149 : i32
      %add3A_151 = arith.addi %mul3A_2, %mul3A_150 : i32
      %dma_start3A_152 = arith.constant 0 : i32
      %dma_start3A_153 = tpu.memref_slice %arg3[%add3A_151, %dma_start3A_152] : memref<327680x128xf32, #tpu.memory_space<hbm>> -> memref<80x128xf32, #tpu.memory_space<hbm>>
      %dma_start3A_154 = arith.constant 0 : i32
      %dma_start3A_155 = tpu.memref_slice %arg3[%add3A_151, %dma_start3A_154] : memref<327680x128xf32, #tpu.memory_space<hbm>> -> memref<80x128xf32, #tpu.memory_space<hbm>>
      tpu.enqueue_dma source(%dma_start3A_155 : memref<80x128xf32, #tpu.memory_space<hbm>>) target(%arg15 : memref<80x128xf32, #tpu.memory_space<vmem>>) target_semaphore(%arg24 : memref<!tpu.dma_semaphore, #tpu.memory_space<semaphore_mem>>)
      %dma_start3A_156 = arith.constant 0 : i32
      %dma_start3A_157 = arith.constant 0 : i32
      %dma_start3A_158 = tpu.memref_slice %arg2[%dma_start3A_156, %dma_start3A_157] : memref<10000x128xf32, #tpu.memory_space<hbm>> -> memref<10000x128xf32, #tpu.memory_space<hbm>>
      tpu.enqueue_indirect_dma source(%dma_start3A_158 : memref<10000x128xf32, #tpu.memory_space<hbm>>) target(%arg13 : memref<80x128xf32, #tpu.memory_space<vmem>>) offsets(%arg9 : memref<80xi32, #tpu.memory_space<vmem>>) semaphore(%arg22 : memref<!tpu.dma_semaphore, #tpu.memory_space<semaphore_mem>>)
      %dma_wait3A_159 = arith.constant 0 : i32
      %dma_wait3A_160 = arith.constant 0 : i32
      %dma_wait3A_161 = tpu.memref_slice %arg3[%dma_wait3A_159, %dma_wait3A_160] : memref<327680x128xf32, #tpu.memory_space<hbm>> -> memref<80x128xf32, #tpu.memory_space<hbm>>
      %dma_wait3A_162 = arith.constant 0 : i32
      %dma_wait3A_163 = arith.constant 0 : i32
      %dma_wait3A_164 = tpu.memref_slice %arg3[%dma_wait3A_162, %dma_wait3A_163] : memref<327680x128xf32, #tpu.memory_space<hbm>> -> memref<80x128xf32, #tpu.memory_space<hbm>>
      tpu.wait_dma2 semaphore(%arg23 : memref<!tpu.dma_semaphore, #tpu.memory_space<semaphore_mem>>) src(%dma_wait3A_164 : memref<80x128xf32, #tpu.memory_space<hbm>>) dst(%arg14 : memref<80x128xf32, #tpu.memory_space<vmem>>)
      %dma_wait3A_165 = arith.constant 0 : i32
      %dma_wait3A_166 = arith.constant 0 : i32
      %dma_wait3A_167 = tpu.memref_slice %arg3[%dma_wait3A_165, %dma_wait3A_166] : memref<327680x128xf32, #tpu.memory_space<hbm>> -> memref<80x128xf32, #tpu.memory_space<hbm>>
      %dma_wait3A_168 = arith.constant 0 : i32
      %dma_wait3A_169 = arith.constant 0 : i32
      %dma_wait3A_170 = tpu.memref_slice %arg3[%dma_wait3A_168, %dma_wait3A_169] : memref<327680x128xf32, #tpu.memory_space<hbm>> -> memref<80x128xf32, #tpu.memory_space<hbm>>
      tpu.wait_dma2 semaphore(%arg21 : memref<!tpu.dma_semaphore, #tpu.memory_space<semaphore_mem>>) src(%dma_wait3A_170 : memref<80x128xf32, #tpu.memory_space<hbm>>) dst(%arg12 : memref<80x128xf32, #tpu.memory_space<vmem>>)
      %add3A_171 = arith.constant 2 : i32
      %add3A_172 = arith.addi %mul3A_138, %add3A_171 : i32
      %dma_start3A_173 = arith.constant 0 : i32
      %dma_start3A_174 = tpu.memref_slice %arg4[%add3A, %add3A_172, %dma_start3A_173] : memref<32x128x80xi32, #tpu.memory_space<hbm>> -> memref<1x1x80xi32, #tpu.memory_space<hbm>>
      %dma_start3A_175 = tpu.memref_squeeze %dma_start3A_174 : memref<1x1x80xi32, #tpu.memory_space<hbm>> -> memref<80xi32, #tpu.memory_space<hbm>>
      %dma_start3A_176 = arith.constant 0 : i32
      %dma_start3A_177 = tpu.memref_slice %arg4[%add3A, %add3A_172, %dma_start3A_176] : memref<32x128x80xi32, #tpu.memory_space<hbm>> -> memref<1x1x80xi32, #tpu.memory_space<hbm>>
      %dma_start3A_178 = tpu.memref_squeeze %dma_start3A_177 : memref<1x1x80xi32, #tpu.memory_space<hbm>> -> memref<80xi32, #tpu.memory_space<hbm>>
      tpu.enqueue_dma source(%dma_start3A_178 : memref<80xi32, #tpu.memory_space<hbm>>) target(%arg8 : memref<80xi32, #tpu.memory_space<vmem>>) target_semaphore(%arg17 : memref<!tpu.dma_semaphore, #tpu.memory_space<semaphore_mem>>)
      %scan3A_179 = arith.constant 0 : i32
      %scan3A_180 = arith.constant 0 : i32
      %scan3A_181 = arith.constant 80 : i32
      %scan3A_182 = arith.addi %scan3A_180, %scan3A_181 : i32
      %scan3A_183 = arith.constant 1 : i32
      %scan3A_184 = scf.for %scan3A_266 = %scan3A_180 to %scan3A_182 step %scan3A_183 iter_args(%scan3A_267 = %scan3A_179) -> (i32)  : i32 {
        %get3A = arith.index_cast %scan3A_266 : i32 to index
        %get3A_268 = arith.constant 0 : index
        %get3A_269 = tpu.vector_load %arg12[%get3A, %get3A_268] {strides = array<i32>} : memref<80x128xf32, #tpu.memory_space<vmem>>, vector<1x16xf32>,
        %get3A_270 = vector.shape_cast %get3A_269 : vector<1x16xf32> to vector<16xf32>
        %get3A_271 = arith.index_cast %scan3A_266 : i32 to index
        %get3A_272 = arith.constant 0 : index
        %get3A_273 = tpu.vector_load %arg14[%get3A_271, %get3A_272] {strides = array<i32>} : memref<80x128xf32, #tpu.memory_space<vmem>>, vector<1x16xf32>,
        %get3A_274 = vector.shape_cast %get3A_273 : vector<1x16xf32> to vector<16xf32>
        %add3A_275 = arith.addf %get3A_270, %get3A_274 : vector<16xf32>
        %max3A = arith.constant 0.000000e+00 : f32
        %max3A_276 = vector.broadcast %max3A : f32 to vector<16xf32>
        %max3A_277 = arith.maximumf %add3A_275, %max3A_276 : vector<16xf32>
        %swap3A = arith.index_cast %scan3A_266 : i32 to index
        %swap3A_278 = arith.constant 0 : index
        %swap3A_279 = tpu.vector_load %arg12[%swap3A, %swap3A_278] {strides = array<i32>} : memref<80x128xf32, #tpu.memory_space<vmem>>, vector<1x16xf32>,
        %swap3A_280 = vector.shape_cast %swap3A_279 : vector<1x16xf32> to vector<16xf32>
        %swap3A_281 = vector.shape_cast %max3A_277 : vector<16xf32> to vector<1x16xf32>
        tpu.vector_store %arg12[%swap3A, %swap3A_278], %swap3A_281 {strides = array<i32>} : memref<80x128xf32, #tpu.memory_space<vmem>>, vector<1x16xf32>,
        %get3A_282 = arith.index_cast %scan3A_266 : i32 to index
        %get3A_283 = arith.constant 16 : index
        %get3A_284 = tpu.vector_load %arg12[%get3A_282, %get3A_283] {strides = array<i32>} : memref<80x128xf32, #tpu.memory_space<vmem>>, vector<1x16xf32>,
        %get3A_285 = vector.shape_cast %get3A_284 : vector<1x16xf32> to vector<16xf32>
        %get3A_286 = arith.index_cast %scan3A_266 : i32 to index
        %get3A_287 = arith.constant 16 : index
        %get3A_288 = tpu.vector_load %arg14[%get3A_286, %get3A_287] {strides = array<i32>} : memref<80x128xf32, #tpu.memory_space<vmem>>, vector<1x16xf32>,
        %get3A_289 = vector.shape_cast %get3A_288 : vector<1x16xf32> to vector<16xf32>
        %add3A_290 = arith.addf %get3A_285, %get3A_289 : vector<16xf32>
        %max3A_291 = arith.constant 0.000000e+00 : f32
        %max3A_292 = vector.broadcast %max3A_291 : f32 to vector<16xf32>
        %max3A_293 = arith.maximumf %add3A_290, %max3A_292 : vector<16xf32>
        %swap3A_294 = arith.index_cast %scan3A_266 : i32 to index
        %swap3A_295 = arith.constant 16 : index
        %swap3A_296 = tpu.vector_load %arg12[%swap3A_294, %swap3A_295] {strides = array<i32>} : memref<80x128xf32, #tpu.memory_space<vmem>>, vector<1x16xf32>,
        %swap3A_297 = vector.shape_cast %swap3A_296 : vector<1x16xf32> to vector<16xf32>
        %swap3A_298 = vector.shape_cast %max3A_293 : vector<16xf32> to vector<1x16xf32>
        tpu.vector_store %arg12[%swap3A_294, %swap3A_295], %swap3A_298 {strides = array<i32>} : memref<80x128xf32, #tpu.memory_space<vmem>>, vector<1x16xf32>,
        %get3A_299 = arith.index_cast %scan3A_266 : i32 to index
        %get3A_300 = arith.constant 32 : index
        %get3A_301 = tpu.vector_load %arg12[%get3A_299, %get3A_300] {strides = array<i32>} : memref<80x128xf32, #tpu.memory_space<vmem>>, vector<1x16xf32>,
        %get3A_302 = vector.shape_cast %get3A_301 : vector<1x16xf32> to vector<16xf32>
        %get3A_303 = arith.index_cast %scan3A_266 : i32 to index
        %get3A_304 = arith.constant 32 : index
        %get3A_305 = tpu.vector_load %arg14[%get3A_303, %get3A_304] {strides = array<i32>} : memref<80x128xf32, #tpu.memory_space<vmem>>, vector<1x16xf32>,
        %get3A_306 = vector.shape_cast %get3A_305 : vector<1x16xf32> to vector<16xf32>
        %add3A_307 = arith.addf %get3A_302, %get3A_306 : vector<16xf32>
        %max3A_308 = arith.constant 0.000000e+00 : f32
        %max3A_309 = vector.broadcast %max3A_308 : f32 to vector<16xf32>
        %max3A_310 = arith.maximumf %add3A_307, %max3A_309 : vector<16xf32>
        %swap3A_311 = arith.index_cast %scan3A_266 : i32 to index
        %swap3A_312 = arith.constant 32 : index
        %swap3A_313 = tpu.vector_load %arg12[%swap3A_311, %swap3A_312] {strides = array<i32>} : memref<80x128xf32, #tpu.memory_space<vmem>>, vector<1x16xf32>,
        %swap3A_314 = vector.shape_cast %swap3A_313 : vector<1x16xf32> to vector<16xf32>
        %swap3A_315 = vector.shape_cast %max3A_310 : vector<16xf32> to vector<1x16xf32>
        tpu.vector_store %arg12[%swap3A_311, %swap3A_312], %swap3A_315 {strides = array<i32>} : memref<80x128xf32, #tpu.memory_space<vmem>>, vector<1x16xf32>,
        %get3A_316 = arith.index_cast %scan3A_266 : i32 to index
        %get3A_317 = arith.constant 48 : index
        %get3A_318 = tpu.vector_load %arg12[%get3A_316, %get3A_317] {strides = array<i32>} : memref<80x128xf32, #tpu.memory_space<vmem>>, vector<1x16xf32>,
        %get3A_319 = vector.shape_cast %get3A_318 : vector<1x16xf32> to vector<16xf32>
        %get3A_320 = arith.index_cast %scan3A_266 : i32 to index
        %get3A_321 = arith.constant 48 : index
        %get3A_322 = tpu.vector_load %arg14[%get3A_320, %get3A_321] {strides = array<i32>} : memref<80x128xf32, #tpu.memory_space<vmem>>, vector<1x16xf32>,
        %get3A_323 = vector.shape_cast %get3A_322 : vector<1x16xf32> to vector<16xf32>
        %add3A_324 = arith.addf %get3A_319, %get3A_323 : vector<16xf32>
        %max3A_325 = arith.constant 0.000000e+00 : f32
        %max3A_326 = vector.broadcast %max3A_325 : f32 to vector<16xf32>
        %max3A_327 = arith.maximumf %add3A_324, %max3A_326 : vector<16xf32>
        %swap3A_328 = arith.index_cast %scan3A_266 : i32 to index
        %swap3A_329 = arith.constant 48 : index
        %swap3A_330 = tpu.vector_load %arg12[%swap3A_328, %swap3A_329] {strides = array<i32>} : memref<80x128xf32, #tpu.memory_space<vmem>>, vector<1x16xf32>,
        %swap3A_331 = vector.shape_cast %swap3A_330 : vector<1x16xf32> to vector<16xf32>
        %swap3A_332 = vector.shape_cast %max3A_327 : vector<16xf32> to vector<1x16xf32>
        tpu.vector_store %arg12[%swap3A_328, %swap3A_329], %swap3A_332 {strides = array<i32>} : memref<80x128xf32, #tpu.memory_space<vmem>>, vector<1x16xf32>,
        %get3A_333 = arith.index_cast %scan3A_266 : i32 to index
        %get3A_334 = arith.constant 64 : index
        %get3A_335 = tpu.vector_load %arg12[%get3A_333, %get3A_334] {strides = array<i32>} : memref<80x128xf32, #tpu.memory_space<vmem>>, vector<1x16xf32>,
        %get3A_336 = vector.shape_cast %get3A_335 : vector<1x16xf32> to vector<16xf32>
        %get3A_337 = arith.index_cast %scan3A_266 : i32 to index
        %get3A_338 = arith.constant 64 : index
        %get3A_339 = tpu.vector_load %arg14[%get3A_337, %get3A_338] {strides = array<i32>} : memref<80x128xf32, #tpu.memory_space<vmem>>, vector<1x16xf32>,
        %get3A_340 = vector.shape_cast %get3A_339 : vector<1x16xf32> to vector<16xf32>
        %add3A_341 = arith.addf %get3A_336, %get3A_340 : vector<16xf32>
        %max3A_342 = arith.constant 0.000000e+00 : f32
        %max3A_343 = vector.broadcast %max3A_342 : f32 to vector<16xf32>
        %max3A_344 = arith.maximumf %add3A_341, %max3A_343 : vector<16xf32>
        %swap3A_345 = arith.index_cast %scan3A_266 : i32 to index
        %swap3A_346 = arith.constant 64 : index
        %swap3A_347 = tpu.vector_load %arg12[%swap3A_345, %swap3A_346] {strides = array<i32>} : memref<80x128xf32, #tpu.memory_space<vmem>>, vector<1x16xf32>,
        %swap3A_348 = vector.shape_cast %swap3A_347 : vector<1x16xf32> to vector<16xf32>
        %swap3A_349 = vector.shape_cast %max3A_344 : vector<16xf32> to vector<1x16xf32>
        tpu.vector_store %arg12[%swap3A_345, %swap3A_346], %swap3A_349 {strides = array<i32>} : memref<80x128xf32, #tpu.memory_space<vmem>>, vector<1x16xf32>,
        %get3A_350 = arith.index_cast %scan3A_266 : i32 to index
        %get3A_351 = arith.constant 80 : index
        %get3A_352 = tpu.vector_load %arg12[%get3A_350, %get3A_351] {strides = array<i32>} : memref<80x128xf32, #tpu.memory_space<vmem>>, vector<1x16xf32>,
        %get3A_353 = vector.shape_cast %get3A_352 : vector<1x16xf32> to vector<16xf32>
        %get3A_354 = arith.index_cast %scan3A_266 : i32 to index
        %get3A_355 = arith.constant 80 : index
        %get3A_356 = tpu.vector_load %arg14[%get3A_354, %get3A_355] {strides = array<i32>} : memref<80x128xf32, #tpu.memory_space<vmem>>, vector<1x16xf32>,
        %get3A_357 = vector.shape_cast %get3A_356 : vector<1x16xf32> to vector<16xf32>
        %add3A_358 = arith.addf %get3A_353, %get3A_357 : vector<16xf32>
        %max3A_359 = arith.constant 0.000000e+00 : f32
        %max3A_360 = vector.broadcast %max3A_359 : f32 to vector<16xf32>
        %max3A_361 = arith.maximumf %add3A_358, %max3A_360 : vector<16xf32>
        %swap3A_362 = arith.index_cast %scan3A_266 : i32 to index
        %swap3A_363 = arith.constant 80 : index
        %swap3A_364 = tpu.vector_load %arg12[%swap3A_362, %swap3A_363] {strides = array<i32>} : memref<80x128xf32, #tpu.memory_space<vmem>>, vector<1x16xf32>,
        %swap3A_365 = vector.shape_cast %swap3A_364 : vector<1x16xf32> to vector<16xf32>
        %swap3A_366 = vector.shape_cast %max3A_361 : vector<16xf32> to vector<1x16xf32>
        tpu.vector_store %arg12[%swap3A_362, %swap3A_363], %swap3A_366 {strides = array<i32>} : memref<80x128xf32, #tpu.memory_space<vmem>>, vector<1x16xf32>,
        %get3A_367 = arith.index_cast %scan3A_266 : i32 to index
        %get3A_368 = arith.constant 96 : index
        %get3A_369 = tpu.vector_load %arg12[%get3A_367, %get3A_368] {strides = array<i32>} : memref<80x128xf32, #tpu.memory_space<vmem>>, vector<1x16xf32>,
        %get3A_370 = vector.shape_cast %get3A_369 : vector<1x16xf32> to vector<16xf32>
        %get3A_371 = arith.index_cast %scan3A_266 : i32 to index
        %get3A_372 = arith.constant 96 : index
        %get3A_373 = tpu.vector_load %arg14[%get3A_371, %get3A_372] {strides = array<i32>} : memref<80x128xf32, #tpu.memory_space<vmem>>, vector<1x16xf32>,
        %get3A_374 = vector.shape_cast %get3A_373 : vector<1x16xf32> to vector<16xf32>
        %add3A_375 = arith.addf %get3A_370, %get3A_374 : vector<16xf32>
        %max3A_376 = arith.constant 0.000000e+00 : f32
        %max3A_377 = vector.broadcast %max3A_376 : f32 to vector<16xf32>
        %max3A_378 = arith.maximumf %add3A_375, %max3A_377 : vector<16xf32>
        %swap3A_379 = arith.index_cast %scan3A_266 : i32 to index
        %swap3A_380 = arith.constant 96 : index
        %swap3A_381 = tpu.vector_load %arg12[%swap3A_379, %swap3A_380] {strides = array<i32>} : memref<80x128xf32, #tpu.memory_space<vmem>>, vector<1x16xf32>,
        %swap3A_382 = vector.shape_cast %swap3A_381 : vector<1x16xf32> to vector<16xf32>
        %swap3A_383 = vector.shape_cast %max3A_378 : vector<16xf32> to vector<1x16xf32>
        tpu.vector_store %arg12[%swap3A_379, %swap3A_380], %swap3A_383 {strides = array<i32>} : memref<80x128xf32, #tpu.memory_space<vmem>>, vector<1x16xf32>,
        %get3A_384 = arith.index_cast %scan3A_266 : i32 to index
        %get3A_385 = arith.constant 112 : index
        %get3A_386 = tpu.vector_load %arg12[%get3A_384, %get3A_385] {strides = array<i32>} : memref<80x128xf32, #tpu.memory_space<vmem>>, vector<1x16xf32>,
        %get3A_387 = vector.shape_cast %get3A_386 : vector<1x16xf32> to vector<16xf32>
        %get3A_388 = arith.index_cast %scan3A_266 : i32 to index
        %get3A_389 = arith.constant 112 : index
        %get3A_390 = tpu.vector_load %arg14[%get3A_388, %get3A_389] {strides = array<i32>} : memref<80x128xf32, #tpu.memory_space<vmem>>, vector<1x16xf32>,
        %get3A_391 = vector.shape_cast %get3A_390 : vector<1x16xf32> to vector<16xf32>
        %add3A_392 = arith.addf %get3A_387, %get3A_391 : vector<16xf32>
        %max3A_393 = arith.constant 0.000000e+00 : f32
        %max3A_394 = vector.broadcast %max3A_393 : f32 to vector<16xf32>
        %max3A_395 = arith.maximumf %add3A_392, %max3A_394 : vector<16xf32>
        %swap3A_396 = arith.index_cast %scan3A_266 : i32 to index
        %swap3A_397 = arith.constant 112 : index
        %swap3A_398 = tpu.vector_load %arg12[%swap3A_396, %swap3A_397] {strides = array<i32>} : memref<80x128xf32, #tpu.memory_space<vmem>>, vector<1x16xf32>,
        %swap3A_399 = vector.shape_cast %swap3A_398 : vector<1x16xf32> to vector<16xf32>
        %swap3A_400 = vector.shape_cast %max3A_395 : vector<16xf32> to vector<1x16xf32>
        tpu.vector_store %arg12[%swap3A_396, %swap3A_397], %swap3A_400 {strides = array<i32>} : memref<80x128xf32, #tpu.memory_space<vmem>>, vector<1x16xf32>,
        %scan3A_401 = arith.constant 0 : i32
        scf.yield %scan3A_401 : i32
      }
      %scan3A_185 = arith.constant 80 : i32
      %dma_wait3A_186 = arith.constant 0 : i32
      %dma_wait3A_187 = arith.constant 0 : i32
      %dma_wait3A_188 = arith.constant 0 : i32
      %dma_wait3A_189 = tpu.memref_slice %arg5[%dma_wait3A_186, %dma_wait3A_187, %dma_wait3A_188] : memref<32x128x80xi32, #tpu.memory_space<hbm>> -> memref<1x1x80xi32, #tpu.memory_space<hbm>>
      %dma_wait3A_190 = tpu.memref_squeeze %dma_wait3A_189 : memref<1x1x80xi32, #tpu.memory_space<hbm>> -> memref<80xi32, #tpu.memory_space<hbm>>
      %dma_wait3A_191 = arith.constant 0 : i32
      %dma_wait3A_192 = tpu.memref_slice %arg5[%dma_wait3A_186, %dma_wait3A_187, %dma_wait3A_191] : memref<32x128x80xi32, #tpu.memory_space<hbm>> -> memref<1x1x80xi32, #tpu.memory_space<hbm>>
      %dma_wait3A_193 = tpu.memref_squeeze %dma_wait3A_192 : memref<1x1x80xi32, #tpu.memory_space<hbm>> -> memref<80xi32, #tpu.memory_space<hbm>>
      tpu.wait_dma2 semaphore(%arg19 : memref<!tpu.dma_semaphore, #tpu.memory_space<semaphore_mem>>) src(%dma_wait3A_193 : memref<80xi32, #tpu.memory_space<hbm>>) dst(%arg10 : memref<80xi32, #tpu.memory_space<vmem>>)
      "tpu.region"() ({
        %run_scoped3A = tpu.sem_alloc : memref<!tpu.dma_semaphore, #tpu.memory_space<semaphore_mem>>
        %dma_start3A_266 = arith.constant 0 : i32
        %dma_start3A_267 = arith.constant 0 : i32
        %dma_start3A_268 = tpu.memref_slice %arg16[%dma_start3A_266, %dma_start3A_267] : memref<10112x128xf32, #tpu.memory_space<vmem_shared>> -> memref<10112x128xf32, #tpu.memory_space<vmem_shared>>
        tpu.enqueue_indirect_dma source(%arg12 : memref<80x128xf32, #tpu.memory_space<vmem>>) target(%dma_start3A_268 : memref<10112x128xf32, #tpu.memory_space<vmem_shared>>) offsets(%arg10 : memref<80xi32, #tpu.memory_space<vmem>>) semaphore(%run_scoped3A : memref<!tpu.dma_semaphore, #tpu.memory_space<semaphore_mem>>) {add = true}
        %dma_wait3A_269 = arith.constant 0 : i32
        %dma_wait3A_270 = arith.constant 0 : i32
        %dma_wait3A_271 = tpu.memref_slice %arg16[%dma_wait3A_269, %dma_wait3A_270] : memref<10112x128xf32, #tpu.memory_space<vmem_shared>> -> memref<10112x128xf32, #tpu.memory_space<vmem_shared>>
        tpu.wait_indirect_dma semaphore(%run_scoped3A : memref<!tpu.dma_semaphore, #tpu.memory_space<semaphore_mem>>) src(%arg12 : memref<80x128xf32, #tpu.memory_space<vmem>>) dst(%dma_wait3A_271 : memref<10112x128xf32, #tpu.memory_space<vmem_shared>>)
        tpu.yield
      }) : () -> ()
      %add3A_194 = arith.constant 2 : i32
      %add3A_195 = arith.addi %mul3A_138, %add3A_194 : i32
      %dma_start3A_196 = arith.constant 0 : i32
      %dma_start3A_197 = tpu.memref_slice %arg5[%add3A, %add3A_195, %dma_start3A_196] : memref<32x128x80xi32, #tpu.memory_space<hbm>> -> memref<1x1x80xi32, #tpu.memory_space<hbm>>
      %dma_start3A_198 = tpu.memref_squeeze %dma_start3A_197 : memref<1x1x80xi32, #tpu.memory_space<hbm>> -> memref<80xi32, #tpu.memory_space<hbm>>
      %dma_start3A_199 = arith.constant 0 : i32
      %dma_start3A_200 = tpu.memref_slice %arg5[%add3A, %add3A_195, %dma_start3A_199] : memref<32x128x80xi32, #tpu.memory_space<hbm>> -> memref<1x1x80xi32, #tpu.memory_space<hbm>>
      %dma_start3A_201 = tpu.memref_squeeze %dma_start3A_200 : memref<1x1x80xi32, #tpu.memory_space<hbm>> -> memref<80xi32, #tpu.memory_space<hbm>>
      tpu.enqueue_dma source(%dma_start3A_201 : memref<80xi32, #tpu.memory_space<hbm>>) target(%arg10 : memref<80xi32, #tpu.memory_space<vmem>>) target_semaphore(%arg19 : memref<!tpu.dma_semaphore, #tpu.memory_space<semaphore_mem>>)
      %dma_wait3A_202 = arith.constant 0 : i32
      %dma_wait3A_203 = arith.constant 0 : i32
      %dma_wait3A_204 = arith.constant 0 : i32
      %dma_wait3A_205 = tpu.memref_slice %arg4[%dma_wait3A_202, %dma_wait3A_203, %dma_wait3A_204] : memref<32x128x80xi32, #tpu.memory_space<hbm>> -> memref<1x1x80xi32, #tpu.memory_space<hbm>>
      %dma_wait3A_206 = tpu.memref_squeeze %dma_wait3A_205 : memref<1x1x80xi32, #tpu.memory_space<hbm>> -> memref<80xi32, #tpu.memory_space<hbm>>
      %dma_wait3A_207 = arith.constant 0 : i32
      %dma_wait3A_208 = tpu.memref_slice %arg4[%dma_wait3A_202, %dma_wait3A_203, %dma_wait3A_207] : memref<32x128x80xi32, #tpu.memory_space<hbm>> -> memref<1x1x80xi32, #tpu.memory_space<hbm>>
      %dma_wait3A_209 = tpu.memref_squeeze %dma_wait3A_208 : memref<1x1x80xi32, #tpu.memory_space<hbm>> -> memref<80xi32, #tpu.memory_space<hbm>>
      tpu.wait_dma2 semaphore(%arg17 : memref<!tpu.dma_semaphore, #tpu.memory_space<semaphore_mem>>) src(%dma_wait3A_209 : memref<80xi32, #tpu.memory_space<hbm>>) dst(%arg8 : memref<80xi32, #tpu.memory_space<vmem>>)
      %add3A_210 = arith.constant 2 : i32
      %add3A_211 = arith.addi %mul3A_138, %add3A_210 : i32
      %mul3A_212 = arith.constant 80 : i32
      %mul3A_213 = arith.muli %add3A_211, %mul3A_212 : i32
      %add3A_214 = arith.addi %mul3A_2, %mul3A_213 : i32
      %dma_start3A_215 = arith.constant 0 : i32
      %dma_start3A_216 = tpu.memref_slice %arg3[%add3A_214, %dma_start3A_215] : memref<327680x128xf32, #tpu.memory_space<hbm>> -> memref<80x128xf32, #tpu.memory_space<hbm>>
      %dma_start3A_217 = arith.constant 0 : i32
      %dma_start3A_218 = tpu.memref_slice %arg3[%add3A_214, %dma_start3A_217] : memref<327680x128xf32, #tpu.memory_space<hbm>> -> memref<80x128xf32, #tpu.memory_space<hbm>>
      tpu.enqueue_dma source(%dma_start3A_218 : memref<80x128xf32, #tpu.memory_space<hbm>>) target(%arg14 : memref<80x128xf32, #tpu.memory_space<vmem>>) target_semaphore(%arg23 : memref<!tpu.dma_semaphore, #tpu.memory_space<semaphore_mem>>)
      %dma_start3A_219 = arith.constant 0 : i32
      %dma_start3A_220 = arith.constant 0 : i32
      %dma_start3A_221 = tpu.memref_slice %arg2[%dma_start3A_219, %dma_start3A_220] : memref<10000x128xf32, #tpu.memory_space<hbm>> -> memref<10000x128xf32, #tpu.memory_space<hbm>>
      tpu.enqueue_indirect_dma source(%dma_start3A_221 : memref<10000x128xf32, #tpu.memory_space<hbm>>) target(%arg12 : memref<80x128xf32, #tpu.memory_space<vmem>>) offsets(%arg8 : memref<80xi32, #tpu.memory_space<vmem>>) semaphore(%arg21 : memref<!tpu.dma_semaphore, #tpu.memory_space<semaphore_mem>>)
      %dma_wait3A_222 = arith.constant 0 : i32
      %dma_wait3A_223 = arith.constant 0 : i32
      %dma_wait3A_224 = tpu.memref_slice %arg3[%dma_wait3A_222, %dma_wait3A_223] : memref<327680x128xf32, #tpu.memory_space<hbm>> -> memref<80x128xf32, #tpu.memory_space<hbm>>
      %dma_wait3A_225 = arith.constant 0 : i32
      %dma_wait3A_226 = arith.constant 0 : i32
      %dma_wait3A_227 = tpu.memref_slice %arg3[%dma_wait3A_225, %dma_wait3A_226] : memref<327680x128xf32, #tpu.memory_space<hbm>> -> memref<80x128xf32, #tpu.memory_space<hbm>>
      tpu.wait_dma2 semaphore(%arg24 : memref<!tpu.dma_semaphore, #tpu.memory_space<semaphore_mem>>) src(%dma_wait3A_227 : memref<80x128xf32, #tpu.memory_space<hbm>>) dst(%arg15 : memref<80x128xf32, #tpu.memory_space<vmem>>)
      %dma_wait3A_228 = arith.constant 0 : i32
      %dma_wait3A_229 = arith.constant 0 : i32
      %dma_wait3A_230 = tpu.memref_slice %arg3[%dma_wait3A_228, %dma_wait3A_229] : memref<327680x128xf32, #tpu.memory_space<hbm>> -> memref<80x128xf32, #tpu.memory_space<hbm>>
      %dma_wait3A_231 = arith.constant 0 : i32
      %dma_wait3A_232 = arith.constant 0 : i32
      %dma_wait3A_233 = tpu.memref_slice %arg3[%dma_wait3A_231, %dma_wait3A_232] : memref<327680x128xf32, #tpu.memory_space<hbm>> -> memref<80x128xf32, #tpu.memory_space<hbm>>
      tpu.wait_dma2 semaphore(%arg22 : memref<!tpu.dma_semaphore, #tpu.memory_space<semaphore_mem>>) src(%dma_wait3A_233 : memref<80x128xf32, #tpu.memory_space<hbm>>) dst(%arg13 : memref<80x128xf32, #tpu.memory_space<vmem>>)
      %add3A_234 = arith.constant 3 : i32
      %add3A_235 = arith.addi %mul3A_138, %add3A_234 : i32
      %dma_start3A_236 = arith.constant 0 : i32
      %dma_start3A_237 = tpu.memref_slice %arg4[%add3A, %add3A_235, %dma_start3A_236] : memref<32x128x80xi32, #tpu.memory_space<hbm>> -> memref<1x1x80xi32, #tpu.memory_space<hbm>>
      %dma_start3A_238 = tpu.memref_squeeze %dma_start3A_237 : memref<1x1x80xi32, #tpu.memory_space<hbm>> -> memref<80xi32, #tpu.memory_space<hbm>>
      %dma_start3A_239 = arith.constant 0 : i32
      %dma_start3A_240 = tpu.memref_slice %arg4[%add3A, %add3A_235, %dma_start3A_239] : memref<32x128x80xi32, #tpu.memory_space<hbm>> -> memref<1x1x80xi32, #tpu.memory_space<hbm>>
      %dma_start3A_241 = tpu.memref_squeeze %dma_start3A_240 : memref<1x1x80xi32, #tpu.memory_space<hbm>> -> memref<80xi32, #tpu.memory_space<hbm>>
      tpu.enqueue_dma source(%dma_start3A_241 : memref<80xi32, #tpu.memory_space<hbm>>) target(%arg9 : memref<80xi32, #tpu.memory_space<vmem>>) target_semaphore(%arg18 : memref<!tpu.dma_semaphore, #tpu.memory_space<semaphore_mem>>)
      %scan3A_242 = arith.constant 0 : i32
      %scan3A_243 = arith.constant 0 : i32
      %scan3A_244 = arith.constant 80 : i32
      %scan3A_245 = arith.addi %scan3A_243, %scan3A_244 : i32
      %scan3A_246 = arith.constant 1 : i32
      %scan3A_247 = scf.for %scan3A_266 = %scan3A_243 to %scan3A_245 step %scan3A_246 iter_args(%scan3A_267 = %scan3A_242) -> (i32)  : i32 {
        %get3A = arith.index_cast %scan3A_266 : i32 to index
        %get3A_268 = arith.constant 0 : index
        %get3A_269 = tpu.vector_load %arg13[%get3A, %get3A_268] {strides = array<i32>} : memref<80x128xf32, #tpu.memory_space<vmem>>, vector<1x16xf32>,
        %get3A_270 = vector.shape_cast %get3A_269 : vector<1x16xf32> to vector<16xf32>
        %get3A_271 = arith.index_cast %scan3A_266 : i32 to index
        %get3A_272 = arith.constant 0 : index
        %get3A_273 = tpu.vector_load %arg15[%get3A_271, %get3A_272] {strides = array<i32>} : memref<80x128xf32, #tpu.memory_space<vmem>>, vector<1x16xf32>,
        %get3A_274 = vector.shape_cast %get3A_273 : vector<1x16xf32> to vector<16xf32>
        %add3A_275 = arith.addf %get3A_270, %get3A_274 : vector<16xf32>
        %max3A = arith.constant 0.000000e+00 : f32
        %max3A_276 = vector.broadcast %max3A : f32 to vector<16xf32>
        %max3A_277 = arith.maximumf %add3A_275, %max3A_276 : vector<16xf32>
        %swap3A = arith.index_cast %scan3A_266 : i32 to index
        %swap3A_278 = arith.constant 0 : index
        %swap3A_279 = tpu.vector_load %arg13[%swap3A, %swap3A_278] {strides = array<i32>} : memref<80x128xf32, #tpu.memory_space<vmem>>, vector<1x16xf32>,
        %swap3A_280 = vector.shape_cast %swap3A_279 : vector<1x16xf32> to vector<16xf32>
        %swap3A_281 = vector.shape_cast %max3A_277 : vector<16xf32> to vector<1x16xf32>
        tpu.vector_store %arg13[%swap3A, %swap3A_278], %swap3A_281 {strides = array<i32>} : memref<80x128xf32, #tpu.memory_space<vmem>>, vector<1x16xf32>,
        %get3A_282 = arith.index_cast %scan3A_266 : i32 to index
        %get3A_283 = arith.constant 16 : index
        %get3A_284 = tpu.vector_load %arg13[%get3A_282, %get3A_283] {strides = array<i32>} : memref<80x128xf32, #tpu.memory_space<vmem>>, vector<1x16xf32>,
        %get3A_285 = vector.shape_cast %get3A_284 : vector<1x16xf32> to vector<16xf32>
        %get3A_286 = arith.index_cast %scan3A_266 : i32 to index
        %get3A_287 = arith.constant 16 : index
        %get3A_288 = tpu.vector_load %arg15[%get3A_286, %get3A_287] {strides = array<i32>} : memref<80x128xf32, #tpu.memory_space<vmem>>, vector<1x16xf32>,
        %get3A_289 = vector.shape_cast %get3A_288 : vector<1x16xf32> to vector<16xf32>
        %add3A_290 = arith.addf %get3A_285, %get3A_289 : vector<16xf32>
        %max3A_291 = arith.constant 0.000000e+00 : f32
        %max3A_292 = vector.broadcast %max3A_291 : f32 to vector<16xf32>
        %max3A_293 = arith.maximumf %add3A_290, %max3A_292 : vector<16xf32>
        %swap3A_294 = arith.index_cast %scan3A_266 : i32 to index
        %swap3A_295 = arith.constant 16 : index
        %swap3A_296 = tpu.vector_load %arg13[%swap3A_294, %swap3A_295] {strides = array<i32>} : memref<80x128xf32, #tpu.memory_space<vmem>>, vector<1x16xf32>,
        %swap3A_297 = vector.shape_cast %swap3A_296 : vector<1x16xf32> to vector<16xf32>
        %swap3A_298 = vector.shape_cast %max3A_293 : vector<16xf32> to vector<1x16xf32>
        tpu.vector_store %arg13[%swap3A_294, %swap3A_295], %swap3A_298 {strides = array<i32>} : memref<80x128xf32, #tpu.memory_space<vmem>>, vector<1x16xf32>,
        %get3A_299 = arith.index_cast %scan3A_266 : i32 to index
        %get3A_300 = arith.constant 32 : index
        %get3A_301 = tpu.vector_load %arg13[%get3A_299, %get3A_300] {strides = array<i32>} : memref<80x128xf32, #tpu.memory_space<vmem>>, vector<1x16xf32>,
        %get3A_302 = vector.shape_cast %get3A_301 : vector<1x16xf32> to vector<16xf32>
        %get3A_303 = arith.index_cast %scan3A_266 : i32 to index
        %get3A_304 = arith.constant 32 : index
        %get3A_305 = tpu.vector_load %arg15[%get3A_303, %get3A_304] {strides = array<i32>} : memref<80x128xf32, #tpu.memory_space<vmem>>, vector<1x16xf32>,
        %get3A_306 = vector.shape_cast %get3A_305 : vector<1x16xf32> to vector<16xf32>
        %add3A_307 = arith.addf %get3A_302, %get3A_306 : vector<16xf32>
        %max3A_308 = arith.constant 0.000000e+00 : f32
        %max3A_309 = vector.broadcast %max3A_308 : f32 to vector<16xf32>
        %max3A_310 = arith.maximumf %add3A_307, %max3A_309 : vector<16xf32>
        %swap3A_311 = arith.index_cast %scan3A_266 : i32 to index
        %swap3A_312 = arith.constant 32 : index
        %swap3A_313 = tpu.vector_load %arg13[%swap3A_311, %swap3A_312] {strides = array<i32>} : memref<80x128xf32, #tpu.memory_space<vmem>>, vector<1x16xf32>,
        %swap3A_314 = vector.shape_cast %swap3A_313 : vector<1x16xf32> to vector<16xf32>
        %swap3A_315 = vector.shape_cast %max3A_310 : vector<16xf32> to vector<1x16xf32>
        tpu.vector_store %arg13[%swap3A_311, %swap3A_312], %swap3A_315 {strides = array<i32>} : memref<80x128xf32, #tpu.memory_space<vmem>>, vector<1x16xf32>,
        %get3A_316 = arith.index_cast %scan3A_266 : i32 to index
        %get3A_317 = arith.constant 48 : index
        %get3A_318 = tpu.vector_load %arg13[%get3A_316, %get3A_317] {strides = array<i32>} : memref<80x128xf32, #tpu.memory_space<vmem>>, vector<1x16xf32>,
        %get3A_319 = vector.shape_cast %get3A_318 : vector<1x16xf32> to vector<16xf32>
        %get3A_320 = arith.index_cast %scan3A_266 : i32 to index
        %get3A_321 = arith.constant 48 : index
        %get3A_322 = tpu.vector_load %arg15[%get3A_320, %get3A_321] {strides = array<i32>} : memref<80x128xf32, #tpu.memory_space<vmem>>, vector<1x16xf32>,
        %get3A_323 = vector.shape_cast %get3A_322 : vector<1x16xf32> to vector<16xf32>
        %add3A_324 = arith.addf %get3A_319, %get3A_323 : vector<16xf32>
        %max3A_325 = arith.constant 0.000000e+00 : f32
        %max3A_326 = vector.broadcast %max3A_325 : f32 to vector<16xf32>
        %max3A_327 = arith.maximumf %add3A_324, %max3A_326 : vector<16xf32>
        %swap3A_328 = arith.index_cast %scan3A_266 : i32 to index
        %swap3A_329 = arith.constant 48 : index
        %swap3A_330 = tpu.vector_load %arg13[%swap3A_328, %swap3A_329] {strides = array<i32>} : memref<80x128xf32, #tpu.memory_space<vmem>>, vector<1x16xf32>,
        %swap3A_331 = vector.shape_cast %swap3A_330 : vector<1x16xf32> to vector<16xf32>
        %swap3A_332 = vector.shape_cast %max3A_327 : vector<16xf32> to vector<1x16xf32>
        tpu.vector_store %arg13[%swap3A_328, %swap3A_329], %swap3A_332 {strides = array<i32>} : memref<80x128xf32, #tpu.memory_space<vmem>>, vector<1x16xf32>,
        %get3A_333 = arith.index_cast %scan3A_266 : i32 to index
        %get3A_334 = arith.constant 64 : index
        %get3A_335 = tpu.vector_load %arg13[%get3A_333, %get3A_334] {strides = array<i32>} : memref<80x128xf32, #tpu.memory_space<vmem>>, vector<1x16xf32>,
        %get3A_336 = vector.shape_cast %get3A_335 : vector<1x16xf32> to vector<16xf32>
        %get3A_337 = arith.index_cast %scan3A_266 : i32 to index
        %get3A_338 = arith.constant 64 : index
        %get3A_339 = tpu.vector_load %arg15[%get3A_337, %get3A_338] {strides = array<i32>} : memref<80x128xf32, #tpu.memory_space<vmem>>, vector<1x16xf32>,
        %get3A_340 = vector.shape_cast %get3A_339 : vector<1x16xf32> to vector<16xf32>
        %add3A_341 = arith.addf %get3A_336, %get3A_340 : vector<16xf32>
        %max3A_342 = arith.constant 0.000000e+00 : f32
        %max3A_343 = vector.broadcast %max3A_342 : f32 to vector<16xf32>
        %max3A_344 = arith.maximumf %add3A_341, %max3A_343 : vector<16xf32>
        %swap3A_345 = arith.index_cast %scan3A_266 : i32 to index
        %swap3A_346 = arith.constant 64 : index
        %swap3A_347 = tpu.vector_load %arg13[%swap3A_345, %swap3A_346] {strides = array<i32>} : memref<80x128xf32, #tpu.memory_space<vmem>>, vector<1x16xf32>,
        %swap3A_348 = vector.shape_cast %swap3A_347 : vector<1x16xf32> to vector<16xf32>
        %swap3A_349 = vector.shape_cast %max3A_344 : vector<16xf32> to vector<1x16xf32>
        tpu.vector_store %arg13[%swap3A_345, %swap3A_346], %swap3A_349 {strides = array<i32>} : memref<80x128xf32, #tpu.memory_space<vmem>>, vector<1x16xf32>,
        %get3A_350 = arith.index_cast %scan3A_266 : i32 to index
        %get3A_351 = arith.constant 80 : index
        %get3A_352 = tpu.vector_load %arg13[%get3A_350, %get3A_351] {strides = array<i32>} : memref<80x128xf32, #tpu.memory_space<vmem>>, vector<1x16xf32>,
        %get3A_353 = vector.shape_cast %get3A_352 : vector<1x16xf32> to vector<16xf32>
        %get3A_354 = arith.index_cast %scan3A_266 : i32 to index
        %get3A_355 = arith.constant 80 : index
        %get3A_356 = tpu.vector_load %arg15[%get3A_354, %get3A_355] {strides = array<i32>} : memref<80x128xf32, #tpu.memory_space<vmem>>, vector<1x16xf32>,
        %get3A_357 = vector.shape_cast %get3A_356 : vector<1x16xf32> to vector<16xf32>
        %add3A_358 = arith.addf %get3A_353, %get3A_357 : vector<16xf32>
        %max3A_359 = arith.constant 0.000000e+00 : f32
        %max3A_360 = vector.broadcast %max3A_359 : f32 to vector<16xf32>
        %max3A_361 = arith.maximumf %add3A_358, %max3A_360 : vector<16xf32>
        %swap3A_362 = arith.index_cast %scan3A_266 : i32 to index
        %swap3A_363 = arith.constant 80 : index
        %swap3A_364 = tpu.vector_load %arg13[%swap3A_362, %swap3A_363] {strides = array<i32>} : memref<80x128xf32, #tpu.memory_space<vmem>>, vector<1x16xf32>,
        %swap3A_365 = vector.shape_cast %swap3A_364 : vector<1x16xf32> to vector<16xf32>
        %swap3A_366 = vector.shape_cast %max3A_361 : vector<16xf32> to vector<1x16xf32>
        tpu.vector_store %arg13[%swap3A_362, %swap3A_363], %swap3A_366 {strides = array<i32>} : memref<80x128xf32, #tpu.memory_space<vmem>>, vector<1x16xf32>,
        %get3A_367 = arith.index_cast %scan3A_266 : i32 to index
        %get3A_368 = arith.constant 96 : index
        %get3A_369 = tpu.vector_load %arg13[%get3A_367, %get3A_368] {strides = array<i32>} : memref<80x128xf32, #tpu.memory_space<vmem>>, vector<1x16xf32>,
        %get3A_370 = vector.shape_cast %get3A_369 : vector<1x16xf32> to vector<16xf32>
        %get3A_371 = arith.index_cast %scan3A_266 : i32 to index
        %get3A_372 = arith.constant 96 : index
        %get3A_373 = tpu.vector_load %arg15[%get3A_371, %get3A_372] {strides = array<i32>} : memref<80x128xf32, #tpu.memory_space<vmem>>, vector<1x16xf32>,
        %get3A_374 = vector.shape_cast %get3A_373 : vector<1x16xf32> to vector<16xf32>
        %add3A_375 = arith.addf %get3A_370, %get3A_374 : vector<16xf32>
        %max3A_376 = arith.constant 0.000000e+00 : f32
        %max3A_377 = vector.broadcast %max3A_376 : f32 to vector<16xf32>
        %max3A_378 = arith.maximumf %add3A_375, %max3A_377 : vector<16xf32>
        %swap3A_379 = arith.index_cast %scan3A_266 : i32 to index
        %swap3A_380 = arith.constant 96 : index
        %swap3A_381 = tpu.vector_load %arg13[%swap3A_379, %swap3A_380] {strides = array<i32>} : memref<80x128xf32, #tpu.memory_space<vmem>>, vector<1x16xf32>,
        %swap3A_382 = vector.shape_cast %swap3A_381 : vector<1x16xf32> to vector<16xf32>
        %swap3A_383 = vector.shape_cast %max3A_378 : vector<16xf32> to vector<1x16xf32>
        tpu.vector_store %arg13[%swap3A_379, %swap3A_380], %swap3A_383 {strides = array<i32>} : memref<80x128xf32, #tpu.memory_space<vmem>>, vector<1x16xf32>,
        %get3A_384 = arith.index_cast %scan3A_266 : i32 to index
        %get3A_385 = arith.constant 112 : index
        %get3A_386 = tpu.vector_load %arg13[%get3A_384, %get3A_385] {strides = array<i32>} : memref<80x128xf32, #tpu.memory_space<vmem>>, vector<1x16xf32>,
        %get3A_387 = vector.shape_cast %get3A_386 : vector<1x16xf32> to vector<16xf32>
        %get3A_388 = arith.index_cast %scan3A_266 : i32 to index
        %get3A_389 = arith.constant 112 : index
        %get3A_390 = tpu.vector_load %arg15[%get3A_388, %get3A_389] {strides = array<i32>} : memref<80x128xf32, #tpu.memory_space<vmem>>, vector<1x16xf32>,
        %get3A_391 = vector.shape_cast %get3A_390 : vector<1x16xf32> to vector<16xf32>
        %add3A_392 = arith.addf %get3A_387, %get3A_391 : vector<16xf32>
        %max3A_393 = arith.constant 0.000000e+00 : f32
        %max3A_394 = vector.broadcast %max3A_393 : f32 to vector<16xf32>
        %max3A_395 = arith.maximumf %add3A_392, %max3A_394 : vector<16xf32>
        %swap3A_396 = arith.index_cast %scan3A_266 : i32 to index
        %swap3A_397 = arith.constant 112 : index
        %swap3A_398 = tpu.vector_load %arg13[%swap3A_396, %swap3A_397] {strides = array<i32>} : memref<80x128xf32, #tpu.memory_space<vmem>>, vector<1x16xf32>,
        %swap3A_399 = vector.shape_cast %swap3A_398 : vector<1x16xf32> to vector<16xf32>
        %swap3A_400 = vector.shape_cast %max3A_395 : vector<16xf32> to vector<1x16xf32>
        tpu.vector_store %arg13[%swap3A_396, %swap3A_397], %swap3A_400 {strides = array<i32>} : memref<80x128xf32, #tpu.memory_space<vmem>>, vector<1x16xf32>,
        %scan3A_401 = arith.constant 0 : i32
        scf.yield %scan3A_401 : i32
      }
      %scan3A_248 = arith.constant 80 : i32
      %dma_wait3A_249 = arith.constant 0 : i32
      %dma_wait3A_250 = arith.constant 0 : i32
      %dma_wait3A_251 = arith.constant 0 : i32
      %dma_wait3A_252 = tpu.memref_slice %arg5[%dma_wait3A_249, %dma_wait3A_250, %dma_wait3A_251] : memref<32x128x80xi32, #tpu.memory_space<hbm>> -> memref<1x1x80xi32, #tpu.memory_space<hbm>>
      %dma_wait3A_253 = tpu.memref_squeeze %dma_wait3A_252 : memref<1x1x80xi32, #tpu.memory_space<hbm>> -> memref<80xi32, #tpu.memory_space<hbm>>
      %dma_wait3A_254 = arith.constant 0 : i32
      %dma_wait3A_255 = tpu.memref_slice %arg5[%dma_wait3A_249, %dma_wait3A_250, %dma_wait3A_254] : memref<32x128x80xi32, #tpu.memory_space<hbm>> -> memref<1x1x80xi32, #tpu.memory_space<hbm>>
      %dma_wait3A_256 = tpu.memref_squeeze %dma_wait3A_255 : memref<1x1x80xi32, #tpu.memory_space<hbm>> -> memref<80xi32, #tpu.memory_space<hbm>>
      tpu.wait_dma2 semaphore(%arg20 : memref<!tpu.dma_semaphore, #tpu.memory_space<semaphore_mem>>) src(%dma_wait3A_256 : memref<80xi32, #tpu.memory_space<hbm>>) dst(%arg11 : memref<80xi32, #tpu.memory_space<vmem>>)
      "tpu.region"() ({
        %run_scoped3A = tpu.sem_alloc : memref<!tpu.dma_semaphore, #tpu.memory_space<semaphore_mem>>
        %dma_start3A_266 = arith.constant 0 : i32
        %dma_start3A_267 = arith.constant 0 : i32
        %dma_start3A_268 = tpu.memref_slice %arg16[%dma_start3A_266, %dma_start3A_267] : memref<10112x128xf32, #tpu.memory_space<vmem_shared>> -> memref<10112x128xf32, #tpu.memory_space<vmem_shared>>
        tpu.enqueue_indirect_dma source(%arg13 : memref<80x128xf32, #tpu.memory_space<vmem>>) target(%dma_start3A_268 : memref<10112x128xf32, #tpu.memory_space<vmem_shared>>) offsets(%arg11 : memref<80xi32, #tpu.memory_space<vmem>>) semaphore(%run_scoped3A : memref<!tpu.dma_semaphore, #tpu.memory_space<semaphore_mem>>) {add = true}
        %dma_wait3A_269 = arith.constant 0 : i32
        %dma_wait3A_270 = arith.constant 0 : i32
        %dma_wait3A_271 = tpu.memref_slice %arg16[%dma_wait3A_269, %dma_wait3A_270] : memref<10112x128xf32, #tpu.memory_space<vmem_shared>> -> memref<10112x128xf32, #tpu.memory_space<vmem_shared>>
        tpu.wait_indirect_dma semaphore(%run_scoped3A : memref<!tpu.dma_semaphore, #tpu.memory_space<semaphore_mem>>) src(%arg13 : memref<80x128xf32, #tpu.memory_space<vmem>>) dst(%dma_wait3A_271 : memref<10112x128xf32, #tpu.memory_space<vmem_shared>>)
        tpu.yield
      }) : () -> ()
      %add3A_257 = arith.constant 3 : i32
      %add3A_258 = arith.addi %mul3A_138, %add3A_257 : i32
      %dma_start3A_259 = arith.constant 0 : i32
      %dma_start3A_260 = tpu.memref_slice %arg5[%add3A, %add3A_258, %dma_start3A_259] : memref<32x128x80xi32, #tpu.memory_space<hbm>> -> memref<1x1x80xi32, #tpu.memory_space<hbm>>
      %dma_start3A_261 = tpu.memref_squeeze %dma_start3A_260 : memref<1x1x80xi32, #tpu.memory_space<hbm>> -> memref<80xi32, #tpu.memory_space<hbm>>
      %dma_start3A_262 = arith.constant 0 : i32
      %dma_start3A_263 = tpu.memref_slice %arg5[%add3A, %add3A_258, %dma_start3A_262] : memref<32x128x80xi32, #tpu.memory_space<hbm>> -> memref<1x1x80xi32, #tpu.memory_space<hbm>>
      %dma_start3A_264 = tpu.memref_squeeze %dma_start3A_263 : memref<1x1x80xi32, #tpu.memory_space<hbm>> -> memref<80xi32, #tpu.memory_space<hbm>>
      tpu.enqueue_dma source(%dma_start3A_264 : memref<80xi32, #tpu.memory_space<hbm>>) target(%arg11 : memref<80xi32, #tpu.memory_space<vmem>>) target_semaphore(%arg20 : memref<!tpu.dma_semaphore, #tpu.memory_space<semaphore_mem>>)
      %scan3A_265 = arith.constant 0 : i32
      scf.yield %scan3A_265 : i32
    }
    %scan3A_55 = arith.constant 63 : i32
    %dma_wait3A_56 = arith.constant 0 : i32
    %dma_wait3A_57 = arith.constant 0 : i32
    %dma_wait3A_58 = arith.constant 0 : i32
    %dma_wait3A_59 = tpu.memref_slice %arg4[%dma_wait3A_56, %dma_wait3A_57, %dma_wait3A_58] : memref<32x128x80xi32, #tpu.memory_space<hbm>> -> memref<1x1x80xi32, #tpu.memory_space<hbm>>
    %dma_wait3A_60 = tpu.memref_squeeze %dma_wait3A_59 : memref<1x1x80xi32, #tpu.memory_space<hbm>> -> memref<80xi32, #tpu.memory_space<hbm>>
    %dma_wait3A_61 = arith.constant 0 : i32
    %dma_wait3A_62 = tpu.memref_slice %arg4[%dma_wait3A_56, %dma_wait3A_57, %dma_wait3A_61] : memref<32x128x80xi32, #tpu.memory_space<hbm>> -> memref<1x1x80xi32, #tpu.memory_space<hbm>>
    %dma_wait3A_63 = tpu.memref_squeeze %dma_wait3A_62 : memref<1x1x80xi32, #tpu.memory_space<hbm>> -> memref<80xi32, #tpu.memory_space<hbm>>
    tpu.wait_dma2 semaphore(%arg18 : memref<!tpu.dma_semaphore, #tpu.memory_space<semaphore_mem>>) src(%dma_wait3A_63 : memref<80xi32, #tpu.memory_space<hbm>>) dst(%arg9 : memref<80xi32, #tpu.memory_space<vmem>>)
    %add3A_64 = arith.constant 10160 : i32
    %add3A_65 = arith.addi %mul3A_2, %add3A_64 : i32
    %dma_start3A_66 = arith.constant 0 : i32
    %dma_start3A_67 = tpu.memref_slice %arg3[%add3A_65, %dma_start3A_66] : memref<327680x128xf32, #tpu.memory_space<hbm>> -> memref<80x128xf32, #tpu.memory_space<hbm>>
    %dma_start3A_68 = arith.constant 0 : i32
    %dma_start3A_69 = tpu.memref_slice %arg3[%add3A_65, %dma_start3A_68] : memref<327680x128xf32, #tpu.memory_space<hbm>> -> memref<80x128xf32, #tpu.memory_space<hbm>>
    tpu.enqueue_dma source(%dma_start3A_69 : memref<80x128xf32, #tpu.memory_space<hbm>>) target(%arg15 : memref<80x128xf32, #tpu.memory_space<vmem>>) target_semaphore(%arg24 : memref<!tpu.dma_semaphore, #tpu.memory_space<semaphore_mem>>)
    %dma_start3A_70 = arith.constant 0 : i32
    %dma_start3A_71 = arith.constant 0 : i32
    %dma_start3A_72 = tpu.memref_slice %arg2[%dma_start3A_70, %dma_start3A_71] : memref<10000x128xf32, #tpu.memory_space<hbm>> -> memref<10000x128xf32, #tpu.memory_space<hbm>>
    tpu.enqueue_indirect_dma source(%dma_start3A_72 : memref<10000x128xf32, #tpu.memory_space<hbm>>) target(%arg13 : memref<80x128xf32, #tpu.memory_space<vmem>>) offsets(%arg9 : memref<80xi32, #tpu.memory_space<vmem>>) semaphore(%arg22 : memref<!tpu.dma_semaphore, #tpu.memory_space<semaphore_mem>>)
    %dma_wait3A_73 = arith.constant 0 : i32
    %dma_wait3A_74 = arith.constant 0 : i32
    %dma_wait3A_75 = tpu.memref_slice %arg3[%dma_wait3A_73, %dma_wait3A_74] : memref<327680x128xf32, #tpu.memory_space<hbm>> -> memref<80x128xf32, #tpu.memory_space<hbm>>
    %dma_wait3A_76 = arith.constant 0 : i32
    %dma_wait3A_77 = arith.constant 0 : i32
    %dma_wait3A_78 = tpu.memref_slice %arg3[%dma_wait3A_76, %dma_wait3A_77] : memref<327680x128xf32, #tpu.memory_space<hbm>> -> memref<80x128xf32, #tpu.memory_space<hbm>>
    tpu.wait_dma2 semaphore(%arg23 : memref<!tpu.dma_semaphore, #tpu.memory_space<semaphore_mem>>) src(%dma_wait3A_78 : memref<80x128xf32, #tpu.memory_space<hbm>>) dst(%arg14 : memref<80x128xf32, #tpu.memory_space<vmem>>)
    %dma_wait3A_79 = arith.constant 0 : i32
    %dma_wait3A_80 = arith.constant 0 : i32
    %dma_wait3A_81 = tpu.memref_slice %arg3[%dma_wait3A_79, %dma_wait3A_80] : memref<327680x128xf32, #tpu.memory_space<hbm>> -> memref<80x128xf32, #tpu.memory_space<hbm>>
    %dma_wait3A_82 = arith.constant 0 : i32
    %dma_wait3A_83 = arith.constant 0 : i32
    %dma_wait3A_84 = tpu.memref_slice %arg3[%dma_wait3A_82, %dma_wait3A_83] : memref<327680x128xf32, #tpu.memory_space<hbm>> -> memref<80x128xf32, #tpu.memory_space<hbm>>
    tpu.wait_dma2 semaphore(%arg21 : memref<!tpu.dma_semaphore, #tpu.memory_space<semaphore_mem>>) src(%dma_wait3A_84 : memref<80x128xf32, #tpu.memory_space<hbm>>) dst(%arg12 : memref<80x128xf32, #tpu.memory_space<vmem>>)
    %scan3A_85 = arith.constant 0 : i32
    %scan3A_86 = arith.constant 0 : i32
    %scan3A_87 = arith.constant 80 : i32
    %scan3A_88 = arith.addi %scan3A_86, %scan3A_87 : i32
    %scan3A_89 = arith.constant 1 : i32
    %scan3A_90 = scf.for %scan3A_135 = %scan3A_86 to %scan3A_88 step %scan3A_89 iter_args(%scan3A_136 = %scan3A_85) -> (i32)  : i32 {
      %get3A = arith.index_cast %scan3A_135 : i32 to index
      %get3A_137 = arith.constant 0 : index
      %get3A_138 = tpu.vector_load %arg12[%get3A, %get3A_137] {strides = array<i32>} : memref<80x128xf32, #tpu.memory_space<vmem>>, vector<1x16xf32>,
      %get3A_139 = vector.shape_cast %get3A_138 : vector<1x16xf32> to vector<16xf32>
      %get3A_140 = arith.index_cast %scan3A_135 : i32 to index
      %get3A_141 = arith.constant 0 : index
      %get3A_142 = tpu.vector_load %arg14[%get3A_140, %get3A_141] {strides = array<i32>} : memref<80x128xf32, #tpu.memory_space<vmem>>, vector<1x16xf32>,
      %get3A_143 = vector.shape_cast %get3A_142 : vector<1x16xf32> to vector<16xf32>
      %add3A_144 = arith.addf %get3A_139, %get3A_143 : vector<16xf32>
      %max3A = arith.constant 0.000000e+00 : f32
      %max3A_145 = vector.broadcast %max3A : f32 to vector<16xf32>
      %max3A_146 = arith.maximumf %add3A_144, %max3A_145 : vector<16xf32>
      %swap3A = arith.index_cast %scan3A_135 : i32 to index
      %swap3A_147 = arith.constant 0 : index
      %swap3A_148 = tpu.vector_load %arg12[%swap3A, %swap3A_147] {strides = array<i32>} : memref<80x128xf32, #tpu.memory_space<vmem>>, vector<1x16xf32>,
      %swap3A_149 = vector.shape_cast %swap3A_148 : vector<1x16xf32> to vector<16xf32>
      %swap3A_150 = vector.shape_cast %max3A_146 : vector<16xf32> to vector<1x16xf32>
      tpu.vector_store %arg12[%swap3A, %swap3A_147], %swap3A_150 {strides = array<i32>} : memref<80x128xf32, #tpu.memory_space<vmem>>, vector<1x16xf32>,
      %get3A_151 = arith.index_cast %scan3A_135 : i32 to index
      %get3A_152 = arith.constant 16 : index
      %get3A_153 = tpu.vector_load %arg12[%get3A_151, %get3A_152] {strides = array<i32>} : memref<80x128xf32, #tpu.memory_space<vmem>>, vector<1x16xf32>,
      %get3A_154 = vector.shape_cast %get3A_153 : vector<1x16xf32> to vector<16xf32>
      %get3A_155 = arith.index_cast %scan3A_135 : i32 to index
      %get3A_156 = arith.constant 16 : index
      %get3A_157 = tpu.vector_load %arg14[%get3A_155, %get3A_156] {strides = array<i32>} : memref<80x128xf32, #tpu.memory_space<vmem>>, vector<1x16xf32>,
      %get3A_158 = vector.shape_cast %get3A_157 : vector<1x16xf32> to vector<16xf32>
      %add3A_159 = arith.addf %get3A_154, %get3A_158 : vector<16xf32>
      %max3A_160 = arith.constant 0.000000e+00 : f32
      %max3A_161 = vector.broadcast %max3A_160 : f32 to vector<16xf32>
      %max3A_162 = arith.maximumf %add3A_159, %max3A_161 : vector<16xf32>
      %swap3A_163 = arith.index_cast %scan3A_135 : i32 to index
      %swap3A_164 = arith.constant 16 : index
      %swap3A_165 = tpu.vector_load %arg12[%swap3A_163, %swap3A_164] {strides = array<i32>} : memref<80x128xf32, #tpu.memory_space<vmem>>, vector<1x16xf32>,
      %swap3A_166 = vector.shape_cast %swap3A_165 : vector<1x16xf32> to vector<16xf32>
      %swap3A_167 = vector.shape_cast %max3A_162 : vector<16xf32> to vector<1x16xf32>
      tpu.vector_store %arg12[%swap3A_163, %swap3A_164], %swap3A_167 {strides = array<i32>} : memref<80x128xf32, #tpu.memory_space<vmem>>, vector<1x16xf32>,
      %get3A_168 = arith.index_cast %scan3A_135 : i32 to index
      %get3A_169 = arith.constant 32 : index
      %get3A_170 = tpu.vector_load %arg12[%get3A_168, %get3A_169] {strides = array<i32>} : memref<80x128xf32, #tpu.memory_space<vmem>>, vector<1x16xf32>,
      %get3A_171 = vector.shape_cast %get3A_170 : vector<1x16xf32> to vector<16xf32>
      %get3A_172 = arith.index_cast %scan3A_135 : i32 to index
      %get3A_173 = arith.constant 32 : index
      %get3A_174 = tpu.vector_load %arg14[%get3A_172, %get3A_173] {strides = array<i32>} : memref<80x128xf32, #tpu.memory_space<vmem>>, vector<1x16xf32>,
      %get3A_175 = vector.shape_cast %get3A_174 : vector<1x16xf32> to vector<16xf32>
      %add3A_176 = arith.addf %get3A_171, %get3A_175 : vector<16xf32>
      %max3A_177 = arith.constant 0.000000e+00 : f32
      %max3A_178 = vector.broadcast %max3A_177 : f32 to vector<16xf32>
      %max3A_179 = arith.maximumf %add3A_176, %max3A_178 : vector<16xf32>
      %swap3A_180 = arith.index_cast %scan3A_135 : i32 to index
      %swap3A_181 = arith.constant 32 : index
      %swap3A_182 = tpu.vector_load %arg12[%swap3A_180, %swap3A_181] {strides = array<i32>} : memref<80x128xf32, #tpu.memory_space<vmem>>, vector<1x16xf32>,
      %swap3A_183 = vector.shape_cast %swap3A_182 : vector<1x16xf32> to vector<16xf32>
      %swap3A_184 = vector.shape_cast %max3A_179 : vector<16xf32> to vector<1x16xf32>
      tpu.vector_store %arg12[%swap3A_180, %swap3A_181], %swap3A_184 {strides = array<i32>} : memref<80x128xf32, #tpu.memory_space<vmem>>, vector<1x16xf32>,
      %get3A_185 = arith.index_cast %scan3A_135 : i32 to index
      %get3A_186 = arith.constant 48 : index
      %get3A_187 = tpu.vector_load %arg12[%get3A_185, %get3A_186] {strides = array<i32>} : memref<80x128xf32, #tpu.memory_space<vmem>>, vector<1x16xf32>,
      %get3A_188 = vector.shape_cast %get3A_187 : vector<1x16xf32> to vector<16xf32>
      %get3A_189 = arith.index_cast %scan3A_135 : i32 to index
      %get3A_190 = arith.constant 48 : index
      %get3A_191 = tpu.vector_load %arg14[%get3A_189, %get3A_190] {strides = array<i32>} : memref<80x128xf32, #tpu.memory_space<vmem>>, vector<1x16xf32>,
      %get3A_192 = vector.shape_cast %get3A_191 : vector<1x16xf32> to vector<16xf32>
      %add3A_193 = arith.addf %get3A_188, %get3A_192 : vector<16xf32>
      %max3A_194 = arith.constant 0.000000e+00 : f32
      %max3A_195 = vector.broadcast %max3A_194 : f32 to vector<16xf32>
      %max3A_196 = arith.maximumf %add3A_193, %max3A_195 : vector<16xf32>
      %swap3A_197 = arith.index_cast %scan3A_135 : i32 to index
      %swap3A_198 = arith.constant 48 : index
      %swap3A_199 = tpu.vector_load %arg12[%swap3A_197, %swap3A_198] {strides = array<i32>} : memref<80x128xf32, #tpu.memory_space<vmem>>, vector<1x16xf32>,
      %swap3A_200 = vector.shape_cast %swap3A_199 : vector<1x16xf32> to vector<16xf32>
      %swap3A_201 = vector.shape_cast %max3A_196 : vector<16xf32> to vector<1x16xf32>
      tpu.vector_store %arg12[%swap3A_197, %swap3A_198], %swap3A_201 {strides = array<i32>} : memref<80x128xf32, #tpu.memory_space<vmem>>, vector<1x16xf32>,
      %get3A_202 = arith.index_cast %scan3A_135 : i32 to index
      %get3A_203 = arith.constant 64 : index
      %get3A_204 = tpu.vector_load %arg12[%get3A_202, %get3A_203] {strides = array<i32>} : memref<80x128xf32, #tpu.memory_space<vmem>>, vector<1x16xf32>,
      %get3A_205 = vector.shape_cast %get3A_204 : vector<1x16xf32> to vector<16xf32>
      %get3A_206 = arith.index_cast %scan3A_135 : i32 to index
      %get3A_207 = arith.constant 64 : index
      %get3A_208 = tpu.vector_load %arg14[%get3A_206, %get3A_207] {strides = array<i32>} : memref<80x128xf32, #tpu.memory_space<vmem>>, vector<1x16xf32>,
      %get3A_209 = vector.shape_cast %get3A_208 : vector<1x16xf32> to vector<16xf32>
      %add3A_210 = arith.addf %get3A_205, %get3A_209 : vector<16xf32>
      %max3A_211 = arith.constant 0.000000e+00 : f32
      %max3A_212 = vector.broadcast %max3A_211 : f32 to vector<16xf32>
      %max3A_213 = arith.maximumf %add3A_210, %max3A_212 : vector<16xf32>
      %swap3A_214 = arith.index_cast %scan3A_135 : i32 to index
      %swap3A_215 = arith.constant 64 : index
      %swap3A_216 = tpu.vector_load %arg12[%swap3A_214, %swap3A_215] {strides = array<i32>} : memref<80x128xf32, #tpu.memory_space<vmem>>, vector<1x16xf32>,
      %swap3A_217 = vector.shape_cast %swap3A_216 : vector<1x16xf32> to vector<16xf32>
      %swap3A_218 = vector.shape_cast %max3A_213 : vector<16xf32> to vector<1x16xf32>
      tpu.vector_store %arg12[%swap3A_214, %swap3A_215], %swap3A_218 {strides = array<i32>} : memref<80x128xf32, #tpu.memory_space<vmem>>, vector<1x16xf32>,
      %get3A_219 = arith.index_cast %scan3A_135 : i32 to index
      %get3A_220 = arith.constant 80 : index
      %get3A_221 = tpu.vector_load %arg12[%get3A_219, %get3A_220] {strides = array<i32>} : memref<80x128xf32, #tpu.memory_space<vmem>>, vector<1x16xf32>,
      %get3A_222 = vector.shape_cast %get3A_221 : vector<1x16xf32> to vector<16xf32>
      %get3A_223 = arith.index_cast %scan3A_135 : i32 to index
      %get3A_224 = arith.constant 80 : index
      %get3A_225 = tpu.vector_load %arg14[%get3A_223, %get3A_224] {strides = array<i32>} : memref<80x128xf32, #tpu.memory_space<vmem>>, vector<1x16xf32>,
      %get3A_226 = vector.shape_cast %get3A_225 : vector<1x16xf32> to vector<16xf32>
      %add3A_227 = arith.addf %get3A_222, %get3A_226 : vector<16xf32>
      %max3A_228 = arith.constant 0.000000e+00 : f32
      %max3A_229 = vector.broadcast %max3A_228 : f32 to vector<16xf32>
      %max3A_230 = arith.maximumf %add3A_227, %max3A_229 : vector<16xf32>
      %swap3A_231 = arith.index_cast %scan3A_135 : i32 to index
      %swap3A_232 = arith.constant 80 : index
      %swap3A_233 = tpu.vector_load %arg12[%swap3A_231, %swap3A_232] {strides = array<i32>} : memref<80x128xf32, #tpu.memory_space<vmem>>, vector<1x16xf32>,
      %swap3A_234 = vector.shape_cast %swap3A_233 : vector<1x16xf32> to vector<16xf32>
      %swap3A_235 = vector.shape_cast %max3A_230 : vector<16xf32> to vector<1x16xf32>
      tpu.vector_store %arg12[%swap3A_231, %swap3A_232], %swap3A_235 {strides = array<i32>} : memref<80x128xf32, #tpu.memory_space<vmem>>, vector<1x16xf32>,
      %get3A_236 = arith.index_cast %scan3A_135 : i32 to index
      %get3A_237 = arith.constant 96 : index
      %get3A_238 = tpu.vector_load %arg12[%get3A_236, %get3A_237] {strides = array<i32>} : memref<80x128xf32, #tpu.memory_space<vmem>>, vector<1x16xf32>,
      %get3A_239 = vector.shape_cast %get3A_238 : vector<1x16xf32> to vector<16xf32>
      %get3A_240 = arith.index_cast %scan3A_135 : i32 to index
      %get3A_241 = arith.constant 96 : index
      %get3A_242 = tpu.vector_load %arg14[%get3A_240, %get3A_241] {strides = array<i32>} : memref<80x128xf32, #tpu.memory_space<vmem>>, vector<1x16xf32>,
      %get3A_243 = vector.shape_cast %get3A_242 : vector<1x16xf32> to vector<16xf32>
      %add3A_244 = arith.addf %get3A_239, %get3A_243 : vector<16xf32>
      %max3A_245 = arith.constant 0.000000e+00 : f32
      %max3A_246 = vector.broadcast %max3A_245 : f32 to vector<16xf32>
      %max3A_247 = arith.maximumf %add3A_244, %max3A_246 : vector<16xf32>
      %swap3A_248 = arith.index_cast %scan3A_135 : i32 to index
      %swap3A_249 = arith.constant 96 : index
      %swap3A_250 = tpu.vector_load %arg12[%swap3A_248, %swap3A_249] {strides = array<i32>} : memref<80x128xf32, #tpu.memory_space<vmem>>, vector<1x16xf32>,
      %swap3A_251 = vector.shape_cast %swap3A_250 : vector<1x16xf32> to vector<16xf32>
      %swap3A_252 = vector.shape_cast %max3A_247 : vector<16xf32> to vector<1x16xf32>
      tpu.vector_store %arg12[%swap3A_248, %swap3A_249], %swap3A_252 {strides = array<i32>} : memref<80x128xf32, #tpu.memory_space<vmem>>, vector<1x16xf32>,
      %get3A_253 = arith.index_cast %scan3A_135 : i32 to index
      %get3A_254 = arith.constant 112 : index
      %get3A_255 = tpu.vector_load %arg12[%get3A_253, %get3A_254] {strides = array<i32>} : memref<80x128xf32, #tpu.memory_space<vmem>>, vector<1x16xf32>,
      %get3A_256 = vector.shape_cast %get3A_255 : vector<1x16xf32> to vector<16xf32>
      %get3A_257 = arith.index_cast %scan3A_135 : i32 to index
      %get3A_258 = arith.constant 112 : index
      %get3A_259 = tpu.vector_load %arg14[%get3A_257, %get3A_258] {strides = array<i32>} : memref<80x128xf32, #tpu.memory_space<vmem>>, vector<1x16xf32>,
      %get3A_260 = vector.shape_cast %get3A_259 : vector<1x16xf32> to vector<16xf32>
      %add3A_261 = arith.addf %get3A_256, %get3A_260 : vector<16xf32>
      %max3A_262 = arith.constant 0.000000e+00 : f32
      %max3A_263 = vector.broadcast %max3A_262 : f32 to vector<16xf32>
      %max3A_264 = arith.maximumf %add3A_261, %max3A_263 : vector<16xf32>
      %swap3A_265 = arith.index_cast %scan3A_135 : i32 to index
      %swap3A_266 = arith.constant 112 : index
      %swap3A_267 = tpu.vector_load %arg12[%swap3A_265, %swap3A_266] {strides = array<i32>} : memref<80x128xf32, #tpu.memory_space<vmem>>, vector<1x16xf32>,
      %swap3A_268 = vector.shape_cast %swap3A_267 : vector<1x16xf32> to vector<16xf32>
      %swap3A_269 = vector.shape_cast %max3A_264 : vector<16xf32> to vector<1x16xf32>
      tpu.vector_store %arg12[%swap3A_265, %swap3A_266], %swap3A_269 {strides = array<i32>} : memref<80x128xf32, #tpu.memory_space<vmem>>, vector<1x16xf32>,
      %scan3A_270 = arith.constant 0 : i32
      scf.yield %scan3A_270 : i32
    }
    %scan3A_91 = arith.constant 80 : i32
    %dma_wait3A_92 = arith.constant 0 : i32
    %dma_wait3A_93 = arith.constant 0 : i32
    %dma_wait3A_94 = arith.constant 0 : i32
    %dma_wait3A_95 = tpu.memref_slice %arg5[%dma_wait3A_92, %dma_wait3A_93, %dma_wait3A_94] : memref<32x128x80xi32, #tpu.memory_space<hbm>> -> memref<1x1x80xi32, #tpu.memory_space<hbm>>
    %dma_wait3A_96 = tpu.memref_squeeze %dma_wait3A_95 : memref<1x1x80xi32, #tpu.memory_space<hbm>> -> memref<80xi32, #tpu.memory_space<hbm>>
    %dma_wait3A_97 = arith.constant 0 : i32
    %dma_wait3A_98 = tpu.memref_slice %arg5[%dma_wait3A_92, %dma_wait3A_93, %dma_wait3A_97] : memref<32x128x80xi32, #tpu.memory_space<hbm>> -> memref<1x1x80xi32, #tpu.memory_space<hbm>>
    %dma_wait3A_99 = tpu.memref_squeeze %dma_wait3A_98 : memref<1x1x80xi32, #tpu.memory_space<hbm>> -> memref<80xi32, #tpu.memory_space<hbm>>
    tpu.wait_dma2 semaphore(%arg19 : memref<!tpu.dma_semaphore, #tpu.memory_space<semaphore_mem>>) src(%dma_wait3A_99 : memref<80xi32, #tpu.memory_space<hbm>>) dst(%arg10 : memref<80xi32, #tpu.memory_space<vmem>>)
    "tpu.region"() ({
      %run_scoped3A = tpu.sem_alloc : memref<!tpu.dma_semaphore, #tpu.memory_space<semaphore_mem>>
      %dma_start3A_135 = arith.constant 0 : i32
      %dma_start3A_136 = arith.constant 0 : i32
      %dma_start3A_137 = tpu.memref_slice %arg16[%dma_start3A_135, %dma_start3A_136] : memref<10112x128xf32, #tpu.memory_space<vmem_shared>> -> memref<10112x128xf32, #tpu.memory_space<vmem_shared>>
      tpu.enqueue_indirect_dma source(%arg12 : memref<80x128xf32, #tpu.memory_space<vmem>>) target(%dma_start3A_137 : memref<10112x128xf32, #tpu.memory_space<vmem_shared>>) offsets(%arg10 : memref<80xi32, #tpu.memory_space<vmem>>) semaphore(%run_scoped3A : memref<!tpu.dma_semaphore, #tpu.memory_space<semaphore_mem>>) {add = true}
      %dma_wait3A_138 = arith.constant 0 : i32
      %dma_wait3A_139 = arith.constant 0 : i32
      %dma_wait3A_140 = tpu.memref_slice %arg16[%dma_wait3A_138, %dma_wait3A_139] : memref<10112x128xf32, #tpu.memory_space<vmem_shared>> -> memref<10112x128xf32, #tpu.memory_space<vmem_shared>>
      tpu.wait_indirect_dma semaphore(%run_scoped3A : memref<!tpu.dma_semaphore, #tpu.memory_space<semaphore_mem>>) src(%arg12 : memref<80x128xf32, #tpu.memory_space<vmem>>) dst(%dma_wait3A_140 : memref<10112x128xf32, #tpu.memory_space<vmem_shared>>)
      tpu.yield
    }) : () -> ()
    %dma_wait3A_100 = arith.constant 0 : i32
    %dma_wait3A_101 = arith.constant 0 : i32
    %dma_wait3A_102 = tpu.memref_slice %arg3[%dma_wait3A_100, %dma_wait3A_101] : memref<327680x128xf32, #tpu.memory_space<hbm>> -> memref<80x128xf32, #tpu.memory_space<hbm>>
    %dma_wait3A_103 = arith.constant 0 : i32
    %dma_wait3A_104 = arith.constant 0 : i32
    %dma_wait3A_105 = tpu.memref_slice %arg3[%dma_wait3A_103, %dma_wait3A_104] : memref<327680x128xf32, #tpu.memory_space<hbm>> -> memref<80x128xf32, #tpu.memory_space<hbm>>
    tpu.wait_dma2 semaphore(%arg24 : memref<!tpu.dma_semaphore, #tpu.memory_space<semaphore_mem>>) src(%dma_wait3A_105 : memref<80x128xf32, #tpu.memory_space<hbm>>) dst(%arg15 : memref<80x128xf32, #tpu.memory_space<vmem>>)
    %dma_wait3A_106 = arith.constant 0 : i32
    %dma_wait3A_107 = arith.constant 0 : i32
    %dma_wait3A_108 = tpu.memref_slice %arg3[%dma_wait3A_106, %dma_wait3A_107] : memref<327680x128xf32, #tpu.memory_space<hbm>> -> memref<80x128xf32, #tpu.memory_space<hbm>>
    %dma_wait3A_109 = arith.constant 0 : i32
    %dma_wait3A_110 = arith.constant 0 : i32
    %dma_wait3A_111 = tpu.memref_slice %arg3[%dma_wait3A_109, %dma_wait3A_110] : memref<327680x128xf32, #tpu.memory_space<hbm>> -> memref<80x128xf32, #tpu.memory_space<hbm>>
    tpu.wait_dma2 semaphore(%arg22 : memref<!tpu.dma_semaphore, #tpu.memory_space<semaphore_mem>>) src(%dma_wait3A_111 : memref<80x128xf32, #tpu.memory_space<hbm>>) dst(%arg13 : memref<80x128xf32, #tpu.memory_space<vmem>>)
    %scan3A_112 = arith.constant 0 : i32
    %scan3A_113 = arith.constant 0 : i32
    %scan3A_114 = arith.constant 80 : i32
    %scan3A_115 = arith.addi %scan3A_113, %scan3A_114 : i32
    %scan3A_116 = arith.constant 1 : i32
    %scan3A_117 = scf.for %scan3A_135 = %scan3A_113 to %scan3A_115 step %scan3A_116 iter_args(%scan3A_136 = %scan3A_112) -> (i32)  : i32 {
      %get3A = arith.index_cast %scan3A_135 : i32 to index
      %get3A_137 = arith.constant 0 : index
      %get3A_138 = tpu.vector_load %arg13[%get3A, %get3A_137] {strides = array<i32>} : memref<80x128xf32, #tpu.memory_space<vmem>>, vector<1x16xf32>,
      %get3A_139 = vector.shape_cast %get3A_138 : vector<1x16xf32> to vector<16xf32>
      %get3A_140 = arith.index_cast %scan3A_135 : i32 to index
      %get3A_141 = arith.constant 0 : index
      %get3A_142 = tpu.vector_load %arg15[%get3A_140, %get3A_141] {strides = array<i32>} : memref<80x128xf32, #tpu.memory_space<vmem>>, vector<1x16xf32>,
      %get3A_143 = vector.shape_cast %get3A_142 : vector<1x16xf32> to vector<16xf32>
      %add3A_144 = arith.addf %get3A_139, %get3A_143 : vector<16xf32>
      %max3A = arith.constant 0.000000e+00 : f32
      %max3A_145 = vector.broadcast %max3A : f32 to vector<16xf32>
      %max3A_146 = arith.maximumf %add3A_144, %max3A_145 : vector<16xf32>
      %swap3A = arith.index_cast %scan3A_135 : i32 to index
      %swap3A_147 = arith.constant 0 : index
      %swap3A_148 = tpu.vector_load %arg13[%swap3A, %swap3A_147] {strides = array<i32>} : memref<80x128xf32, #tpu.memory_space<vmem>>, vector<1x16xf32>,
      %swap3A_149 = vector.shape_cast %swap3A_148 : vector<1x16xf32> to vector<16xf32>
      %swap3A_150 = vector.shape_cast %max3A_146 : vector<16xf32> to vector<1x16xf32>
      tpu.vector_store %arg13[%swap3A, %swap3A_147], %swap3A_150 {strides = array<i32>} : memref<80x128xf32, #tpu.memory_space<vmem>>, vector<1x16xf32>,
      %get3A_151 = arith.index_cast %scan3A_135 : i32 to index
      %get3A_152 = arith.constant 16 : index
      %get3A_153 = tpu.vector_load %arg13[%get3A_151, %get3A_152] {strides = array<i32>} : memref<80x128xf32, #tpu.memory_space<vmem>>, vector<1x16xf32>,
      %get3A_154 = vector.shape_cast %get3A_153 : vector<1x16xf32> to vector<16xf32>
      %get3A_155 = arith.index_cast %scan3A_135 : i32 to index
      %get3A_156 = arith.constant 16 : index
      %get3A_157 = tpu.vector_load %arg15[%get3A_155, %get3A_156] {strides = array<i32>} : memref<80x128xf32, #tpu.memory_space<vmem>>, vector<1x16xf32>,
      %get3A_158 = vector.shape_cast %get3A_157 : vector<1x16xf32> to vector<16xf32>
      %add3A_159 = arith.addf %get3A_154, %get3A_158 : vector<16xf32>
      %max3A_160 = arith.constant 0.000000e+00 : f32
      %max3A_161 = vector.broadcast %max3A_160 : f32 to vector<16xf32>
      %max3A_162 = arith.maximumf %add3A_159, %max3A_161 : vector<16xf32>
      %swap3A_163 = arith.index_cast %scan3A_135 : i32 to index
      %swap3A_164 = arith.constant 16 : index
      %swap3A_165 = tpu.vector_load %arg13[%swap3A_163, %swap3A_164] {strides = array<i32>} : memref<80x128xf32, #tpu.memory_space<vmem>>, vector<1x16xf32>,
      %swap3A_166 = vector.shape_cast %swap3A_165 : vector<1x16xf32> to vector<16xf32>
      %swap3A_167 = vector.shape_cast %max3A_162 : vector<16xf32> to vector<1x16xf32>
      tpu.vector_store %arg13[%swap3A_163, %swap3A_164], %swap3A_167 {strides = array<i32>} : memref<80x128xf32, #tpu.memory_space<vmem>>, vector<1x16xf32>,
      %get3A_168 = arith.index_cast %scan3A_135 : i32 to index
      %get3A_169 = arith.constant 32 : index
      %get3A_170 = tpu.vector_load %arg13[%get3A_168, %get3A_169] {strides = array<i32>} : memref<80x128xf32, #tpu.memory_space<vmem>>, vector<1x16xf32>,
      %get3A_171 = vector.shape_cast %get3A_170 : vector<1x16xf32> to vector<16xf32>
      %get3A_172 = arith.index_cast %scan3A_135 : i32 to index
      %get3A_173 = arith.constant 32 : index
      %get3A_174 = tpu.vector_load %arg15[%get3A_172, %get3A_173] {strides = array<i32>} : memref<80x128xf32, #tpu.memory_space<vmem>>, vector<1x16xf32>,
      %get3A_175 = vector.shape_cast %get3A_174 : vector<1x16xf32> to vector<16xf32>
      %add3A_176 = arith.addf %get3A_171, %get3A_175 : vector<16xf32>
      %max3A_177 = arith.constant 0.000000e+00 : f32
      %max3A_178 = vector.broadcast %max3A_177 : f32 to vector<16xf32>
      %max3A_179 = arith.maximumf %add3A_176, %max3A_178 : vector<16xf32>
      %swap3A_180 = arith.index_cast %scan3A_135 : i32 to index
      %swap3A_181 = arith.constant 32 : index
      %swap3A_182 = tpu.vector_load %arg13[%swap3A_180, %swap3A_181] {strides = array<i32>} : memref<80x128xf32, #tpu.memory_space<vmem>>, vector<1x16xf32>,
      %swap3A_183 = vector.shape_cast %swap3A_182 : vector<1x16xf32> to vector<16xf32>
      %swap3A_184 = vector.shape_cast %max3A_179 : vector<16xf32> to vector<1x16xf32>
      tpu.vector_store %arg13[%swap3A_180, %swap3A_181], %swap3A_184 {strides = array<i32>} : memref<80x128xf32, #tpu.memory_space<vmem>>, vector<1x16xf32>,
      %get3A_185 = arith.index_cast %scan3A_135 : i32 to index
      %get3A_186 = arith.constant 48 : index
      %get3A_187 = tpu.vector_load %arg13[%get3A_185, %get3A_186] {strides = array<i32>} : memref<80x128xf32, #tpu.memory_space<vmem>>, vector<1x16xf32>,
      %get3A_188 = vector.shape_cast %get3A_187 : vector<1x16xf32> to vector<16xf32>
      %get3A_189 = arith.index_cast %scan3A_135 : i32 to index
      %get3A_190 = arith.constant 48 : index
      %get3A_191 = tpu.vector_load %arg15[%get3A_189, %get3A_190] {strides = array<i32>} : memref<80x128xf32, #tpu.memory_space<vmem>>, vector<1x16xf32>,
      %get3A_192 = vector.shape_cast %get3A_191 : vector<1x16xf32> to vector<16xf32>
      %add3A_193 = arith.addf %get3A_188, %get3A_192 : vector<16xf32>
      %max3A_194 = arith.constant 0.000000e+00 : f32
      %max3A_195 = vector.broadcast %max3A_194 : f32 to vector<16xf32>
      %max3A_196 = arith.maximumf %add3A_193, %max3A_195 : vector<16xf32>
      %swap3A_197 = arith.index_cast %scan3A_135 : i32 to index
      %swap3A_198 = arith.constant 48 : index
      %swap3A_199 = tpu.vector_load %arg13[%swap3A_197, %swap3A_198] {strides = array<i32>} : memref<80x128xf32, #tpu.memory_space<vmem>>, vector<1x16xf32>,
      %swap3A_200 = vector.shape_cast %swap3A_199 : vector<1x16xf32> to vector<16xf32>
      %swap3A_201 = vector.shape_cast %max3A_196 : vector<16xf32> to vector<1x16xf32>
      tpu.vector_store %arg13[%swap3A_197, %swap3A_198], %swap3A_201 {strides = array<i32>} : memref<80x128xf32, #tpu.memory_space<vmem>>, vector<1x16xf32>,
      %get3A_202 = arith.index_cast %scan3A_135 : i32 to index
      %get3A_203 = arith.constant 64 : index
      %get3A_204 = tpu.vector_load %arg13[%get3A_202, %get3A_203] {strides = array<i32>} : memref<80x128xf32, #tpu.memory_space<vmem>>, vector<1x16xf32>,
      %get3A_205 = vector.shape_cast %get3A_204 : vector<1x16xf32> to vector<16xf32>
      %get3A_206 = arith.index_cast %scan3A_135 : i32 to index
      %get3A_207 = arith.constant 64 : index
      %get3A_208 = tpu.vector_load %arg15[%get3A_206, %get3A_207] {strides = array<i32>} : memref<80x128xf32, #tpu.memory_space<vmem>>, vector<1x16xf32>,
      %get3A_209 = vector.shape_cast %get3A_208 : vector<1x16xf32> to vector<16xf32>
      %add3A_210 = arith.addf %get3A_205, %get3A_209 : vector<16xf32>
      %max3A_211 = arith.constant 0.000000e+00 : f32
      %max3A_212 = vector.broadcast %max3A_211 : f32 to vector<16xf32>
      %max3A_213 = arith.maximumf %add3A_210, %max3A_212 : vector<16xf32>
      %swap3A_214 = arith.index_cast %scan3A_135 : i32 to index
      %swap3A_215 = arith.constant 64 : index
      %swap3A_216 = tpu.vector_load %arg13[%swap3A_214, %swap3A_215] {strides = array<i32>} : memref<80x128xf32, #tpu.memory_space<vmem>>, vector<1x16xf32>,
      %swap3A_217 = vector.shape_cast %swap3A_216 : vector<1x16xf32> to vector<16xf32>
      %swap3A_218 = vector.shape_cast %max3A_213 : vector<16xf32> to vector<1x16xf32>
      tpu.vector_store %arg13[%swap3A_214, %swap3A_215], %swap3A_218 {strides = array<i32>} : memref<80x128xf32, #tpu.memory_space<vmem>>, vector<1x16xf32>,
      %get3A_219 = arith.index_cast %scan3A_135 : i32 to index
      %get3A_220 = arith.constant 80 : index
      %get3A_221 = tpu.vector_load %arg13[%get3A_219, %get3A_220] {strides = array<i32>} : memref<80x128xf32, #tpu.memory_space<vmem>>, vector<1x16xf32>,
      %get3A_222 = vector.shape_cast %get3A_221 : vector<1x16xf32> to vector<16xf32>
      %get3A_223 = arith.index_cast %scan3A_135 : i32 to index
      %get3A_224 = arith.constant 80 : index
      %get3A_225 = tpu.vector_load %arg15[%get3A_223, %get3A_224] {strides = array<i32>} : memref<80x128xf32, #tpu.memory_space<vmem>>, vector<1x16xf32>,
      %get3A_226 = vector.shape_cast %get3A_225 : vector<1x16xf32> to vector<16xf32>
      %add3A_227 = arith.addf %get3A_222, %get3A_226 : vector<16xf32>
      %max3A_228 = arith.constant 0.000000e+00 : f32
      %max3A_229 = vector.broadcast %max3A_228 : f32 to vector<16xf32>
      %max3A_230 = arith.maximumf %add3A_227, %max3A_229 : vector<16xf32>
      %swap3A_231 = arith.index_cast %scan3A_135 : i32 to index
      %swap3A_232 = arith.constant 80 : index
      %swap3A_233 = tpu.vector_load %arg13[%swap3A_231, %swap3A_232] {strides = array<i32>} : memref<80x128xf32, #tpu.memory_space<vmem>>, vector<1x16xf32>,
      %swap3A_234 = vector.shape_cast %swap3A_233 : vector<1x16xf32> to vector<16xf32>
      %swap3A_235 = vector.shape_cast %max3A_230 : vector<16xf32> to vector<1x16xf32>
      tpu.vector_store %arg13[%swap3A_231, %swap3A_232], %swap3A_235 {strides = array<i32>} : memref<80x128xf32, #tpu.memory_space<vmem>>, vector<1x16xf32>,
      %get3A_236 = arith.index_cast %scan3A_135 : i32 to index
      %get3A_237 = arith.constant 96 : index
      %get3A_238 = tpu.vector_load %arg13[%get3A_236, %get3A_237] {strides = array<i32>} : memref<80x128xf32, #tpu.memory_space<vmem>>, vector<1x16xf32>,
      %get3A_239 = vector.shape_cast %get3A_238 : vector<1x16xf32> to vector<16xf32>
      %get3A_240 = arith.index_cast %scan3A_135 : i32 to index
      %get3A_241 = arith.constant 96 : index
      %get3A_242 = tpu.vector_load %arg15[%get3A_240, %get3A_241] {strides = array<i32>} : memref<80x128xf32, #tpu.memory_space<vmem>>, vector<1x16xf32>,
      %get3A_243 = vector.shape_cast %get3A_242 : vector<1x16xf32> to vector<16xf32>
      %add3A_244 = arith.addf %get3A_239, %get3A_243 : vector<16xf32>
      %max3A_245 = arith.constant 0.000000e+00 : f32
      %max3A_246 = vector.broadcast %max3A_245 : f32 to vector<16xf32>
      %max3A_247 = arith.maximumf %add3A_244, %max3A_246 : vector<16xf32>
      %swap3A_248 = arith.index_cast %scan3A_135 : i32 to index
      %swap3A_249 = arith.constant 96 : index
      %swap3A_250 = tpu.vector_load %arg13[%swap3A_248, %swap3A_249] {strides = array<i32>} : memref<80x128xf32, #tpu.memory_space<vmem>>, vector<1x16xf32>,
      %swap3A_251 = vector.shape_cast %swap3A_250 : vector<1x16xf32> to vector<16xf32>
      %swap3A_252 = vector.shape_cast %max3A_247 : vector<16xf32> to vector<1x16xf32>
      tpu.vector_store %arg13[%swap3A_248, %swap3A_249], %swap3A_252 {strides = array<i32>} : memref<80x128xf32, #tpu.memory_space<vmem>>, vector<1x16xf32>,
      %get3A_253 = arith.index_cast %scan3A_135 : i32 to index
      %get3A_254 = arith.constant 112 : index
      %get3A_255 = tpu.vector_load %arg13[%get3A_253, %get3A_254] {strides = array<i32>} : memref<80x128xf32, #tpu.memory_space<vmem>>, vector<1x16xf32>,
      %get3A_256 = vector.shape_cast %get3A_255 : vector<1x16xf32> to vector<16xf32>
      %get3A_257 = arith.index_cast %scan3A_135 : i32 to index
      %get3A_258 = arith.constant 112 : index
      %get3A_259 = tpu.vector_load %arg15[%get3A_257, %get3A_258] {strides = array<i32>} : memref<80x128xf32, #tpu.memory_space<vmem>>, vector<1x16xf32>,
      %get3A_260 = vector.shape_cast %get3A_259 : vector<1x16xf32> to vector<16xf32>
      %add3A_261 = arith.addf %get3A_256, %get3A_260 : vector<16xf32>
      %max3A_262 = arith.constant 0.000000e+00 : f32
      %max3A_263 = vector.broadcast %max3A_262 : f32 to vector<16xf32>
      %max3A_264 = arith.maximumf %add3A_261, %max3A_263 : vector<16xf32>
      %swap3A_265 = arith.index_cast %scan3A_135 : i32 to index
      %swap3A_266 = arith.constant 112 : index
      %swap3A_267 = tpu.vector_load %arg13[%swap3A_265, %swap3A_266] {strides = array<i32>} : memref<80x128xf32, #tpu.memory_space<vmem>>, vector<1x16xf32>,
      %swap3A_268 = vector.shape_cast %swap3A_267 : vector<1x16xf32> to vector<16xf32>
      %swap3A_269 = vector.shape_cast %max3A_264 : vector<16xf32> to vector<1x16xf32>
      tpu.vector_store %arg13[%swap3A_265, %swap3A_266], %swap3A_269 {strides = array<i32>} : memref<80x128xf32, #tpu.memory_space<vmem>>, vector<1x16xf32>,
      %scan3A_270 = arith.constant 0 : i32
      scf.yield %scan3A_270 : i32
    }
    %scan3A_118 = arith.constant 80 : i32
    %dma_wait3A_119 = arith.constant 0 : i32
    %dma_wait3A_120 = arith.constant 0 : i32
    %dma_wait3A_121 = arith.constant 0 : i32
    %dma_wait3A_122 = tpu.memref_slice %arg5[%dma_wait3A_119, %dma_wait3A_120, %dma_wait3A_121] : memref<32x128x80xi32, #tpu.memory_space<hbm>> -> memref<1x1x80xi32, #tpu.memory_space<hbm>>
    %dma_wait3A_123 = tpu.memref_squeeze %dma_wait3A_122 : memref<1x1x80xi32, #tpu.memory_space<hbm>> -> memref<80xi32, #tpu.memory_space<hbm>>
    %dma_wait3A_124 = arith.constant 0 : i32
    %dma_wait3A_125 = tpu.memref_slice %arg5[%dma_wait3A_119, %dma_wait3A_120, %dma_wait3A_124] : memref<32x128x80xi32, #tpu.memory_space<hbm>> -> memref<1x1x80xi32, #tpu.memory_space<hbm>>
    %dma_wait3A_126 = tpu.memref_squeeze %dma_wait3A_125 : memref<1x1x80xi32, #tpu.memory_space<hbm>> -> memref<80xi32, #tpu.memory_space<hbm>>
    tpu.wait_dma2 semaphore(%arg20 : memref<!tpu.dma_semaphore, #tpu.memory_space<semaphore_mem>>) src(%dma_wait3A_126 : memref<80xi32, #tpu.memory_space<hbm>>) dst(%arg11 : memref<80xi32, #tpu.memory_space<vmem>>)
    "tpu.region"() ({
      %run_scoped3A = tpu.sem_alloc : memref<!tpu.dma_semaphore, #tpu.memory_space<semaphore_mem>>
      %dma_start3A_135 = arith.constant 0 : i32
      %dma_start3A_136 = arith.constant 0 : i32
      %dma_start3A_137 = tpu.memref_slice %arg16[%dma_start3A_135, %dma_start3A_136] : memref<10112x128xf32, #tpu.memory_space<vmem_shared>> -> memref<10112x128xf32, #tpu.memory_space<vmem_shared>>
      tpu.enqueue_indirect_dma source(%arg13 : memref<80x128xf32, #tpu.memory_space<vmem>>) target(%dma_start3A_137 : memref<10112x128xf32, #tpu.memory_space<vmem_shared>>) offsets(%arg11 : memref<80xi32, #tpu.memory_space<vmem>>) semaphore(%run_scoped3A : memref<!tpu.dma_semaphore, #tpu.memory_space<semaphore_mem>>) {add = true}
      %dma_wait3A_138 = arith.constant 0 : i32
      %dma_wait3A_139 = arith.constant 0 : i32
      %dma_wait3A_140 = tpu.memref_slice %arg16[%dma_wait3A_138, %dma_wait3A_139] : memref<10112x128xf32, #tpu.memory_space<vmem_shared>> -> memref<10112x128xf32, #tpu.memory_space<vmem_shared>>
      tpu.wait_indirect_dma semaphore(%run_scoped3A : memref<!tpu.dma_semaphore, #tpu.memory_space<semaphore_mem>>) src(%arg13 : memref<80x128xf32, #tpu.memory_space<vmem>>) dst(%dma_wait3A_140 : memref<10112x128xf32, #tpu.memory_space<vmem_shared>>)
      tpu.yield
    }) : () -> ()
    %barrier3A_127 = arith.constant 0 : index
    tpu.barrier barrier_id(%barrier3A_127)
    %mul3A_128 = arith.constant 632 : i32
    %mul3A_129 = arith.muli %arg1, %mul3A_128 : i32
    %mul3A_130 = arith.constant 10112 : i32
    %mul3A_131 = arith.muli %arg0, %mul3A_130 : i32
    %mul3A_132 = arith.constant 632 : i32
    %mul3A_133 = arith.muli %arg1, %mul3A_132 : i32
    %add3A_134 = arith.addi %mul3A_131, %mul3A_133 : i32
    "tpu.region"() ({
      %run_scoped3A = tpu.sem_alloc : memref<!tpu.dma_semaphore, #tpu.memory_space<semaphore_mem>>
      %dma_start3A_135 = arith.constant 0 : i32
      %dma_start3A_136 = tpu.memref_slice %arg7[%add3A_134, %dma_start3A_135] : memref<20224x128xf32, #tpu.memory_space<hbm>> -> memref<632x128xf32, #tpu.memory_space<hbm>>
      %dma_start3A_137 = arith.constant 0 : i32
      %dma_start3A_138 = tpu.memref_slice %arg16[%mul3A_129, %dma_start3A_137] : memref<10112x128xf32, #tpu.memory_space<vmem_shared>> -> memref<632x128xf32, #tpu.memory_space<vmem_shared>>
      tpu.enqueue_dma source(%dma_start3A_138 : memref<632x128xf32, #tpu.memory_space<vmem_shared>>) target(%dma_start3A_136 : memref<632x128xf32, #tpu.memory_space<hbm>>) target_semaphore(%run_scoped3A : memref<!tpu.dma_semaphore, #tpu.memory_space<semaphore_mem>>)
      %dma_wait3A_139 = arith.constant 0 : i32
      %dma_wait3A_140 = tpu.memref_slice %arg7[%add3A_134, %dma_wait3A_139] : memref<20224x128xf32, #tpu.memory_space<hbm>> -> memref<632x128xf32, #tpu.memory_space<hbm>>
      %dma_wait3A_141 = arith.constant 0 : i32
      %dma_wait3A_142 = tpu.memref_slice %arg16[%mul3A_129, %dma_wait3A_141] : memref<10112x128xf32, #tpu.memory_space<vmem_shared>> -> memref<632x128xf32, #tpu.memory_space<vmem_shared>>
      tpu.wait_dma2 semaphore(%run_scoped3A : memref<!tpu.dma_semaphore, #tpu.memory_space<semaphore_mem>>) src(%dma_wait3A_142 : memref<632x128xf32, #tpu.memory_space<vmem_shared>>) dst(%dma_wait3A_140 : memref<632x128xf32, #tpu.memory_space<hbm>>)
      tpu.yield
    }) : () -> ()
    return
  }
}

#map = affine_map<(d0, d1) -> (0, 0)>
#map1 = affine_map<(d0, d1) -> (0, 0, 0)>
module attributes {stable_mosaic.version = 14 : i64} {
  func.func @_edge_sc(%arg0: i32, %arg1: i32, %arg2: memref<10000x128xf32, #tpu.memory_space<hbm>>, %arg3: memref<327680x128xf32, #tpu.memory_space<hbm>>, %arg4: memref<32x128x80xi32, #tpu.memory_space<hbm>>, %arg5: memref<32x128x80xi32, #tpu.memory_space<hbm>>, %arg6: memref<10112x128xf32, #tpu.memory_space<hbm>>, %arg7: memref<20224x128xf32, #tpu.memory_space<hbm>>, %arg8: memref<80xi32, #tpu.memory_space<vmem>>, %arg9: memref<80xi32, #tpu.memory_space<vmem>>, %arg10: memref<80xi32, #tpu.memory_space<vmem>>, %arg11: memref<80xi32, #tpu.memory_space<vmem>>, %arg12: memref<80x128xf32, #tpu.memory_space<vmem>>, %arg13: memref<80x128xf32, #tpu.memory_space<vmem>>, %arg14: memref<80x128xf32, #tpu.memory_space<vmem>>, %arg15: memref<80x128xf32, #tpu.memory_space<vmem>>, %arg16: memref<10112x128xf32, #tpu.memory_space<vmem_shared>>, %arg17: memref<!tpu.dma_semaphore, #tpu.memory_space<semaphore_mem>>, %arg18: memref<!tpu.dma_semaphore, #tpu.memory_space<semaphore_mem>>, %arg19: memref<!tpu.dma_semaphore, #tpu.memory_space<semaphore_mem>>, %arg20: memref<!tpu.dma_semaphore, #tpu.memory_space<semaphore_mem>>, %arg21: memref<!tpu.dma_semaphore, #tpu.memory_space<semaphore_mem>>, %arg22: memref<!tpu.dma_semaphore, #tpu.memory_space<semaphore_mem>>, %arg23: memref<!tpu.dma_semaphore, #tpu.memory_space<semaphore_mem>>, %arg24: memref<!tpu.dma_semaphore, #tpu.memory_space<semaphore_mem>>) attributes {dimension_semantics = [#tpu.dimension_semantics<core_parallel>, #tpu.dimension_semantics<subcore_parallel>], iteration_bounds = array<i64: 2, 16>, scalar_prefetch = 0 : i64, scratch_operands = 17 : i64, tpu.core_type = #tpu.core_type<sc_vector_subcore>, window_params = [{transform_indices = #map}, {transform_indices = #map}, {transform_indices = #map1}, {transform_indices = #map1}, {transform_indices = #map}, {transform_indices = #map}]} {
    %mul3A = arith.constant 2 : i32
    %mul3A_0 = arith.muli %arg1, %mul3A : i32
    %add3A = arith.addi %mul3A_0, %arg0 : i32
    %mul3A_1 = arith.constant 10240 : i32
    %mul3A_2 = arith.muli %add3A, %mul3A_1 : i32
    %mul3A_3 = arith.constant 632 : i32
    %mul3A_4 = arith.muli %arg1, %mul3A_3 : i32
    %mul3A_5 = arith.constant 632 : i32
    %mul3A_6 = arith.muli %arg1, %mul3A_5 : i32
    "tpu.region"() ({
      %run_scoped3A = tpu.sem_alloc : memref<!tpu.dma_semaphore, #tpu.memory_space<semaphore_mem>>
      %dma_start3A_135 = arith.constant 0 : i32
      %dma_start3A_136 = tpu.memref_slice %arg16[%mul3A_6, %dma_start3A_135] : memref<10112x128xf32, #tpu.memory_space<vmem_shared>> -> memref<632x128xf32, #tpu.memory_space<vmem_shared>>
      %dma_start3A_137 = arith.constant 0 : i32
      %dma_start3A_138 = tpu.memref_slice %arg6[%mul3A_4, %dma_start3A_137] : memref<10112x128xf32, #tpu.memory_space<hbm>> -> memref<632x128xf32, #tpu.memory_space<hbm>>
      tpu.enqueue_dma source(%dma_start3A_138 : memref<632x128xf32, #tpu.memory_space<hbm>>) target(%dma_start3A_136 : memref<632x128xf32, #tpu.memory_space<vmem_shared>>) target_semaphore(%run_scoped3A : memref<!tpu.dma_semaphore, #tpu.memory_space<semaphore_mem>>)
      %dma_wait3A_139 = arith.constant 0 : i32
      %dma_wait3A_140 = tpu.memref_slice %arg16[%mul3A_6, %dma_wait3A_139] : memref<10112x128xf32, #tpu.memory_space<vmem_shared>> -> memref<632x128xf32, #tpu.memory_space<vmem_shared>>
      %dma_wait3A_141 = arith.constant 0 : i32
      %dma_wait3A_142 = tpu.memref_slice %arg6[%mul3A_4, %dma_wait3A_141] : memref<10112x128xf32, #tpu.memory_space<hbm>> -> memref<632x128xf32, #tpu.memory_space<hbm>>
      tpu.wait_dma2 semaphore(%run_scoped3A : memref<!tpu.dma_semaphore, #tpu.memory_space<semaphore_mem>>) src(%dma_wait3A_142 : memref<632x128xf32, #tpu.memory_space<hbm>>) dst(%dma_wait3A_140 : memref<632x128xf32, #tpu.memory_space<vmem_shared>>)
      tpu.yield
    }) : () -> ()
    %barrier3A = arith.constant 0 : index
    tpu.barrier barrier_id(%barrier3A)
    %dma_start3A = arith.constant 0 : i32
    %dma_start3A_7 = arith.constant 0 : i32
    %dma_start3A_8 = tpu.memref_slice %arg4[%add3A, %dma_start3A, %dma_start3A_7] : memref<32x128x80xi32, #tpu.memory_space<hbm>> -> memref<1x1x80xi32, #tpu.memory_space<hbm>>
    %dma_start3A_9 = tpu.memref_squeeze %dma_start3A_8 : memref<1x1x80xi32, #tpu.memory_space<hbm>> -> memref<80xi32, #tpu.memory_space<hbm>>
    %dma_start3A_10 = arith.constant 0 : i32
    %dma_start3A_11 = tpu.memref_slice %arg4[%add3A, %dma_start3A, %dma_start3A_10] : memref<32x128x80xi32, #tpu.memory_space<hbm>> -> memref<1x1x80xi32, #tpu.memory_space<hbm>>
    %dma_start3A_12 = tpu.memref_squeeze %dma_start3A_11 : memref<1x1x80xi32, #tpu.memory_space<hbm>> -> memref<80xi32, #tpu.memory_space<hbm>>
    tpu.enqueue_dma source(%dma_start3A_12 : memref<80xi32, #tpu.memory_space<hbm>>) target(%arg8 : memref<80xi32, #tpu.memory_space<vmem>>) target_semaphore(%arg17 : memref<!tpu.dma_semaphore, #tpu.memory_space<semaphore_mem>>)
    %dma_start3A_13 = arith.constant 0 : i32
    %dma_start3A_14 = arith.constant 0 : i32
    %dma_start3A_15 = tpu.memref_slice %arg5[%add3A, %dma_start3A_13, %dma_start3A_14] : memref<32x128x80xi32, #tpu.memory_space<hbm>> -> memref<1x1x80xi32, #tpu.memory_space<hbm>>
    %dma_start3A_16 = tpu.memref_squeeze %dma_start3A_15 : memref<1x1x80xi32, #tpu.memory_space<hbm>> -> memref<80xi32, #tpu.memory_space<hbm>>
    %dma_start3A_17 = arith.constant 0 : i32
    %dma_start3A_18 = tpu.memref_slice %arg5[%add3A, %dma_start3A_13, %dma_start3A_17] : memref<32x128x80xi32, #tpu.memory_space<hbm>> -> memref<1x1x80xi32, #tpu.memory_space<hbm>>
    %dma_start3A_19 = tpu.memref_squeeze %dma_start3A_18 : memref<1x1x80xi32, #tpu.memory_space<hbm>> -> memref<80xi32, #tpu.memory_space<hbm>>
    tpu.enqueue_dma source(%dma_start3A_19 : memref<80xi32, #tpu.memory_space<hbm>>) target(%arg10 : memref<80xi32, #tpu.memory_space<vmem>>) target_semaphore(%arg19 : memref<!tpu.dma_semaphore, #tpu.memory_space<semaphore_mem>>)
    %dma_start3A_20 = arith.constant 1 : i32
    %dma_start3A_21 = arith.constant 0 : i32
    %dma_start3A_22 = tpu.memref_slice %arg4[%add3A, %dma_start3A_20, %dma_start3A_21] : memref<32x128x80xi32, #tpu.memory_space<hbm>> -> memref<1x1x80xi32, #tpu.memory_space<hbm>>
    %dma_start3A_23 = tpu.memref_squeeze %dma_start3A_22 : memref<1x1x80xi32, #tpu.memory_space<hbm>> -> memref<80xi32, #tpu.memory_space<hbm>>
    %dma_start3A_24 = arith.constant 0 : i32
    %dma_start3A_25 = tpu.memref_slice %arg4[%add3A, %dma_start3A_20, %dma_start3A_24] : memref<32x128x80xi32, #tpu.memory_space<hbm>> -> memref<1x1x80xi32, #tpu.memory_space<hbm>>
    %dma_start3A_26 = tpu.memref_squeeze %dma_start3A_25 : memref<1x1x80xi32, #tpu.memory_space<hbm>> -> memref<80xi32, #tpu.memory_space<hbm>>
    tpu.enqueue_dma source(%dma_start3A_26 : memref<80xi32, #tpu.memory_space<hbm>>) target(%arg9 : memref<80xi32, #tpu.memory_space<vmem>>) target_semaphore(%arg18 : memref<!tpu.dma_semaphore, #tpu.memory_space<semaphore_mem>>)
    %dma_start3A_27 = arith.constant 1 : i32
    %dma_start3A_28 = arith.constant 0 : i32
    %dma_start3A_29 = tpu.memref_slice %arg5[%add3A, %dma_start3A_27, %dma_start3A_28] : memref<32x128x80xi32, #tpu.memory_space<hbm>> -> memref<1x1x80xi32, #tpu.memory_space<hbm>>
    %dma_start3A_30 = tpu.memref_squeeze %dma_start3A_29 : memref<1x1x80xi32, #tpu.memory_space<hbm>> -> memref<80xi32, #tpu.memory_space<hbm>>
    %dma_start3A_31 = arith.constant 0 : i32
    %dma_start3A_32 = tpu.memref_slice %arg5[%add3A, %dma_start3A_27, %dma_start3A_31] : memref<32x128x80xi32, #tpu.memory_space<hbm>> -> memref<1x1x80xi32, #tpu.memory_space<hbm>>
    %dma_start3A_33 = tpu.memref_squeeze %dma_start3A_32 : memref<1x1x80xi32, #tpu.memory_space<hbm>> -> memref<80xi32, #tpu.memory_space<hbm>>
    tpu.enqueue_dma source(%dma_start3A_33 : memref<80xi32, #tpu.memory_space<hbm>>) target(%arg11 : memref<80xi32, #tpu.memory_space<vmem>>) target_semaphore(%arg20 : memref<!tpu.dma_semaphore, #tpu.memory_space<semaphore_mem>>)
    %dma_wait3A = arith.constant 0 : i32
    %dma_wait3A_34 = arith.constant 0 : i32
    %dma_wait3A_35 = arith.constant 0 : i32
    %dma_wait3A_36 = tpu.memref_slice %arg4[%dma_wait3A, %dma_wait3A_34, %dma_wait3A_35] : memref<32x128x80xi32, #tpu.memory_space<hbm>> -> memref<1x1x80xi32, #tpu.memory_space<hbm>>
    %dma_wait3A_37 = tpu.memref_squeeze %dma_wait3A_36 : memref<1x1x80xi32, #tpu.memory_space<hbm>> -> memref<80xi32, #tpu.memory_space<hbm>>
    %dma_wait3A_38 = arith.constant 0 : i32
    %dma_wait3A_39 = tpu.memref_slice %arg4[%dma_wait3A, %dma_wait3A_34, %dma_wait3A_38] : memref<32x128x80xi32, #tpu.memory_space<hbm>> -> memref<1x1x80xi32, #tpu.memory_space<hbm>>
    %dma_wait3A_40 = tpu.memref_squeeze %dma_wait3A_39 : memref<1x1x80xi32, #tpu.memory_space<hbm>> -> memref<80xi32, #tpu.memory_space<hbm>>
    tpu.wait_dma2 semaphore(%arg17 : memref<!tpu.dma_semaphore, #tpu.memory_space<semaphore_mem>>) src(%dma_wait3A_40 : memref<80xi32, #tpu.memory_space<hbm>>) dst(%arg8 : memref<80xi32, #tpu.memory_space<vmem>>)
    %add3A_41 = arith.constant 0 : i32
    %add3A_42 = arith.addi %mul3A_2, %add3A_41 : i32
    %dma_start3A_43 = arith.constant 0 : i32
    %dma_start3A_44 = tpu.memref_slice %arg3[%add3A_42, %dma_start3A_43] : memref<327680x128xf32, #tpu.memory_space<hbm>> -> memref<80x128xf32, #tpu.memory_space<hbm>>
    %dma_start3A_45 = arith.constant 0 : i32
    %dma_start3A_46 = tpu.memref_slice %arg3[%add3A_42, %dma_start3A_45] : memref<327680x128xf32, #tpu.memory_space<hbm>> -> memref<80x128xf32, #tpu.memory_space<hbm>>
    tpu.enqueue_dma source(%dma_start3A_46 : memref<80x128xf32, #tpu.memory_space<hbm>>) target(%arg14 : memref<80x128xf32, #tpu.memory_space<vmem>>) target_semaphore(%arg23 : memref<!tpu.dma_semaphore, #tpu.memory_space<semaphore_mem>>)
    %dma_start3A_47 = arith.constant 0 : i32
    %dma_start3A_48 = arith.constant 0 : i32
    %dma_start3A_49 = tpu.memref_slice %arg2[%dma_start3A_47, %dma_start3A_48] : memref<10000x128xf32, #tpu.memory_space<hbm>> -> memref<10000x128xf32, #tpu.memory_space<hbm>>
    tpu.enqueue_indirect_dma source(%dma_start3A_49 : memref<10000x128xf32, #tpu.memory_space<hbm>>) target(%arg12 : memref<80x128xf32, #tpu.memory_space<vmem>>) offsets(%arg8 : memref<80xi32, #tpu.memory_space<vmem>>) semaphore(%arg21 : memref<!tpu.dma_semaphore, #tpu.memory_space<semaphore_mem>>)
    %scan3A = arith.constant 0 : i32
    %scan3A_50 = arith.constant 0 : i32
    %scan3A_51 = arith.constant 63 : i32
    %scan3A_52 = arith.addi %scan3A_50, %scan3A_51 : i32
    %scan3A_53 = arith.constant 1 : i32
    %scan3A_54 = scf.for %scan3A_135 = %scan3A_50 to %scan3A_52 step %scan3A_53 iter_args(%scan3A_136 = %scan3A) -> (i32)  : i32 {
      %mul3A_137 = arith.constant 2 : i32
      %mul3A_138 = arith.muli %mul3A_137, %scan3A_135 : i32
      %dma_wait3A_139 = arith.constant 0 : i32
      %dma_wait3A_140 = arith.constant 0 : i32
      %dma_wait3A_141 = arith.constant 0 : i32
      %dma_wait3A_142 = tpu.memref_slice %arg4[%dma_wait3A_139, %dma_wait3A_140, %dma_wait3A_141] : memref<32x128x80xi32, #tpu.memory_space<hbm>> -> memref<1x1x80xi32, #tpu.memory_space<hbm>>
      %dma_wait3A_143 = tpu.memref_squeeze %dma_wait3A_142 : memref<1x1x80xi32, #tpu.memory_space<hbm>> -> memref<80xi32, #tpu.memory_space<hbm>>
      %dma_wait3A_144 = arith.constant 0 : i32
      %dma_wait3A_145 = tpu.memref_slice %arg4[%dma_wait3A_139, %dma_wait3A_140, %dma_wait3A_144] : memref<32x128x80xi32, #tpu.memory_space<hbm>> -> memref<1x1x80xi32, #tpu.memory_space<hbm>>
      %dma_wait3A_146 = tpu.memref_squeeze %dma_wait3A_145 : memref<1x1x80xi32, #tpu.memory_space<hbm>> -> memref<80xi32, #tpu.memory_space<hbm>>
      tpu.wait_dma2 semaphore(%arg18 : memref<!tpu.dma_semaphore, #tpu.memory_space<semaphore_mem>>) src(%dma_wait3A_146 : memref<80xi32, #tpu.memory_space<hbm>>) dst(%arg9 : memref<80xi32, #tpu.memory_space<vmem>>)
      %add3A_147 = arith.constant 1 : i32
      %add3A_148 = arith.addi %mul3A_138, %add3A_147 : i32
      %mul3A_149 = arith.constant 80 : i32
      %mul3A_150 = arith.muli %add3A_148, %mul3A_149 : i32
      %add3A_151 = arith.addi %mul3A_2, %mul3A_150 : i32
      %dma_start3A_152 = arith.constant 0 : i32
      %dma_start3A_153 = tpu.memref_slice %arg3[%add3A_151, %dma_start3A_152] : memref<327680x128xf32, #tpu.memory_space<hbm>> -> memref<80x128xf32, #tpu.memory_space<hbm>>
      %dma_start3A_154 = arith.constant 0 : i32
      %dma_start3A_155 = tpu.memref_slice %arg3[%add3A_151, %dma_start3A_154] : memref<327680x128xf32, #tpu.memory_space<hbm>> -> memref<80x128xf32, #tpu.memory_space<hbm>>
      tpu.enqueue_dma source(%dma_start3A_155 : memref<80x128xf32, #tpu.memory_space<hbm>>) target(%arg15 : memref<80x128xf32, #tpu.memory_space<vmem>>) target_semaphore(%arg24 : memref<!tpu.dma_semaphore, #tpu.memory_space<semaphore_mem>>)
      %dma_start3A_156 = arith.constant 0 : i32
      %dma_start3A_157 = arith.constant 0 : i32
      %dma_start3A_158 = tpu.memref_slice %arg2[%dma_start3A_156, %dma_start3A_157] : memref<10000x128xf32, #tpu.memory_space<hbm>> -> memref<10000x128xf32, #tpu.memory_space<hbm>>
      tpu.enqueue_indirect_dma source(%dma_start3A_158 : memref<10000x128xf32, #tpu.memory_space<hbm>>) target(%arg13 : memref<80x128xf32, #tpu.memory_space<vmem>>) offsets(%arg9 : memref<80xi32, #tpu.memory_space<vmem>>) semaphore(%arg22 : memref<!tpu.dma_semaphore, #tpu.memory_space<semaphore_mem>>)
      %dma_wait3A_159 = arith.constant 0 : i32
      %dma_wait3A_160 = arith.constant 0 : i32
      %dma_wait3A_161 = tpu.memref_slice %arg3[%dma_wait3A_159, %dma_wait3A_160] : memref<327680x128xf32, #tpu.memory_space<hbm>> -> memref<80x128xf32, #tpu.memory_space<hbm>>
      %dma_wait3A_162 = arith.constant 0 : i32
      %dma_wait3A_163 = arith.constant 0 : i32
      %dma_wait3A_164 = tpu.memref_slice %arg3[%dma_wait3A_162, %dma_wait3A_163] : memref<327680x128xf32, #tpu.memory_space<hbm>> -> memref<80x128xf32, #tpu.memory_space<hbm>>
      tpu.wait_dma2 semaphore(%arg23 : memref<!tpu.dma_semaphore, #tpu.memory_space<semaphore_mem>>) src(%dma_wait3A_164 : memref<80x128xf32, #tpu.memory_space<hbm>>) dst(%arg14 : memref<80x128xf32, #tpu.memory_space<vmem>>)
      %dma_wait3A_165 = arith.constant 0 : i32
      %dma_wait3A_166 = arith.constant 0 : i32
      %dma_wait3A_167 = tpu.memref_slice %arg3[%dma_wait3A_165, %dma_wait3A_166] : memref<327680x128xf32, #tpu.memory_space<hbm>> -> memref<80x128xf32, #tpu.memory_space<hbm>>
      %dma_wait3A_168 = arith.constant 0 : i32
      %dma_wait3A_169 = arith.constant 0 : i32
      %dma_wait3A_170 = tpu.memref_slice %arg3[%dma_wait3A_168, %dma_wait3A_169] : memref<327680x128xf32, #tpu.memory_space<hbm>> -> memref<80x128xf32, #tpu.memory_space<hbm>>
      tpu.wait_dma2 semaphore(%arg21 : memref<!tpu.dma_semaphore, #tpu.memory_space<semaphore_mem>>) src(%dma_wait3A_170 : memref<80x128xf32, #tpu.memory_space<hbm>>) dst(%arg12 : memref<80x128xf32, #tpu.memory_space<vmem>>)
      %add3A_171 = arith.constant 2 : i32
      %add3A_172 = arith.addi %mul3A_138, %add3A_171 : i32
      %dma_start3A_173 = arith.constant 0 : i32
      %dma_start3A_174 = tpu.memref_slice %arg4[%add3A, %add3A_172, %dma_start3A_173] : memref<32x128x80xi32, #tpu.memory_space<hbm>> -> memref<1x1x80xi32, #tpu.memory_space<hbm>>
      %dma_start3A_175 = tpu.memref_squeeze %dma_start3A_174 : memref<1x1x80xi32, #tpu.memory_space<hbm>> -> memref<80xi32, #tpu.memory_space<hbm>>
      %dma_start3A_176 = arith.constant 0 : i32
      %dma_start3A_177 = tpu.memref_slice %arg4[%add3A, %add3A_172, %dma_start3A_176] : memref<32x128x80xi32, #tpu.memory_space<hbm>> -> memref<1x1x80xi32, #tpu.memory_space<hbm>>
      %dma_start3A_178 = tpu.memref_squeeze %dma_start3A_177 : memref<1x1x80xi32, #tpu.memory_space<hbm>> -> memref<80xi32, #tpu.memory_space<hbm>>
      tpu.enqueue_dma source(%dma_start3A_178 : memref<80xi32, #tpu.memory_space<hbm>>) target(%arg8 : memref<80xi32, #tpu.memory_space<vmem>>) target_semaphore(%arg17 : memref<!tpu.dma_semaphore, #tpu.memory_space<semaphore_mem>>)
      %scan3A_179 = arith.constant 0 : i32
      %scan3A_180 = arith.constant 0 : i32
      %scan3A_181 = arith.constant 80 : i32
      %scan3A_182 = arith.addi %scan3A_180, %scan3A_181 : i32
      %scan3A_183 = arith.constant 1 : i32
      %scan3A_184 = scf.for %scan3A_266 = %scan3A_180 to %scan3A_182 step %scan3A_183 iter_args(%scan3A_267 = %scan3A_179) -> (i32)  : i32 {
        %get3A = arith.index_cast %scan3A_266 : i32 to index
        %get3A_268 = arith.constant 0 : index
        %get3A_269 = tpu.vector_load %arg12[%get3A, %get3A_268] {strides = array<i32>} : memref<80x128xf32, #tpu.memory_space<vmem>>, vector<1x16xf32>,
        %get3A_270 = vector.shape_cast %get3A_269 : vector<1x16xf32> to vector<16xf32>
        %get3A_271 = arith.index_cast %scan3A_266 : i32 to index
        %get3A_272 = arith.constant 0 : index
        %get3A_273 = tpu.vector_load %arg14[%get3A_271, %get3A_272] {strides = array<i32>} : memref<80x128xf32, #tpu.memory_space<vmem>>, vector<1x16xf32>,
        %get3A_274 = vector.shape_cast %get3A_273 : vector<1x16xf32> to vector<16xf32>
        %add3A_275 = arith.addf %get3A_270, %get3A_274 : vector<16xf32>
        %max3A = arith.constant 0.000000e+00 : f32
        %max3A_276 = vector.broadcast %max3A : f32 to vector<16xf32>
        %max3A_277 = arith.maximumf %add3A_275, %max3A_276 : vector<16xf32>
        %swap3A = arith.index_cast %scan3A_266 : i32 to index
        %swap3A_278 = arith.constant 0 : index
        %swap3A_279 = tpu.vector_load %arg12[%swap3A, %swap3A_278] {strides = array<i32>} : memref<80x128xf32, #tpu.memory_space<vmem>>, vector<1x16xf32>,
        %swap3A_280 = vector.shape_cast %swap3A_279 : vector<1x16xf32> to vector<16xf32>
        %swap3A_281 = vector.shape_cast %max3A_277 : vector<16xf32> to vector<1x16xf32>
        tpu.vector_store %arg12[%swap3A, %swap3A_278], %swap3A_281 {strides = array<i32>} : memref<80x128xf32, #tpu.memory_space<vmem>>, vector<1x16xf32>,
        %get3A_282 = arith.index_cast %scan3A_266 : i32 to index
        %get3A_283 = arith.constant 16 : index
        %get3A_284 = tpu.vector_load %arg12[%get3A_282, %get3A_283] {strides = array<i32>} : memref<80x128xf32, #tpu.memory_space<vmem>>, vector<1x16xf32>,
        %get3A_285 = vector.shape_cast %get3A_284 : vector<1x16xf32> to vector<16xf32>
        %get3A_286 = arith.index_cast %scan3A_266 : i32 to index
        %get3A_287 = arith.constant 16 : index
        %get3A_288 = tpu.vector_load %arg14[%get3A_286, %get3A_287] {strides = array<i32>} : memref<80x128xf32, #tpu.memory_space<vmem>>, vector<1x16xf32>,
        %get3A_289 = vector.shape_cast %get3A_288 : vector<1x16xf32> to vector<16xf32>
        %add3A_290 = arith.addf %get3A_285, %get3A_289 : vector<16xf32>
        %max3A_291 = arith.constant 0.000000e+00 : f32
        %max3A_292 = vector.broadcast %max3A_291 : f32 to vector<16xf32>
        %max3A_293 = arith.maximumf %add3A_290, %max3A_292 : vector<16xf32>
        %swap3A_294 = arith.index_cast %scan3A_266 : i32 to index
        %swap3A_295 = arith.constant 16 : index
        %swap3A_296 = tpu.vector_load %arg12[%swap3A_294, %swap3A_295] {strides = array<i32>} : memref<80x128xf32, #tpu.memory_space<vmem>>, vector<1x16xf32>,
        %swap3A_297 = vector.shape_cast %swap3A_296 : vector<1x16xf32> to vector<16xf32>
        %swap3A_298 = vector.shape_cast %max3A_293 : vector<16xf32> to vector<1x16xf32>
        tpu.vector_store %arg12[%swap3A_294, %swap3A_295], %swap3A_298 {strides = array<i32>} : memref<80x128xf32, #tpu.memory_space<vmem>>, vector<1x16xf32>,
        %get3A_299 = arith.index_cast %scan3A_266 : i32 to index
        %get3A_300 = arith.constant 32 : index
        %get3A_301 = tpu.vector_load %arg12[%get3A_299, %get3A_300] {strides = array<i32>} : memref<80x128xf32, #tpu.memory_space<vmem>>, vector<1x16xf32>,
        %get3A_302 = vector.shape_cast %get3A_301 : vector<1x16xf32> to vector<16xf32>
        %get3A_303 = arith.index_cast %scan3A_266 : i32 to index
        %get3A_304 = arith.constant 32 : index
        %get3A_305 = tpu.vector_load %arg14[%get3A_303, %get3A_304] {strides = array<i32>} : memref<80x128xf32, #tpu.memory_space<vmem>>, vector<1x16xf32>,
        %get3A_306 = vector.shape_cast %get3A_305 : vector<1x16xf32> to vector<16xf32>
        %add3A_307 = arith.addf %get3A_302, %get3A_306 : vector<16xf32>
        %max3A_308 = arith.constant 0.000000e+00 : f32
        %max3A_309 = vector.broadcast %max3A_308 : f32 to vector<16xf32>
        %max3A_310 = arith.maximumf %add3A_307, %max3A_309 : vector<16xf32>
        %swap3A_311 = arith.index_cast %scan3A_266 : i32 to index
        %swap3A_312 = arith.constant 32 : index
        %swap3A_313 = tpu.vector_load %arg12[%swap3A_311, %swap3A_312] {strides = array<i32>} : memref<80x128xf32, #tpu.memory_space<vmem>>, vector<1x16xf32>,
        %swap3A_314 = vector.shape_cast %swap3A_313 : vector<1x16xf32> to vector<16xf32>
        %swap3A_315 = vector.shape_cast %max3A_310 : vector<16xf32> to vector<1x16xf32>
        tpu.vector_store %arg12[%swap3A_311, %swap3A_312], %swap3A_315 {strides = array<i32>} : memref<80x128xf32, #tpu.memory_space<vmem>>, vector<1x16xf32>,
        %get3A_316 = arith.index_cast %scan3A_266 : i32 to index
        %get3A_317 = arith.constant 48 : index
        %get3A_318 = tpu.vector_load %arg12[%get3A_316, %get3A_317] {strides = array<i32>} : memref<80x128xf32, #tpu.memory_space<vmem>>, vector<1x16xf32>,
        %get3A_319 = vector.shape_cast %get3A_318 : vector<1x16xf32> to vector<16xf32>
        %get3A_320 = arith.index_cast %scan3A_266 : i32 to index
        %get3A_321 = arith.constant 48 : index
        %get3A_322 = tpu.vector_load %arg14[%get3A_320, %get3A_321] {strides = array<i32>} : memref<80x128xf32, #tpu.memory_space<vmem>>, vector<1x16xf32>,
        %get3A_323 = vector.shape_cast %get3A_322 : vector<1x16xf32> to vector<16xf32>
        %add3A_324 = arith.addf %get3A_319, %get3A_323 : vector<16xf32>
        %max3A_325 = arith.constant 0.000000e+00 : f32
        %max3A_326 = vector.broadcast %max3A_325 : f32 to vector<16xf32>
        %max3A_327 = arith.maximumf %add3A_324, %max3A_326 : vector<16xf32>
        %swap3A_328 = arith.index_cast %scan3A_266 : i32 to index
        %swap3A_329 = arith.constant 48 : index
        %swap3A_330 = tpu.vector_load %arg12[%swap3A_328, %swap3A_329] {strides = array<i32>} : memref<80x128xf32, #tpu.memory_space<vmem>>, vector<1x16xf32>,
        %swap3A_331 = vector.shape_cast %swap3A_330 : vector<1x16xf32> to vector<16xf32>
        %swap3A_332 = vector.shape_cast %max3A_327 : vector<16xf32> to vector<1x16xf32>
        tpu.vector_store %arg12[%swap3A_328, %swap3A_329], %swap3A_332 {strides = array<i32>} : memref<80x128xf32, #tpu.memory_space<vmem>>, vector<1x16xf32>,
        %get3A_333 = arith.index_cast %scan3A_266 : i32 to index
        %get3A_334 = arith.constant 64 : index
        %get3A_335 = tpu.vector_load %arg12[%get3A_333, %get3A_334] {strides = array<i32>} : memref<80x128xf32, #tpu.memory_space<vmem>>, vector<1x16xf32>,
        %get3A_336 = vector.shape_cast %get3A_335 : vector<1x16xf32> to vector<16xf32>
        %get3A_337 = arith.index_cast %scan3A_266 : i32 to index
        %get3A_338 = arith.constant 64 : index
        %get3A_339 = tpu.vector_load %arg14[%get3A_337, %get3A_338] {strides = array<i32>} : memref<80x128xf32, #tpu.memory_space<vmem>>, vector<1x16xf32>,
        %get3A_340 = vector.shape_cast %get3A_339 : vector<1x16xf32> to vector<16xf32>
        %add3A_341 = arith.addf %get3A_336, %get3A_340 : vector<16xf32>
        %max3A_342 = arith.constant 0.000000e+00 : f32
        %max3A_343 = vector.broadcast %max3A_342 : f32 to vector<16xf32>
        %max3A_344 = arith.maximumf %add3A_341, %max3A_343 : vector<16xf32>
        %swap3A_345 = arith.index_cast %scan3A_266 : i32 to index
        %swap3A_346 = arith.constant 64 : index
        %swap3A_347 = tpu.vector_load %arg12[%swap3A_345, %swap3A_346] {strides = array<i32>} : memref<80x128xf32, #tpu.memory_space<vmem>>, vector<1x16xf32>,
        %swap3A_348 = vector.shape_cast %swap3A_347 : vector<1x16xf32> to vector<16xf32>
        %swap3A_349 = vector.shape_cast %max3A_344 : vector<16xf32> to vector<1x16xf32>
        tpu.vector_store %arg12[%swap3A_345, %swap3A_346], %swap3A_349 {strides = array<i32>} : memref<80x128xf32, #tpu.memory_space<vmem>>, vector<1x16xf32>,
        %get3A_350 = arith.index_cast %scan3A_266 : i32 to index
        %get3A_351 = arith.constant 80 : index
        %get3A_352 = tpu.vector_load %arg12[%get3A_350, %get3A_351] {strides = array<i32>} : memref<80x128xf32, #tpu.memory_space<vmem>>, vector<1x16xf32>,
        %get3A_353 = vector.shape_cast %get3A_352 : vector<1x16xf32> to vector<16xf32>
        %get3A_354 = arith.index_cast %scan3A_266 : i32 to index
        %get3A_355 = arith.constant 80 : index
        %get3A_356 = tpu.vector_load %arg14[%get3A_354, %get3A_355] {strides = array<i32>} : memref<80x128xf32, #tpu.memory_space<vmem>>, vector<1x16xf32>,
        %get3A_357 = vector.shape_cast %get3A_356 : vector<1x16xf32> to vector<16xf32>
        %add3A_358 = arith.addf %get3A_353, %get3A_357 : vector<16xf32>
        %max3A_359 = arith.constant 0.000000e+00 : f32
        %max3A_360 = vector.broadcast %max3A_359 : f32 to vector<16xf32>
        %max3A_361 = arith.maximumf %add3A_358, %max3A_360 : vector<16xf32>
        %swap3A_362 = arith.index_cast %scan3A_266 : i32 to index
        %swap3A_363 = arith.constant 80 : index
        %swap3A_364 = tpu.vector_load %arg12[%swap3A_362, %swap3A_363] {strides = array<i32>} : memref<80x128xf32, #tpu.memory_space<vmem>>, vector<1x16xf32>,
        %swap3A_365 = vector.shape_cast %swap3A_364 : vector<1x16xf32> to vector<16xf32>
        %swap3A_366 = vector.shape_cast %max3A_361 : vector<16xf32> to vector<1x16xf32>
        tpu.vector_store %arg12[%swap3A_362, %swap3A_363], %swap3A_366 {strides = array<i32>} : memref<80x128xf32, #tpu.memory_space<vmem>>, vector<1x16xf32>,
        %get3A_367 = arith.index_cast %scan3A_266 : i32 to index
        %get3A_368 = arith.constant 96 : index
        %get3A_369 = tpu.vector_load %arg12[%get3A_367, %get3A_368] {strides = array<i32>} : memref<80x128xf32, #tpu.memory_space<vmem>>, vector<1x16xf32>,
        %get3A_370 = vector.shape_cast %get3A_369 : vector<1x16xf32> to vector<16xf32>
        %get3A_371 = arith.index_cast %scan3A_266 : i32 to index
        %get3A_372 = arith.constant 96 : index
        %get3A_373 = tpu.vector_load %arg14[%get3A_371, %get3A_372] {strides = array<i32>} : memref<80x128xf32, #tpu.memory_space<vmem>>, vector<1x16xf32>,
        %get3A_374 = vector.shape_cast %get3A_373 : vector<1x16xf32> to vector<16xf32>
        %add3A_375 = arith.addf %get3A_370, %get3A_374 : vector<16xf32>
        %max3A_376 = arith.constant 0.000000e+00 : f32
        %max3A_377 = vector.broadcast %max3A_376 : f32 to vector<16xf32>
        %max3A_378 = arith.maximumf %add3A_375, %max3A_377 : vector<16xf32>
        %swap3A_379 = arith.index_cast %scan3A_266 : i32 to index
        %swap3A_380 = arith.constant 96 : index
        %swap3A_381 = tpu.vector_load %arg12[%swap3A_379, %swap3A_380] {strides = array<i32>} : memref<80x128xf32, #tpu.memory_space<vmem>>, vector<1x16xf32>,
        %swap3A_382 = vector.shape_cast %swap3A_381 : vector<1x16xf32> to vector<16xf32>
        %swap3A_383 = vector.shape_cast %max3A_378 : vector<16xf32> to vector<1x16xf32>
        tpu.vector_store %arg12[%swap3A_379, %swap3A_380], %swap3A_383 {strides = array<i32>} : memref<80x128xf32, #tpu.memory_space<vmem>>, vector<1x16xf32>,
        %get3A_384 = arith.index_cast %scan3A_266 : i32 to index
        %get3A_385 = arith.constant 112 : index
        %get3A_386 = tpu.vector_load %arg12[%get3A_384, %get3A_385] {strides = array<i32>} : memref<80x128xf32, #tpu.memory_space<vmem>>, vector<1x16xf32>,
        %get3A_387 = vector.shape_cast %get3A_386 : vector<1x16xf32> to vector<16xf32>
        %get3A_388 = arith.index_cast %scan3A_266 : i32 to index
        %get3A_389 = arith.constant 112 : index
        %get3A_390 = tpu.vector_load %arg14[%get3A_388, %get3A_389] {strides = array<i32>} : memref<80x128xf32, #tpu.memory_space<vmem>>, vector<1x16xf32>,
        %get3A_391 = vector.shape_cast %get3A_390 : vector<1x16xf32> to vector<16xf32>
        %add3A_392 = arith.addf %get3A_387, %get3A_391 : vector<16xf32>
        %max3A_393 = arith.constant 0.000000e+00 : f32
        %max3A_394 = vector.broadcast %max3A_393 : f32 to vector<16xf32>
        %max3A_395 = arith.maximumf %add3A_392, %max3A_394 : vector<16xf32>
        %swap3A_396 = arith.index_cast %scan3A_266 : i32 to index
        %swap3A_397 = arith.constant 112 : index
        %swap3A_398 = tpu.vector_load %arg12[%swap3A_396, %swap3A_397] {strides = array<i32>} : memref<80x128xf32, #tpu.memory_space<vmem>>, vector<1x16xf32>,
        %swap3A_399 = vector.shape_cast %swap3A_398 : vector<1x16xf32> to vector<16xf32>
        %swap3A_400 = vector.shape_cast %max3A_395 : vector<16xf32> to vector<1x16xf32>
        tpu.vector_store %arg12[%swap3A_396, %swap3A_397], %swap3A_400 {strides = array<i32>} : memref<80x128xf32, #tpu.memory_space<vmem>>, vector<1x16xf32>,
        %scan3A_401 = arith.constant 0 : i32
        scf.yield %scan3A_401 : i32
      }
      %scan3A_185 = arith.constant 80 : i32
      %dma_wait3A_186 = arith.constant 0 : i32
      %dma_wait3A_187 = arith.constant 0 : i32
      %dma_wait3A_188 = arith.constant 0 : i32
      %dma_wait3A_189 = tpu.memref_slice %arg5[%dma_wait3A_186, %dma_wait3A_187, %dma_wait3A_188] : memref<32x128x80xi32, #tpu.memory_space<hbm>> -> memref<1x1x80xi32, #tpu.memory_space<hbm>>
      %dma_wait3A_190 = tpu.memref_squeeze %dma_wait3A_189 : memref<1x1x80xi32, #tpu.memory_space<hbm>> -> memref<80xi32, #tpu.memory_space<hbm>>
      %dma_wait3A_191 = arith.constant 0 : i32
      %dma_wait3A_192 = tpu.memref_slice %arg5[%dma_wait3A_186, %dma_wait3A_187, %dma_wait3A_191] : memref<32x128x80xi32, #tpu.memory_space<hbm>> -> memref<1x1x80xi32, #tpu.memory_space<hbm>>
      %dma_wait3A_193 = tpu.memref_squeeze %dma_wait3A_192 : memref<1x1x80xi32, #tpu.memory_space<hbm>> -> memref<80xi32, #tpu.memory_space<hbm>>
      tpu.wait_dma2 semaphore(%arg19 : memref<!tpu.dma_semaphore, #tpu.memory_space<semaphore_mem>>) src(%dma_wait3A_193 : memref<80xi32, #tpu.memory_space<hbm>>) dst(%arg10 : memref<80xi32, #tpu.memory_space<vmem>>)
      "tpu.region"() ({
        %run_scoped3A = tpu.sem_alloc : memref<!tpu.dma_semaphore, #tpu.memory_space<semaphore_mem>>
        %dma_start3A_266 = arith.constant 0 : i32
        %dma_start3A_267 = arith.constant 0 : i32
        %dma_start3A_268 = tpu.memref_slice %arg16[%dma_start3A_266, %dma_start3A_267] : memref<10112x128xf32, #tpu.memory_space<vmem_shared>> -> memref<10112x128xf32, #tpu.memory_space<vmem_shared>>
        tpu.enqueue_indirect_dma source(%arg12 : memref<80x128xf32, #tpu.memory_space<vmem>>) target(%dma_start3A_268 : memref<10112x128xf32, #tpu.memory_space<vmem_shared>>) offsets(%arg10 : memref<80xi32, #tpu.memory_space<vmem>>) semaphore(%run_scoped3A : memref<!tpu.dma_semaphore, #tpu.memory_space<semaphore_mem>>) {add = true}
        %dma_wait3A_269 = arith.constant 0 : i32
        %dma_wait3A_270 = arith.constant 0 : i32
        %dma_wait3A_271 = tpu.memref_slice %arg16[%dma_wait3A_269, %dma_wait3A_270] : memref<10112x128xf32, #tpu.memory_space<vmem_shared>> -> memref<10112x128xf32, #tpu.memory_space<vmem_shared>>
        tpu.wait_indirect_dma semaphore(%run_scoped3A : memref<!tpu.dma_semaphore, #tpu.memory_space<semaphore_mem>>) src(%arg12 : memref<80x128xf32, #tpu.memory_space<vmem>>) dst(%dma_wait3A_271 : memref<10112x128xf32, #tpu.memory_space<vmem_shared>>)
        tpu.yield
      }) : () -> ()
      %add3A_194 = arith.constant 2 : i32
      %add3A_195 = arith.addi %mul3A_138, %add3A_194 : i32
      %dma_start3A_196 = arith.constant 0 : i32
      %dma_start3A_197 = tpu.memref_slice %arg5[%add3A, %add3A_195, %dma_start3A_196] : memref<32x128x80xi32, #tpu.memory_space<hbm>> -> memref<1x1x80xi32, #tpu.memory_space<hbm>>
      %dma_start3A_198 = tpu.memref_squeeze %dma_start3A_197 : memref<1x1x80xi32, #tpu.memory_space<hbm>> -> memref<80xi32, #tpu.memory_space<hbm>>
      %dma_start3A_199 = arith.constant 0 : i32
      %dma_start3A_200 = tpu.memref_slice %arg5[%add3A, %add3A_195, %dma_start3A_199] : memref<32x128x80xi32, #tpu.memory_space<hbm>> -> memref<1x1x80xi32, #tpu.memory_space<hbm>>
      %dma_start3A_201 = tpu.memref_squeeze %dma_start3A_200 : memref<1x1x80xi32, #tpu.memory_space<hbm>> -> memref<80xi32, #tpu.memory_space<hbm>>
      tpu.enqueue_dma source(%dma_start3A_201 : memref<80xi32, #tpu.memory_space<hbm>>) target(%arg10 : memref<80xi32, #tpu.memory_space<vmem>>) target_semaphore(%arg19 : memref<!tpu.dma_semaphore, #tpu.memory_space<semaphore_mem>>)
      %dma_wait3A_202 = arith.constant 0 : i32
      %dma_wait3A_203 = arith.constant 0 : i32
      %dma_wait3A_204 = arith.constant 0 : i32
      %dma_wait3A_205 = tpu.memref_slice %arg4[%dma_wait3A_202, %dma_wait3A_203, %dma_wait3A_204] : memref<32x128x80xi32, #tpu.memory_space<hbm>> -> memref<1x1x80xi32, #tpu.memory_space<hbm>>
      %dma_wait3A_206 = tpu.memref_squeeze %dma_wait3A_205 : memref<1x1x80xi32, #tpu.memory_space<hbm>> -> memref<80xi32, #tpu.memory_space<hbm>>
      %dma_wait3A_207 = arith.constant 0 : i32
      %dma_wait3A_208 = tpu.memref_slice %arg4[%dma_wait3A_202, %dma_wait3A_203, %dma_wait3A_207] : memref<32x128x80xi32, #tpu.memory_space<hbm>> -> memref<1x1x80xi32, #tpu.memory_space<hbm>>
      %dma_wait3A_209 = tpu.memref_squeeze %dma_wait3A_208 : memref<1x1x80xi32, #tpu.memory_space<hbm>> -> memref<80xi32, #tpu.memory_space<hbm>>
      tpu.wait_dma2 semaphore(%arg17 : memref<!tpu.dma_semaphore, #tpu.memory_space<semaphore_mem>>) src(%dma_wait3A_209 : memref<80xi32, #tpu.memory_space<hbm>>) dst(%arg8 : memref<80xi32, #tpu.memory_space<vmem>>)
      %add3A_210 = arith.constant 2 : i32
      %add3A_211 = arith.addi %mul3A_138, %add3A_210 : i32
      %mul3A_212 = arith.constant 80 : i32
      %mul3A_213 = arith.muli %add3A_211, %mul3A_212 : i32
      %add3A_214 = arith.addi %mul3A_2, %mul3A_213 : i32
      %dma_start3A_215 = arith.constant 0 : i32
      %dma_start3A_216 = tpu.memref_slice %arg3[%add3A_214, %dma_start3A_215] : memref<327680x128xf32, #tpu.memory_space<hbm>> -> memref<80x128xf32, #tpu.memory_space<hbm>>
      %dma_start3A_217 = arith.constant 0 : i32
      %dma_start3A_218 = tpu.memref_slice %arg3[%add3A_214, %dma_start3A_217] : memref<327680x128xf32, #tpu.memory_space<hbm>> -> memref<80x128xf32, #tpu.memory_space<hbm>>
      tpu.enqueue_dma source(%dma_start3A_218 : memref<80x128xf32, #tpu.memory_space<hbm>>) target(%arg14 : memref<80x128xf32, #tpu.memory_space<vmem>>) target_semaphore(%arg23 : memref<!tpu.dma_semaphore, #tpu.memory_space<semaphore_mem>>)
      %dma_start3A_219 = arith.constant 0 : i32
      %dma_start3A_220 = arith.constant 0 : i32
      %dma_start3A_221 = tpu.memref_slice %arg2[%dma_start3A_219, %dma_start3A_220] : memref<10000x128xf32, #tpu.memory_space<hbm>> -> memref<10000x128xf32, #tpu.memory_space<hbm>>
      tpu.enqueue_indirect_dma source(%dma_start3A_221 : memref<10000x128xf32, #tpu.memory_space<hbm>>) target(%arg12 : memref<80x128xf32, #tpu.memory_space<vmem>>) offsets(%arg8 : memref<80xi32, #tpu.memory_space<vmem>>) semaphore(%arg21 : memref<!tpu.dma_semaphore, #tpu.memory_space<semaphore_mem>>)
      %dma_wait3A_222 = arith.constant 0 : i32
      %dma_wait3A_223 = arith.constant 0 : i32
      %dma_wait3A_224 = tpu.memref_slice %arg3[%dma_wait3A_222, %dma_wait3A_223] : memref<327680x128xf32, #tpu.memory_space<hbm>> -> memref<80x128xf32, #tpu.memory_space<hbm>>
      %dma_wait3A_225 = arith.constant 0 : i32
      %dma_wait3A_226 = arith.constant 0 : i32
      %dma_wait3A_227 = tpu.memref_slice %arg3[%dma_wait3A_225, %dma_wait3A_226] : memref<327680x128xf32, #tpu.memory_space<hbm>> -> memref<80x128xf32, #tpu.memory_space<hbm>>
      tpu.wait_dma2 semaphore(%arg24 : memref<!tpu.dma_semaphore, #tpu.memory_space<semaphore_mem>>) src(%dma_wait3A_227 : memref<80x128xf32, #tpu.memory_space<hbm>>) dst(%arg15 : memref<80x128xf32, #tpu.memory_space<vmem>>)
      %dma_wait3A_228 = arith.constant 0 : i32
      %dma_wait3A_229 = arith.constant 0 : i32
      %dma_wait3A_230 = tpu.memref_slice %arg3[%dma_wait3A_228, %dma_wait3A_229] : memref<327680x128xf32, #tpu.memory_space<hbm>> -> memref<80x128xf32, #tpu.memory_space<hbm>>
      %dma_wait3A_231 = arith.constant 0 : i32
      %dma_wait3A_232 = arith.constant 0 : i32
      %dma_wait3A_233 = tpu.memref_slice %arg3[%dma_wait3A_231, %dma_wait3A_232] : memref<327680x128xf32, #tpu.memory_space<hbm>> -> memref<80x128xf32, #tpu.memory_space<hbm>>
      tpu.wait_dma2 semaphore(%arg22 : memref<!tpu.dma_semaphore, #tpu.memory_space<semaphore_mem>>) src(%dma_wait3A_233 : memref<80x128xf32, #tpu.memory_space<hbm>>) dst(%arg13 : memref<80x128xf32, #tpu.memory_space<vmem>>)
      %add3A_234 = arith.constant 3 : i32
      %add3A_235 = arith.addi %mul3A_138, %add3A_234 : i32
      %dma_start3A_236 = arith.constant 0 : i32
      %dma_start3A_237 = tpu.memref_slice %arg4[%add3A, %add3A_235, %dma_start3A_236] : memref<32x128x80xi32, #tpu.memory_space<hbm>> -> memref<1x1x80xi32, #tpu.memory_space<hbm>>
      %dma_start3A_238 = tpu.memref_squeeze %dma_start3A_237 : memref<1x1x80xi32, #tpu.memory_space<hbm>> -> memref<80xi32, #tpu.memory_space<hbm>>
      %dma_start3A_239 = arith.constant 0 : i32
      %dma_start3A_240 = tpu.memref_slice %arg4[%add3A, %add3A_235, %dma_start3A_239] : memref<32x128x80xi32, #tpu.memory_space<hbm>> -> memref<1x1x80xi32, #tpu.memory_space<hbm>>
      %dma_start3A_241 = tpu.memref_squeeze %dma_start3A_240 : memref<1x1x80xi32, #tpu.memory_space<hbm>> -> memref<80xi32, #tpu.memory_space<hbm>>
      tpu.enqueue_dma source(%dma_start3A_241 : memref<80xi32, #tpu.memory_space<hbm>>) target(%arg9 : memref<80xi32, #tpu.memory_space<vmem>>) target_semaphore(%arg18 : memref<!tpu.dma_semaphore, #tpu.memory_space<semaphore_mem>>)
      %scan3A_242 = arith.constant 0 : i32
      %scan3A_243 = arith.constant 0 : i32
      %scan3A_244 = arith.constant 80 : i32
      %scan3A_245 = arith.addi %scan3A_243, %scan3A_244 : i32
      %scan3A_246 = arith.constant 1 : i32
      %scan3A_247 = scf.for %scan3A_266 = %scan3A_243 to %scan3A_245 step %scan3A_246 iter_args(%scan3A_267 = %scan3A_242) -> (i32)  : i32 {
        %get3A = arith.index_cast %scan3A_266 : i32 to index
        %get3A_268 = arith.constant 0 : index
        %get3A_269 = tpu.vector_load %arg13[%get3A, %get3A_268] {strides = array<i32>} : memref<80x128xf32, #tpu.memory_space<vmem>>, vector<1x16xf32>,
        %get3A_270 = vector.shape_cast %get3A_269 : vector<1x16xf32> to vector<16xf32>
        %get3A_271 = arith.index_cast %scan3A_266 : i32 to index
        %get3A_272 = arith.constant 0 : index
        %get3A_273 = tpu.vector_load %arg15[%get3A_271, %get3A_272] {strides = array<i32>} : memref<80x128xf32, #tpu.memory_space<vmem>>, vector<1x16xf32>,
        %get3A_274 = vector.shape_cast %get3A_273 : vector<1x16xf32> to vector<16xf32>
        %add3A_275 = arith.addf %get3A_270, %get3A_274 : vector<16xf32>
        %max3A = arith.constant 0.000000e+00 : f32
        %max3A_276 = vector.broadcast %max3A : f32 to vector<16xf32>
        %max3A_277 = arith.maximumf %add3A_275, %max3A_276 : vector<16xf32>
        %swap3A = arith.index_cast %scan3A_266 : i32 to index
        %swap3A_278 = arith.constant 0 : index
        %swap3A_279 = tpu.vector_load %arg13[%swap3A, %swap3A_278] {strides = array<i32>} : memref<80x128xf32, #tpu.memory_space<vmem>>, vector<1x16xf32>,
        %swap3A_280 = vector.shape_cast %swap3A_279 : vector<1x16xf32> to vector<16xf32>
        %swap3A_281 = vector.shape_cast %max3A_277 : vector<16xf32> to vector<1x16xf32>
        tpu.vector_store %arg13[%swap3A, %swap3A_278], %swap3A_281 {strides = array<i32>} : memref<80x128xf32, #tpu.memory_space<vmem>>, vector<1x16xf32>,
        %get3A_282 = arith.index_cast %scan3A_266 : i32 to index
        %get3A_283 = arith.constant 16 : index
        %get3A_284 = tpu.vector_load %arg13[%get3A_282, %get3A_283] {strides = array<i32>} : memref<80x128xf32, #tpu.memory_space<vmem>>, vector<1x16xf32>,
        %get3A_285 = vector.shape_cast %get3A_284 : vector<1x16xf32> to vector<16xf32>
        %get3A_286 = arith.index_cast %scan3A_266 : i32 to index
        %get3A_287 = arith.constant 16 : index
        %get3A_288 = tpu.vector_load %arg15[%get3A_286, %get3A_287] {strides = array<i32>} : memref<80x128xf32, #tpu.memory_space<vmem>>, vector<1x16xf32>,
        %get3A_289 = vector.shape_cast %get3A_288 : vector<1x16xf32> to vector<16xf32>
        %add3A_290 = arith.addf %get3A_285, %get3A_289 : vector<16xf32>
        %max3A_291 = arith.constant 0.000000e+00 : f32
        %max3A_292 = vector.broadcast %max3A_291 : f32 to vector<16xf32>
        %max3A_293 = arith.maximumf %add3A_290, %max3A_292 : vector<16xf32>
        %swap3A_294 = arith.index_cast %scan3A_266 : i32 to index
        %swap3A_295 = arith.constant 16 : index
        %swap3A_296 = tpu.vector_load %arg13[%swap3A_294, %swap3A_295] {strides = array<i32>} : memref<80x128xf32, #tpu.memory_space<vmem>>, vector<1x16xf32>,
        %swap3A_297 = vector.shape_cast %swap3A_296 : vector<1x16xf32> to vector<16xf32>
        %swap3A_298 = vector.shape_cast %max3A_293 : vector<16xf32> to vector<1x16xf32>
        tpu.vector_store %arg13[%swap3A_294, %swap3A_295], %swap3A_298 {strides = array<i32>} : memref<80x128xf32, #tpu.memory_space<vmem>>, vector<1x16xf32>,
        %get3A_299 = arith.index_cast %scan3A_266 : i32 to index
        %get3A_300 = arith.constant 32 : index
        %get3A_301 = tpu.vector_load %arg13[%get3A_299, %get3A_300] {strides = array<i32>} : memref<80x128xf32, #tpu.memory_space<vmem>>, vector<1x16xf32>,
        %get3A_302 = vector.shape_cast %get3A_301 : vector<1x16xf32> to vector<16xf32>
        %get3A_303 = arith.index_cast %scan3A_266 : i32 to index
        %get3A_304 = arith.constant 32 : index
        %get3A_305 = tpu.vector_load %arg15[%get3A_303, %get3A_304] {strides = array<i32>} : memref<80x128xf32, #tpu.memory_space<vmem>>, vector<1x16xf32>,
        %get3A_306 = vector.shape_cast %get3A_305 : vector<1x16xf32> to vector<16xf32>
        %add3A_307 = arith.addf %get3A_302, %get3A_306 : vector<16xf32>
        %max3A_308 = arith.constant 0.000000e+00 : f32
        %max3A_309 = vector.broadcast %max3A_308 : f32 to vector<16xf32>
        %max3A_310 = arith.maximumf %add3A_307, %max3A_309 : vector<16xf32>
        %swap3A_311 = arith.index_cast %scan3A_266 : i32 to index
        %swap3A_312 = arith.constant 32 : index
        %swap3A_313 = tpu.vector_load %arg13[%swap3A_311, %swap3A_312] {strides = array<i32>} : memref<80x128xf32, #tpu.memory_space<vmem>>, vector<1x16xf32>,
        %swap3A_314 = vector.shape_cast %swap3A_313 : vector<1x16xf32> to vector<16xf32>
        %swap3A_315 = vector.shape_cast %max3A_310 : vector<16xf32> to vector<1x16xf32>
        tpu.vector_store %arg13[%swap3A_311, %swap3A_312], %swap3A_315 {strides = array<i32>} : memref<80x128xf32, #tpu.memory_space<vmem>>, vector<1x16xf32>,
        %get3A_316 = arith.index_cast %scan3A_266 : i32 to index
        %get3A_317 = arith.constant 48 : index
        %get3A_318 = tpu.vector_load %arg13[%get3A_316, %get3A_317] {strides = array<i32>} : memref<80x128xf32, #tpu.memory_space<vmem>>, vector<1x16xf32>,
        %get3A_319 = vector.shape_cast %get3A_318 : vector<1x16xf32> to vector<16xf32>
        %get3A_320 = arith.index_cast %scan3A_266 : i32 to index
        %get3A_321 = arith.constant 48 : index
        %get3A_322 = tpu.vector_load %arg15[%get3A_320, %get3A_321] {strides = array<i32>} : memref<80x128xf32, #tpu.memory_space<vmem>>, vector<1x16xf32>,
        %get3A_323 = vector.shape_cast %get3A_322 : vector<1x16xf32> to vector<16xf32>
        %add3A_324 = arith.addf %get3A_319, %get3A_323 : vector<16xf32>
        %max3A_325 = arith.constant 0.000000e+00 : f32
        %max3A_326 = vector.broadcast %max3A_325 : f32 to vector<16xf32>
        %max3A_327 = arith.maximumf %add3A_324, %max3A_326 : vector<16xf32>
        %swap3A_328 = arith.index_cast %scan3A_266 : i32 to index
        %swap3A_329 = arith.constant 48 : index
        %swap3A_330 = tpu.vector_load %arg13[%swap3A_328, %swap3A_329] {strides = array<i32>} : memref<80x128xf32, #tpu.memory_space<vmem>>, vector<1x16xf32>,
        %swap3A_331 = vector.shape_cast %swap3A_330 : vector<1x16xf32> to vector<16xf32>
        %swap3A_332 = vector.shape_cast %max3A_327 : vector<16xf32> to vector<1x16xf32>
        tpu.vector_store %arg13[%swap3A_328, %swap3A_329], %swap3A_332 {strides = array<i32>} : memref<80x128xf32, #tpu.memory_space<vmem>>, vector<1x16xf32>,
        %get3A_333 = arith.index_cast %scan3A_266 : i32 to index
        %get3A_334 = arith.constant 64 : index
        %get3A_335 = tpu.vector_load %arg13[%get3A_333, %get3A_334] {strides = array<i32>} : memref<80x128xf32, #tpu.memory_space<vmem>>, vector<1x16xf32>,
        %get3A_336 = vector.shape_cast %get3A_335 : vector<1x16xf32> to vector<16xf32>
        %get3A_337 = arith.index_cast %scan3A_266 : i32 to index
        %get3A_338 = arith.constant 64 : index
        %get3A_339 = tpu.vector_load %arg15[%get3A_337, %get3A_338] {strides = array<i32>} : memref<80x128xf32, #tpu.memory_space<vmem>>, vector<1x16xf32>,
        %get3A_340 = vector.shape_cast %get3A_339 : vector<1x16xf32> to vector<16xf32>
        %add3A_341 = arith.addf %get3A_336, %get3A_340 : vector<16xf32>
        %max3A_342 = arith.constant 0.000000e+00 : f32
        %max3A_343 = vector.broadcast %max3A_342 : f32 to vector<16xf32>
        %max3A_344 = arith.maximumf %add3A_341, %max3A_343 : vector<16xf32>
        %swap3A_345 = arith.index_cast %scan3A_266 : i32 to index
        %swap3A_346 = arith.constant 64 : index
        %swap3A_347 = tpu.vector_load %arg13[%swap3A_345, %swap3A_346] {strides = array<i32>} : memref<80x128xf32, #tpu.memory_space<vmem>>, vector<1x16xf32>,
        %swap3A_348 = vector.shape_cast %swap3A_347 : vector<1x16xf32> to vector<16xf32>
        %swap3A_349 = vector.shape_cast %max3A_344 : vector<16xf32> to vector<1x16xf32>
        tpu.vector_store %arg13[%swap3A_345, %swap3A_346], %swap3A_349 {strides = array<i32>} : memref<80x128xf32, #tpu.memory_space<vmem>>, vector<1x16xf32>,
        %get3A_350 = arith.index_cast %scan3A_266 : i32 to index
        %get3A_351 = arith.constant 80 : index
        %get3A_352 = tpu.vector_load %arg13[%get3A_350, %get3A_351] {strides = array<i32>} : memref<80x128xf32, #tpu.memory_space<vmem>>, vector<1x16xf32>,
        %get3A_353 = vector.shape_cast %get3A_352 : vector<1x16xf32> to vector<16xf32>
        %get3A_354 = arith.index_cast %scan3A_266 : i32 to index
        %get3A_355 = arith.constant 80 : index
        %get3A_356 = tpu.vector_load %arg15[%get3A_354, %get3A_355] {strides = array<i32>} : memref<80x128xf32, #tpu.memory_space<vmem>>, vector<1x16xf32>,
        %get3A_357 = vector.shape_cast %get3A_356 : vector<1x16xf32> to vector<16xf32>
        %add3A_358 = arith.addf %get3A_353, %get3A_357 : vector<16xf32>
        %max3A_359 = arith.constant 0.000000e+00 : f32
        %max3A_360 = vector.broadcast %max3A_359 : f32 to vector<16xf32>
        %max3A_361 = arith.maximumf %add3A_358, %max3A_360 : vector<16xf32>
        %swap3A_362 = arith.index_cast %scan3A_266 : i32 to index
        %swap3A_363 = arith.constant 80 : index
        %swap3A_364 = tpu.vector_load %arg13[%swap3A_362, %swap3A_363] {strides = array<i32>} : memref<80x128xf32, #tpu.memory_space<vmem>>, vector<1x16xf32>,
        %swap3A_365 = vector.shape_cast %swap3A_364 : vector<1x16xf32> to vector<16xf32>
        %swap3A_366 = vector.shape_cast %max3A_361 : vector<16xf32> to vector<1x16xf32>
        tpu.vector_store %arg13[%swap3A_362, %swap3A_363], %swap3A_366 {strides = array<i32>} : memref<80x128xf32, #tpu.memory_space<vmem>>, vector<1x16xf32>,
        %get3A_367 = arith.index_cast %scan3A_266 : i32 to index
        %get3A_368 = arith.constant 96 : index
        %get3A_369 = tpu.vector_load %arg13[%get3A_367, %get3A_368] {strides = array<i32>} : memref<80x128xf32, #tpu.memory_space<vmem>>, vector<1x16xf32>,
        %get3A_370 = vector.shape_cast %get3A_369 : vector<1x16xf32> to vector<16xf32>
        %get3A_371 = arith.index_cast %scan3A_266 : i32 to index
        %get3A_372 = arith.constant 96 : index
        %get3A_373 = tpu.vector_load %arg15[%get3A_371, %get3A_372] {strides = array<i32>} : memref<80x128xf32, #tpu.memory_space<vmem>>, vector<1x16xf32>,
        %get3A_374 = vector.shape_cast %get3A_373 : vector<1x16xf32> to vector<16xf32>
        %add3A_375 = arith.addf %get3A_370, %get3A_374 : vector<16xf32>
        %max3A_376 = arith.constant 0.000000e+00 : f32
        %max3A_377 = vector.broadcast %max3A_376 : f32 to vector<16xf32>
        %max3A_378 = arith.maximumf %add3A_375, %max3A_377 : vector<16xf32>
        %swap3A_379 = arith.index_cast %scan3A_266 : i32 to index
        %swap3A_380 = arith.constant 96 : index
        %swap3A_381 = tpu.vector_load %arg13[%swap3A_379, %swap3A_380] {strides = array<i32>} : memref<80x128xf32, #tpu.memory_space<vmem>>, vector<1x16xf32>,
        %swap3A_382 = vector.shape_cast %swap3A_381 : vector<1x16xf32> to vector<16xf32>
        %swap3A_383 = vector.shape_cast %max3A_378 : vector<16xf32> to vector<1x16xf32>
        tpu.vector_store %arg13[%swap3A_379, %swap3A_380], %swap3A_383 {strides = array<i32>} : memref<80x128xf32, #tpu.memory_space<vmem>>, vector<1x16xf32>,
        %get3A_384 = arith.index_cast %scan3A_266 : i32 to index
        %get3A_385 = arith.constant 112 : index
        %get3A_386 = tpu.vector_load %arg13[%get3A_384, %get3A_385] {strides = array<i32>} : memref<80x128xf32, #tpu.memory_space<vmem>>, vector<1x16xf32>,
        %get3A_387 = vector.shape_cast %get3A_386 : vector<1x16xf32> to vector<16xf32>
        %get3A_388 = arith.index_cast %scan3A_266 : i32 to index
        %get3A_389 = arith.constant 112 : index
        %get3A_390 = tpu.vector_load %arg15[%get3A_388, %get3A_389] {strides = array<i32>} : memref<80x128xf32, #tpu.memory_space<vmem>>, vector<1x16xf32>,
        %get3A_391 = vector.shape_cast %get3A_390 : vector<1x16xf32> to vector<16xf32>
        %add3A_392 = arith.addf %get3A_387, %get3A_391 : vector<16xf32>
        %max3A_393 = arith.constant 0.000000e+00 : f32
        %max3A_394 = vector.broadcast %max3A_393 : f32 to vector<16xf32>
        %max3A_395 = arith.maximumf %add3A_392, %max3A_394 : vector<16xf32>
        %swap3A_396 = arith.index_cast %scan3A_266 : i32 to index
        %swap3A_397 = arith.constant 112 : index
        %swap3A_398 = tpu.vector_load %arg13[%swap3A_396, %swap3A_397] {strides = array<i32>} : memref<80x128xf32, #tpu.memory_space<vmem>>, vector<1x16xf32>,
        %swap3A_399 = vector.shape_cast %swap3A_398 : vector<1x16xf32> to vector<16xf32>
        %swap3A_400 = vector.shape_cast %max3A_395 : vector<16xf32> to vector<1x16xf32>
        tpu.vector_store %arg13[%swap3A_396, %swap3A_397], %swap3A_400 {strides = array<i32>} : memref<80x128xf32, #tpu.memory_space<vmem>>, vector<1x16xf32>,
        %scan3A_401 = arith.constant 0 : i32
        scf.yield %scan3A_401 : i32
      }
      %scan3A_248 = arith.constant 80 : i32
      %dma_wait3A_249 = arith.constant 0 : i32
      %dma_wait3A_250 = arith.constant 0 : i32
      %dma_wait3A_251 = arith.constant 0 : i32
      %dma_wait3A_252 = tpu.memref_slice %arg5[%dma_wait3A_249, %dma_wait3A_250, %dma_wait3A_251] : memref<32x128x80xi32, #tpu.memory_space<hbm>> -> memref<1x1x80xi32, #tpu.memory_space<hbm>>
      %dma_wait3A_253 = tpu.memref_squeeze %dma_wait3A_252 : memref<1x1x80xi32, #tpu.memory_space<hbm>> -> memref<80xi32, #tpu.memory_space<hbm>>
      %dma_wait3A_254 = arith.constant 0 : i32
      %dma_wait3A_255 = tpu.memref_slice %arg5[%dma_wait3A_249, %dma_wait3A_250, %dma_wait3A_254] : memref<32x128x80xi32, #tpu.memory_space<hbm>> -> memref<1x1x80xi32, #tpu.memory_space<hbm>>
      %dma_wait3A_256 = tpu.memref_squeeze %dma_wait3A_255 : memref<1x1x80xi32, #tpu.memory_space<hbm>> -> memref<80xi32, #tpu.memory_space<hbm>>
      tpu.wait_dma2 semaphore(%arg20 : memref<!tpu.dma_semaphore, #tpu.memory_space<semaphore_mem>>) src(%dma_wait3A_256 : memref<80xi32, #tpu.memory_space<hbm>>) dst(%arg11 : memref<80xi32, #tpu.memory_space<vmem>>)
      "tpu.region"() ({
        %run_scoped3A = tpu.sem_alloc : memref<!tpu.dma_semaphore, #tpu.memory_space<semaphore_mem>>
        %dma_start3A_266 = arith.constant 0 : i32
        %dma_start3A_267 = arith.constant 0 : i32
        %dma_start3A_268 = tpu.memref_slice %arg16[%dma_start3A_266, %dma_start3A_267] : memref<10112x128xf32, #tpu.memory_space<vmem_shared>> -> memref<10112x128xf32, #tpu.memory_space<vmem_shared>>
        tpu.enqueue_indirect_dma source(%arg13 : memref<80x128xf32, #tpu.memory_space<vmem>>) target(%dma_start3A_268 : memref<10112x128xf32, #tpu.memory_space<vmem_shared>>) offsets(%arg11 : memref<80xi32, #tpu.memory_space<vmem>>) semaphore(%run_scoped3A : memref<!tpu.dma_semaphore, #tpu.memory_space<semaphore_mem>>) {add = true}
        %dma_wait3A_269 = arith.constant 0 : i32
        %dma_wait3A_270 = arith.constant 0 : i32
        %dma_wait3A_271 = tpu.memref_slice %arg16[%dma_wait3A_269, %dma_wait3A_270] : memref<10112x128xf32, #tpu.memory_space<vmem_shared>> -> memref<10112x128xf32, #tpu.memory_space<vmem_shared>>
        tpu.wait_indirect_dma semaphore(%run_scoped3A : memref<!tpu.dma_semaphore, #tpu.memory_space<semaphore_mem>>) src(%arg13 : memref<80x128xf32, #tpu.memory_space<vmem>>) dst(%dma_wait3A_271 : memref<10112x128xf32, #tpu.memory_space<vmem_shared>>)
        tpu.yield
      }) : () -> ()
      %add3A_257 = arith.constant 3 : i32
      %add3A_258 = arith.addi %mul3A_138, %add3A_257 : i32
      %dma_start3A_259 = arith.constant 0 : i32
      %dma_start3A_260 = tpu.memref_slice %arg5[%add3A, %add3A_258, %dma_start3A_259] : memref<32x128x80xi32, #tpu.memory_space<hbm>> -> memref<1x1x80xi32, #tpu.memory_space<hbm>>
      %dma_start3A_261 = tpu.memref_squeeze %dma_start3A_260 : memref<1x1x80xi32, #tpu.memory_space<hbm>> -> memref<80xi32, #tpu.memory_space<hbm>>
      %dma_start3A_262 = arith.constant 0 : i32
      %dma_start3A_263 = tpu.memref_slice %arg5[%add3A, %add3A_258, %dma_start3A_262] : memref<32x128x80xi32, #tpu.memory_space<hbm>> -> memref<1x1x80xi32, #tpu.memory_space<hbm>>
      %dma_start3A_264 = tpu.memref_squeeze %dma_start3A_263 : memref<1x1x80xi32, #tpu.memory_space<hbm>> -> memref<80xi32, #tpu.memory_space<hbm>>
      tpu.enqueue_dma source(%dma_start3A_264 : memref<80xi32, #tpu.memory_space<hbm>>) target(%arg11 : memref<80xi32, #tpu.memory_space<vmem>>) target_semaphore(%arg20 : memref<!tpu.dma_semaphore, #tpu.memory_space<semaphore_mem>>)
      %scan3A_265 = arith.constant 0 : i32
      scf.yield %scan3A_265 : i32
    }
    %scan3A_55 = arith.constant 63 : i32
    %dma_wait3A_56 = arith.constant 0 : i32
    %dma_wait3A_57 = arith.constant 0 : i32
    %dma_wait3A_58 = arith.constant 0 : i32
    %dma_wait3A_59 = tpu.memref_slice %arg4[%dma_wait3A_56, %dma_wait3A_57, %dma_wait3A_58] : memref<32x128x80xi32, #tpu.memory_space<hbm>> -> memref<1x1x80xi32, #tpu.memory_space<hbm>>
    %dma_wait3A_60 = tpu.memref_squeeze %dma_wait3A_59 : memref<1x1x80xi32, #tpu.memory_space<hbm>> -> memref<80xi32, #tpu.memory_space<hbm>>
    %dma_wait3A_61 = arith.constant 0 : i32
    %dma_wait3A_62 = tpu.memref_slice %arg4[%dma_wait3A_56, %dma_wait3A_57, %dma_wait3A_61] : memref<32x128x80xi32, #tpu.memory_space<hbm>> -> memref<1x1x80xi32, #tpu.memory_space<hbm>>
    %dma_wait3A_63 = tpu.memref_squeeze %dma_wait3A_62 : memref<1x1x80xi32, #tpu.memory_space<hbm>> -> memref<80xi32, #tpu.memory_space<hbm>>
    tpu.wait_dma2 semaphore(%arg18 : memref<!tpu.dma_semaphore, #tpu.memory_space<semaphore_mem>>) src(%dma_wait3A_63 : memref<80xi32, #tpu.memory_space<hbm>>) dst(%arg9 : memref<80xi32, #tpu.memory_space<vmem>>)
    %add3A_64 = arith.constant 10160 : i32
    %add3A_65 = arith.addi %mul3A_2, %add3A_64 : i32
    %dma_start3A_66 = arith.constant 0 : i32
    %dma_start3A_67 = tpu.memref_slice %arg3[%add3A_65, %dma_start3A_66] : memref<327680x128xf32, #tpu.memory_space<hbm>> -> memref<80x128xf32, #tpu.memory_space<hbm>>
    %dma_start3A_68 = arith.constant 0 : i32
    %dma_start3A_69 = tpu.memref_slice %arg3[%add3A_65, %dma_start3A_68] : memref<327680x128xf32, #tpu.memory_space<hbm>> -> memref<80x128xf32, #tpu.memory_space<hbm>>
    tpu.enqueue_dma source(%dma_start3A_69 : memref<80x128xf32, #tpu.memory_space<hbm>>) target(%arg15 : memref<80x128xf32, #tpu.memory_space<vmem>>) target_semaphore(%arg24 : memref<!tpu.dma_semaphore, #tpu.memory_space<semaphore_mem>>)
    %dma_start3A_70 = arith.constant 0 : i32
    %dma_start3A_71 = arith.constant 0 : i32
    %dma_start3A_72 = tpu.memref_slice %arg2[%dma_start3A_70, %dma_start3A_71] : memref<10000x128xf32, #tpu.memory_space<hbm>> -> memref<10000x128xf32, #tpu.memory_space<hbm>>
    tpu.enqueue_indirect_dma source(%dma_start3A_72 : memref<10000x128xf32, #tpu.memory_space<hbm>>) target(%arg13 : memref<80x128xf32, #tpu.memory_space<vmem>>) offsets(%arg9 : memref<80xi32, #tpu.memory_space<vmem>>) semaphore(%arg22 : memref<!tpu.dma_semaphore, #tpu.memory_space<semaphore_mem>>)
    %dma_wait3A_73 = arith.constant 0 : i32
    %dma_wait3A_74 = arith.constant 0 : i32
    %dma_wait3A_75 = tpu.memref_slice %arg3[%dma_wait3A_73, %dma_wait3A_74] : memref<327680x128xf32, #tpu.memory_space<hbm>> -> memref<80x128xf32, #tpu.memory_space<hbm>>
    %dma_wait3A_76 = arith.constant 0 : i32
    %dma_wait3A_77 = arith.constant 0 : i32
    %dma_wait3A_78 = tpu.memref_slice %arg3[%dma_wait3A_76, %dma_wait3A_77] : memref<327680x128xf32, #tpu.memory_space<hbm>> -> memref<80x128xf32, #tpu.memory_space<hbm>>
    tpu.wait_dma2 semaphore(%arg23 : memref<!tpu.dma_semaphore, #tpu.memory_space<semaphore_mem>>) src(%dma_wait3A_78 : memref<80x128xf32, #tpu.memory_space<hbm>>) dst(%arg14 : memref<80x128xf32, #tpu.memory_space<vmem>>)
    %dma_wait3A_79 = arith.constant 0 : i32
    %dma_wait3A_80 = arith.constant 0 : i32
    %dma_wait3A_81 = tpu.memref_slice %arg3[%dma_wait3A_79, %dma_wait3A_80] : memref<327680x128xf32, #tpu.memory_space<hbm>> -> memref<80x128xf32, #tpu.memory_space<hbm>>
    %dma_wait3A_82 = arith.constant 0 : i32
    %dma_wait3A_83 = arith.constant 0 : i32
    %dma_wait3A_84 = tpu.memref_slice %arg3[%dma_wait3A_82, %dma_wait3A_83] : memref<327680x128xf32, #tpu.memory_space<hbm>> -> memref<80x128xf32, #tpu.memory_space<hbm>>
    tpu.wait_dma2 semaphore(%arg21 : memref<!tpu.dma_semaphore, #tpu.memory_space<semaphore_mem>>) src(%dma_wait3A_84 : memref<80x128xf32, #tpu.memory_space<hbm>>) dst(%arg12 : memref<80x128xf32, #tpu.memory_space<vmem>>)
    %scan3A_85 = arith.constant 0 : i32
    %scan3A_86 = arith.constant 0 : i32
    %scan3A_87 = arith.constant 80 : i32
    %scan3A_88 = arith.addi %scan3A_86, %scan3A_87 : i32
    %scan3A_89 = arith.constant 1 : i32
    %scan3A_90 = scf.for %scan3A_135 = %scan3A_86 to %scan3A_88 step %scan3A_89 iter_args(%scan3A_136 = %scan3A_85) -> (i32)  : i32 {
      %get3A = arith.index_cast %scan3A_135 : i32 to index
      %get3A_137 = arith.constant 0 : index
      %get3A_138 = tpu.vector_load %arg12[%get3A, %get3A_137] {strides = array<i32>} : memref<80x128xf32, #tpu.memory_space<vmem>>, vector<1x16xf32>,
      %get3A_139 = vector.shape_cast %get3A_138 : vector<1x16xf32> to vector<16xf32>
      %get3A_140 = arith.index_cast %scan3A_135 : i32 to index
      %get3A_141 = arith.constant 0 : index
      %get3A_142 = tpu.vector_load %arg14[%get3A_140, %get3A_141] {strides = array<i32>} : memref<80x128xf32, #tpu.memory_space<vmem>>, vector<1x16xf32>,
      %get3A_143 = vector.shape_cast %get3A_142 : vector<1x16xf32> to vector<16xf32>
      %add3A_144 = arith.addf %get3A_139, %get3A_143 : vector<16xf32>
      %max3A = arith.constant 0.000000e+00 : f32
      %max3A_145 = vector.broadcast %max3A : f32 to vector<16xf32>
      %max3A_146 = arith.maximumf %add3A_144, %max3A_145 : vector<16xf32>
      %swap3A = arith.index_cast %scan3A_135 : i32 to index
      %swap3A_147 = arith.constant 0 : index
      %swap3A_148 = tpu.vector_load %arg12[%swap3A, %swap3A_147] {strides = array<i32>} : memref<80x128xf32, #tpu.memory_space<vmem>>, vector<1x16xf32>,
      %swap3A_149 = vector.shape_cast %swap3A_148 : vector<1x16xf32> to vector<16xf32>
      %swap3A_150 = vector.shape_cast %max3A_146 : vector<16xf32> to vector<1x16xf32>
      tpu.vector_store %arg12[%swap3A, %swap3A_147], %swap3A_150 {strides = array<i32>} : memref<80x128xf32, #tpu.memory_space<vmem>>, vector<1x16xf32>,
      %get3A_151 = arith.index_cast %scan3A_135 : i32 to index
      %get3A_152 = arith.constant 16 : index
      %get3A_153 = tpu.vector_load %arg12[%get3A_151, %get3A_152] {strides = array<i32>} : memref<80x128xf32, #tpu.memory_space<vmem>>, vector<1x16xf32>,
      %get3A_154 = vector.shape_cast %get3A_153 : vector<1x16xf32> to vector<16xf32>
      %get3A_155 = arith.index_cast %scan3A_135 : i32 to index
      %get3A_156 = arith.constant 16 : index
      %get3A_157 = tpu.vector_load %arg14[%get3A_155, %get3A_156] {strides = array<i32>} : memref<80x128xf32, #tpu.memory_space<vmem>>, vector<1x16xf32>,
      %get3A_158 = vector.shape_cast %get3A_157 : vector<1x16xf32> to vector<16xf32>
      %add3A_159 = arith.addf %get3A_154, %get3A_158 : vector<16xf32>
      %max3A_160 = arith.constant 0.000000e+00 : f32
      %max3A_161 = vector.broadcast %max3A_160 : f32 to vector<16xf32>
      %max3A_162 = arith.maximumf %add3A_159, %max3A_161 : vector<16xf32>
      %swap3A_163 = arith.index_cast %scan3A_135 : i32 to index
      %swap3A_164 = arith.constant 16 : index
      %swap3A_165 = tpu.vector_load %arg12[%swap3A_163, %swap3A_164] {strides = array<i32>} : memref<80x128xf32, #tpu.memory_space<vmem>>, vector<1x16xf32>,
      %swap3A_166 = vector.shape_cast %swap3A_165 : vector<1x16xf32> to vector<16xf32>
      %swap3A_167 = vector.shape_cast %max3A_162 : vector<16xf32> to vector<1x16xf32>
      tpu.vector_store %arg12[%swap3A_163, %swap3A_164], %swap3A_167 {strides = array<i32>} : memref<80x128xf32, #tpu.memory_space<vmem>>, vector<1x16xf32>,
      %get3A_168 = arith.index_cast %scan3A_135 : i32 to index
      %get3A_169 = arith.constant 32 : index
      %get3A_170 = tpu.vector_load %arg12[%get3A_168, %get3A_169] {strides = array<i32>} : memref<80x128xf32, #tpu.memory_space<vmem>>, vector<1x16xf32>,
      %get3A_171 = vector.shape_cast %get3A_170 : vector<1x16xf32> to vector<16xf32>
      %get3A_172 = arith.index_cast %scan3A_135 : i32 to index
      %get3A_173 = arith.constant 32 : index
      %get3A_174 = tpu.vector_load %arg14[%get3A_172, %get3A_173] {strides = array<i32>} : memref<80x128xf32, #tpu.memory_space<vmem>>, vector<1x16xf32>,
      %get3A_175 = vector.shape_cast %get3A_174 : vector<1x16xf32> to vector<16xf32>
      %add3A_176 = arith.addf %get3A_171, %get3A_175 : vector<16xf32>
      %max3A_177 = arith.constant 0.000000e+00 : f32
      %max3A_178 = vector.broadcast %max3A_177 : f32 to vector<16xf32>
      %max3A_179 = arith.maximumf %add3A_176, %max3A_178 : vector<16xf32>
      %swap3A_180 = arith.index_cast %scan3A_135 : i32 to index
      %swap3A_181 = arith.constant 32 : index
      %swap3A_182 = tpu.vector_load %arg12[%swap3A_180, %swap3A_181] {strides = array<i32>} : memref<80x128xf32, #tpu.memory_space<vmem>>, vector<1x16xf32>,
      %swap3A_183 = vector.shape_cast %swap3A_182 : vector<1x16xf32> to vector<16xf32>
      %swap3A_184 = vector.shape_cast %max3A_179 : vector<16xf32> to vector<1x16xf32>
      tpu.vector_store %arg12[%swap3A_180, %swap3A_181], %swap3A_184 {strides = array<i32>} : memref<80x128xf32, #tpu.memory_space<vmem>>, vector<1x16xf32>,
      %get3A_185 = arith.index_cast %scan3A_135 : i32 to index
      %get3A_186 = arith.constant 48 : index
      %get3A_187 = tpu.vector_load %arg12[%get3A_185, %get3A_186] {strides = array<i32>} : memref<80x128xf32, #tpu.memory_space<vmem>>, vector<1x16xf32>,
      %get3A_188 = vector.shape_cast %get3A_187 : vector<1x16xf32> to vector<16xf32>
      %get3A_189 = arith.index_cast %scan3A_135 : i32 to index
      %get3A_190 = arith.constant 48 : index
      %get3A_191 = tpu.vector_load %arg14[%get3A_189, %get3A_190] {strides = array<i32>} : memref<80x128xf32, #tpu.memory_space<vmem>>, vector<1x16xf32>,
      %get3A_192 = vector.shape_cast %get3A_191 : vector<1x16xf32> to vector<16xf32>
      %add3A_193 = arith.addf %get3A_188, %get3A_192 : vector<16xf32>
      %max3A_194 = arith.constant 0.000000e+00 : f32
      %max3A_195 = vector.broadcast %max3A_194 : f32 to vector<16xf32>
      %max3A_196 = arith.maximumf %add3A_193, %max3A_195 : vector<16xf32>
      %swap3A_197 = arith.index_cast %scan3A_135 : i32 to index
      %swap3A_198 = arith.constant 48 : index
      %swap3A_199 = tpu.vector_load %arg12[%swap3A_197, %swap3A_198] {strides = array<i32>} : memref<80x128xf32, #tpu.memory_space<vmem>>, vector<1x16xf32>,
      %swap3A_200 = vector.shape_cast %swap3A_199 : vector<1x16xf32> to vector<16xf32>
      %swap3A_201 = vector.shape_cast %max3A_196 : vector<16xf32> to vector<1x16xf32>
      tpu.vector_store %arg12[%swap3A_197, %swap3A_198], %swap3A_201 {strides = array<i32>} : memref<80x128xf32, #tpu.memory_space<vmem>>, vector<1x16xf32>,
      %get3A_202 = arith.index_cast %scan3A_135 : i32 to index
      %get3A_203 = arith.constant 64 : index
      %get3A_204 = tpu.vector_load %arg12[%get3A_202, %get3A_203] {strides = array<i32>} : memref<80x128xf32, #tpu.memory_space<vmem>>, vector<1x16xf32>,
      %get3A_205 = vector.shape_cast %get3A_204 : vector<1x16xf32> to vector<16xf32>
      %get3A_206 = arith.index_cast %scan3A_135 : i32 to index
      %get3A_207 = arith.constant 64 : index
      %get3A_208 = tpu.vector_load %arg14[%get3A_206, %get3A_207] {strides = array<i32>} : memref<80x128xf32, #tpu.memory_space<vmem>>, vector<1x16xf32>,
      %get3A_209 = vector.shape_cast %get3A_208 : vector<1x16xf32> to vector<16xf32>
      %add3A_210 = arith.addf %get3A_205, %get3A_209 : vector<16xf32>
      %max3A_211 = arith.constant 0.000000e+00 : f32
      %max3A_212 = vector.broadcast %max3A_211 : f32 to vector<16xf32>
      %max3A_213 = arith.maximumf %add3A_210, %max3A_212 : vector<16xf32>
      %swap3A_214 = arith.index_cast %scan3A_135 : i32 to index
      %swap3A_215 = arith.constant 64 : index
      %swap3A_216 = tpu.vector_load %arg12[%swap3A_214, %swap3A_215] {strides = array<i32>} : memref<80x128xf32, #tpu.memory_space<vmem>>, vector<1x16xf32>,
      %swap3A_217 = vector.shape_cast %swap3A_216 : vector<1x16xf32> to vector<16xf32>
      %swap3A_218 = vector.shape_cast %max3A_213 : vector<16xf32> to vector<1x16xf32>
      tpu.vector_store %arg12[%swap3A_214, %swap3A_215], %swap3A_218 {strides = array<i32>} : memref<80x128xf32, #tpu.memory_space<vmem>>, vector<1x16xf32>,
      %get3A_219 = arith.index_cast %scan3A_135 : i32 to index
      %get3A_220 = arith.constant 80 : index
      %get3A_221 = tpu.vector_load %arg12[%get3A_219, %get3A_220] {strides = array<i32>} : memref<80x128xf32, #tpu.memory_space<vmem>>, vector<1x16xf32>,
      %get3A_222 = vector.shape_cast %get3A_221 : vector<1x16xf32> to vector<16xf32>
      %get3A_223 = arith.index_cast %scan3A_135 : i32 to index
      %get3A_224 = arith.constant 80 : index
      %get3A_225 = tpu.vector_load %arg14[%get3A_223, %get3A_224] {strides = array<i32>} : memref<80x128xf32, #tpu.memory_space<vmem>>, vector<1x16xf32>,
      %get3A_226 = vector.shape_cast %get3A_225 : vector<1x16xf32> to vector<16xf32>
      %add3A_227 = arith.addf %get3A_222, %get3A_226 : vector<16xf32>
      %max3A_228 = arith.constant 0.000000e+00 : f32
      %max3A_229 = vector.broadcast %max3A_228 : f32 to vector<16xf32>
      %max3A_230 = arith.maximumf %add3A_227, %max3A_229 : vector<16xf32>
      %swap3A_231 = arith.index_cast %scan3A_135 : i32 to index
      %swap3A_232 = arith.constant 80 : index
      %swap3A_233 = tpu.vector_load %arg12[%swap3A_231, %swap3A_232] {strides = array<i32>} : memref<80x128xf32, #tpu.memory_space<vmem>>, vector<1x16xf32>,
      %swap3A_234 = vector.shape_cast %swap3A_233 : vector<1x16xf32> to vector<16xf32>
      %swap3A_235 = vector.shape_cast %max3A_230 : vector<16xf32> to vector<1x16xf32>
      tpu.vector_store %arg12[%swap3A_231, %swap3A_232], %swap3A_235 {strides = array<i32>} : memref<80x128xf32, #tpu.memory_space<vmem>>, vector<1x16xf32>,
      %get3A_236 = arith.index_cast %scan3A_135 : i32 to index
      %get3A_237 = arith.constant 96 : index
      %get3A_238 = tpu.vector_load %arg12[%get3A_236, %get3A_237] {strides = array<i32>} : memref<80x128xf32, #tpu.memory_space<vmem>>, vector<1x16xf32>,
      %get3A_239 = vector.shape_cast %get3A_238 : vector<1x16xf32> to vector<16xf32>
      %get3A_240 = arith.index_cast %scan3A_135 : i32 to index
      %get3A_241 = arith.constant 96 : index
      %get3A_242 = tpu.vector_load %arg14[%get3A_240, %get3A_241] {strides = array<i32>} : memref<80x128xf32, #tpu.memory_space<vmem>>, vector<1x16xf32>,
      %get3A_243 = vector.shape_cast %get3A_242 : vector<1x16xf32> to vector<16xf32>
      %add3A_244 = arith.addf %get3A_239, %get3A_243 : vector<16xf32>
      %max3A_245 = arith.constant 0.000000e+00 : f32
      %max3A_246 = vector.broadcast %max3A_245 : f32 to vector<16xf32>
      %max3A_247 = arith.maximumf %add3A_244, %max3A_246 : vector<16xf32>
      %swap3A_248 = arith.index_cast %scan3A_135 : i32 to index
      %swap3A_249 = arith.constant 96 : index
      %swap3A_250 = tpu.vector_load %arg12[%swap3A_248, %swap3A_249] {strides = array<i32>} : memref<80x128xf32, #tpu.memory_space<vmem>>, vector<1x16xf32>,
      %swap3A_251 = vector.shape_cast %swap3A_250 : vector<1x16xf32> to vector<16xf32>
      %swap3A_252 = vector.shape_cast %max3A_247 : vector<16xf32> to vector<1x16xf32>
      tpu.vector_store %arg12[%swap3A_248, %swap3A_249], %swap3A_252 {strides = array<i32>} : memref<80x128xf32, #tpu.memory_space<vmem>>, vector<1x16xf32>,
      %get3A_253 = arith.index_cast %scan3A_135 : i32 to index
      %get3A_254 = arith.constant 112 : index
      %get3A_255 = tpu.vector_load %arg12[%get3A_253, %get3A_254] {strides = array<i32>} : memref<80x128xf32, #tpu.memory_space<vmem>>, vector<1x16xf32>,
      %get3A_256 = vector.shape_cast %get3A_255 : vector<1x16xf32> to vector<16xf32>
      %get3A_257 = arith.index_cast %scan3A_135 : i32 to index
      %get3A_258 = arith.constant 112 : index
      %get3A_259 = tpu.vector_load %arg14[%get3A_257, %get3A_258] {strides = array<i32>} : memref<80x128xf32, #tpu.memory_space<vmem>>, vector<1x16xf32>,
      %get3A_260 = vector.shape_cast %get3A_259 : vector<1x16xf32> to vector<16xf32>
      %add3A_261 = arith.addf %get3A_256, %get3A_260 : vector<16xf32>
      %max3A_262 = arith.constant 0.000000e+00 : f32
      %max3A_263 = vector.broadcast %max3A_262 : f32 to vector<16xf32>
      %max3A_264 = arith.maximumf %add3A_261, %max3A_263 : vector<16xf32>
      %swap3A_265 = arith.index_cast %scan3A_135 : i32 to index
      %swap3A_266 = arith.constant 112 : index
      %swap3A_267 = tpu.vector_load %arg12[%swap3A_265, %swap3A_266] {strides = array<i32>} : memref<80x128xf32, #tpu.memory_space<vmem>>, vector<1x16xf32>,
      %swap3A_268 = vector.shape_cast %swap3A_267 : vector<1x16xf32> to vector<16xf32>
      %swap3A_269 = vector.shape_cast %max3A_264 : vector<16xf32> to vector<1x16xf32>
      tpu.vector_store %arg12[%swap3A_265, %swap3A_266], %swap3A_269 {strides = array<i32>} : memref<80x128xf32, #tpu.memory_space<vmem>>, vector<1x16xf32>,
      %scan3A_270 = arith.constant 0 : i32
      scf.yield %scan3A_270 : i32
    }
    %scan3A_91 = arith.constant 80 : i32
    %dma_wait3A_92 = arith.constant 0 : i32
    %dma_wait3A_93 = arith.constant 0 : i32
    %dma_wait3A_94 = arith.constant 0 : i32
    %dma_wait3A_95 = tpu.memref_slice %arg5[%dma_wait3A_92, %dma_wait3A_93, %dma_wait3A_94] : memref<32x128x80xi32, #tpu.memory_space<hbm>> -> memref<1x1x80xi32, #tpu.memory_space<hbm>>
    %dma_wait3A_96 = tpu.memref_squeeze %dma_wait3A_95 : memref<1x1x80xi32, #tpu.memory_space<hbm>> -> memref<80xi32, #tpu.memory_space<hbm>>
    %dma_wait3A_97 = arith.constant 0 : i32
    %dma_wait3A_98 = tpu.memref_slice %arg5[%dma_wait3A_92, %dma_wait3A_93, %dma_wait3A_97] : memref<32x128x80xi32, #tpu.memory_space<hbm>> -> memref<1x1x80xi32, #tpu.memory_space<hbm>>
    %dma_wait3A_99 = tpu.memref_squeeze %dma_wait3A_98 : memref<1x1x80xi32, #tpu.memory_space<hbm>> -> memref<80xi32, #tpu.memory_space<hbm>>
    tpu.wait_dma2 semaphore(%arg19 : memref<!tpu.dma_semaphore, #tpu.memory_space<semaphore_mem>>) src(%dma_wait3A_99 : memref<80xi32, #tpu.memory_space<hbm>>) dst(%arg10 : memref<80xi32, #tpu.memory_space<vmem>>)
    "tpu.region"() ({
      %run_scoped3A = tpu.sem_alloc : memref<!tpu.dma_semaphore, #tpu.memory_space<semaphore_mem>>
      %dma_start3A_135 = arith.constant 0 : i32
      %dma_start3A_136 = arith.constant 0 : i32
      %dma_start3A_137 = tpu.memref_slice %arg16[%dma_start3A_135, %dma_start3A_136] : memref<10112x128xf32, #tpu.memory_space<vmem_shared>> -> memref<10112x128xf32, #tpu.memory_space<vmem_shared>>
      tpu.enqueue_indirect_dma source(%arg12 : memref<80x128xf32, #tpu.memory_space<vmem>>) target(%dma_start3A_137 : memref<10112x128xf32, #tpu.memory_space<vmem_shared>>) offsets(%arg10 : memref<80xi32, #tpu.memory_space<vmem>>) semaphore(%run_scoped3A : memref<!tpu.dma_semaphore, #tpu.memory_space<semaphore_mem>>) {add = true}
      %dma_wait3A_138 = arith.constant 0 : i32
      %dma_wait3A_139 = arith.constant 0 : i32
      %dma_wait3A_140 = tpu.memref_slice %arg16[%dma_wait3A_138, %dma_wait3A_139] : memref<10112x128xf32, #tpu.memory_space<vmem_shared>> -> memref<10112x128xf32, #tpu.memory_space<vmem_shared>>
      tpu.wait_indirect_dma semaphore(%run_scoped3A : memref<!tpu.dma_semaphore, #tpu.memory_space<semaphore_mem>>) src(%arg12 : memref<80x128xf32, #tpu.memory_space<vmem>>) dst(%dma_wait3A_140 : memref<10112x128xf32, #tpu.memory_space<vmem_shared>>)
      tpu.yield
    }) : () -> ()
    %dma_wait3A_100 = arith.constant 0 : i32
    %dma_wait3A_101 = arith.constant 0 : i32
    %dma_wait3A_102 = tpu.memref_slice %arg3[%dma_wait3A_100, %dma_wait3A_101] : memref<327680x128xf32, #tpu.memory_space<hbm>> -> memref<80x128xf32, #tpu.memory_space<hbm>>
    %dma_wait3A_103 = arith.constant 0 : i32
    %dma_wait3A_104 = arith.constant 0 : i32
    %dma_wait3A_105 = tpu.memref_slice %arg3[%dma_wait3A_103, %dma_wait3A_104] : memref<327680x128xf32, #tpu.memory_space<hbm>> -> memref<80x128xf32, #tpu.memory_space<hbm>>
    tpu.wait_dma2 semaphore(%arg24 : memref<!tpu.dma_semaphore, #tpu.memory_space<semaphore_mem>>) src(%dma_wait3A_105 : memref<80x128xf32, #tpu.memory_space<hbm>>) dst(%arg15 : memref<80x128xf32, #tpu.memory_space<vmem>>)
    %dma_wait3A_106 = arith.constant 0 : i32
    %dma_wait3A_107 = arith.constant 0 : i32
    %dma_wait3A_108 = tpu.memref_slice %arg3[%dma_wait3A_106, %dma_wait3A_107] : memref<327680x128xf32, #tpu.memory_space<hbm>> -> memref<80x128xf32, #tpu.memory_space<hbm>>
    %dma_wait3A_109 = arith.constant 0 : i32
    %dma_wait3A_110 = arith.constant 0 : i32
    %dma_wait3A_111 = tpu.memref_slice %arg3[%dma_wait3A_109, %dma_wait3A_110] : memref<327680x128xf32, #tpu.memory_space<hbm>> -> memref<80x128xf32, #tpu.memory_space<hbm>>
    tpu.wait_dma2 semaphore(%arg22 : memref<!tpu.dma_semaphore, #tpu.memory_space<semaphore_mem>>) src(%dma_wait3A_111 : memref<80x128xf32, #tpu.memory_space<hbm>>) dst(%arg13 : memref<80x128xf32, #tpu.memory_space<vmem>>)
    %scan3A_112 = arith.constant 0 : i32
    %scan3A_113 = arith.constant 0 : i32
    %scan3A_114 = arith.constant 80 : i32
    %scan3A_115 = arith.addi %scan3A_113, %scan3A_114 : i32
    %scan3A_116 = arith.constant 1 : i32
    %scan3A_117 = scf.for %scan3A_135 = %scan3A_113 to %scan3A_115 step %scan3A_116 iter_args(%scan3A_136 = %scan3A_112) -> (i32)  : i32 {
      %get3A = arith.index_cast %scan3A_135 : i32 to index
      %get3A_137 = arith.constant 0 : index
      %get3A_138 = tpu.vector_load %arg13[%get3A, %get3A_137] {strides = array<i32>} : memref<80x128xf32, #tpu.memory_space<vmem>>, vector<1x16xf32>,
      %get3A_139 = vector.shape_cast %get3A_138 : vector<1x16xf32> to vector<16xf32>
      %get3A_140 = arith.index_cast %scan3A_135 : i32 to index
      %get3A_141 = arith.constant 0 : index
      %get3A_142 = tpu.vector_load %arg15[%get3A_140, %get3A_141] {strides = array<i32>} : memref<80x128xf32, #tpu.memory_space<vmem>>, vector<1x16xf32>,
      %get3A_143 = vector.shape_cast %get3A_142 : vector<1x16xf32> to vector<16xf32>
      %add3A_144 = arith.addf %get3A_139, %get3A_143 : vector<16xf32>
      %max3A = arith.constant 0.000000e+00 : f32
      %max3A_145 = vector.broadcast %max3A : f32 to vector<16xf32>
      %max3A_146 = arith.maximumf %add3A_144, %max3A_145 : vector<16xf32>
      %swap3A = arith.index_cast %scan3A_135 : i32 to index
      %swap3A_147 = arith.constant 0 : index
      %swap3A_148 = tpu.vector_load %arg13[%swap3A, %swap3A_147] {strides = array<i32>} : memref<80x128xf32, #tpu.memory_space<vmem>>, vector<1x16xf32>,
      %swap3A_149 = vector.shape_cast %swap3A_148 : vector<1x16xf32> to vector<16xf32>
      %swap3A_150 = vector.shape_cast %max3A_146 : vector<16xf32> to vector<1x16xf32>
      tpu.vector_store %arg13[%swap3A, %swap3A_147], %swap3A_150 {strides = array<i32>} : memref<80x128xf32, #tpu.memory_space<vmem>>, vector<1x16xf32>,
      %get3A_151 = arith.index_cast %scan3A_135 : i32 to index
      %get3A_152 = arith.constant 16 : index
      %get3A_153 = tpu.vector_load %arg13[%get3A_151, %get3A_152] {strides = array<i32>} : memref<80x128xf32, #tpu.memory_space<vmem>>, vector<1x16xf32>,
      %get3A_154 = vector.shape_cast %get3A_153 : vector<1x16xf32> to vector<16xf32>
      %get3A_155 = arith.index_cast %scan3A_135 : i32 to index
      %get3A_156 = arith.constant 16 : index
      %get3A_157 = tpu.vector_load %arg15[%get3A_155, %get3A_156] {strides = array<i32>} : memref<80x128xf32, #tpu.memory_space<vmem>>, vector<1x16xf32>,
      %get3A_158 = vector.shape_cast %get3A_157 : vector<1x16xf32> to vector<16xf32>
      %add3A_159 = arith.addf %get3A_154, %get3A_158 : vector<16xf32>
      %max3A_160 = arith.constant 0.000000e+00 : f32
      %max3A_161 = vector.broadcast %max3A_160 : f32 to vector<16xf32>
      %max3A_162 = arith.maximumf %add3A_159, %max3A_161 : vector<16xf32>
      %swap3A_163 = arith.index_cast %scan3A_135 : i32 to index
      %swap3A_164 = arith.constant 16 : index
      %swap3A_165 = tpu.vector_load %arg13[%swap3A_163, %swap3A_164] {strides = array<i32>} : memref<80x128xf32, #tpu.memory_space<vmem>>, vector<1x16xf32>,
      %swap3A_166 = vector.shape_cast %swap3A_165 : vector<1x16xf32> to vector<16xf32>
      %swap3A_167 = vector.shape_cast %max3A_162 : vector<16xf32> to vector<1x16xf32>
      tpu.vector_store %arg13[%swap3A_163, %swap3A_164], %swap3A_167 {strides = array<i32>} : memref<80x128xf32, #tpu.memory_space<vmem>>, vector<1x16xf32>,
      %get3A_168 = arith.index_cast %scan3A_135 : i32 to index
      %get3A_169 = arith.constant 32 : index
      %get3A_170 = tpu.vector_load %arg13[%get3A_168, %get3A_169] {strides = array<i32>} : memref<80x128xf32, #tpu.memory_space<vmem>>, vector<1x16xf32>,
      %get3A_171 = vector.shape_cast %get3A_170 : vector<1x16xf32> to vector<16xf32>
      %get3A_172 = arith.index_cast %scan3A_135 : i32 to index
      %get3A_173 = arith.constant 32 : index
      %get3A_174 = tpu.vector_load %arg15[%get3A_172, %get3A_173] {strides = array<i32>} : memref<80x128xf32, #tpu.memory_space<vmem>>, vector<1x16xf32>,
      %get3A_175 = vector.shape_cast %get3A_174 : vector<1x16xf32> to vector<16xf32>
      %add3A_176 = arith.addf %get3A_171, %get3A_175 : vector<16xf32>
      %max3A_177 = arith.constant 0.000000e+00 : f32
      %max3A_178 = vector.broadcast %max3A_177 : f32 to vector<16xf32>
      %max3A_179 = arith.maximumf %add3A_176, %max3A_178 : vector<16xf32>
      %swap3A_180 = arith.index_cast %scan3A_135 : i32 to index
      %swap3A_181 = arith.constant 32 : index
      %swap3A_182 = tpu.vector_load %arg13[%swap3A_180, %swap3A_181] {strides = array<i32>} : memref<80x128xf32, #tpu.memory_space<vmem>>, vector<1x16xf32>,
      %swap3A_183 = vector.shape_cast %swap3A_182 : vector<1x16xf32> to vector<16xf32>
      %swap3A_184 = vector.shape_cast %max3A_179 : vector<16xf32> to vector<1x16xf32>
      tpu.vector_store %arg13[%swap3A_180, %swap3A_181], %swap3A_184 {strides = array<i32>} : memref<80x128xf32, #tpu.memory_space<vmem>>, vector<1x16xf32>,
      %get3A_185 = arith.index_cast %scan3A_135 : i32 to index
      %get3A_186 = arith.constant 48 : index
      %get3A_187 = tpu.vector_load %arg13[%get3A_185, %get3A_186] {strides = array<i32>} : memref<80x128xf32, #tpu.memory_space<vmem>>, vector<1x16xf32>,
      %get3A_188 = vector.shape_cast %get3A_187 : vector<1x16xf32> to vector<16xf32>
      %get3A_189 = arith.index_cast %scan3A_135 : i32 to index
      %get3A_190 = arith.constant 48 : index
      %get3A_191 = tpu.vector_load %arg15[%get3A_189, %get3A_190] {strides = array<i32>} : memref<80x128xf32, #tpu.memory_space<vmem>>, vector<1x16xf32>,
      %get3A_192 = vector.shape_cast %get3A_191 : vector<1x16xf32> to vector<16xf32>
      %add3A_193 = arith.addf %get3A_188, %get3A_192 : vector<16xf32>
      %max3A_194 = arith.constant 0.000000e+00 : f32
      %max3A_195 = vector.broadcast %max3A_194 : f32 to vector<16xf32>
      %max3A_196 = arith.maximumf %add3A_193, %max3A_195 : vector<16xf32>
      %swap3A_197 = arith.index_cast %scan3A_135 : i32 to index
      %swap3A_198 = arith.constant 48 : index
      %swap3A_199 = tpu.vector_load %arg13[%swap3A_197, %swap3A_198] {strides = array<i32>} : memref<80x128xf32, #tpu.memory_space<vmem>>, vector<1x16xf32>,
      %swap3A_200 = vector.shape_cast %swap3A_199 : vector<1x16xf32> to vector<16xf32>
      %swap3A_201 = vector.shape_cast %max3A_196 : vector<16xf32> to vector<1x16xf32>
      tpu.vector_store %arg13[%swap3A_197, %swap3A_198], %swap3A_201 {strides = array<i32>} : memref<80x128xf32, #tpu.memory_space<vmem>>, vector<1x16xf32>,
      %get3A_202 = arith.index_cast %scan3A_135 : i32 to index
      %get3A_203 = arith.constant 64 : index
      %get3A_204 = tpu.vector_load %arg13[%get3A_202, %get3A_203] {strides = array<i32>} : memref<80x128xf32, #tpu.memory_space<vmem>>, vector<1x16xf32>,
      %get3A_205 = vector.shape_cast %get3A_204 : vector<1x16xf32> to vector<16xf32>
      %get3A_206 = arith.index_cast %scan3A_135 : i32 to index
      %get3A_207 = arith.constant 64 : index
      %get3A_208 = tpu.vector_load %arg15[%get3A_206, %get3A_207] {strides = array<i32>} : memref<80x128xf32, #tpu.memory_space<vmem>>, vector<1x16xf32>,
      %get3A_209 = vector.shape_cast %get3A_208 : vector<1x16xf32> to vector<16xf32>
      %add3A_210 = arith.addf %get3A_205, %get3A_209 : vector<16xf32>
      %max3A_211 = arith.constant 0.000000e+00 : f32
      %max3A_212 = vector.broadcast %max3A_211 : f32 to vector<16xf32>
      %max3A_213 = arith.maximumf %add3A_210, %max3A_212 : vector<16xf32>
      %swap3A_214 = arith.index_cast %scan3A_135 : i32 to index
      %swap3A_215 = arith.constant 64 : index
      %swap3A_216 = tpu.vector_load %arg13[%swap3A_214, %swap3A_215] {strides = array<i32>} : memref<80x128xf32, #tpu.memory_space<vmem>>, vector<1x16xf32>,
      %swap3A_217 = vector.shape_cast %swap3A_216 : vector<1x16xf32> to vector<16xf32>
      %swap3A_218 = vector.shape_cast %max3A_213 : vector<16xf32> to vector<1x16xf32>
      tpu.vector_store %arg13[%swap3A_214, %swap3A_215], %swap3A_218 {strides = array<i32>} : memref<80x128xf32, #tpu.memory_space<vmem>>, vector<1x16xf32>,
      %get3A_219 = arith.index_cast %scan3A_135 : i32 to index
      %get3A_220 = arith.constant 80 : index
      %get3A_221 = tpu.vector_load %arg13[%get3A_219, %get3A_220] {strides = array<i32>} : memref<80x128xf32, #tpu.memory_space<vmem>>, vector<1x16xf32>,
      %get3A_222 = vector.shape_cast %get3A_221 : vector<1x16xf32> to vector<16xf32>
      %get3A_223 = arith.index_cast %scan3A_135 : i32 to index
      %get3A_224 = arith.constant 80 : index
      %get3A_225 = tpu.vector_load %arg15[%get3A_223, %get3A_224] {strides = array<i32>} : memref<80x128xf32, #tpu.memory_space<vmem>>, vector<1x16xf32>,
      %get3A_226 = vector.shape_cast %get3A_225 : vector<1x16xf32> to vector<16xf32>
      %add3A_227 = arith.addf %get3A_222, %get3A_226 : vector<16xf32>
      %max3A_228 = arith.constant 0.000000e+00 : f32
      %max3A_229 = vector.broadcast %max3A_228 : f32 to vector<16xf32>
      %max3A_230 = arith.maximumf %add3A_227, %max3A_229 : vector<16xf32>
      %swap3A_231 = arith.index_cast %scan3A_135 : i32 to index
      %swap3A_232 = arith.constant 80 : index
      %swap3A_233 = tpu.vector_load %arg13[%swap3A_231, %swap3A_232] {strides = array<i32>} : memref<80x128xf32, #tpu.memory_space<vmem>>, vector<1x16xf32>,
      %swap3A_234 = vector.shape_cast %swap3A_233 : vector<1x16xf32> to vector<16xf32>
      %swap3A_235 = vector.shape_cast %max3A_230 : vector<16xf32> to vector<1x16xf32>
      tpu.vector_store %arg13[%swap3A_231, %swap3A_232], %swap3A_235 {strides = array<i32>} : memref<80x128xf32, #tpu.memory_space<vmem>>, vector<1x16xf32>,
      %get3A_236 = arith.index_cast %scan3A_135 : i32 to index
      %get3A_237 = arith.constant 96 : index
      %get3A_238 = tpu.vector_load %arg13[%get3A_236, %get3A_237] {strides = array<i32>} : memref<80x128xf32, #tpu.memory_space<vmem>>, vector<1x16xf32>,
      %get3A_239 = vector.shape_cast %get3A_238 : vector<1x16xf32> to vector<16xf32>
      %get3A_240 = arith.index_cast %scan3A_135 : i32 to index
      %get3A_241 = arith.constant 96 : index
      %get3A_242 = tpu.vector_load %arg15[%get3A_240, %get3A_241] {strides = array<i32>} : memref<80x128xf32, #tpu.memory_space<vmem>>, vector<1x16xf32>,
      %get3A_243 = vector.shape_cast %get3A_242 : vector<1x16xf32> to vector<16xf32>
      %add3A_244 = arith.addf %get3A_239, %get3A_243 : vector<16xf32>
      %max3A_245 = arith.constant 0.000000e+00 : f32
      %max3A_246 = vector.broadcast %max3A_245 : f32 to vector<16xf32>
      %max3A_247 = arith.maximumf %add3A_244, %max3A_246 : vector<16xf32>
      %swap3A_248 = arith.index_cast %scan3A_135 : i32 to index
      %swap3A_249 = arith.constant 96 : index
      %swap3A_250 = tpu.vector_load %arg13[%swap3A_248, %swap3A_249] {strides = array<i32>} : memref<80x128xf32, #tpu.memory_space<vmem>>, vector<1x16xf32>,
      %swap3A_251 = vector.shape_cast %swap3A_250 : vector<1x16xf32> to vector<16xf32>
      %swap3A_252 = vector.shape_cast %max3A_247 : vector<16xf32> to vector<1x16xf32>
      tpu.vector_store %arg13[%swap3A_248, %swap3A_249], %swap3A_252 {strides = array<i32>} : memref<80x128xf32, #tpu.memory_space<vmem>>, vector<1x16xf32>,
      %get3A_253 = arith.index_cast %scan3A_135 : i32 to index
      %get3A_254 = arith.constant 112 : index
      %get3A_255 = tpu.vector_load %arg13[%get3A_253, %get3A_254] {strides = array<i32>} : memref<80x128xf32, #tpu.memory_space<vmem>>, vector<1x16xf32>,
      %get3A_256 = vector.shape_cast %get3A_255 : vector<1x16xf32> to vector<16xf32>
      %get3A_257 = arith.index_cast %scan3A_135 : i32 to index
      %get3A_258 = arith.constant 112 : index
      %get3A_259 = tpu.vector_load %arg15[%get3A_257, %get3A_258] {strides = array<i32>} : memref<80x128xf32, #tpu.memory_space<vmem>>, vector<1x16xf32>,
      %get3A_260 = vector.shape_cast %get3A_259 : vector<1x16xf32> to vector<16xf32>
      %add3A_261 = arith.addf %get3A_256, %get3A_260 : vector<16xf32>
      %max3A_262 = arith.constant 0.000000e+00 : f32
      %max3A_263 = vector.broadcast %max3A_262 : f32 to vector<16xf32>
      %max3A_264 = arith.maximumf %add3A_261, %max3A_263 : vector<16xf32>
      %swap3A_265 = arith.index_cast %scan3A_135 : i32 to index
      %swap3A_266 = arith.constant 112 : index
      %swap3A_267 = tpu.vector_load %arg13[%swap3A_265, %swap3A_266] {strides = array<i32>} : memref<80x128xf32, #tpu.memory_space<vmem>>, vector<1x16xf32>,
      %swap3A_268 = vector.shape_cast %swap3A_267 : vector<1x16xf32> to vector<16xf32>
      %swap3A_269 = vector.shape_cast %max3A_264 : vector<16xf32> to vector<1x16xf32>
      tpu.vector_store %arg13[%swap3A_265, %swap3A_266], %swap3A_269 {strides = array<i32>} : memref<80x128xf32, #tpu.memory_space<vmem>>, vector<1x16xf32>,
      %scan3A_270 = arith.constant 0 : i32
      scf.yield %scan3A_270 : i32
    }
    %scan3A_118 = arith.constant 80 : i32
    %dma_wait3A_119 = arith.constant 0 : i32
    %dma_wait3A_120 = arith.constant 0 : i32
    %dma_wait3A_121 = arith.constant 0 : i32
    %dma_wait3A_122 = tpu.memref_slice %arg5[%dma_wait3A_119, %dma_wait3A_120, %dma_wait3A_121] : memref<32x128x80xi32, #tpu.memory_space<hbm>> -> memref<1x1x80xi32, #tpu.memory_space<hbm>>
    %dma_wait3A_123 = tpu.memref_squeeze %dma_wait3A_122 : memref<1x1x80xi32, #tpu.memory_space<hbm>> -> memref<80xi32, #tpu.memory_space<hbm>>
    %dma_wait3A_124 = arith.constant 0 : i32
    %dma_wait3A_125 = tpu.memref_slice %arg5[%dma_wait3A_119, %dma_wait3A_120, %dma_wait3A_124] : memref<32x128x80xi32, #tpu.memory_space<hbm>> -> memref<1x1x80xi32, #tpu.memory_space<hbm>>
    %dma_wait3A_126 = tpu.memref_squeeze %dma_wait3A_125 : memref<1x1x80xi32, #tpu.memory_space<hbm>> -> memref<80xi32, #tpu.memory_space<hbm>>
    tpu.wait_dma2 semaphore(%arg20 : memref<!tpu.dma_semaphore, #tpu.memory_space<semaphore_mem>>) src(%dma_wait3A_126 : memref<80xi32, #tpu.memory_space<hbm>>) dst(%arg11 : memref<80xi32, #tpu.memory_space<vmem>>)
    "tpu.region"() ({
      %run_scoped3A = tpu.sem_alloc : memref<!tpu.dma_semaphore, #tpu.memory_space<semaphore_mem>>
      %dma_start3A_135 = arith.constant 0 : i32
      %dma_start3A_136 = arith.constant 0 : i32
      %dma_start3A_137 = tpu.memref_slice %arg16[%dma_start3A_135, %dma_start3A_136] : memref<10112x128xf32, #tpu.memory_space<vmem_shared>> -> memref<10112x128xf32, #tpu.memory_space<vmem_shared>>
      tpu.enqueue_indirect_dma source(%arg13 : memref<80x128xf32, #tpu.memory_space<vmem>>) target(%dma_start3A_137 : memref<10112x128xf32, #tpu.memory_space<vmem_shared>>) offsets(%arg11 : memref<80xi32, #tpu.memory_space<vmem>>) semaphore(%run_scoped3A : memref<!tpu.dma_semaphore, #tpu.memory_space<semaphore_mem>>) {add = true}
      %dma_wait3A_138 = arith.constant 0 : i32
      %dma_wait3A_139 = arith.constant 0 : i32
      %dma_wait3A_140 = tpu.memref_slice %arg16[%dma_wait3A_138, %dma_wait3A_139] : memref<10112x128xf32, #tpu.memory_space<vmem_shared>> -> memref<10112x128xf32, #tpu.memory_space<vmem_shared>>
      tpu.wait_indirect_dma semaphore(%run_scoped3A : memref<!tpu.dma_semaphore, #tpu.memory_space<semaphore_mem>>) src(%arg13 : memref<80x128xf32, #tpu.memory_space<vmem>>) dst(%dma_wait3A_140 : memref<10112x128xf32, #tpu.memory_space<vmem_shared>>)
      tpu.yield
    }) : () -> ()
    %barrier3A_127 = arith.constant 0 : index
    tpu.barrier barrier_id(%barrier3A_127)
    %mul3A_128 = arith.constant 632 : i32
    %mul3A_129 = arith.muli %arg1, %mul3A_128 : i32
    %mul3A_130 = arith.constant 10112 : i32
    %mul3A_131 = arith.muli %arg0, %mul3A_130 : i32
    %mul3A_132 = arith.constant 632 : i32
    %mul3A_133 = arith.muli %arg1, %mul3A_132 : i32
    %add3A_134 = arith.addi %mul3A_131, %mul3A_133 : i32
    "tpu.region"() ({
      %run_scoped3A = tpu.sem_alloc : memref<!tpu.dma_semaphore, #tpu.memory_space<semaphore_mem>>
      %dma_start3A_135 = arith.constant 0 : i32
      %dma_start3A_136 = tpu.memref_slice %arg7[%add3A_134, %dma_start3A_135] : memref<20224x128xf32, #tpu.memory_space<hbm>> -> memref<632x128xf32, #tpu.memory_space<hbm>>
      %dma_start3A_137 = arith.constant 0 : i32
      %dma_start3A_138 = tpu.memref_slice %arg16[%mul3A_129, %dma_start3A_137] : memref<10112x128xf32, #tpu.memory_space<vmem_shared>> -> memref<632x128xf32, #tpu.memory_space<vmem_shared>>
      tpu.enqueue_dma source(%dma_start3A_138 : memref<632x128xf32, #tpu.memory_space<vmem_shared>>) target(%dma_start3A_136 : memref<632x128xf32, #tpu.memory_space<hbm>>) target_semaphore(%run_scoped3A : memref<!tpu.dma_semaphore, #tpu.memory_space<semaphore_mem>>)
      %dma_wait3A_139 = arith.constant 0 : i32
      %dma_wait3A_140 = tpu.memref_slice %arg7[%add3A_134, %dma_wait3A_139] : memref<20224x128xf32, #tpu.memory_space<hbm>> -> memref<632x128xf32, #tpu.memory_space<hbm>>
      %dma_wait3A_141 = arith.constant 0 : i32
      %dma_wait3A_142 = tpu.memref_slice %arg16[%mul3A_129, %dma_wait3A_141] : memref<10112x128xf32, #tpu.memory_space<vmem_shared>> -> memref<632x128xf32, #tpu.memory_space<vmem_shared>>
      tpu.wait_dma2 semaphore(%run_scoped3A : memref<!tpu.dma_semaphore, #tpu.memory_space<semaphore_mem>>) src(%dma_wait3A_142 : memref<632x128xf32, #tpu.memory_space<vmem_shared>>) dst(%dma_wait3A_140 : memref<632x128xf32, #tpu.memory_space<hbm>>)
      tpu.yield
    }) : () -> ()
    return
  }
}

module attributes {stable_mosaic.version = 14 : i64} {
  func.func @_ewb_body(%arg0: i32, %arg1: memref<4096x8xf32, #tpu.memory_space<vmem>>, %arg2: memref<3x8x128xf32, #tpu.memory_space<vmem>>, %arg3: memref<3x1x128xf32, #tpu.memory_space<vmem>>, %arg4: memref<4096x128xf32, #tpu.memory_space<vmem>>, %arg5: memref<4096x128xf32, #tpu.memory_space<vmem>>, %arg6: memref<4096x128xf32, #tpu.memory_space<vmem>>) attributes {dimension_semantics = [#tpu.dimension_semantics<arbitrary>], iteration_bounds = array<i64: 80>, scalar_prefetch = 0 : i64, scratch_operands = 0 : i64, tpu.core_type = #tpu.core_type<tc>, window_params = [{transform_indices = @transform_0, window_bounds = array<i64: 4096, 8>}, {pipeline_mode = #tpu.pipeline_mode<synchronous>, transform_indices = @transform_1, window_bounds = array<i64: 3, 8, 128>}, {pipeline_mode = #tpu.pipeline_mode<synchronous>, transform_indices = @transform_2, window_bounds = array<i64: 3, 1, 128>}, {transform_indices = @transform_3, window_bounds = array<i64: 4096, 128>}, {transform_indices = @transform_4, window_bounds = array<i64: 4096, 128>}, {transform_indices = @transform_5, window_bounds = array<i64: 4096, 128>}]} {
    %get3A = arith.constant 0 : index
    %get3A_0 = arith.constant 0 : index
    %get3A_1 = vector.load %arg1[%get3A, %get3A_0] : memref<4096x8xf32, #tpu.memory_space<vmem>>, vector<4096x8xf32>
    %get3A_2 = arith.constant 0 : index
    %get3A_3 = arith.constant 0 : index
    %get3A_4 = arith.constant 0 : index
    %get3A_5 = vector.load %arg2[%get3A_2, %get3A_3, %get3A_4] : memref<3x8x128xf32, #tpu.memory_space<vmem>>, vector<1x8x128xf32>
    %get3A_6 = vector.shape_cast %get3A_5 : vector<1x8x128xf32> to vector<8x128xf32>
    %dot_general3A = arith.constant dense<0.000000e+00> : vector<4096x128xf32>
    %dot_general3A_7 = tpu.matmul %get3A_1, %get3A_6, %dot_general3A {dimension_numbers = #tpu.dot_dimension_numbers<[1], [0], [0], [1], [0, 0, 1, 1], [], []>, transpose_lhs_hint = false} : vector<4096x8xf32>, vector<8x128xf32>, vector<4096x128xf32> -> vector<4096x128xf32>
    %get3A_8 = arith.constant 0 : index
    %get3A_9 = arith.constant 0 : index
    %get3A_10 = arith.constant 0 : index
    %get3A_11 = vector.load %arg3[%get3A_8, %get3A_9, %get3A_10] : memref<3x1x128xf32, #tpu.memory_space<vmem>>, vector<1x1x128xf32>
    %get3A_12 = vector.shape_cast %get3A_11 : vector<1x1x128xf32> to vector<1x128xf32>
    %add3A = vector.broadcast %get3A_12 : vector<1x128xf32> to vector<4096x128xf32>
    %add3A_13 = arith.addf %dot_general3A_7, %add3A : vector<4096x128xf32>
    %swap3A = arith.constant 0 : index
    %swap3A_14 = arith.constant 0 : index
    %swap3A_15 = vector.load %arg4[%swap3A, %swap3A_14] : memref<4096x128xf32, #tpu.memory_space<vmem>>, vector<4096x128xf32>
    tpu.vector_store %arg4[%swap3A, %swap3A_14], %add3A_13 {strides = array<i32>} : memref<4096x128xf32, #tpu.memory_space<vmem>>, vector<4096x128xf32>,
    %get3A_16 = arith.constant 1 : index
    %get3A_17 = arith.constant 0 : index
    %get3A_18 = arith.constant 0 : index
    %get3A_19 = vector.load %arg2[%get3A_16, %get3A_17, %get3A_18] : memref<3x8x128xf32, #tpu.memory_space<vmem>>, vector<1x8x128xf32>
    %get3A_20 = vector.shape_cast %get3A_19 : vector<1x8x128xf32> to vector<8x128xf32>
    %dot_general3A_21 = arith.constant dense<0.000000e+00> : vector<4096x128xf32>
    %dot_general3A_22 = tpu.matmul %get3A_1, %get3A_20, %dot_general3A_21 {dimension_numbers = #tpu.dot_dimension_numbers<[1], [0], [0], [1], [0, 0, 1, 1], [], []>, transpose_lhs_hint = false} : vector<4096x8xf32>, vector<8x128xf32>, vector<4096x128xf32> -> vector<4096x128xf32>
    %get3A_23 = arith.constant 1 : index
    %get3A_24 = arith.constant 0 : index
    %get3A_25 = arith.constant 0 : index
    %get3A_26 = vector.load %arg3[%get3A_23, %get3A_24, %get3A_25] : memref<3x1x128xf32, #tpu.memory_space<vmem>>, vector<1x1x128xf32>
    %get3A_27 = vector.shape_cast %get3A_26 : vector<1x1x128xf32> to vector<1x128xf32>
    %add3A_28 = vector.broadcast %get3A_27 : vector<1x128xf32> to vector<4096x128xf32>
    %add3A_29 = arith.addf %dot_general3A_22, %add3A_28 : vector<4096x128xf32>
    %swap3A_30 = arith.constant 0 : index
    %swap3A_31 = arith.constant 0 : index
    %swap3A_32 = vector.load %arg5[%swap3A_30, %swap3A_31] : memref<4096x128xf32, #tpu.memory_space<vmem>>, vector<4096x128xf32>
    tpu.vector_store %arg5[%swap3A_30, %swap3A_31], %add3A_29 {strides = array<i32>} : memref<4096x128xf32, #tpu.memory_space<vmem>>, vector<4096x128xf32>,
    %get3A_33 = arith.constant 2 : index
    %get3A_34 = arith.constant 0 : index
    %get3A_35 = arith.constant 0 : index
    %get3A_36 = vector.load %arg2[%get3A_33, %get3A_34, %get3A_35] : memref<3x8x128xf32, #tpu.memory_space<vmem>>, vector<1x8x128xf32>
    %get3A_37 = vector.shape_cast %get3A_36 : vector<1x8x128xf32> to vector<8x128xf32>
    %dot_general3A_38 = arith.constant dense<0.000000e+00> : vector<4096x128xf32>
    %dot_general3A_39 = tpu.matmul %get3A_1, %get3A_37, %dot_general3A_38 {dimension_numbers = #tpu.dot_dimension_numbers<[1], [0], [0], [1], [0, 0, 1, 1], [], []>, transpose_lhs_hint = false} : vector<4096x8xf32>, vector<8x128xf32>, vector<4096x128xf32> -> vector<4096x128xf32>
    %get3A_40 = arith.constant 2 : index
    %get3A_41 = arith.constant 0 : index
    %get3A_42 = arith.constant 0 : index
    %get3A_43 = vector.load %arg3[%get3A_40, %get3A_41, %get3A_42] : memref<3x1x128xf32, #tpu.memory_space<vmem>>, vector<1x1x128xf32>
    %get3A_44 = vector.shape_cast %get3A_43 : vector<1x1x128xf32> to vector<1x128xf32>
    %add3A_45 = vector.broadcast %get3A_44 : vector<1x128xf32> to vector<4096x128xf32>
    %add3A_46 = arith.addf %dot_general3A_39, %add3A_45 : vector<4096x128xf32>
    %swap3A_47 = arith.constant 0 : index
    %swap3A_48 = arith.constant 0 : index
    %swap3A_49 = vector.load %arg6[%swap3A_47, %swap3A_48] : memref<4096x128xf32, #tpu.memory_space<vmem>>, vector<4096x128xf32>
    tpu.vector_store %arg6[%swap3A_47, %swap3A_48], %add3A_46 {strides = array<i32>} : memref<4096x128xf32, #tpu.memory_space<vmem>>, vector<4096x128xf32>,
    return
  }
  func.func @transform_0(%arg0: i32) -> (i32, i32) {
    %c0_i32 = arith.constant 0 : i32
    %c0_i32_0 = arith.constant 0 : i32
    return %arg0, %c0_i32 : i32, i32
  }
  func.func @transform_1(%arg0: i32) -> (i32, i32, i32) {
    %c0_i32 = arith.constant 0 : i32
    %c0_i32_0 = arith.constant 0 : i32
    %c0_i32_1 = arith.constant 0 : i32
    %c0_i32_2 = arith.constant 0 : i32
    return %c0_i32, %c0_i32_0, %c0_i32_1 : i32, i32, i32
  }
  func.func @transform_2(%arg0: i32) -> (i32, i32, i32) {
    %c0_i32 = arith.constant 0 : i32
    %c0_i32_0 = arith.constant 0 : i32
    %c0_i32_1 = arith.constant 0 : i32
    %c0_i32_2 = arith.constant 0 : i32
    return %c0_i32, %c0_i32_0, %c0_i32_1 : i32, i32, i32
  }
  func.func @transform_3(%arg0: i32) -> (i32, i32) {
    %c0_i32 = arith.constant 0 : i32
    %c0_i32_0 = arith.constant 0 : i32
    return %arg0, %c0_i32 : i32, i32
  }
  func.func @transform_4(%arg0: i32) -> (i32, i32) {
    %c0_i32 = arith.constant 0 : i32
    %c0_i32_0 = arith.constant 0 : i32
    return %arg0, %c0_i32 : i32, i32
  }
  func.func @transform_5(%arg0: i32) -> (i32, i32) {
    %c0_i32 = arith.constant 0 : i32
    %c0_i32_0 = arith.constant 0 : i32
    return %arg0, %c0_i32 : i32, i32
  }
}

module attributes {stable_mosaic.version = 14 : i64} {
  func.func @_transform_body(%arg0: memref<10000x8xf32, #tpu.memory_space<vmem>>, %arg1: memref<8x128xf32, #tpu.memory_space<vmem>>, %arg2: memref<8x128xf32, #tpu.memory_space<vmem>>, %arg3: memref<10000x128xf32, #tpu.memory_space<vmem>>, %arg4: memref<10000x128xf32, #tpu.memory_space<vmem>>) attributes {dimension_semantics = [], scalar_prefetch = 0 : i64, scratch_operands = 0 : i64, tpu.core_type = #tpu.core_type<tc>} {
    %get3A = arith.constant 0 : index
    %get3A_0 = arith.constant 0 : index
    %get3A_1 = vector.load %arg0[%get3A, %get3A_0] : memref<10000x8xf32, #tpu.memory_space<vmem>>, vector<10000x8xf32>
    %get3A_2 = arith.constant 0 : index
    %get3A_3 = arith.constant 0 : index
    %get3A_4 = vector.load %arg1[%get3A_2, %get3A_3] : memref<8x128xf32, #tpu.memory_space<vmem>>, vector<8x128xf32>
    %dot_general3A = arith.constant dense<0.000000e+00> : vector<10000x128xf32>
    %dot_general3A_5 = tpu.matmul %get3A_1, %get3A_4, %dot_general3A {dimension_numbers = #tpu.dot_dimension_numbers<[1], [0], [0], [1], [0, 0, 1, 1], [], []>, transpose_lhs_hint = false} : vector<10000x8xf32>, vector<8x128xf32>, vector<10000x128xf32> -> vector<10000x128xf32>
    %swap3A = arith.constant 0 : index
    %swap3A_6 = arith.constant 0 : index
    %swap3A_7 = vector.load %arg3[%swap3A, %swap3A_6] : memref<10000x128xf32, #tpu.memory_space<vmem>>, vector<10000x128xf32>
    tpu.vector_store %arg3[%swap3A, %swap3A_6], %dot_general3A_5 {strides = array<i32>} : memref<10000x128xf32, #tpu.memory_space<vmem>>, vector<10000x128xf32>,
    %get3A_8 = arith.constant 0 : index
    %get3A_9 = arith.constant 0 : index
    %get3A_10 = vector.load %arg2[%get3A_8, %get3A_9] : memref<8x128xf32, #tpu.memory_space<vmem>>, vector<8x128xf32>
    %dot_general3A_11 = arith.constant dense<0.000000e+00> : vector<10000x128xf32>
    %dot_general3A_12 = tpu.matmul %get3A_1, %get3A_10, %dot_general3A_11 {dimension_numbers = #tpu.dot_dimension_numbers<[1], [0], [0], [1], [0, 0, 1, 1], [], []>, transpose_lhs_hint = false} : vector<10000x8xf32>, vector<8x128xf32>, vector<10000x128xf32> -> vector<10000x128xf32>
    %swap3A_13 = arith.constant 0 : index
    %swap3A_14 = arith.constant 0 : index
    %swap3A_15 = vector.load %arg4[%swap3A_13, %swap3A_14] : memref<10000x128xf32, #tpu.memory_space<vmem>>, vector<10000x128xf32>
    tpu.vector_store %arg4[%swap3A_13, %swap3A_14], %dot_general3A_12 {strides = array<i32>} : memref<10000x128xf32, #tpu.memory_space<vmem>>, vector<10000x128xf32>,
    return
  }
}

module attributes {stable_mosaic.version = 14 : i64} {
  func.func @_update_body(%arg0: memref<10000x128xf32, #tpu.memory_space<vmem>>, %arg1: memref<20224x128xf32, #tpu.memory_space<vmem>>, %arg2: memref<1x128xf32, #tpu.memory_space<vmem>>, %arg3: memref<10000x128xf32, #tpu.memory_space<vmem>>) attributes {dimension_semantics = [], scalar_prefetch = 0 : i64, scratch_operands = 0 : i64, tpu.core_type = #tpu.core_type<tc>} {
    %get3A = arith.constant 0 : index
    %get3A_0 = arith.constant 0 : index
    %get3A_1 = vector.load %arg1[%get3A, %get3A_0] : memref<20224x128xf32, #tpu.memory_space<vmem>>, vector<10000x128xf32>
    %get3A_2 = arith.constant 10112 : index
    %get3A_3 = arith.constant 0 : index
    %get3A_4 = vector.load %arg1[%get3A_2, %get3A_3] : memref<20224x128xf32, #tpu.memory_space<vmem>>, vector<10000x128xf32>
    %get3A_5 = arith.constant 0 : index
    %get3A_6 = arith.constant 0 : index
    %get3A_7 = vector.load %arg0[%get3A_5, %get3A_6] : memref<10000x128xf32, #tpu.memory_space<vmem>>, vector<10000x128xf32>
    %add3A = arith.addf %get3A_7, %get3A_1 : vector<10000x128xf32>
    %add3A_8 = arith.addf %add3A, %get3A_4 : vector<10000x128xf32>
    %get3A_9 = arith.constant 0 : index
    %get3A_10 = arith.constant 0 : index
    %get3A_11 = vector.load %arg2[%get3A_9, %get3A_10] : memref<1x128xf32, #tpu.memory_space<vmem>>, vector<1x128xf32>
    %add3A_12 = vector.broadcast %get3A_11 : vector<1x128xf32> to vector<10000x128xf32>
    %add3A_13 = arith.addf %add3A_8, %add3A_12 : vector<10000x128xf32>
    %max3A = arith.constant 0.000000e+00 : f32
    %max3A_14 = vector.broadcast %max3A : f32 to vector<10000x128xf32>
    %max3A_15 = arith.maximumf %add3A_13, %max3A_14 : vector<10000x128xf32>
    %swap3A = arith.constant 0 : index
    %swap3A_16 = arith.constant 0 : index
    %swap3A_17 = vector.load %arg3[%swap3A, %swap3A_16] : memref<10000x128xf32, #tpu.memory_space<vmem>>, vector<10000x128xf32>
    tpu.vector_store %arg3[%swap3A, %swap3A_16], %max3A_15 {strides = array<i32>} : memref<10000x128xf32, #tpu.memory_space<vmem>>, vector<10000x128xf32>,
    return
  }
}

module attributes {stable_mosaic.version = 14 : i64} {
  func.func @_transform_body(%arg0: memref<10000x128xf32, #tpu.memory_space<vmem>>, %arg1: memref<128x128xf32, #tpu.memory_space<vmem>>, %arg2: memref<128x128xf32, #tpu.memory_space<vmem>>, %arg3: memref<10000x128xf32, #tpu.memory_space<vmem>>, %arg4: memref<10000x128xf32, #tpu.memory_space<vmem>>) attributes {dimension_semantics = [], scalar_prefetch = 0 : i64, scratch_operands = 0 : i64, tpu.core_type = #tpu.core_type<tc>} {
    %get3A = arith.constant 0 : index
    %get3A_0 = arith.constant 0 : index
    %get3A_1 = vector.load %arg0[%get3A, %get3A_0] : memref<10000x128xf32, #tpu.memory_space<vmem>>, vector<10000x128xf32>
    %get3A_2 = arith.constant 0 : index
    %get3A_3 = arith.constant 0 : index
    %get3A_4 = vector.load %arg1[%get3A_2, %get3A_3] : memref<128x128xf32, #tpu.memory_space<vmem>>, vector<128x128xf32>
    %dot_general3A = arith.constant dense<0.000000e+00> : vector<10000x128xf32>
    %dot_general3A_5 = tpu.matmul %get3A_1, %get3A_4, %dot_general3A {dimension_numbers = #tpu.dot_dimension_numbers<[1], [0], [0], [1], [0, 0, 1, 1], [], []>, transpose_lhs_hint = false} : vector<10000x128xf32>, vector<128x128xf32>, vector<10000x128xf32> -> vector<10000x128xf32>
    %swap3A = arith.constant 0 : index
    %swap3A_6 = arith.constant 0 : index
    %swap3A_7 = vector.load %arg3[%swap3A, %swap3A_6] : memref<10000x128xf32, #tpu.memory_space<vmem>>, vector<10000x128xf32>
    tpu.vector_store %arg3[%swap3A, %swap3A_6], %dot_general3A_5 {strides = array<i32>} : memref<10000x128xf32, #tpu.memory_space<vmem>>, vector<10000x128xf32>,
    %get3A_8 = arith.constant 0 : index
    %get3A_9 = arith.constant 0 : index
    %get3A_10 = vector.load %arg2[%get3A_8, %get3A_9] : memref<128x128xf32, #tpu.memory_space<vmem>>, vector<128x128xf32>
    %dot_general3A_11 = arith.constant dense<0.000000e+00> : vector<10000x128xf32>
    %dot_general3A_12 = tpu.matmul %get3A_1, %get3A_10, %dot_general3A_11 {dimension_numbers = #tpu.dot_dimension_numbers<[1], [0], [0], [1], [0, 0, 1, 1], [], []>, transpose_lhs_hint = false} : vector<10000x128xf32>, vector<128x128xf32>, vector<10000x128xf32> -> vector<10000x128xf32>
    %swap3A_13 = arith.constant 0 : index
    %swap3A_14 = arith.constant 0 : index
    %swap3A_15 = vector.load %arg4[%swap3A_13, %swap3A_14] : memref<10000x128xf32, #tpu.memory_space<vmem>>, vector<10000x128xf32>
    tpu.vector_store %arg4[%swap3A_13, %swap3A_14], %dot_general3A_12 {strides = array<i32>} : memref<10000x128xf32, #tpu.memory_space<vmem>>, vector<10000x128xf32>,
    return
  }
}

module attributes {stable_mosaic.version = 14 : i64} {
  func.func @_pool_body(%arg0: memref<10000x128xf32, #tpu.memory_space<vmem>>, %arg1: memref<10000x1xi32, #tpu.memory_space<vmem>>, %arg2: memref<128x128xf32, #tpu.memory_space<vmem>>, %arg3: memref<1x128xf32, #tpu.memory_space<vmem>>, %arg4: memref<128x128xf32, #tpu.memory_space<vmem>>, %arg5: memref<1x128xf32, #tpu.memory_space<vmem>>, %arg6: memref<8x128xf32, #tpu.memory_space<vmem>>) attributes {dimension_semantics = [], scalar_prefetch = 0 : i64, scratch_operands = 0 : i64, tpu.core_type = #tpu.core_type<tc>} {
    %get3A = arith.constant 0 : index
    %get3A_0 = arith.constant 0 : index
    %get3A_1 = vector.load %arg0[%get3A, %get3A_0] : memref<10000x128xf32, #tpu.memory_space<vmem>>, vector<10000x128xf32>
    %get3A_2 = arith.constant 0 : index
    %get3A_3 = arith.constant 0 : index
    %get3A_4 = vector.load %arg1[%get3A_2, %get3A_3] : memref<10000x1xi32, #tpu.memory_space<vmem>>, vector<10000x1xi32>
    %broadcast_in_dim3A = arith.constant 0xFF800000 : f32
    %broadcast_in_dim3A_5 = vector.broadcast %broadcast_in_dim3A : f32 to vector<10000x128xf32>
    %eq3A = arith.constant 0 : i32
    %eq3A_6 = vector.broadcast %eq3A : i32 to vector<10000x1xi32>
    %eq3A_7 = arith.cmpi eq, %get3A_4, %eq3A_6 : vector<10000x1xi32>
    %broadcast_in_dim3A_8 = vector.shape_cast %eq3A_7 : vector<10000x1xi1> to vector<10000x1xi1>
    %broadcast_in_dim3A_9 = vector.broadcast %broadcast_in_dim3A_8 : vector<10000x1xi1> to vector<10000x128xi1>
    %select_n3A = arith.select %broadcast_in_dim3A_9, %get3A_1, %broadcast_in_dim3A_5 : vector<10000x128xi1>, vector<10000x128xf32>
    %reduce_max3A = arith.constant dense<0xFF800000> : vector<128xf32>
    %reduce_max3A_10 = vector.multi_reduction <maximumf>, %select_n3A, %reduce_max3A [0] : vector<10000x128xf32> to vector<128xf32>
    %broadcast_in_dim3A_11 = vector.shape_cast %reduce_max3A_10 : vector<128xf32> to vector<1x128xf32>
    %eq3A_12 = arith.constant 1 : i32
    %eq3A_13 = vector.broadcast %eq3A_12 : i32 to vector<10000x1xi32>
    %eq3A_14 = arith.cmpi eq, %get3A_4, %eq3A_13 : vector<10000x1xi32>
    %broadcast_in_dim3A_15 = vector.shape_cast %eq3A_14 : vector<10000x1xi1> to vector<10000x1xi1>
    %broadcast_in_dim3A_16 = vector.broadcast %broadcast_in_dim3A_15 : vector<10000x1xi1> to vector<10000x128xi1>
    %select_n3A_17 = arith.select %broadcast_in_dim3A_16, %get3A_1, %broadcast_in_dim3A_5 : vector<10000x128xi1>, vector<10000x128xf32>
    %reduce_max3A_18 = arith.constant dense<0xFF800000> : vector<128xf32>
    %reduce_max3A_19 = vector.multi_reduction <maximumf>, %select_n3A_17, %reduce_max3A_18 [0] : vector<10000x128xf32> to vector<128xf32>
    %broadcast_in_dim3A_20 = vector.shape_cast %reduce_max3A_19 : vector<128xf32> to vector<1x128xf32>
    %eq3A_21 = arith.constant 2 : i32
    %eq3A_22 = vector.broadcast %eq3A_21 : i32 to vector<10000x1xi32>
    %eq3A_23 = arith.cmpi eq, %get3A_4, %eq3A_22 : vector<10000x1xi32>
    %broadcast_in_dim3A_24 = vector.shape_cast %eq3A_23 : vector<10000x1xi1> to vector<10000x1xi1>
    %broadcast_in_dim3A_25 = vector.broadcast %broadcast_in_dim3A_24 : vector<10000x1xi1> to vector<10000x128xi1>
    %select_n3A_26 = arith.select %broadcast_in_dim3A_25, %get3A_1, %broadcast_in_dim3A_5 : vector<10000x128xi1>, vector<10000x128xf32>
    %reduce_max3A_27 = arith.constant dense<0xFF800000> : vector<128xf32>
    %reduce_max3A_28 = vector.multi_reduction <maximumf>, %select_n3A_26, %reduce_max3A_27 [0] : vector<10000x128xf32> to vector<128xf32>
    %broadcast_in_dim3A_29 = vector.shape_cast %reduce_max3A_28 : vector<128xf32> to vector<1x128xf32>
    %eq3A_30 = arith.constant 3 : i32
    %eq3A_31 = vector.broadcast %eq3A_30 : i32 to vector<10000x1xi32>
    %eq3A_32 = arith.cmpi eq, %get3A_4, %eq3A_31 : vector<10000x1xi32>
    %broadcast_in_dim3A_33 = vector.shape_cast %eq3A_32 : vector<10000x1xi1> to vector<10000x1xi1>
    %broadcast_in_dim3A_34 = vector.broadcast %broadcast_in_dim3A_33 : vector<10000x1xi1> to vector<10000x128xi1>
    %select_n3A_35 = arith.select %broadcast_in_dim3A_34, %get3A_1, %broadcast_in_dim3A_5 : vector<10000x128xi1>, vector<10000x128xf32>
    %reduce_max3A_36 = arith.constant dense<0xFF800000> : vector<128xf32>
    %reduce_max3A_37 = vector.multi_reduction <maximumf>, %select_n3A_35, %reduce_max3A_36 [0] : vector<10000x128xf32> to vector<128xf32>
    %broadcast_in_dim3A_38 = vector.shape_cast %reduce_max3A_37 : vector<128xf32> to vector<1x128xf32>
    %eq3A_39 = arith.constant 4 : i32
    %eq3A_40 = vector.broadcast %eq3A_39 : i32 to vector<10000x1xi32>
    %eq3A_41 = arith.cmpi eq, %get3A_4, %eq3A_40 : vector<10000x1xi32>
    %broadcast_in_dim3A_42 = vector.shape_cast %eq3A_41 : vector<10000x1xi1> to vector<10000x1xi1>
    %broadcast_in_dim3A_43 = vector.broadcast %broadcast_in_dim3A_42 : vector<10000x1xi1> to vector<10000x128xi1>
    %select_n3A_44 = arith.select %broadcast_in_dim3A_43, %get3A_1, %broadcast_in_dim3A_5 : vector<10000x128xi1>, vector<10000x128xf32>
    %reduce_max3A_45 = arith.constant dense<0xFF800000> : vector<128xf32>
    %reduce_max3A_46 = vector.multi_reduction <maximumf>, %select_n3A_44, %reduce_max3A_45 [0] : vector<10000x128xf32> to vector<128xf32>
    %broadcast_in_dim3A_47 = vector.shape_cast %reduce_max3A_46 : vector<128xf32> to vector<1x128xf32>
    %eq3A_48 = arith.constant 5 : i32
    %eq3A_49 = vector.broadcast %eq3A_48 : i32 to vector<10000x1xi32>
    %eq3A_50 = arith.cmpi eq, %get3A_4, %eq3A_49 : vector<10000x1xi32>
    %broadcast_in_dim3A_51 = vector.shape_cast %eq3A_50 : vector<10000x1xi1> to vector<10000x1xi1>
    %broadcast_in_dim3A_52 = vector.broadcast %broadcast_in_dim3A_51 : vector<10000x1xi1> to vector<10000x128xi1>
    %select_n3A_53 = arith.select %broadcast_in_dim3A_52, %get3A_1, %broadcast_in_dim3A_5 : vector<10000x128xi1>, vector<10000x128xf32>
    %reduce_max3A_54 = arith.constant dense<0xFF800000> : vector<128xf32>
    %reduce_max3A_55 = vector.multi_reduction <maximumf>, %select_n3A_53, %reduce_max3A_54 [0] : vector<10000x128xf32> to vector<128xf32>
    %broadcast_in_dim3A_56 = vector.shape_cast %reduce_max3A_55 : vector<128xf32> to vector<1x128xf32>
    %eq3A_57 = arith.constant 6 : i32
    %eq3A_58 = vector.broadcast %eq3A_57 : i32 to vector<10000x1xi32>
    %eq3A_59 = arith.cmpi eq, %get3A_4, %eq3A_58 : vector<10000x1xi32>
    %broadcast_in_dim3A_60 = vector.shape_cast %eq3A_59 : vector<10000x1xi1> to vector<10000x1xi1>
    %broadcast_in_dim3A_61 = vector.broadcast %broadcast_in_dim3A_60 : vector<10000x1xi1> to vector<10000x128xi1>
    %select_n3A_62 = arith.select %broadcast_in_dim3A_61, %get3A_1, %broadcast_in_dim3A_5 : vector<10000x128xi1>, vector<10000x128xf32>
    %reduce_max3A_63 = arith.constant dense<0xFF800000> : vector<128xf32>
    %reduce_max3A_64 = vector.multi_reduction <maximumf>, %select_n3A_62, %reduce_max3A_63 [0] : vector<10000x128xf32> to vector<128xf32>
    %broadcast_in_dim3A_65 = vector.shape_cast %reduce_max3A_64 : vector<128xf32> to vector<1x128xf32>
    %eq3A_66 = arith.constant 7 : i32
    %eq3A_67 = vector.broadcast %eq3A_66 : i32 to vector<10000x1xi32>
    %eq3A_68 = arith.cmpi eq, %get3A_4, %eq3A_67 : vector<10000x1xi32>
    %broadcast_in_dim3A_69 = vector.shape_cast %eq3A_68 : vector<10000x1xi1> to vector<10000x1xi1>
    %broadcast_in_dim3A_70 = vector.broadcast %broadcast_in_dim3A_69 : vector<10000x1xi1> to vector<10000x128xi1>
    %select_n3A_71 = arith.select %broadcast_in_dim3A_70, %get3A_1, %broadcast_in_dim3A_5 : vector<10000x128xi1>, vector<10000x128xf32>
    %reduce_max3A_72 = arith.constant dense<0xFF800000> : vector<128xf32>
    %reduce_max3A_73 = vector.multi_reduction <maximumf>, %select_n3A_71, %reduce_max3A_72 [0] : vector<10000x128xf32> to vector<128xf32>
    %broadcast_in_dim3A_74 = vector.shape_cast %reduce_max3A_73 : vector<128xf32> to vector<1x128xf32>
    %concatenate3A = tpu.concatenate %broadcast_in_dim3A_11, %broadcast_in_dim3A_20, %broadcast_in_dim3A_29, %broadcast_in_dim3A_38, %broadcast_in_dim3A_47, %broadcast_in_dim3A_56, %broadcast_in_dim3A_65, %broadcast_in_dim3A_74 in 0 : vector<1x128xf32>, vector<1x128xf32>, vector<1x128xf32>, vector<1x128xf32>, vector<1x128xf32>, vector<1x128xf32>, vector<1x128xf32>, vector<1x128xf32> -> vector<8x128xf32>
    %get3A_75 = arith.constant 0 : index
    %get3A_76 = arith.constant 0 : index
    %get3A_77 = vector.load %arg2[%get3A_75, %get3A_76] : memref<128x128xf32, #tpu.memory_space<vmem>>, vector<128x128xf32>
    %dot_general3A = arith.constant dense<0.000000e+00> : vector<8x128xf32>
    %dot_general3A_78 = tpu.matmul %concatenate3A, %get3A_77, %dot_general3A {dimension_numbers = #tpu.dot_dimension_numbers<[1], [0], [0], [1], [0, 0, 1, 1], [], []>, transpose_lhs_hint = false} : vector<8x128xf32>, vector<128x128xf32>, vector<8x128xf32> -> vector<8x128xf32>
    %get3A_79 = arith.constant 0 : index
    %get3A_80 = arith.constant 0 : index
    %get3A_81 = vector.load %arg3[%get3A_79, %get3A_80] : memref<1x128xf32, #tpu.memory_space<vmem>>, vector<1x128xf32>
    %add3A = vector.broadcast %get3A_81 : vector<1x128xf32> to vector<8x128xf32>
    %add3A_82 = arith.addf %dot_general3A_78, %add3A : vector<8x128xf32>
    %max3A = arith.constant 0.000000e+00 : f32
    %max3A_83 = vector.broadcast %max3A : f32 to vector<8x128xf32>
    %max3A_84 = arith.maximumf %add3A_82, %max3A_83 : vector<8x128xf32>
    %get3A_85 = arith.constant 0 : index
    %get3A_86 = arith.constant 0 : index
    %get3A_87 = vector.load %arg4[%get3A_85, %get3A_86] : memref<128x128xf32, #tpu.memory_space<vmem>>, vector<128x128xf32>
    %dot_general3A_88 = arith.constant dense<0.000000e+00> : vector<8x128xf32>
    %dot_general3A_89 = tpu.matmul %max3A_84, %get3A_87, %dot_general3A_88 {dimension_numbers = #tpu.dot_dimension_numbers<[1], [0], [0], [1], [0, 0, 1, 1], [], []>, transpose_lhs_hint = false} : vector<8x128xf32>, vector<128x128xf32>, vector<8x128xf32> -> vector<8x128xf32>
    %get3A_90 = arith.constant 0 : index
    %get3A_91 = arith.constant 0 : index
    %get3A_92 = vector.load %arg5[%get3A_90, %get3A_91] : memref<1x128xf32, #tpu.memory_space<vmem>>, vector<1x128xf32>
    %add3A_93 = vector.broadcast %get3A_92 : vector<1x128xf32> to vector<8x128xf32>
    %add3A_94 = arith.addf %dot_general3A_89, %add3A_93 : vector<8x128xf32>
    %swap3A = arith.constant 0 : index
    %swap3A_95 = arith.constant 0 : index
    %swap3A_96 = vector.load %arg6[%swap3A, %swap3A_95] : memref<8x128xf32, #tpu.memory_space<vmem>>, vector<8x128xf32>
    tpu.vector_store %arg6[%swap3A, %swap3A_95], %add3A_94 {strides = array<i32>} : memref<8x128xf32, #tpu.memory_space<vmem>>, vector<8x128xf32>,
    return
  }
}

</mosaic_0001>

<sc_bundles>
// kernel: kernel.13.cloned.1.call-start
scs
__scs_entry_jumppad:
0x0: {  	(pc) =	sbr.rel $0x88, $3  }
0x1: {  	(tag) =	ssettag $0x0;
	lr =	simm.s32 $0x1  }
0x2: {  	[smem:$0x3F8A] =	sst lr;
	_ =	strace $0xD0000000  }
0x3: {  	_ = 	snop  }
0x4: {  	_ = 	snop  }
0x5: {  	_ = 	snop  }
0x6: {  	_ = 	snop  }
0x7: {  	_ = 	snop  }
__scs_overlays_trampoline_lowered:
0x8: {  	[smem:$0x3F99] =	sst s0  }
0x9: {  	[smem:$0x3F9A] =	sst s1  }
0xa: {  	[smem:$0x3F9B] =	sst s2  }
0xb: {  	[smem:$0x3F9C] =	sst s3  }
0xc: {  	[smem:$0x3F9D] =	sst s4  }
0xd: {  	[smem:$0x3F9E] =	sst s5  }
0xe: {  	[smem:$0x3F9F] =	sst s6  }
0xf: {  	[smem:$0x3FA0] =	sst s7  }
0x10: {  	[smem:$0x3FA1] =	sst s8  }
0x11: {  	[smem:$0x3FA2] =	sst s9;
	s0 =	simm.s32 @!p0 $0x0  }
0x12: {  	s1 =	sld [smem:$0x3F88];
	s0 =	simm.s32 @p0 $0x1  }
0x13: {  	[smem:$0x3FA3] =	sst s0;
	s0 =	simm.s32 @!p1 $0x0  }
0x14: {  	s2 =	sld [smem:$0x3F87];
	s0 =	simm.s32 @p1 $0x1  }
0x15: {  	[smem:$0x3FA4] =	sst s0;
	s0 =	simm.s32 @!p2 $0x0  }
0x16: {  	s3 =	sld [smem:$0x3FDB];
	s0 =	simm.s32 @p2 $0x1  }
0x17: {  	s4 =	simm.s32 $0x1BF5;
	[smem:$0x3FA6] =	sst s0  }
0x18: {  	s0 =	sld [smem:$0x3F89];
	_ =	swait.ge [sflag:s4], $0x0  }
0x19: {  	s7 =	sld [smem:$0x3F8A]  }
0x1a: {  	s8 =	sadd.s32 $0xFFFFE003, lr  }
0x1b: {  	s9 =	sadd.s32 $0xFFFFFEF7, lr;
	s5 =	simm.s32 $0xFFFFFFFF;
	p2 =	slt.u32 s8, $0xFFFFF086  }
0x1c: {  	p1 =	slt.u32 s9, $0xF7A;
	s5 =	simm.s32 @!p2 $0x0  }
0x1d: {  	s5 =	simm.s32 @p1 $0x1;
	p0 =	seq.s32 s7, s2  }
0x1e: {  	s7 =	smul.u32 @!p0 $0xF7A, s2;
	p2 =	seq.s32 @!p0 s5, $0x0  }
0x1f: {  	s9 =	smul.u32 $0xF7A, s1;
	s8 =	simm.s32 @!p0 $0x1BF5;
	p2 =	por !p2, p0  }
0x20: {  	[sflag:s8] =	ssyncset.s32 @!p0 $0xFFFFF086;
	s6 =	sadd.s32 @!p0 s3, s7;
	s7 =	simm.s32 @!p0 $0x108  }
0x21: {  	s3 =	sadd.s32 s3, s9;
	s6 =	sadd.s32 @!p0 $0x88, s6;
	s7 =	simm.s32 @p2 $0x1082  }
0x22: {  	[simem:s7], [sflag:s8] =	dma.local @!p0 [hbm:s6], $0xF7A  }
0x23: {  	s9 =	sor.u32 $0xD0000000, s2;
	s6 =	simm.s32 $0x108;
	_ =	swait.ge @!p0 [sflag:s8], $0x0  }
0x24: {  	s3 =	sadd.s32 $0x88, s3;
	s6 =	simm.s32 @!p1 $0x1082;
	[sflag:s4] =	ssyncset.s32 $0xFFFFF086  }
0x25: {  	[simem:s6], [sflag:s4] =	dma.local [hbm:s3], $0xF7A  }
0x26: {  	[smem:$0x3F8A] =	sst s1;
	(tag) =	ssettag s2;
	_ =	strace s9  }
0x27: {  	s1 =	sld [smem:$0x3F9A]  }
0x28: {  	s2 =	sld [smem:$0x3F9B]  }
0x29: {  	s4 =	sld [smem:$0x3F9D]  }
0x2a: {  	p0 =	seq.s32 s5, $0x0;
	s5 =	sld [smem:$0x3F9E]  }
0x2b: {  	s6 =	sld [smem:$0x3F9F]  }
0x2c: {  	s7 =	sld [smem:$0x3FA0]  }
0x2d: {  	s3 =	simm.s32 $0x108;
	s8 =	sld [smem:$0x3FA1]  }
0x2e: {  	s3 =	simm.s32 @!p0 $0x1082;
	s9 =	sld [smem:$0x3FA2]  }
0x2f: {  	lr =	sadd.s32 s0, s3;
	s0 =	sld [smem:$0x3F99]  }
0x30: {  	s3 =	sld [smem:$0x3F9C]  }
0x31: {  	[smem:$0x3FA5] =	sst s10  }
0x32: {  	s10 =	sld [smem:$0x3FA3];
	_ =	sdelay $0x3  }
0x33: {  	p0 =	seq.s32 s10, $0x1;
	s10 =	sld [smem:$0x3FA5];
	_ =	sdelay $0x3  }
0x34: {  	[smem:$0x3FA5] =	sst s10  }
0x35: {  	s10 =	sld [smem:$0x3FA4];
	_ =	sdelay $0x3  }
0x36: {  	p1 =	seq.s32 s10, $0x1;
	s10 =	sld [smem:$0x3FA5];
	_ =	sdelay $0x3  }
0x37: {  	[smem:$0x3FA5] =	sst s10  }
0x38: {  	s10 =	sld [smem:$0x3FA6]  }
0x39: {  	_ = 	snop;
	(pc) =	sbr.ind lr, $3  }
0x3a: {  	_ = 	snop  }
0x3b: {  	_ = 	snop  }
0x3c: {  	p2 =	seq.s32 s10, $0x1;
	s10 =	sld [smem:$0x3FA5]  }
0x3d: {  	_ =	shalt  }
0x3e: {  	_ =	shalt  }
0x3f: {  	_ =	shalt  }
0x40: {  	_ =	shalt  }
0x41: {  	_ =	shalt  }
0x42: {  	_ =	shalt  }
0x43: {  	_ =	shalt  }
0x44: {  	_ =	shalt  }
0x45: {  	_ =	shalt  }
0x46: {  	_ =	shalt  }
0x47: {  	_ =	shalt  }
0x48: {  	_ =	shalt  }
0x49: {  	_ =	shalt  }
0x4a: {  	_ =	shalt  }
0x4b: {  	_ =	shalt  }
0x4c: {  	_ =	shalt  }
0x4d: {  	_ =	shalt  }
0x4e: {  	_ =	shalt  }
0x4f: {  	_ =	shalt  }
0x50: {  	_ =	shalt  }
0x51: {  	_ =	shalt  }
0x52: {  	_ =	shalt  }
0x53: {  	_ =	shalt  }
0x54: {  	_ =	shalt  }
0x55: {  	_ =	shalt  }
0x56: {  	_ =	shalt  }
0x57: {  	_ =	shalt  }
0x58: {  	_ =	shalt  }
0x59: {  	_ =	shalt  }
0x5a: {  	_ =	shalt  }
0x5b: {  	_ =	shalt  }
0x5c: {  	_ =	shalt  }
0x5d: {  	_ =	shalt  }
0x5e: {  	_ =	shalt  }
0x5f: {  	_ =	shalt  }
0x60: {  	_ =	shalt  }
0x61: {  	_ =	shalt  }
0x62: {  	_ =	shalt  }
0x63: {  	_ =	shalt  }
0x64: {  	_ =	shalt  }
0x65: {  	_ =	shalt  }
0x66: {  	_ =	shalt  }
0x67: {  	_ =	shalt  }
0x68: {  	_ =	shalt  }
0x69: {  	_ =	shalt  }
0x6a: {  	_ =	shalt  }
0x6b: {  	_ =	shalt  }
0x6c: {  	_ =	shalt  }
0x6d: {  	_ =	shalt  }
0x6e: {  	_ =	shalt  }
0x6f: {  	_ =	shalt  }
0x70: {  	_ =	shalt  }
0x71: {  	_ =	shalt  }
0x72: {  	_ =	shalt  }
0x73: {  	_ =	shalt  }
0x74: {  	_ =	shalt  }
0x75: {  	_ =	shalt  }
0x76: {  	_ =	shalt  }
0x77: {  	_ =	shalt  }
0x78: {  	_ =	shalt  }
0x79: {  	_ =	shalt  }
0x7a: {  	_ =	shalt  }
0x7b: {  	_ =	shalt  }
0x7c: {  	_ =	shalt  }
0x7d: {  	_ =	shalt  }
0x7e: {  	_ =	shalt  }
0x7f: {  	_ =	shalt  }
0x80: {  	_ =	shalt  }
0x81: {  	_ =	shalt  }
0x82: {  	_ =	shalt  }
0x83: {  	_ =	shalt  }
0x84: {  	_ =	shalt  }
0x85: {  	_ =	shalt  }
0x86: {  	_ =	shalt  }
0x87: {  	_ =	shalt  }
.Lfunc_end0:
.L_simem_size_0:
called_computation_lowered:
.L_overlay_start_0:
0x88: {  	s2 =	sld [smem:$0x3FD9]  }
0x89: {  	s3 =	sld [smem:$0x3FFE];
	_ =	sdelay $0x1  }
0x8a: {  	s1 =	srdreg.scid  }
0x8b: {  	s0 =	sand.u32 $0x1, s1  }
0x8c: {  	s16 =	sshll.u32 s0, $0xA;
	s2 =	sadd.s32 s3, s2  }
0x8d: {  	s2 =	sadd.s32 s2, s16  }
0x8e: {  	[smem:$0x3FB1] =	sst s2  }
0x8f: {  	_ = 	snop  }
0x90: {  	(tm) =	ssettm $0x1  }
0x91: {  	s17 =	sld [smem:$0x3FFB];
	_ =	sdelay $0x3  }
0x92: {  	_ =	strace s17  }
0x93: {  	s2 =	sld [smem:$0x3FFC];
	_ =	sdelay $0x3  }
0x94: {  	_ =	strace s2  }
0x95: {  	s2 =	sld [smem:$0x3FFD];
	_ =	sdelay $0x3  }
0x96: {  	_ =	strace s2  }
0x97: {  	_ =	strace $0x8FFFFFFF  }
0x98: {  	s18 =	sld [smem:$0x3FDB];
	_ =	sdelay $0x1  }
0x99: {  	s19 =	simm.s32 $_scs_section_size  }
0x9a: {  	s4 =	simm.s32 $_size__tile_overlayer_lowered;
	s5 =	simm.s32 $_tile_overlayer_lowered  }
0x9b: {  	s22 =	simm.s32 $0x1BFF;
	s21 =	sshll.u32 s5, $0x1;
	s2 =	sadd.s32 s19, s18  }
0x9c: {  	s6 =	simm.s32 $0x0;
	s20 =	sshll.u32 s4, $0x1;
	s4 =	sadd.s32 s21, s2  }
0x9d: {  	[timem:s6], [sflag:s22] =	dma.local [hbm:s4], s20  }
0x9e: {  	_ =	swait.ge [sflag:s22], s20  }
0x9f: {  	s3 =	ssub.s32 $0x0, s20;
	[sflag:s22] =	ssyncset.done $0x0  }
0xa0: {  	[sflag:s22] =	ssyncadd.s32 s3;
	_ =	sdelay $0x1  }
0xa1: {  	s23 =	simm.s32 $0x1B8B  }
0xa2: {  	_ =	swait.ge [sflag:s23], $0x1  }
0xa3: {  	[sflag:s23] =	ssyncset.done $0x0  }
0xa4: {  	s25 =	simm.s32 $0x1B8E;
	s24 =	sld [smem:$0x3FFE];
	[sflag:s23] =	ssyncadd.s32 $0xFFFFFFFF  }
0xa5: {  	s26 =	simm.s32 $execute0_lowered;
	[smem:$0x3FD2] =	sst s25  }
0xa6: {  	s4 =	sshll.u32 s26, $0x1;
	_ =	strace $0x80000046;
	[dreg:$0x1] =	wrdreg $0xFFFFFFFF  }
0xa7: {  	s28 =	simm.s32 $_size_execute0_lowered;
	s2 =	sadd.s32 s2, s4;
	[dreg:$0x0] =	wrdreg $0x0  }
0xa8: {  	s4 =	sshll.u32 s28, $0x1;
	[dreg:$0x2] =	wrdreg s2  }
0xa9: {  	[dreg:$0x3] =	wrdreg s4  }
0xaa: {  	[dreg:$0x4] =	wrdreg $0xC0  }
0xab: {  	_ =	task [dreg:s6], $0x5FFFF  }
0xac: {  	[dreg:$0x1] =	wrdreg $0xFFFFFFFF  }
0xad: {  	[dreg:$0x0] =	wrdreg $0x60  }
0xae: {  	[dreg:$0x2] =	wrdreg s24  }
0xaf: {  	[dreg:$0x3] =	wrdreg $0xA2000  }
0xb0: {  	[dreg:$0x4] =	wrdreg $0x9  }
0xb1: {  	_ =	task.clear_ibuf [dreg:s6], $0x5FFFF;
	_ =	strace $0x90000046  }
0xb2: {  	s29 =	simm.s32 $0x9;
	_ =	strace $0x80000048  }
0xb3: {  	_ =	swait.ge [sflag:s29], $0x1  }
0xb4: {  	[sflag:s29] =	ssyncadd.s32 $0xFFFFFFFF  }
0xb5: {  	_ =	strace $0x90000048  }
0xb6: {  	_ =	sfence  }
0xb7: {  	s30 =	sld [smem:$0x0];
	_ =	sdelay $0x2  }
0xb8: {  	s31 =	sshll.u32 s1, $0xD;
	s1 =	sshrl.u32 s1, $0x2  }
0xb9: {  	s3 =	sand.u32 $0x4000, s31;
	s1 =	sadd.s32 s1, s30  }
0xba: {  	s0 =	sor.u32 s3, s0;
	s1 =	sshll.u32 s1, $0x11  }
0xbb: {  	s0 =	sor.u32 s1, s0  }
0xbc: {  	s0 =	sadd.s32 $0x8F2B, s0  }
0xbd: {  	[sflag:s0] =	ssyncadd.remote.s32 $0x1  }
0xbe: {  	_ =	sfence.sel $0xFFFF  }
0xbf: {  	[dreg:$0x0] =	wrdreg $0xFFFFFFFF;
	(pc) =	sbr.abs _section_cstart, $3  }
0xc0: {  	[dreg:$0x1] =	wrdreg $0xFFFFFFFF  }
0xc1: {  	_ =	task.clear_ibuf [dreg:s6], $0x2FFFF;
	_ =	strace $0x9FFFFFFF  }
0xc2: {  	(tm) =	ssettm $0x7FFFFFFF  }
0xc3: {  	_ =	shalt  }
tec
execute0_lowered:
.L_overlay_start_1:
0x0: {  	(tag) =	ssettag $0x1  }
0x1: {  	s0 =	rddreg [dreg:$0x0]  }
0x2: {  	s2 =	rddreg [dreg:$0x1]  }
0x3: {  	s3 =	simm.s32 $0x0;
	s13 =	stileid.u32;
	s1 =	srdreg.scid  }
0x4: {  	s29 =	simm.s32 $0x50;
	s30 =	simm.s32 $0x200;
	s31 =	simm.s32 $0x2  }
0x5: {  	s15 =	simm.s32 $0x6;
	s16 =	simm.s32 $0x4;
	[smem:$0x7FF] =	sst s3  }
0x6: {  	s8 =	smul.u32 $0x2780, s13;
	s1 =	sand.u32 $0x1, s1;
	s4 =	sadd.s32 $0x5000, s0  }
0x7: {  	s5 =	sadd.s32 $0xA07000, s0;
	s6 =	sadd.s32 $0x4E7000, s0;
	s7 =	sadd.s32 $0x4F7000, s0  }
0x8: {  	s11 =	sshll.u32 s13, $0x1;
	s12 =	smul.u32 $0x4F000, s13;
	s20 =	sshll.u32 s13, $0x6  }
0x9: {  	_ =	strace $0x80000047;
	s9 =	smul.u32 $0x27800, s1;
	s17 =	ssub.s32 $0x2, s1  }
0xa: {  	s1 =	sor.u32 s1, s11;
	s10 =	sadd.s32 s8, s0;
	s18 =	sshrl.u32 s17, $0x1  }
0xb: {  	s19 =	sshrl.u32 s12, $0x2;
	s21 =	sshll.u32 s1, $0xB;
	s22 =	smul.u32 $0x140000, s1  }
0xc: {  	s11 =	sshll.u32 s1, $0xE;
	s8 =	sadd.s32 s8, s9;
	s9 =	ssub.s32 s17, s18  }
0xd: {  	s12 =	sadd.s32 s19, s2;
	s10 =	sadd.s32 $0x53400, s10;
	s18 =	sor.u32 $0x1C09, s20  }
0xe: {  	s14 =	sadd.s32 s6, s21;
	s23 =	sadd.s32 s7, s21;
	[dreg:$0x3] =	wrdreg s10  }
0xf: {  	s20 =	simm.s32 $0x0;
	s0 =	sadd.s32 s8, s0;
	[dreg:$0x5] =	wrdreg s14  }
0x10: {  	s8 =	smul.u32 $0x2800, s1;
	[dreg:$0x6] =	wrdreg s23;
	s10 =	sor.u32 $0x10, s21  }
0x11: {  	s1 =	smul.u32 $0x28000, s1;
	s13 =	sshrl.u32 s22, $0x3;
	s28 =	smax.u32 s9, $0x1  }
0x12: {  	s19 =	sshrl.u32 s12, $0x3;
	s22 =	simm.s32 $0x9;
	s23 =	simm.s32 $0x100  }
0x13: {  	s9 =	simm.s32 $0x7;
	s12 =	simm.s32 $0x5;
	[dreg:$0x4] =	wrdreg s18  }
0x14: {  	s14 =	simm.s32 $0x8;
	s24 =	sadd.s32 s6, s10;
	[dreg:$0xc] =	wrdreg s28  }
0x15: {  	s10 =	sadd.s32 s7, s10;
	s25 =	sadd.s32 s5, s13;
	[dreg:$0xd] =	wrdreg s19  }
0x16: {  	s0 =	sadd.s32 $0x7AC00, s0;
	s13 =	simm.s32 $0x3;
	[dreg:$0x7] =	wrdreg s24  }
0x17: {  	[dreg:$0x8] =	wrdreg s10;
	s1 =	sadd.s32 s5, s1;
	s17 =	sor.u32 $0x50, s8  }
0x18: {  	s26 =	sadd.s32 $0x27B00, s25;
	[dreg:$0xb] =	wrdreg s0;
	s24 =	simm.s32 $0x80  }
0x19: {  	s25 =	simm.s32 $0x180;
	s0 =	simm.s32 $0x7A00;
	[dreg:$0x9] =	wrdreg s1  }
0x1a: {  	[dreg:$0xa] =	wrdreg s26;
	s26 =	simm.s32 $0x1;
	s1 =	simm.s32 $0x2A00  }
.LBB2_1:
0x1b: {  	[dreg:$0xe] =	wrdreg s20  }
0x1c: {  	s10 =	rddreg [dreg:$0x3]  }
0x1d: {  	[spmem:s19], [sflag:s18] =	dma.local [hbm:s10], $0x2780  }
0x1e: {  	_ =	swait.ge [sflag:s22], $0x2780  }
0x1f: {  	[sflag:s22] =	ssyncset.done $0x0  }
0x20: {  	[sflag:s22] =	ssyncadd.s32 $0xFFFFD880  }
0x21: {  	[bflag:$0x0] =	sbarrier.arrive $0xFFFF  }
0x22: {  	s28 =	rddreg [dreg:$0x5]  }
0x23: {  	[tilespmem:s3], [sflag:$0x1] =	stream.linear.gather [hbm4b:s28+s3], $0x80, $0x38;
	[tilespmem:$0x1DE00] =	vst v63  }
0x24: {  	s18 =	rddreg [dreg:$0x6]  }
0x25: {  	[tilespmem:s23], [sflag:$0x3] =	stream.linear.gather [hbm4b:s18+s3], $0x80, $0x38;
	[tilespmem:$0x1DE00] =	vst v63  }
0x26: {  	s19 =	rddreg [dreg:$0x7]  }
0x27: {  	[tilespmem:s24], [sflag:$0x2] =	stream.linear.gather [hbm4b:s19+s3], $0x80, $0x38;
	[tilespmem:$0x1DE00] =	vst v63  }
0x28: {  	s20 =	rddreg [dreg:$0x8]  }
0x29: {  	[tilespmem:s25], [sflag:$0x4] =	stream.linear.gather [hbm4b:s20+s3], $0x80, $0x38;
	[tilespmem:$0x1DE00] =	vst v63  }
0x2a: {  	_ =	swait.ge [sflag:s26], $0x80  }
0x2b: {  	[sflag:s26] =	ssyncset.done $0x0  }
0x2c: {  	s28 =	simm.s32 $0x5200;
	s21 =	rddreg [dreg:$0x9];
	[sflag:s26] =	ssyncadd.s32 $0xFFFFFF80  }
0x2d: {  	[tilespmem:s28], [sflag:$0x7] =	stream.linear.gather [hbm4b:s21+s3], $0x2800, $0x38;
	[tilespmem:$0x1DE00] =	vst v63  }
0x2e: {  	s19 =	simm.s32 $0x0  }
0x2f: {  	[tilespmem:s30], [sflag:$0x5] =	stream.indirect.gather [hbm4b:s4+s29], $0x80, s3, s29, $0xb8;
	[tilespmem:$0x1DE00] =	vst v63  }
.LBB2_2:
0x30: {  	s10 =	smul.u32 $0xA0, s19;
	_ =	sdelay $0x1  }
0x31: {  	_ =	swait.ge [sflag:s31], $0x80;
	s10 =	sadd.s32 s10, s17  }
0x32: {  	s18 =	simm.s32 $0x0;
	[sflag:s31] =	ssyncset.done $0x0;
	s10 =	sshll.u32 s10, $0x4  }
0x33: {  	s21 =	sshll.u32 s19, $0x1;
	[sflag:s31] =	ssyncadd.s32 $0xFFFFFF80;
	s10 =	sadd.s32 s5, s10  }
0x34: {  	[tilespmem:s0], [sflag:$0x8] =	stream.linear.gather [hbm4b:s10+s18], $0x2800, $0x38;
	[tilespmem:$0x1DE00] =	vst v63  }
0x35: {  	s20 =	sadd.s32 $0x2, s21  }
0x36: {  	[tilespmem:s1], [sflag:$0x6] =	stream.indirect.gather [hbm4b:s4+s29], $0x80, s24, s29, $0xb8;
	[tilespmem:$0x1DE00] =	vst v63  }
0x37: {  	s10 =	sshll.u32 s20, $0x7;
	_ =	swait.ge [sflag:s9], $0x2800  }
0x38: {  	s21 =	sand.u32 $0x7C00, s10;
	[sflag:s9] =	ssyncset.done $0x0  }
0x39: {  	s10 =	sand.u32 $0x300, s10;
	s21 =	sadd.s32 s11, s21;
	[sflag:s9] =	ssyncadd.s32 $0xFFFFD800  }
0x3a: {  	s10 =	sor.u32 s10, s21;
	_ =	swait.ge [sflag:s12], $0x2800  }
0x3b: {  	s10 =	sshrl.u32 s10, $0x3;
	[sflag:s12] =	ssyncset.done $0x0  }
0x3c: {  	s21 =	simm.s32 $0x0;
	s28 =	sadd.s32 s6, s10;
	[sflag:s12] =	ssyncadd.s32 $0xFFFFD800  }
0x3d: {  	[tilespmem:s18], [sflag:$0x1] =	stream.linear.gather [hbm4b:s28+s18], $0x80, $0x38;
	[tilespmem:$0x1DE00] =	vst v63  }
0x3e: {  	v6 =	vld [tilespmem:s21+$0x5200]  }
0x3f: {  	v11 =	vld [tilespmem:s21+$0x5210]  }
0x40: {  	v5 =	vld [tilespmem:s21+$0x5220]  }
0x41: {  	v4 =	vld [tilespmem:s21+$0x5230]  }
0x42: {  	v3 =	vld [tilespmem:s21+$0x5240]  }
0x43: {  	v2 =	vld [tilespmem:s21+$0x5250]  }
0x44: {  	v1 =	vld [tilespmem:s21+$0x5260]  }
0x45: {  	v0 =	vld [tilespmem:s21+$0x5270]  }
0x46: {  	v12 =	vld [tilespmem:s21+$0x200]  }
0x47: {  	v13 =	vld [tilespmem:s21+$0x210]  }
0x48: {  	v10 =	vld [tilespmem:s21+$0x220]  }
0x49: {  	v9 =	vld [tilespmem:s21+$0x230]  }
0x4a: {  	v8 =	vld [tilespmem:s21+$0x240]  }
0x4b: {  	v7 =	vld [tilespmem:s21+$0x250];
	v12 =	vadd.f32 v6, v12  }
0x4c: {  	s18 =	simm.s32 $0x200;
	v11 =	vadd.f32 v11, v13;
	v6 =	vld [tilespmem:s21+$0x260]  }
.LBB2_3:
0x4d: {  	s28 =	sshra.s32 s18, $0x2;
	p0 =	sne.s32 s18, $0x9E00;
	v12 =	vmax.f32 v12, $0.0e+00;
	v5 =	vadd.f32 v5, v10;
	v10 =	vld [tilespmem:s21+$0x270]  }
0x4e: {  	v13 =	vld [tilespmem:s28+$0x5200];
	[tilespmem:s21+$0x200] =	vst v12;
	v11 =	vmax.f32 v11, $0.0e+00;
	v4 =	vadd.f32 v4, v9  }
0x4f: {  	v14 =	vld [tilespmem:s28+$0x5210];
	[tilespmem:s21+$0x210] =	vst v11;
	v9 =	vmax.f32 v5, $0.0e+00;
	v3 =	vadd.f32 v3, v8  }
0x50: {  	v5 =	vld [tilespmem:s28+$0x5220];
	[tilespmem:s21+$0x220] =	vst v9;
	v8 =	vmax.f32 v4, $0.0e+00;
	v2 =	vadd.f32 v2, v7  }
0x51: {  	v4 =	vld [tilespmem:s28+$0x5230];
	[tilespmem:s21+$0x230] =	vst v8;
	v7 =	vmax.f32 v3, $0.0e+00;
	v1 =	vadd.f32 v1, v6  }
0x52: {  	v3 =	vld [tilespmem:s28+$0x5240];
	[tilespmem:s21+$0x240] =	vst v7;
	v6 =	vmax.f32 v2, $0.0e+00;
	v0 =	vadd.f32 v0, v10  }
0x53: {  	v2 =	vld [tilespmem:s28+$0x5250];
	[tilespmem:s21+$0x250] =	vst v6;
	v6 =	vmax.f32 v1, $0.0e+00  }
0x54: {  	v1 =	vld [tilespmem:s28+$0x5260];
	[tilespmem:s21+$0x260] =	vst v6;
	v6 =	vmax.f32 v0, $0.0e+00  }
0x55: {  	v0 =	vld [tilespmem:s28+$0x5270];
	[tilespmem:s21+$0x270] =	vst v6;
	s21 =	smov.u32 s28  }
0x56: {  	v6 =	vld [tilespmem:s21+$0x200]  }
0x57: {  	v11 =	vld [tilespmem:s21+$0x210]  }
.Ltmp0:
0x58: {  	v10 =	vld [tilespmem:s21+$0x220];
	(pc) =	sbr.rel @p0 .LBB2_3-.Ltmp0, $4  }
0x59: {  	v9 =	vld [tilespmem:s21+$0x230]  }
0x5a: {  	v8 =	vld [tilespmem:s21+$0x240]  }
0x5b: {  	v12 =	vadd.f32 v13, v6;
	v7 =	vld [tilespmem:s21+$0x250]  }
0x5c: {  	s18 =	sadd.s32 $0x200, s18;
	v11 =	vadd.f32 v14, v11;
	v6 =	vld [tilespmem:s21+$0x260]  }
0x5d: {  	v12 =	vmax.f32 v12, $0.0e+00;
	v5 =	vadd.f32 v5, v10;
	v10 =	vld [tilespmem:s21+$0x270]  }
0x5e: {  	[tilespmem:s21+$0x200] =	vst v12;
	v11 =	vmax.f32 v11, $0.0e+00;
	v4 =	vadd.f32 v4, v9  }
0x5f: {  	[tilespmem:s21+$0x210] =	vst v11;
	v5 =	vmax.f32 v5, $0.0e+00;
	v3 =	vadd.f32 v3, v8  }
0x60: {  	[tilespmem:s21+$0x220] =	vst v5;
	v4 =	vmax.f32 v4, $0.0e+00;
	v2 =	vadd.f32 v2, v7  }
0x61: {  	[tilespmem:s21+$0x230] =	vst v4;
	v3 =	vmax.f32 v3, $0.0e+00;
	v1 =	vadd.f32 v1, v6  }
0x62: {  	[tilespmem:s21+$0x240] =	vst v3;
	v2 =	vmax.f32 v2, $0.0e+00;
	v0 =	vadd.f32 v0, v10  }
0x63: {  	[tilespmem:s21+$0x250] =	vst v2;
	v1 =	vmax.f32 v1, $0.0e+00  }
0x64: {  	[tilespmem:s21+$0x260] =	vst v1;
	v0 =	vmax.f32 v0, $0.0e+00  }
0x65: {  	[tilespmem:s21+$0x270] =	vst v0  }
0x66: {  	_ =	swait.ge [sflag:s13], $0x80  }
0x67: {  	[sflag:s13] =	ssyncset.done $0x0  }
0x68: {  	[sflag:s13] =	ssyncadd.s32 $0xFFFFFF80  }
0x69: {  	[spmem:s2] =	stream.indirect.scatter.add.f32 [tilespmem:s30], [sflag:$0x9], $0x80, s23, s29, $0xb8;
	[tilespmem:$0x1DE00] =	vst v63  }
0x6a: {  	_ =	swait.ge [sflag:s22], $0x2800  }
0x6b: {  	s10 =	sadd.s32 s7, s10;
	[sflag:s22] =	ssyncset.done $0x0  }
0x6c: {  	s18 =	simm.s32 $0x0;
	s20 =	smul.u32 $0x50, s20;
	[sflag:s22] =	ssyncadd.s32 $0xFFFFD800  }
0x6d: {  	[tilespmem:s23], [sflag:$0x3] =	stream.linear.gather [hbm4b:s10+s18], $0x80, $0x38;
	[tilespmem:$0x1DE00] =	vst v63  }
0x6e: {  	s21 =	sadd.s32 s8, s20;
	_ =	swait.ge [sflag:s26], $0x80  }
0x6f: {  	s10 =	sshll.u32 s21, $0x4;
	[sflag:s26] =	ssyncset.done $0x0  }
0x70: {  	s28 =	simm.s32 $0x5200;
	s10 =	sadd.s32 s5, s10;
	[sflag:s26] =	ssyncadd.s32 $0xFFFFFF80  }
0x71: {  	[tilespmem:s28], [sflag:$0x7] =	stream.linear.gather [hbm4b:s10+s18], $0x2800, $0x38;
	[tilespmem:$0x1DE00] =	vst v63  }
0x72: {  	s20 =	sshll.u32 s19, $0x8  }
0x73: {  	[tilespmem:s30], [sflag:$0x5] =	stream.indirect.gather [hbm4b:s4+s29], $0x80, s18, s29, $0xb8;
	[tilespmem:$0x1DE00] =	vst v63  }
0x74: {  	s10 =	sadd.s32 $0x180, s20;
	_ =	swait.ge [sflag:s14], $0x2800  }
0x75: {  	s21 =	sand.u32 $0x7C00, s10;
	[sflag:s14] =	ssyncset.done $0x0  }
0x76: {  	s10 =	sand.u32 $0x380, s10;
	s20 =	sadd.s32 s11, s21;
	[sflag:s14] =	ssyncadd.s32 $0xFFFFD800  }
0x77: {  	s10 =	sor.u32 s10, s20;
	_ =	swait.ge [sflag:s15], $0x2800  }
0x78: {  	s10 =	sshrl.u32 s10, $0x3;
	[sflag:s15] =	ssyncset.done $0x0  }
0x79: {  	s20 =	simm.s32 $0x0;
	s28 =	sadd.s32 s6, s10;
	[sflag:s15] =	ssyncadd.s32 $0xFFFFD800  }
0x7a: {  	[tilespmem:s24], [sflag:$0x2] =	stream.linear.gather [hbm4b:s28+s18], $0x80, $0x38;
	[tilespmem:$0x1DE00] =	vst v63  }
0x7b: {  	v6 =	vld [tilespmem:s20+$0x7A00]  }
0x7c: {  	v11 =	vld [tilespmem:s20+$0x7A10]  }
0x7d: {  	v5 =	vld [tilespmem:s20+$0x7A20]  }
0x7e: {  	v4 =	vld [tilespmem:s20+$0x7A30]  }
0x7f: {  	v3 =	vld [tilespmem:s20+$0x7A40]  }
0x80: {  	v2 =	vld [tilespmem:s20+$0x7A50]  }
0x81: {  	v1 =	vld [tilespmem:s20+$0x7A60]  }
0x82: {  	v0 =	vld [tilespmem:s20+$0x7A70]  }
0x83: {  	v12 =	vld [tilespmem:s20+$0x2A00]  }
0x84: {  	v13 =	vld [tilespmem:s20+$0x2A10]  }
0x85: {  	v10 =	vld [tilespmem:s20+$0x2A20]  }
0x86: {  	v9 =	vld [tilespmem:s20+$0x2A30]  }
0x87: {  	v8 =	vld [tilespmem:s20+$0x2A40]  }
0x88: {  	v7 =	vld [tilespmem:s20+$0x2A50];
	v12 =	vadd.f32 v6, v12  }
0x89: {  	s18 =	simm.s32 $0x200;
	v11 =	vadd.f32 v11, v13;
	v6 =	vld [tilespmem:s20+$0x2A60]  }
.LBB2_5:
0x8a: {  	s21 =	sshra.s32 s18, $0x2;
	p0 =	sne.s32 s18, $0x9E00;
	v12 =	vmax.f32 v12, $0.0e+00;
	v5 =	vadd.f32 v5, v10;
	v10 =	vld [tilespmem:s20+$0x2A70]  }
0x8b: {  	v13 =	vld [tilespmem:s21+$0x7A00];
	[tilespmem:s20+$0x2A00] =	vst v12;
	v11 =	vmax.f32 v11, $0.0e+00;
	v4 =	vadd.f32 v4, v9  }
0x8c: {  	v14 =	vld [tilespmem:s21+$0x7A10];
	[tilespmem:s20+$0x2A10] =	vst v11;
	v9 =	vmax.f32 v5, $0.0e+00;
	v3 =	vadd.f32 v3, v8  }
0x8d: {  	v5 =	vld [tilespmem:s21+$0x7A20];
	[tilespmem:s20+$0x2A20] =	vst v9;
	v8 =	vmax.f32 v4, $0.0e+00;
	v2 =	vadd.f32 v2, v7  }
0x8e: {  	v4 =	vld [tilespmem:s21+$0x7A30];
	[tilespmem:s20+$0x2A30] =	vst v8;
	v7 =	vmax.f32 v3, $0.0e+00;
	v1 =	vadd.f32 v1, v6  }
0x8f: {  	v3 =	vld [tilespmem:s21+$0x7A40];
	[tilespmem:s20+$0x2A40] =	vst v7;
	v6 =	vmax.f32 v2, $0.0e+00;
	v0 =	vadd.f32 v0, v10  }
0x90: {  	v2 =	vld [tilespmem:s21+$0x7A50];
	[tilespmem:s20+$0x2A50] =	vst v6;
	v6 =	vmax.f32 v1, $0.0e+00  }
0x91: {  	v1 =	vld [tilespmem:s21+$0x7A60];
	[tilespmem:s20+$0x2A60] =	vst v6;
	v6 =	vmax.f32 v0, $0.0e+00  }
0x92: {  	v0 =	vld [tilespmem:s21+$0x7A70];
	[tilespmem:s20+$0x2A70] =	vst v6;
	s20 =	smov.u32 s21  }
0x93: {  	v6 =	vld [tilespmem:s20+$0x2A00]  }
0x94: {  	v11 =	vld [tilespmem:s20+$0x2A10]  }
.Ltmp1:
0x95: {  	v10 =	vld [tilespmem:s20+$0x2A20];
	(pc) =	sbr.rel @p0 .LBB2_5-.Ltmp1, $4  }
0x96: {  	v9 =	vld [tilespmem:s20+$0x2A30]  }
0x97: {  	v8 =	vld [tilespmem:s20+$0x2A40]  }
0x98: {  	v12 =	vadd.f32 v13, v6;
	v7 =	vld [tilespmem:s20+$0x2A50]  }
0x99: {  	s18 =	sadd.s32 $0x200, s18;
	v11 =	vadd.f32 v14, v11;
	v6 =	vld [tilespmem:s20+$0x2A60]  }
0x9a: {  	v12 =	vmax.f32 v12, $0.0e+00;
	v5 =	vadd.f32 v5, v10;
	v63 =	vld [tilespmem:s20+$0x2A70]  }
0x9b: {  	[tilespmem:s20+$0x2A00] =	vst v12;
	v11 =	vmax.f32 v11, $0.0e+00;
	v4 =	vadd.f32 v4, v9  }
0x9c: {  	[tilespmem:s20+$0x2A10] =	vst v11;
	v5 =	vmax.f32 v5, $0.0e+00;
	v3 =	vadd.f32 v3, v8  }
0x9d: {  	[tilespmem:s20+$0x2A20] =	vst v5;
	v4 =	vmax.f32 v4, $0.0e+00;
	v2 =	vadd.f32 v2, v7  }
0x9e: {  	[tilespmem:s20+$0x2A30] =	vst v4;
	v3 =	vmax.f32 v3, $0.0e+00;
	v1 =	vadd.f32 v1, v6  }
0x9f: {  	[tilespmem:s20+$0x2A40] =	vst v3;
	v2 =	vmax.f32 v2, $0.0e+00;
	v0 =	vadd.f32 v0, v63  }
0xa0: {  	[tilespmem:s20+$0x2A50] =	vst v2;
	v1 =	vmax.f32 v1, $0.0e+00  }
0xa1: {  	[tilespmem:s20+$0x2A60] =	vst v1;
	v0 =	vmax.f32 v0, $0.0e+00  }
0xa2: {  	[tilespmem:s20+$0x2A70] =	vst v0  }
0xa3: {  	_ =	swait.ge [sflag:s16], $0x80  }
0xa4: {  	s19 =	sadd.s32 $0x1, s19;
	[sflag:s16] =	ssyncset.done $0x0  }
0xa5: {  	p0 =	sne.s32 s19, $0x3F;
	[sflag:s16] =	ssyncadd.s32 $0xFFFFFF80  }
0xa6: {  	[spmem:s2] =	stream.indirect.scatter.add.f32 [tilespmem:s1], [sflag:$0x9], $0x80, s25, s29, $0xb8;
	[tilespmem:$0x1DE00] =	vst v63  }
.Ltmp2:
0xa7: {  	_ = 	snop;
	(pc) =	sbr.rel @p0 .LBB2_2-.Ltmp2, $4  }
0xa8: {  	_ =	swait.ge [sflag:s22], $0x2800  }
0xa9: {  	[sflag:s22] =	ssyncset.done $0x0  }
0xaa: {  	s10 =	sadd.s32 s7, s10;
	[sflag:s22] =	ssyncadd.s32 $0xFFFFD800  }
0xab: {  	[tilespmem:s25], [sflag:$0x4] =	stream.linear.gather [hbm4b:s10+s3], $0x80, $0x38;
	[tilespmem:$0x1DE00] =	vst v63  }
0xac: {  	_ =	swait.ge [sflag:s31], $0x80  }
0xad: {  	[sflag:s31] =	ssyncset.done $0x0  }
0xae: {  	s10 =	simm.s32 $0x0;
	s18 =	rddreg [dreg:$0xa];
	[sflag:s31] =	ssyncadd.s32 $0xFFFFFF80  }
0xaf: {  	[tilespmem:s0], [sflag:$0x8] =	stream.linear.gather [hbm4b:s18+s10], $0x2800, $0x38;
	[tilespmem:$0x1DE00] =	vst v63  }
0xb0: {  	_ = 	snop  }
0xb1: {  	[tilespmem:s1], [sflag:$0x6] =	stream.indirect.gather [hbm4b:s4+s29], $0x80, s24, s29, $0xb8;
	[tilespmem:$0x1DE00] =	vst v63  }
0xb2: {  	_ =	swait.ge [sflag:s9], $0x2800  }
0xb3: {  	[sflag:s9] =	ssyncset.done $0x0  }
0xb4: {  	[sflag:s9] =	ssyncadd.s32 $0xFFFFD800  }
0xb5: {  	_ =	swait.ge [sflag:s12], $0x2800  }
0xb6: {  	[sflag:s12] =	ssyncset.done $0x0  }
0xb7: {  	s10 =	simm.s32 $0x0;
	[sflag:s12] =	ssyncadd.s32 $0xFFFFD800  }
0xb8: {  	v6 =	vld [tilespmem:s10+$0x5200]  }
0xb9: {  	v11 =	vld [tilespmem:s10+$0x5210]  }
0xba: {  	v5 =	vld [tilespmem:s10+$0x5220]  }
0xbb: {  	v4 =	vld [tilespmem:s10+$0x5230]  }
0xbc: {  	v3 =	vld [tilespmem:s10+$0x5240]  }
0xbd: {  	v2 =	vld [tilespmem:s10+$0x5250]  }
0xbe: {  	v1 =	vld [tilespmem:s10+$0x5260]  }
0xbf: {  	v0 =	vld [tilespmem:s10+$0x5270]  }
0xc0: {  	v12 =	vld [tilespmem:s10+$0x200]  }
0xc1: {  	v13 =	vld [tilespmem:s10+$0x210]  }
0xc2: {  	v10 =	vld [tilespmem:s10+$0x220]  }
0xc3: {  	v9 =	vld [tilespmem:s10+$0x230]  }
0xc4: {  	v8 =	vld [tilespmem:s10+$0x240]  }
0xc5: {  	v7 =	vld [tilespmem:s10+$0x250];
	v12 =	vadd.f32 v6, v12  }
0xc6: {  	s18 =	simm.s32 $0x200;
	v11 =	vadd.f32 v11, v13;
	v6 =	vld [tilespmem:s10+$0x260]  }
.LBB2_8:
0xc7: {  	s19 =	sshra.s32 s18, $0x2;
	p0 =	sne.s32 s18, $0x9E00;
	v12 =	vmax.f32 v12, $0.0e+00;
	v5 =	vadd.f32 v5, v10;
	v10 =	vld [tilespmem:s10+$0x270]  }
0xc8: {  	v13 =	vld [tilespmem:s19+$0x5200];
	[tilespmem:s10+$0x200] =	vst v12;
	v11 =	vmax.f32 v11, $0.0e+00;
	v4 =	vadd.f32 v4, v9  }
0xc9: {  	v14 =	vld [tilespmem:s19+$0x5210];
	[tilespmem:s10+$0x210] =	vst v11;
	v9 =	vmax.f32 v5, $0.0e+00;
	v3 =	vadd.f32 v3, v8  }
0xca: {  	v5 =	vld [tilespmem:s19+$0x5220];
	[tilespmem:s10+$0x220] =	vst v9;
	v8 =	vmax.f32 v4, $0.0e+00;
	v2 =	vadd.f32 v2, v7  }
0xcb: {  	v4 =	vld [tilespmem:s19+$0x5230];
	[tilespmem:s10+$0x230] =	vst v8;
	v7 =	vmax.f32 v3, $0.0e+00;
	v1 =	vadd.f32 v1, v6  }
0xcc: {  	v3 =	vld [tilespmem:s19+$0x5240];
	[tilespmem:s10+$0x240] =	vst v7;
	v6 =	vmax.f32 v2, $0.0e+00;
	v0 =	vadd.f32 v0, v10  }
0xcd: {  	v2 =	vld [tilespmem:s19+$0x5250];
	[tilespmem:s10+$0x250] =	vst v6;
	v6 =	vmax.f32 v1, $0.0e+00  }
0xce: {  	v1 =	vld [tilespmem:s19+$0x5260];
	[tilespmem:s10+$0x260] =	vst v6;
	v6 =	vmax.f32 v0, $0.0e+00  }
0xcf: {  	v0 =	vld [tilespmem:s19+$0x5270];
	[tilespmem:s10+$0x270] =	vst v6;
	s10 =	smov.u32 s19  }
0xd0: {  	v6 =	vld [tilespmem:s10+$0x200]  }
0xd1: {  	v11 =	vld [tilespmem:s10+$0x210]  }
.Ltmp3:
0xd2: {  	v10 =	vld [tilespmem:s10+$0x220];
	(pc) =	sbr.rel @p0 .LBB2_8-.Ltmp3, $4  }
0xd3: {  	v9 =	vld [tilespmem:s10+$0x230]  }
0xd4: {  	v8 =	vld [tilespmem:s10+$0x240]  }
0xd5: {  	v12 =	vadd.f32 v13, v6;
	v7 =	vld [tilespmem:s10+$0x250]  }
0xd6: {  	s18 =	sadd.s32 $0x200, s18;
	v11 =	vadd.f32 v14, v11;
	v6 =	vld [tilespmem:s10+$0x260]  }
0xd7: {  	v12 =	vmax.f32 v12, $0.0e+00;
	v5 =	vadd.f32 v5, v10;
	v10 =	vld [tilespmem:s10+$0x270]  }
0xd8: {  	[tilespmem:s10+$0x200] =	vst v12;
	v11 =	vmax.f32 v11, $0.0e+00;
	v4 =	vadd.f32 v4, v9  }
0xd9: {  	[tilespmem:s10+$0x210] =	vst v11;
	v5 =	vmax.f32 v5, $0.0e+00;
	v3 =	vadd.f32 v3, v8  }
0xda: {  	[tilespmem:s10+$0x220] =	vst v5;
	v4 =	vmax.f32 v4, $0.0e+00;
	v2 =	vadd.f32 v2, v7  }
0xdb: {  	[tilespmem:s10+$0x230] =	vst v4;
	v3 =	vmax.f32 v3, $0.0e+00;
	v1 =	vadd.f32 v1, v6  }
0xdc: {  	[tilespmem:s10+$0x240] =	vst v3;
	v2 =	vmax.f32 v2, $0.0e+00;
	v0 =	vadd.f32 v0, v10  }
0xdd: {  	[tilespmem:s10+$0x250] =	vst v2;
	v1 =	vmax.f32 v1, $0.0e+00  }
0xde: {  	[tilespmem:s10+$0x260] =	vst v1;
	v0 =	vmax.f32 v0, $0.0e+00  }
0xdf: {  	[tilespmem:s10+$0x270] =	vst v0  }
0xe0: {  	_ =	swait.ge [sflag:s13], $0x80  }
0xe1: {  	[sflag:s13] =	ssyncset.done $0x0  }
0xe2: {  	[sflag:s13] =	ssyncadd.s32 $0xFFFFFF80  }
0xe3: {  	[spmem:s2] =	stream.indirect.scatter.add.f32 [tilespmem:s30], [sflag:$0x9], $0x80, s23, s29, $0xb8;
	[tilespmem:$0x1DE00] =	vst v63  }
0xe4: {  	_ =	swait.ge [sflag:s22], $0x2800  }
0xe5: {  	[sflag:s22] =	ssyncset.done $0x0  }
0xe6: {  	[sflag:s22] =	ssyncadd.s32 $0xFFFFD800  }
0xe7: {  	_ =	swait.ge [sflag:s14], $0x2800  }
0xe8: {  	[sflag:s14] =	ssyncset.done $0x0  }
0xe9: {  	[sflag:s14] =	ssyncadd.s32 $0xFFFFD800  }
0xea: {  	_ =	swait.ge [sflag:s15], $0x2800  }
0xeb: {  	[sflag:s15] =	ssyncset.done $0x0  }
0xec: {  	s10 =	simm.s32 $0x0;
	[sflag:s15] =	ssyncadd.s32 $0xFFFFD800  }
0xed: {  	v6 =	vld [tilespmem:s10+$0x7A00]  }
0xee: {  	v11 =	vld [tilespmem:s10+$0x7A10]  }
0xef: {  	v5 =	vld [tilespmem:s10+$0x7A20]  }
0xf0: {  	v4 =	vld [tilespmem:s10+$0x7A30]  }
0xf1: {  	v3 =	vld [tilespmem:s10+$0x7A40]  }
0xf2: {  	v2 =	vld [tilespmem:s10+$0x7A50]  }
0xf3: {  	v1 =	vld [tilespmem:s10+$0x7A60]  }
0xf4: {  	v0 =	vld [tilespmem:s10+$0x7A70]  }
0xf5: {  	v12 =	vld [tilespmem:s10+$0x2A00]  }
0xf6: {  	v13 =	vld [tilespmem:s10+$0x2A10]  }
0xf7: {  	v10 =	vld [tilespmem:s10+$0x2A20]  }
0xf8: {  	v9 =	vld [tilespmem:s10+$0x2A30]  }
0xf9: {  	v8 =	vld [tilespmem:s10+$0x2A40]  }
0xfa: {  	v7 =	vld [tilespmem:s10+$0x2A50];
	v12 =	vadd.f32 v6, v12  }
0xfb: {  	s18 =	simm.s32 $0x200;
	s20 =	rddreg [dreg:$0xe];
	v11 =	vadd.f32 v11, v13;
	v6 =	vld [tilespmem:s10+$0x2A60]  }
.LBB2_10:
0xfc: {  	s19 =	sshra.s32 s18, $0x2;
	p0 =	sne.s32 s18, $0x9E00;
	v12 =	vmax.f32 v12, $0.0e+00;
	v5 =	vadd.f32 v5, v10;
	v10 =	vld [tilespmem:s10+$0x2A70]  }
0xfd: {  	v13 =	vld [tilespmem:s19+$0x7A00];
	[tilespmem:s10+$0x2A00] =	vst v12;
	v11 =	vmax.f32 v11, $0.0e+00;
	v4 =	vadd.f32 v4, v9  }
0xfe: {  	v14 =	vld [tilespmem:s19+$0x7A10];
	[tilespmem:s10+$0x2A10] =	vst v11;
	v9 =	vmax.f32 v5, $0.0e+00;
	v3 =	vadd.f32 v3, v8  }
0xff: {  	v5 =	vld [tilespmem:s19+$0x7A20];
	[tilespmem:s10+$0x2A20] =	vst v9;
	v8 =	vmax.f32 v4, $0.0e+00;
	v2 =	vadd.f32 v2, v7  }
0x100: {  	v4 =	vld [tilespmem:s19+$0x7A30];
	[tilespmem:s10+$0x2A30] =	vst v8;
	v7 =	vmax.f32 v3, $0.0e+00;
	v1 =	vadd.f32 v1, v6  }
0x101: {  	v3 =	vld [tilespmem:s19+$0x7A40];
	[tilespmem:s10+$0x2A40] =	vst v7;
	v6 =	vmax.f32 v2, $0.0e+00;
	v0 =	vadd.f32 v0, v10  }
0x102: {  	v2 =	vld [tilespmem:s19+$0x7A50];
	[tilespmem:s10+$0x2A50] =	vst v6;
	v6 =	vmax.f32 v1, $0.0e+00  }
0x103: {  	v1 =	vld [tilespmem:s19+$0x7A60];
	[tilespmem:s10+$0x2A60] =	vst v6;
	v6 =	vmax.f32 v0, $0.0e+00  }
0x104: {  	v0 =	vld [tilespmem:s19+$0x7A70];
	[tilespmem:s10+$0x2A70] =	vst v6;
	s10 =	smov.u32 s19  }
0x105: {  	v6 =	vld [tilespmem:s10+$0x2A00]  }
0x106: {  	v11 =	vld [tilespmem:s10+$0x2A10]  }
.Ltmp4:
0x107: {  	v10 =	vld [tilespmem:s10+$0x2A20];
	(pc) =	sbr.rel @p0 .LBB2_10-.Ltmp4, $4  }
0x108: {  	v9 =	vld [tilespmem:s10+$0x2A30]  }
0x109: {  	v8 =	vld [tilespmem:s10+$0x2A40]  }
0x10a: {  	v12 =	vadd.f32 v13, v6;
	v7 =	vld [tilespmem:s10+$0x2A50]  }
0x10b: {  	s18 =	sadd.s32 $0x200, s18;
	v11 =	vadd.f32 v14, v11;
	v6 =	vld [tilespmem:s10+$0x2A60]  }
0x10c: {  	v12 =	vmax.f32 v12, $0.0e+00;
	v5 =	vadd.f32 v5, v10;
	v63 =	vld [tilespmem:s10+$0x2A70]  }
0x10d: {  	[tilespmem:s10+$0x2A00] =	vst v12;
	v11 =	vmax.f32 v11, $0.0e+00;
	v4 =	vadd.f32 v4, v9  }
0x10e: {  	[tilespmem:s10+$0x2A10] =	vst v11;
	v5 =	vmax.f32 v5, $0.0e+00;
	v3 =	vadd.f32 v3, v8  }
0x10f: {  	[tilespmem:s10+$0x2A20] =	vst v5;
	v4 =	vmax.f32 v4, $0.0e+00;
	v2 =	vadd.f32 v2, v7  }
0x110: {  	[tilespmem:s10+$0x2A30] =	vst v4;
	v3 =	vmax.f32 v3, $0.0e+00;
	v1 =	vadd.f32 v1, v6  }
0x111: {  	[tilespmem:s10+$0x2A40] =	vst v3;
	v2 =	vmax.f32 v2, $0.0e+00;
	v0 =	vadd.f32 v0, v63  }
0x112: {  	[tilespmem:s10+$0x2A50] =	vst v2;
	v1 =	vmax.f32 v1, $0.0e+00  }
0x113: {  	[tilespmem:s10+$0x2A60] =	vst v1;
	v0 =	vmax.f32 v0, $0.0e+00  }
0x114: {  	[tilespmem:s10+$0x2A70] =	vst v0  }
0x115: {  	_ =	swait.ge [sflag:s16], $0x80  }
0x116: {  	[sflag:s16] =	ssyncset.done $0x0  }
0x117: {  	[sflag:s16] =	ssyncadd.s32 $0xFFFFFF80  }
0x118: {  	[spmem:s2] =	stream.indirect.scatter.add.f32 [tilespmem:s1], [sflag:$0x9], $0x80, s25, s29, $0xb8;
	[tilespmem:$0x1DE00] =	vst v63  }
0x119: {  	_ =	swait.ge [sflag:s22], $0x2800  }
0x11a: {  	[sflag:s22] =	ssyncset.done $0x0  }
0x11b: {  	[sflag:s22] =	ssyncadd.s32 $0xFFFFD800  }
0x11c: {  	[bflag:$0x0] =	sbarrier.arrive $0xFFFF  }
0x11d: {  	s18 =	rddreg [dreg:$0x4]  }
0x11e: {  	s21 =	rddreg [dreg:$0xb]  }
0x11f: {  	s19 =	rddreg [dreg:$0xd]  }
0x120: {  	[hbm:s21], [sflag:s18] =	dma.local [spmem:s19], $0x2780  }
0x121: {  	_ =	swait.ge [sflag:s22], $0x2780  }
0x122: {  	s20 =	sadd.s32 $0x1, s20;
	s28 =	rddreg [dreg:$0xc]  }
0x123: {  	p0 =	sne.s32 s20, s28  }
.Ltmp5:
0x124: {  	_ = 	snop;
	(pc) =	sbr.rel @p0 .LBB2_1-.Ltmp5, $3  }
0x125: {  	_ =	sdelay $0x1  }
0x126: {  	[sflag:s22] =	ssyncset.done $0x0  }
0x127: {  	[sflag:s22] =	ssyncadd.s32 $0xFFFFD880  }
0x128: {  	_ =	sfence.sel $0x180000  }
0x129: {  	[bflag:$0x0] =	sbarrier.arrive $0xFFFF  }
0x12a: {  	_ =	strace $0x90000047  }
0x12b: {  	s0 =	stileid.u32;
	[bflag:$0x2] =	sbarrier.arrive $0xFFFF  }
0x12c: {  	p0 =	sne.s32 s0, $0x0;
	s0 =	rddreg [dreg:$0x2]  }
0x12d: {  	s0 =	sadd.s32 @!p0 $0x100000, s0  }
0x12e: {  	[sflag:s0] =	ssyncadd.tile.s32 @!p0 $0x1;
	_ =	shalt  }
.Lfunc_end2:
_tile_overlayer_lowered:
.L_overlay_start_2:
0x12f: {  	(tag) =	ssettag $0x2  }
0x130: {  	s0 =	rddreg [dreg:$0x0];
	s2 =	stileid.u32  }
0x131: {  	s1 =	rddreg [dreg:$0x1];
	p0 =	sne.s32 s2, $0x0  }
0x132: {  	s3 =	rddreg [dreg:$0x2];
	[bflag:$0x3] =	sbarrier.arrive $0xFFFF;
	s2 =	simm.s32 @!p0 $0x1C09  }
0x133: {  	[timem:s3], [sflag:s2] =	dma.local @!p0 [hbm:s0], s1  }
0x134: {  	s0 =	simm.s32 @!p0 $0x9  }
0x135: {  	_ =	swait.ge @!p0 [sflag:s0], s1  }
0x136: {  	s1 =	ssub.s32 @!p0 $0x0, s1;
	[sflag:s0] =	ssyncset.done @!p0 $0x0  }
0x137: {  	[sflag:s0] =	ssyncadd.s32 @!p0 s1  }
0x138: {  	[bflag:$0x3] =	sbarrier.arrive $0xFFFF  }
0x139: {  	_ =	shalt  }

// kernel: kernel.16.cloned.1.call-start
scs
__scs_entry_jumppad:
0x0: {  	(pc) =	sbr.rel $0x88, $3  }
0x1: {  	(tag) =	ssettag $0x0;
	lr =	simm.s32 $0x1  }
0x2: {  	[smem:$0x3F8A] =	sst lr;
	_ =	strace $0xD0000000  }
0x3: {  	_ = 	snop  }
0x4: {  	_ = 	snop  }
0x5: {  	_ = 	snop  }
0x6: {  	_ = 	snop  }
0x7: {  	_ = 	snop  }
__scs_overlays_trampoline_lowered:
0x8: {  	[smem:$0x3F99] =	sst s0  }
0x9: {  	[smem:$0x3F9A] =	sst s1  }
0xa: {  	[smem:$0x3F9B] =	sst s2  }
0xb: {  	[smem:$0x3F9C] =	sst s3  }
0xc: {  	[smem:$0x3F9D] =	sst s4  }
0xd: {  	[smem:$0x3F9E] =	sst s5  }
0xe: {  	[smem:$0x3F9F] =	sst s6  }
0xf: {  	[smem:$0x3FA0] =	sst s7  }
0x10: {  	[smem:$0x3FA1] =	sst s8  }
0x11: {  	[smem:$0x3FA2] =	sst s9;
	s0 =	simm.s32 @!p0 $0x0  }
0x12: {  	s1 =	sld [smem:$0x3F88];
	s0 =	simm.s32 @p0 $0x1  }
0x13: {  	[smem:$0x3FA3] =	sst s0;
	s0 =	simm.s32 @!p1 $0x0  }
0x14: {  	s2 =	sld [smem:$0x3F87];
	s0 =	simm.s32 @p1 $0x1  }
0x15: {  	[smem:$0x3FA4] =	sst s0;
	s0 =	simm.s32 @!p2 $0x0  }
0x16: {  	s3 =	sld [smem:$0x3FDB];
	s0 =	simm.s32 @p2 $0x1  }
0x17: {  	s4 =	simm.s32 $0x1BF5;
	[smem:$0x3FA6] =	sst s0  }
0x18: {  	s0 =	sld [smem:$0x3F89];
	_ =	swait.ge [sflag:s4], $0x0  }
0x19: {  	s7 =	sld [smem:$0x3F8A]  }
0x1a: {  	s8 =	sadd.s32 $0xFFFFE003, lr  }
0x1b: {  	s9 =	sadd.s32 $0xFFFFFEF7, lr;
	s5 =	simm.s32 $0xFFFFFFFF;
	p2 =	slt.u32 s8, $0xFFFFF086  }
0x1c: {  	p1 =	slt.u32 s9, $0xF7A;
	s5 =	simm.s32 @!p2 $0x0  }
0x1d: {  	s5 =	simm.s32 @p1 $0x1;
	p0 =	seq.s32 s7, s2  }
0x1e: {  	s7 =	smul.u32 @!p0 $0xF7A, s2;
	p2 =	seq.s32 @!p0 s5, $0x0  }
0x1f: {  	s9 =	smul.u32 $0xF7A, s1;
	s8 =	simm.s32 @!p0 $0x1BF5;
	p2 =	por !p2, p0  }
0x20: {  	[sflag:s8] =	ssyncset.s32 @!p0 $0xFFFFF086;
	s6 =	sadd.s32 @!p0 s3, s7;
	s7 =	simm.s32 @!p0 $0x108  }
0x21: {  	s3 =	sadd.s32 s3, s9;
	s6 =	sadd.s32 @!p0 $0x88, s6;
	s7 =	simm.s32 @p2 $0x1082  }
0x22: {  	[simem:s7], [sflag:s8] =	dma.local @!p0 [hbm:s6], $0xF7A  }
0x23: {  	s9 =	sor.u32 $0xD0000000, s2;
	s6 =	simm.s32 $0x108;
	_ =	swait.ge @!p0 [sflag:s8], $0x0  }
0x24: {  	s3 =	sadd.s32 $0x88, s3;
	s6 =	simm.s32 @!p1 $0x1082;
	[sflag:s4] =	ssyncset.s32 $0xFFFFF086  }
0x25: {  	[simem:s6], [sflag:s4] =	dma.local [hbm:s3], $0xF7A  }
0x26: {  	[smem:$0x3F8A] =	sst s1;
	(tag) =	ssettag s2;
	_ =	strace s9  }
0x27: {  	s1 =	sld [smem:$0x3F9A]  }
0x28: {  	s2 =	sld [smem:$0x3F9B]  }
0x29: {  	s4 =	sld [smem:$0x3F9D]  }
0x2a: {  	p0 =	seq.s32 s5, $0x0;
	s5 =	sld [smem:$0x3F9E]  }
0x2b: {  	s6 =	sld [smem:$0x3F9F]  }
0x2c: {  	s7 =	sld [smem:$0x3FA0]  }
0x2d: {  	s3 =	simm.s32 $0x108;
	s8 =	sld [smem:$0x3FA1]  }
0x2e: {  	s3 =	simm.s32 @!p0 $0x1082;
	s9 =	sld [smem:$0x3FA2]  }
0x2f: {  	lr =	sadd.s32 s0, s3;
	s0 =	sld [smem:$0x3F99]  }
0x30: {  	s3 =	sld [smem:$0x3F9C]  }
0x31: {  	[smem:$0x3FA5] =	sst s10  }
0x32: {  	s10 =	sld [smem:$0x3FA3];
	_ =	sdelay $0x3  }
0x33: {  	p0 =	seq.s32 s10, $0x1;
	s10 =	sld [smem:$0x3FA5];
	_ =	sdelay $0x3  }
0x34: {  	[smem:$0x3FA5] =	sst s10  }
0x35: {  	s10 =	sld [smem:$0x3FA4];
	_ =	sdelay $0x3  }
0x36: {  	p1 =	seq.s32 s10, $0x1;
	s10 =	sld [smem:$0x3FA5];
	_ =	sdelay $0x3  }
0x37: {  	[smem:$0x3FA5] =	sst s10  }
0x38: {  	s10 =	sld [smem:$0x3FA6]  }
0x39: {  	_ = 	snop;
	(pc) =	sbr.ind lr, $3  }
0x3a: {  	_ = 	snop  }
0x3b: {  	_ = 	snop  }
0x3c: {  	p2 =	seq.s32 s10, $0x1;
	s10 =	sld [smem:$0x3FA5]  }
0x3d: {  	_ =	shalt  }
0x3e: {  	_ =	shalt  }
0x3f: {  	_ =	shalt  }
0x40: {  	_ =	shalt  }
0x41: {  	_ =	shalt  }
0x42: {  	_ =	shalt  }
0x43: {  	_ =	shalt  }
0x44: {  	_ =	shalt  }
0x45: {  	_ =	shalt  }
0x46: {  	_ =	shalt  }
0x47: {  	_ =	shalt  }
0x48: {  	_ =	shalt  }
0x49: {  	_ =	shalt  }
0x4a: {  	_ =	shalt  }
0x4b: {  	_ =	shalt  }
0x4c: {  	_ =	shalt  }
0x4d: {  	_ =	shalt  }
0x4e: {  	_ =	shalt  }
0x4f: {  	_ =	shalt  }
0x50: {  	_ =	shalt  }
0x51: {  	_ =	shalt  }
0x52: {  	_ =	shalt  }
0x53: {  	_ =	shalt  }
0x54: {  	_ =	shalt  }
0x55: {  	_ =	shalt  }
0x56: {  	_ =	shalt  }
0x57: {  	_ =	shalt  }
0x58: {  	_ =	shalt  }
0x59: {  	_ =	shalt  }
0x5a: {  	_ =	shalt  }
0x5b: {  	_ =	shalt  }
0x5c: {  	_ =	shalt  }
0x5d: {  	_ =	shalt  }
0x5e: {  	_ =	shalt  }
0x5f: {  	_ =	shalt  }
0x60: {  	_ =	shalt  }
0x61: {  	_ =	shalt  }
0x62: {  	_ =	shalt  }
0x63: {  	_ =	shalt  }
0x64: {  	_ =	shalt  }
0x65: {  	_ =	shalt  }
0x66: {  	_ =	shalt  }
0x67: {  	_ =	shalt  }
0x68: {  	_ =	shalt  }
0x69: {  	_ =	shalt  }
0x6a: {  	_ =	shalt  }
0x6b: {  	_ =	shalt  }
0x6c: {  	_ =	shalt  }
0x6d: {  	_ =	shalt  }
0x6e: {  	_ =	shalt  }
0x6f: {  	_ =	shalt  }
0x70: {  	_ =	shalt  }
0x71: {  	_ =	shalt  }
0x72: {  	_ =	shalt  }
0x73: {  	_ =	shalt  }
0x74: {  	_ =	shalt  }
0x75: {  	_ =	shalt  }
0x76: {  	_ =	shalt  }
0x77: {  	_ =	shalt  }
0x78: {  	_ =	shalt  }
0x79: {  	_ =	shalt  }
0x7a: {  	_ =	shalt  }
0x7b: {  	_ =	shalt  }
0x7c: {  	_ =	shalt  }
0x7d: {  	_ =	shalt  }
0x7e: {  	_ =	shalt  }
0x7f: {  	_ =	shalt  }
0x80: {  	_ =	shalt  }
0x81: {  	_ =	shalt  }
0x82: {  	_ =	shalt  }
0x83: {  	_ =	shalt  }
0x84: {  	_ =	shalt  }
0x85: {  	_ =	shalt  }
0x86: {  	_ =	shalt  }
0x87: {  	_ =	shalt  }
.Lfunc_end0:
.L_simem_size_0:
called_computation.1_lowered:
.L_overlay_start_0:
0x88: {  	s2 =	sld [smem:$0x3FD9]  }
0x89: {  	s3 =	sld [smem:$0x3FFE];
	_ =	sdelay $0x1  }
0x8a: {  	s1 =	srdreg.scid  }
0x8b: {  	s0 =	sand.u32 $0x1, s1  }
0x8c: {  	s16 =	sshll.u32 s0, $0xA;
	s2 =	sadd.s32 s3, s2  }
0x8d: {  	s2 =	sadd.s32 s2, s16  }
0x8e: {  	[smem:$0x3FB1] =	sst s2  }
0x8f: {  	_ = 	snop  }
0x90: {  	(tm) =	ssettm $0x1  }
0x91: {  	s17 =	sld [smem:$0x3FFB];
	_ =	sdelay $0x3  }
0x92: {  	_ =	strace s17  }
0x93: {  	s2 =	sld [smem:$0x3FFC];
	_ =	sdelay $0x3  }
0x94: {  	_ =	strace s2  }
0x95: {  	s2 =	sld [smem:$0x3FFD];
	_ =	sdelay $0x3  }
0x96: {  	_ =	strace s2  }
0x97: {  	_ =	strace $0x8FFFFFFF  }
0x98: {  	s18 =	sld [smem:$0x3FDB];
	_ =	sdelay $0x1  }
0x99: {  	s19 =	simm.s32 $_scs_section_size  }
0x9a: {  	s4 =	simm.s32 $_size__tile_overlayer_lowered;
	s5 =	simm.s32 $_tile_overlayer_lowered  }
0x9b: {  	s22 =	simm.s32 $0x1BFF;
	s21 =	sshll.u32 s5, $0x1;
	s2 =	sadd.s32 s19, s18  }
0x9c: {  	s6 =	simm.s32 $0x0;
	s20 =	sshll.u32 s4, $0x1;
	s4 =	sadd.s32 s21, s2  }
0x9d: {  	[timem:s6], [sflag:s22] =	dma.local [hbm:s4], s20  }
0x9e: {  	_ =	swait.ge [sflag:s22], s20  }
0x9f: {  	s3 =	ssub.s32 $0x0, s20;
	[sflag:s22] =	ssyncset.done $0x0  }
0xa0: {  	[sflag:s22] =	ssyncadd.s32 s3;
	_ =	sdelay $0x1  }
0xa1: {  	s23 =	simm.s32 $0x1B8B  }
0xa2: {  	_ =	swait.ge [sflag:s23], $0x1  }
0xa3: {  	[sflag:s23] =	ssyncset.done $0x0  }
0xa4: {  	s25 =	simm.s32 $0x1B8E;
	s24 =	sld [smem:$0x3FFE];
	[sflag:s23] =	ssyncadd.s32 $0xFFFFFFFF  }
0xa5: {  	s26 =	simm.s32 $execute0_lowered;
	[smem:$0x3FD2] =	sst s25  }
0xa6: {  	s4 =	sshll.u32 s26, $0x1;
	_ =	strace $0x80000049;
	[dreg:$0x1] =	wrdreg $0xFFFFFFFF  }
0xa7: {  	s28 =	simm.s32 $_size_execute0_lowered;
	s2 =	sadd.s32 s2, s4;
	[dreg:$0x0] =	wrdreg $0x0  }
0xa8: {  	s4 =	sshll.u32 s28, $0x1;
	[dreg:$0x2] =	wrdreg s2  }
0xa9: {  	[dreg:$0x3] =	wrdreg s4  }
0xaa: {  	[dreg:$0x4] =	wrdreg $0xC0  }
0xab: {  	_ =	task [dreg:s6], $0x5FFFF  }
0xac: {  	[dreg:$0x1] =	wrdreg $0xFFFFFFFF  }
0xad: {  	[dreg:$0x0] =	wrdreg $0x60  }
0xae: {  	[dreg:$0x2] =	wrdreg s24  }
0xaf: {  	[dreg:$0x3] =	wrdreg $0xA2000  }
0xb0: {  	[dreg:$0x4] =	wrdreg $0x9  }
0xb1: {  	_ =	task.clear_ibuf [dreg:s6], $0x5FFFF;
	_ =	strace $0x90000049  }
0xb2: {  	s29 =	simm.s32 $0x9;
	_ =	strace $0x8000004B  }
0xb3: {  	_ =	swait.ge [sflag:s29], $0x1  }
0xb4: {  	[sflag:s29] =	ssyncadd.s32 $0xFFFFFFFF  }
0xb5: {  	_ =	strace $0x9000004B  }
0xb6: {  	_ =	sfence  }
0xb7: {  	s30 =	sld [smem:$0x0];
	_ =	sdelay $0x2  }
0xb8: {  	s31 =	sshll.u32 s1, $0xD;
	s1 =	sshrl.u32 s1, $0x2  }
0xb9: {  	s3 =	sand.u32 $0x4000, s31;
	s1 =	sadd.s32 s1, s30  }
0xba: {  	s0 =	sor.u32 s3, s0;
	s1 =	sshll.u32 s1, $0x11  }
0xbb: {  	s0 =	sor.u32 s1, s0  }
0xbc: {  	s0 =	sadd.s32 $0x8F2B, s0  }
0xbd: {  	[sflag:s0] =	ssyncadd.remote.s32 $0x1  }
0xbe: {  	_ =	sfence.sel $0xFFFF  }
0xbf: {  	[dreg:$0x0] =	wrdreg $0xFFFFFFFF;
	(pc) =	sbr.abs _section_cstart, $3  }
0xc0: {  	[dreg:$0x1] =	wrdreg $0xFFFFFFFF  }
0xc1: {  	_ =	task.clear_ibuf [dreg:s6], $0x2FFFF;
	_ =	strace $0x9FFFFFFF  }
0xc2: {  	(tm) =	ssettm $0x7FFFFFFF  }
0xc3: {  	_ =	shalt  }
tec
execute0_lowered:
.L_overlay_start_1:
0x0: {  	(tag) =	ssettag $0x1  }
0x1: {  	s0 =	rddreg [dreg:$0x0]  }
0x2: {  	s2 =	rddreg [dreg:$0x1]  }
0x3: {  	s3 =	simm.s32 $0x0;
	s13 =	stileid.u32;
	s1 =	srdreg.scid  }
0x4: {  	s29 =	simm.s32 $0x50;
	s30 =	simm.s32 $0x200;
	s31 =	simm.s32 $0x2  }
0x5: {  	s15 =	simm.s32 $0x6;
	s16 =	simm.s32 $0x4;
	[smem:$0x7FF] =	sst s3  }
0x6: {  	s8 =	smul.u32 $0x2780, s13;
	s1 =	sand.u32 $0x1, s1;
	s4 =	sadd.s32 $0x5000, s0  }
0x7: {  	s5 =	sadd.s32 $0xF07000, s0;
	s6 =	sadd.s32 $0x4E7000, s0;
	s7 =	sadd.s32 $0x4F7000, s0  }
0x8: {  	s11 =	sshll.u32 s13, $0x1;
	s12 =	smul.u32 $0x4F000, s13;
	s20 =	sshll.u32 s13, $0x6  }
0x9: {  	_ =	strace $0x8000004A;
	s9 =	smul.u32 $0x27800, s1;
	s17 =	ssub.s32 $0x2, s1  }
0xa: {  	s1 =	sor.u32 s1, s11;
	s10 =	sadd.s32 s8, s0;
	s18 =	sshrl.u32 s17, $0x1  }
0xb: {  	s19 =	sshrl.u32 s12, $0x2;
	s21 =	sshll.u32 s1, $0xB;
	s22 =	smul.u32 $0x140000, s1  }
0xc: {  	s11 =	sshll.u32 s1, $0xE;
	s8 =	sadd.s32 s8, s9;
	s9 =	ssub.s32 s17, s18  }
0xd: {  	s12 =	sadd.s32 s19, s2;
	s10 =	sadd.s32 $0x53400, s10;
	s18 =	sor.u32 $0x1C09, s20  }
0xe: {  	s14 =	sadd.s32 s6, s21;
	s23 =	sadd.s32 s7, s21;
	[dreg:$0x3] =	wrdreg s10  }
0xf: {  	s20 =	simm.s32 $0x0;
	s0 =	sadd.s32 s8, s0;
	[dreg:$0x5] =	wrdreg s14  }
0x10: {  	s8 =	smul.u32 $0x2800, s1;
	[dreg:$0x6] =	wrdreg s23;
	s10 =	sor.u32 $0x10, s21  }
0x11: {  	s1 =	smul.u32 $0x28000, s1;
	s13 =	sshrl.u32 s22, $0x3;
	s28 =	smax.u32 s9, $0x1  }
0x12: {  	s19 =	sshrl.u32 s12, $0x3;
	s22 =	simm.s32 $0x9;
	s23 =	simm.s32 $0x100  }
0x13: {  	s9 =	simm.s32 $0x7;
	s12 =	simm.s32 $0x5;
	[dreg:$0x4] =	wrdreg s18  }
0x14: {  	s14 =	simm.s32 $0x8;
	s24 =	sadd.s32 s6, s10;
	[dreg:$0xc] =	wrdreg s28  }
0x15: {  	s10 =	sadd.s32 s7, s10;
	s25 =	sadd.s32 s5, s13;
	[dreg:$0xd] =	wrdreg s19  }
0x16: {  	s0 =	sadd.s32 $0x7AC00, s0;
	s13 =	simm.s32 $0x3;
	[dreg:$0x7] =	wrdreg s24  }
0x17: {  	[dreg:$0x8] =	wrdreg s10;
	s1 =	sadd.s32 s5, s1;
	s17 =	sor.u32 $0x50, s8  }
0x18: {  	s26 =	sadd.s32 $0x27B00, s25;
	[dreg:$0xb] =	wrdreg s0;
	s24 =	simm.s32 $0x80  }
0x19: {  	s25 =	simm.s32 $0x180;
	s0 =	simm.s32 $0x7A00;
	[dreg:$0x9] =	wrdreg s1  }
0x1a: {  	[dreg:$0xa] =	wrdreg s26;
	s26 =	simm.s32 $0x1;
	s1 =	simm.s32 $0x2A00  }
.LBB2_1:
0x1b: {  	[dreg:$0xe] =	wrdreg s20  }
0x1c: {  	s10 =	rddreg [dreg:$0x3]  }
0x1d: {  	[spmem:s19], [sflag:s18] =	dma.local [hbm:s10], $0x2780  }
0x1e: {  	_ =	swait.ge [sflag:s22], $0x2780  }
0x1f: {  	[sflag:s22] =	ssyncset.done $0x0  }
0x20: {  	[sflag:s22] =	ssyncadd.s32 $0xFFFFD880  }
0x21: {  	[bflag:$0x0] =	sbarrier.arrive $0xFFFF  }
0x22: {  	s28 =	rddreg [dreg:$0x5]  }
0x23: {  	[tilespmem:s3], [sflag:$0x1] =	stream.linear.gather [hbm4b:s28+s3], $0x80, $0x38;
	[tilespmem:$0x1DE00] =	vst v63  }
0x24: {  	s18 =	rddreg [dreg:$0x6]  }
0x25: {  	[tilespmem:s23], [sflag:$0x3] =	stream.linear.gather [hbm4b:s18+s3], $0x80, $0x38;
	[tilespmem:$0x1DE00] =	vst v63  }
0x26: {  	s19 =	rddreg [dreg:$0x7]  }
0x27: {  	[tilespmem:s24], [sflag:$0x2] =	stream.linear.gather [hbm4b:s19+s3], $0x80, $0x38;
	[tilespmem:$0x1DE00] =	vst v63  }
0x28: {  	s20 =	rddreg [dreg:$0x8]  }
0x29: {  	[tilespmem:s25], [sflag:$0x4] =	stream.linear.gather [hbm4b:s20+s3], $0x80, $0x38;
	[tilespmem:$0x1DE00] =	vst v63  }
0x2a: {  	_ =	swait.ge [sflag:s26], $0x80  }
0x2b: {  	[sflag:s26] =	ssyncset.done $0x0  }
0x2c: {  	s28 =	simm.s32 $0x5200;
	s21 =	rddreg [dreg:$0x9];
	[sflag:s26] =	ssyncadd.s32 $0xFFFFFF80  }
0x2d: {  	[tilespmem:s28], [sflag:$0x7] =	stream.linear.gather [hbm4b:s21+s3], $0x2800, $0x38;
	[tilespmem:$0x1DE00] =	vst v63  }
0x2e: {  	s19 =	simm.s32 $0x0  }
0x2f: {  	[tilespmem:s30], [sflag:$0x5] =	stream.indirect.gather [hbm4b:s4+s29], $0x80, s3, s29, $0xb8;
	[tilespmem:$0x1DE00] =	vst v63  }
.LBB2_2:
0x30: {  	s10 =	smul.u32 $0xA0, s19;
	_ =	sdelay $0x1  }
0x31: {  	_ =	swait.ge [sflag:s31], $0x80;
	s10 =	sadd.s32 s10, s17  }
0x32: {  	s18 =	simm.s32 $0x0;
	[sflag:s31] =	ssyncset.done $0x0;
	s10 =	sshll.u32 s10, $0x4  }
0x33: {  	s21 =	sshll.u32 s19, $0x1;
	[sflag:s31] =	ssyncadd.s32 $0xFFFFFF80;
	s10 =	sadd.s32 s5, s10  }
0x34: {  	[tilespmem:s0], [sflag:$0x8] =	stream.linear.gather [hbm4b:s10+s18], $0x2800, $0x38;
	[tilespmem:$0x1DE00] =	vst v63  }
0x35: {  	s20 =	sadd.s32 $0x2, s21  }
0x36: {  	[tilespmem:s1], [sflag:$0x6] =	stream.indirect.gather [hbm4b:s4+s29], $0x80, s24, s29, $0xb8;
	[tilespmem:$0x1DE00] =	vst v63  }
0x37: {  	s10 =	sshll.u32 s20, $0x7;
	_ =	swait.ge [sflag:s9], $0x2800  }
0x38: {  	s21 =	sand.u32 $0x7C00, s10;
	[sflag:s9] =	ssyncset.done $0x0  }
0x39: {  	s10 =	sand.u32 $0x300, s10;
	s21 =	sadd.s32 s11, s21;
	[sflag:s9] =	ssyncadd.s32 $0xFFFFD800  }
0x3a: {  	s10 =	sor.u32 s10, s21;
	_ =	swait.ge [sflag:s12], $0x2800  }
0x3b: {  	s10 =	sshrl.u32 s10, $0x3;
	[sflag:s12] =	ssyncset.done $0x0  }
0x3c: {  	s21 =	simm.s32 $0x0;
	s28 =	sadd.s32 s6, s10;
	[sflag:s12] =	ssyncadd.s32 $0xFFFFD800  }
0x3d: {  	[tilespmem:s18], [sflag:$0x1] =	stream.linear.gather [hbm4b:s28+s18], $0x80, $0x38;
	[tilespmem:$0x1DE00] =	vst v63  }
0x3e: {  	v6 =	vld [tilespmem:s21+$0x5200]  }
0x3f: {  	v11 =	vld [tilespmem:s21+$0x5210]  }
0x40: {  	v5 =	vld [tilespmem:s21+$0x5220]  }
0x41: {  	v4 =	vld [tilespmem:s21+$0x5230]  }
0x42: {  	v3 =	vld [tilespmem:s21+$0x5240]  }
0x43: {  	v2 =	vld [tilespmem:s21+$0x5250]  }
0x44: {  	v1 =	vld [tilespmem:s21+$0x5260]  }
0x45: {  	v0 =	vld [tilespmem:s21+$0x5270]  }
0x46: {  	v12 =	vld [tilespmem:s21+$0x200]  }
0x47: {  	v13 =	vld [tilespmem:s21+$0x210]  }
0x48: {  	v10 =	vld [tilespmem:s21+$0x220]  }
0x49: {  	v9 =	vld [tilespmem:s21+$0x230]  }
0x4a: {  	v8 =	vld [tilespmem:s21+$0x240]  }
0x4b: {  	v7 =	vld [tilespmem:s21+$0x250];
	v12 =	vadd.f32 v6, v12  }
0x4c: {  	s18 =	simm.s32 $0x200;
	v11 =	vadd.f32 v11, v13;
	v6 =	vld [tilespmem:s21+$0x260]  }
.LBB2_3:
0x4d: {  	s28 =	sshra.s32 s18, $0x2;
	p0 =	sne.s32 s18, $0x9E00;
	v12 =	vmax.f32 v12, $0.0e+00;
	v5 =	vadd.f32 v5, v10;
	v10 =	vld [tilespmem:s21+$0x270]  }
0x4e: {  	v13 =	vld [tilespmem:s28+$0x5200];
	[tilespmem:s21+$0x200] =	vst v12;
	v11 =	vmax.f32 v11, $0.0e+00;
	v4 =	vadd.f32 v4, v9  }
0x4f: {  	v14 =	vld [tilespmem:s28+$0x5210];
	[tilespmem:s21+$0x210] =	vst v11;
	v9 =	vmax.f32 v5, $0.0e+00;
	v3 =	vadd.f32 v3, v8  }
0x50: {  	v5 =	vld [tilespmem:s28+$0x5220];
	[tilespmem:s21+$0x220] =	vst v9;
	v8 =	vmax.f32 v4, $0.0e+00;
	v2 =	vadd.f32 v2, v7  }
0x51: {  	v4 =	vld [tilespmem:s28+$0x5230];
	[tilespmem:s21+$0x230] =	vst v8;
	v7 =	vmax.f32 v3, $0.0e+00;
	v1 =	vadd.f32 v1, v6  }
0x52: {  	v3 =	vld [tilespmem:s28+$0x5240];
	[tilespmem:s21+$0x240] =	vst v7;
	v6 =	vmax.f32 v2, $0.0e+00;
	v0 =	vadd.f32 v0, v10  }
0x53: {  	v2 =	vld [tilespmem:s28+$0x5250];
	[tilespmem:s21+$0x250] =	vst v6;
	v6 =	vmax.f32 v1, $0.0e+00  }
0x54: {  	v1 =	vld [tilespmem:s28+$0x5260];
	[tilespmem:s21+$0x260] =	vst v6;
	v6 =	vmax.f32 v0, $0.0e+00  }
0x55: {  	v0 =	vld [tilespmem:s28+$0x5270];
	[tilespmem:s21+$0x270] =	vst v6;
	s21 =	smov.u32 s28  }
0x56: {  	v6 =	vld [tilespmem:s21+$0x200]  }
0x57: {  	v11 =	vld [tilespmem:s21+$0x210]  }
.Ltmp0:
0x58: {  	v10 =	vld [tilespmem:s21+$0x220];
	(pc) =	sbr.rel @p0 .LBB2_3-.Ltmp0, $4  }
0x59: {  	v9 =	vld [tilespmem:s21+$0x230]  }
0x5a: {  	v8 =	vld [tilespmem:s21+$0x240]  }
0x5b: {  	v12 =	vadd.f32 v13, v6;
	v7 =	vld [tilespmem:s21+$0x250]  }
0x5c: {  	s18 =	sadd.s32 $0x200, s18;
	v11 =	vadd.f32 v14, v11;
	v6 =	vld [tilespmem:s21+$0x260]  }
0x5d: {  	v12 =	vmax.f32 v12, $0.0e+00;
	v5 =	vadd.f32 v5, v10;
	v10 =	vld [tilespmem:s21+$0x270]  }
0x5e: {  	[tilespmem:s21+$0x200] =	vst v12;
	v11 =	vmax.f32 v11, $0.0e+00;
	v4 =	vadd.f32 v4, v9  }
0x5f: {  	[tilespmem:s21+$0x210] =	vst v11;
	v5 =	vmax.f32 v5, $0.0e+00;
	v3 =	vadd.f32 v3, v8  }
0x60: {  	[tilespmem:s21+$0x220] =	vst v5;
	v4 =	vmax.f32 v4, $0.0e+00;
	v2 =	vadd.f32 v2, v7  }
0x61: {  	[tilespmem:s21+$0x230] =	vst v4;
	v3 =	vmax.f32 v3, $0.0e+00;
	v1 =	vadd.f32 v1, v6  }
0x62: {  	[tilespmem:s21+$0x240] =	vst v3;
	v2 =	vmax.f32 v2, $0.0e+00;
	v0 =	vadd.f32 v0, v10  }
0x63: {  	[tilespmem:s21+$0x250] =	vst v2;
	v1 =	vmax.f32 v1, $0.0e+00  }
0x64: {  	[tilespmem:s21+$0x260] =	vst v1;
	v0 =	vmax.f32 v0, $0.0e+00  }
0x65: {  	[tilespmem:s21+$0x270] =	vst v0  }
0x66: {  	_ =	swait.ge [sflag:s13], $0x80  }
0x67: {  	[sflag:s13] =	ssyncset.done $0x0  }
0x68: {  	[sflag:s13] =	ssyncadd.s32 $0xFFFFFF80  }
0x69: {  	[spmem:s2] =	stream.indirect.scatter.add.f32 [tilespmem:s30], [sflag:$0x9], $0x80, s23, s29, $0xb8;
	[tilespmem:$0x1DE00] =	vst v63  }
0x6a: {  	_ =	swait.ge [sflag:s22], $0x2800  }
0x6b: {  	s10 =	sadd.s32 s7, s10;
	[sflag:s22] =	ssyncset.done $0x0  }
0x6c: {  	s18 =	simm.s32 $0x0;
	s20 =	smul.u32 $0x50, s20;
	[sflag:s22] =	ssyncadd.s32 $0xFFFFD800  }
0x6d: {  	[tilespmem:s23], [sflag:$0x3] =	stream.linear.gather [hbm4b:s10+s18], $0x80, $0x38;
	[tilespmem:$0x1DE00] =	vst v63  }
0x6e: {  	s21 =	sadd.s32 s8, s20;
	_ =	swait.ge [sflag:s26], $0x80  }
0x6f: {  	s10 =	sshll.u32 s21, $0x4;
	[sflag:s26] =	ssyncset.done $0x0  }
0x70: {  	s28 =	simm.s32 $0x5200;
	s10 =	sadd.s32 s5, s10;
	[sflag:s26] =	ssyncadd.s32 $0xFFFFFF80  }
0x71: {  	[tilespmem:s28], [sflag:$0x7] =	stream.linear.gather [hbm4b:s10+s18], $0x2800, $0x38;
	[tilespmem:$0x1DE00] =	vst v63  }
0x72: {  	s20 =	sshll.u32 s19, $0x8  }
0x73: {  	[tilespmem:s30], [sflag:$0x5] =	stream.indirect.gather [hbm4b:s4+s29], $0x80, s18, s29, $0xb8;
	[tilespmem:$0x1DE00] =	vst v63  }
0x74: {  	s10 =	sadd.s32 $0x180, s20;
	_ =	swait.ge [sflag:s14], $0x2800  }
0x75: {  	s21 =	sand.u32 $0x7C00, s10;
	[sflag:s14] =	ssyncset.done $0x0  }
0x76: {  	s10 =	sand.u32 $0x380, s10;
	s20 =	sadd.s32 s11, s21;
	[sflag:s14] =	ssyncadd.s32 $0xFFFFD800  }
0x77: {  	s10 =	sor.u32 s10, s20;
	_ =	swait.ge [sflag:s15], $0x2800  }
0x78: {  	s10 =	sshrl.u32 s10, $0x3;
	[sflag:s15] =	ssyncset.done $0x0  }
0x79: {  	s20 =	simm.s32 $0x0;
	s28 =	sadd.s32 s6, s10;
	[sflag:s15] =	ssyncadd.s32 $0xFFFFD800  }
0x7a: {  	[tilespmem:s24], [sflag:$0x2] =	stream.linear.gather [hbm4b:s28+s18], $0x80, $0x38;
	[tilespmem:$0x1DE00] =	vst v63  }
0x7b: {  	v6 =	vld [tilespmem:s20+$0x7A00]  }
0x7c: {  	v11 =	vld [tilespmem:s20+$0x7A10]  }
0x7d: {  	v5 =	vld [tilespmem:s20+$0x7A20]  }
0x7e: {  	v4 =	vld [tilespmem:s20+$0x7A30]  }
0x7f: {  	v3 =	vld [tilespmem:s20+$0x7A40]  }
0x80: {  	v2 =	vld [tilespmem:s20+$0x7A50]  }
0x81: {  	v1 =	vld [tilespmem:s20+$0x7A60]  }
0x82: {  	v0 =	vld [tilespmem:s20+$0x7A70]  }
0x83: {  	v12 =	vld [tilespmem:s20+$0x2A00]  }
0x84: {  	v13 =	vld [tilespmem:s20+$0x2A10]  }
0x85: {  	v10 =	vld [tilespmem:s20+$0x2A20]  }
0x86: {  	v9 =	vld [tilespmem:s20+$0x2A30]  }
0x87: {  	v8 =	vld [tilespmem:s20+$0x2A40]  }
0x88: {  	v7 =	vld [tilespmem:s20+$0x2A50];
	v12 =	vadd.f32 v6, v12  }
0x89: {  	s18 =	simm.s32 $0x200;
	v11 =	vadd.f32 v11, v13;
	v6 =	vld [tilespmem:s20+$0x2A60]  }
.LBB2_5:
0x8a: {  	s21 =	sshra.s32 s18, $0x2;
	p0 =	sne.s32 s18, $0x9E00;
	v12 =	vmax.f32 v12, $0.0e+00;
	v5 =	vadd.f32 v5, v10;
	v10 =	vld [tilespmem:s20+$0x2A70]  }
0x8b: {  	v13 =	vld [tilespmem:s21+$0x7A00];
	[tilespmem:s20+$0x2A00] =	vst v12;
	v11 =	vmax.f32 v11, $0.0e+00;
	v4 =	vadd.f32 v4, v9  }
0x8c: {  	v14 =	vld [tilespmem:s21+$0x7A10];
	[tilespmem:s20+$0x2A10] =	vst v11;
	v9 =	vmax.f32 v5, $0.0e+00;
	v3 =	vadd.f32 v3, v8  }
0x8d: {  	v5 =	vld [tilespmem:s21+$0x7A20];
	[tilespmem:s20+$0x2A20] =	vst v9;
	v8 =	vmax.f32 v4, $0.0e+00;
	v2 =	vadd.f32 v2, v7  }
0x8e: {  	v4 =	vld [tilespmem:s21+$0x7A30];
	[tilespmem:s20+$0x2A30] =	vst v8;
	v7 =	vmax.f32 v3, $0.0e+00;
	v1 =	vadd.f32 v1, v6  }
0x8f: {  	v3 =	vld [tilespmem:s21+$0x7A40];
	[tilespmem:s20+$0x2A40] =	vst v7;
	v6 =	vmax.f32 v2, $0.0e+00;
	v0 =	vadd.f32 v0, v10  }
0x90: {  	v2 =	vld [tilespmem:s21+$0x7A50];
	[tilespmem:s20+$0x2A50] =	vst v6;
	v6 =	vmax.f32 v1, $0.0e+00  }
0x91: {  	v1 =	vld [tilespmem:s21+$0x7A60];
	[tilespmem:s20+$0x2A60] =	vst v6;
	v6 =	vmax.f32 v0, $0.0e+00  }
0x92: {  	v0 =	vld [tilespmem:s21+$0x7A70];
	[tilespmem:s20+$0x2A70] =	vst v6;
	s20 =	smov.u32 s21  }
0x93: {  	v6 =	vld [tilespmem:s20+$0x2A00]  }
0x94: {  	v11 =	vld [tilespmem:s20+$0x2A10]  }
.Ltmp1:
0x95: {  	v10 =	vld [tilespmem:s20+$0x2A20];
	(pc) =	sbr.rel @p0 .LBB2_5-.Ltmp1, $4  }
0x96: {  	v9 =	vld [tilespmem:s20+$0x2A30]  }
0x97: {  	v8 =	vld [tilespmem:s20+$0x2A40]  }
0x98: {  	v12 =	vadd.f32 v13, v6;
	v7 =	vld [tilespmem:s20+$0x2A50]  }
0x99: {  	s18 =	sadd.s32 $0x200, s18;
	v11 =	vadd.f32 v14, v11;
	v6 =	vld [tilespmem:s20+$0x2A60]  }
0x9a: {  	v12 =	vmax.f32 v12, $0.0e+00;
	v5 =	vadd.f32 v5, v10;
	v63 =	vld [tilespmem:s20+$0x2A70]  }
0x9b: {  	[tilespmem:s20+$0x2A00] =	vst v12;
	v11 =	vmax.f32 v11, $0.0e+00;
	v4 =	vadd.f32 v4, v9  }
0x9c: {  	[tilespmem:s20+$0x2A10] =	vst v11;
	v5 =	vmax.f32 v5, $0.0e+00;
	v3 =	vadd.f32 v3, v8  }
0x9d: {  	[tilespmem:s20+$0x2A20] =	vst v5;
	v4 =	vmax.f32 v4, $0.0e+00;
	v2 =	vadd.f32 v2, v7  }
0x9e: {  	[tilespmem:s20+$0x2A30] =	vst v4;
	v3 =	vmax.f32 v3, $0.0e+00;
	v1 =	vadd.f32 v1, v6  }
0x9f: {  	[tilespmem:s20+$0x2A40] =	vst v3;
	v2 =	vmax.f32 v2, $0.0e+00;
	v0 =	vadd.f32 v0, v63  }
0xa0: {  	[tilespmem:s20+$0x2A50] =	vst v2;
	v1 =	vmax.f32 v1, $0.0e+00  }
0xa1: {  	[tilespmem:s20+$0x2A60] =	vst v1;
	v0 =	vmax.f32 v0, $0.0e+00  }
0xa2: {  	[tilespmem:s20+$0x2A70] =	vst v0  }
0xa3: {  	_ =	swait.ge [sflag:s16], $0x80  }
0xa4: {  	s19 =	sadd.s32 $0x1, s19;
	[sflag:s16] =	ssyncset.done $0x0  }
0xa5: {  	p0 =	sne.s32 s19, $0x3F;
	[sflag:s16] =	ssyncadd.s32 $0xFFFFFF80  }
0xa6: {  	[spmem:s2] =	stream.indirect.scatter.add.f32 [tilespmem:s1], [sflag:$0x9], $0x80, s25, s29, $0xb8;
	[tilespmem:$0x1DE00] =	vst v63  }
.Ltmp2:
0xa7: {  	_ = 	snop;
	(pc) =	sbr.rel @p0 .LBB2_2-.Ltmp2, $4  }
0xa8: {  	_ =	swait.ge [sflag:s22], $0x2800  }
0xa9: {  	[sflag:s22] =	ssyncset.done $0x0  }
0xaa: {  	s10 =	sadd.s32 s7, s10;
	[sflag:s22] =	ssyncadd.s32 $0xFFFFD800  }
0xab: {  	[tilespmem:s25], [sflag:$0x4] =	stream.linear.gather [hbm4b:s10+s3], $0x80, $0x38;
	[tilespmem:$0x1DE00] =	vst v63  }
0xac: {  	_ =	swait.ge [sflag:s31], $0x80  }
0xad: {  	[sflag:s31] =	ssyncset.done $0x0  }
0xae: {  	s10 =	simm.s32 $0x0;
	s18 =	rddreg [dreg:$0xa];
	[sflag:s31] =	ssyncadd.s32 $0xFFFFFF80  }
0xaf: {  	[tilespmem:s0], [sflag:$0x8] =	stream.linear.gather [hbm4b:s18+s10], $0x2800, $0x38;
	[tilespmem:$0x1DE00] =	vst v63  }
0xb0: {  	_ = 	snop  }
0xb1: {  	[tilespmem:s1], [sflag:$0x6] =	stream.indirect.gather [hbm4b:s4+s29], $0x80, s24, s29, $0xb8;
	[tilespmem:$0x1DE00] =	vst v63  }
0xb2: {  	_ =	swait.ge [sflag:s9], $0x2800  }
0xb3: {  	[sflag:s9] =	ssyncset.done $0x0  }
0xb4: {  	[sflag:s9] =	ssyncadd.s32 $0xFFFFD800  }
0xb5: {  	_ =	swait.ge [sflag:s12], $0x2800  }
0xb6: {  	[sflag:s12] =	ssyncset.done $0x0  }
0xb7: {  	s10 =	simm.s32 $0x0;
	[sflag:s12] =	ssyncadd.s32 $0xFFFFD800  }
0xb8: {  	v6 =	vld [tilespmem:s10+$0x5200]  }
0xb9: {  	v11 =	vld [tilespmem:s10+$0x5210]  }
0xba: {  	v5 =	vld [tilespmem:s10+$0x5220]  }
0xbb: {  	v4 =	vld [tilespmem:s10+$0x5230]  }
0xbc: {  	v3 =	vld [tilespmem:s10+$0x5240]  }
0xbd: {  	v2 =	vld [tilespmem:s10+$0x5250]  }
0xbe: {  	v1 =	vld [tilespmem:s10+$0x5260]  }
0xbf: {  	v0 =	vld [tilespmem:s10+$0x5270]  }
0xc0: {  	v12 =	vld [tilespmem:s10+$0x200]  }
0xc1: {  	v13 =	vld [tilespmem:s10+$0x210]  }
0xc2: {  	v10 =	vld [tilespmem:s10+$0x220]  }
0xc3: {  	v9 =	vld [tilespmem:s10+$0x230]  }
0xc4: {  	v8 =	vld [tilespmem:s10+$0x240]  }
0xc5: {  	v7 =	vld [tilespmem:s10+$0x250];
	v12 =	vadd.f32 v6, v12  }
0xc6: {  	s18 =	simm.s32 $0x200;
	v11 =	vadd.f32 v11, v13;
	v6 =	vld [tilespmem:s10+$0x260]  }
.LBB2_8:
0xc7: {  	s19 =	sshra.s32 s18, $0x2;
	p0 =	sne.s32 s18, $0x9E00;
	v12 =	vmax.f32 v12, $0.0e+00;
	v5 =	vadd.f32 v5, v10;
	v10 =	vld [tilespmem:s10+$0x270]  }
0xc8: {  	v13 =	vld [tilespmem:s19+$0x5200];
	[tilespmem:s10+$0x200] =	vst v12;
	v11 =	vmax.f32 v11, $0.0e+00;
	v4 =	vadd.f32 v4, v9  }
0xc9: {  	v14 =	vld [tilespmem:s19+$0x5210];
	[tilespmem:s10+$0x210] =	vst v11;
	v9 =	vmax.f32 v5, $0.0e+00;
	v3 =	vadd.f32 v3, v8  }
0xca: {  	v5 =	vld [tilespmem:s19+$0x5220];
	[tilespmem:s10+$0x220] =	vst v9;
	v8 =	vmax.f32 v4, $0.0e+00;
	v2 =	vadd.f32 v2, v7  }
0xcb: {  	v4 =	vld [tilespmem:s19+$0x5230];
	[tilespmem:s10+$0x230] =	vst v8;
	v7 =	vmax.f32 v3, $0.0e+00;
	v1 =	vadd.f32 v1, v6  }
0xcc: {  	v3 =	vld [tilespmem:s19+$0x5240];
	[tilespmem:s10+$0x240] =	vst v7;
	v6 =	vmax.f32 v2, $0.0e+00;
	v0 =	vadd.f32 v0, v10  }
0xcd: {  	v2 =	vld [tilespmem:s19+$0x5250];
	[tilespmem:s10+$0x250] =	vst v6;
	v6 =	vmax.f32 v1, $0.0e+00  }
0xce: {  	v1 =	vld [tilespmem:s19+$0x5260];
	[tilespmem:s10+$0x260] =	vst v6;
	v6 =	vmax.f32 v0, $0.0e+00  }
0xcf: {  	v0 =	vld [tilespmem:s19+$0x5270];
	[tilespmem:s10+$0x270] =	vst v6;
	s10 =	smov.u32 s19  }
0xd0: {  	v6 =	vld [tilespmem:s10+$0x200]  }
0xd1: {  	v11 =	vld [tilespmem:s10+$0x210]  }
.Ltmp3:
0xd2: {  	v10 =	vld [tilespmem:s10+$0x220];
	(pc) =	sbr.rel @p0 .LBB2_8-.Ltmp3, $4  }
0xd3: {  	v9 =	vld [tilespmem:s10+$0x230]  }
0xd4: {  	v8 =	vld [tilespmem:s10+$0x240]  }
0xd5: {  	v12 =	vadd.f32 v13, v6;
	v7 =	vld [tilespmem:s10+$0x250]  }
0xd6: {  	s18 =	sadd.s32 $0x200, s18;
	v11 =	vadd.f32 v14, v11;
	v6 =	vld [tilespmem:s10+$0x260]  }
0xd7: {  	v12 =	vmax.f32 v12, $0.0e+00;
	v5 =	vadd.f32 v5, v10;
	v10 =	vld [tilespmem:s10+$0x270]  }
0xd8: {  	[tilespmem:s10+$0x200] =	vst v12;
	v11 =	vmax.f32 v11, $0.0e+00;
	v4 =	vadd.f32 v4, v9  }
0xd9: {  	[tilespmem:s10+$0x210] =	vst v11;
	v5 =	vmax.f32 v5, $0.0e+00;
	v3 =	vadd.f32 v3, v8  }
0xda: {  	[tilespmem:s10+$0x220] =	vst v5;
	v4 =	vmax.f32 v4, $0.0e+00;
	v2 =	vadd.f32 v2, v7  }
0xdb: {  	[tilespmem:s10+$0x230] =	vst v4;
	v3 =	vmax.f32 v3, $0.0e+00;
	v1 =	vadd.f32 v1, v6  }
0xdc: {  	[tilespmem:s10+$0x240] =	vst v3;
	v2 =	vmax.f32 v2, $0.0e+00;
	v0 =	vadd.f32 v0, v10  }
0xdd: {  	[tilespmem:s10+$0x250] =	vst v2;
	v1 =	vmax.f32 v1, $0.0e+00  }
0xde: {  	[tilespmem:s10+$0x260] =	vst v1;
	v0 =	vmax.f32 v0, $0.0e+00  }
0xdf: {  	[tilespmem:s10+$0x270] =	vst v0  }
0xe0: {  	_ =	swait.ge [sflag:s13], $0x80  }
0xe1: {  	[sflag:s13] =	ssyncset.done $0x0  }
0xe2: {  	[sflag:s13] =	ssyncadd.s32 $0xFFFFFF80  }
0xe3: {  	[spmem:s2] =	stream.indirect.scatter.add.f32 [tilespmem:s30], [sflag:$0x9], $0x80, s23, s29, $0xb8;
	[tilespmem:$0x1DE00] =	vst v63  }
0xe4: {  	_ =	swait.ge [sflag:s22], $0x2800  }
0xe5: {  	[sflag:s22] =	ssyncset.done $0x0  }
0xe6: {  	[sflag:s22] =	ssyncadd.s32 $0xFFFFD800  }
0xe7: {  	_ =	swait.ge [sflag:s14], $0x2800  }
0xe8: {  	[sflag:s14] =	ssyncset.done $0x0  }
0xe9: {  	[sflag:s14] =	ssyncadd.s32 $0xFFFFD800  }
0xea: {  	_ =	swait.ge [sflag:s15], $0x2800  }
0xeb: {  	[sflag:s15] =	ssyncset.done $0x0  }
0xec: {  	s10 =	simm.s32 $0x0;
	[sflag:s15] =	ssyncadd.s32 $0xFFFFD800  }
0xed: {  	v6 =	vld [tilespmem:s10+$0x7A00]  }
0xee: {  	v11 =	vld [tilespmem:s10+$0x7A10]  }
0xef: {  	v5 =	vld [tilespmem:s10+$0x7A20]  }
0xf0: {  	v4 =	vld [tilespmem:s10+$0x7A30]  }
0xf1: {  	v3 =	vld [tilespmem:s10+$0x7A40]  }
0xf2: {  	v2 =	vld [tilespmem:s10+$0x7A50]  }
0xf3: {  	v1 =	vld [tilespmem:s10+$0x7A60]  }
0xf4: {  	v0 =	vld [tilespmem:s10+$0x7A70]  }
0xf5: {  	v12 =	vld [tilespmem:s10+$0x2A00]  }
0xf6: {  	v13 =	vld [tilespmem:s10+$0x2A10]  }
0xf7: {  	v10 =	vld [tilespmem:s10+$0x2A20]  }
0xf8: {  	v9 =	vld [tilespmem:s10+$0x2A30]  }
0xf9: {  	v8 =	vld [tilespmem:s10+$0x2A40]  }
0xfa: {  	v7 =	vld [tilespmem:s10+$0x2A50];
	v12 =	vadd.f32 v6, v12  }
0xfb: {  	s18 =	simm.s32 $0x200;
	s20 =	rddreg [dreg:$0xe];
	v11 =	vadd.f32 v11, v13;
	v6 =	vld [tilespmem:s10+$0x2A60]  }
.LBB2_10:
0xfc: {  	s19 =	sshra.s32 s18, $0x2;
	p0 =	sne.s32 s18, $0x9E00;
	v12 =	vmax.f32 v12, $0.0e+00;
	v5 =	vadd.f32 v5, v10;
	v10 =	vld [tilespmem:s10+$0x2A70]  }
0xfd: {  	v13 =	vld [tilespmem:s19+$0x7A00];
	[tilespmem:s10+$0x2A00] =	vst v12;
	v11 =	vmax.f32 v11, $0.0e+00;
	v4 =	vadd.f32 v4, v9  }
0xfe: {  	v14 =	vld [tilespmem:s19+$0x7A10];
	[tilespmem:s10+$0x2A10] =	vst v11;
	v9 =	vmax.f32 v5, $0.0e+00;
	v3 =	vadd.f32 v3, v8  }
0xff: {  	v5 =	vld [tilespmem:s19+$0x7A20];
	[tilespmem:s10+$0x2A20] =	vst v9;
	v8 =	vmax.f32 v4, $0.0e+00;
	v2 =	vadd.f32 v2, v7  }
0x100: {  	v4 =	vld [tilespmem:s19+$0x7A30];
	[tilespmem:s10+$0x2A30] =	vst v8;
	v7 =	vmax.f32 v3, $0.0e+00;
	v1 =	vadd.f32 v1, v6  }
0x101: {  	v3 =	vld [tilespmem:s19+$0x7A40];
	[tilespmem:s10+$0x2A40] =	vst v7;
	v6 =	vmax.f32 v2, $0.0e+00;
	v0 =	vadd.f32 v0, v10  }
0x102: {  	v2 =	vld [tilespmem:s19+$0x7A50];
	[tilespmem:s10+$0x2A50] =	vst v6;
	v6 =	vmax.f32 v1, $0.0e+00  }
0x103: {  	v1 =	vld [tilespmem:s19+$0x7A60];
	[tilespmem:s10+$0x2A60] =	vst v6;
	v6 =	vmax.f32 v0, $0.0e+00  }
0x104: {  	v0 =	vld [tilespmem:s19+$0x7A70];
	[tilespmem:s10+$0x2A70] =	vst v6;
	s10 =	smov.u32 s19  }
0x105: {  	v6 =	vld [tilespmem:s10+$0x2A00]  }
0x106: {  	v11 =	vld [tilespmem:s10+$0x2A10]  }
.Ltmp4:
0x107: {  	v10 =	vld [tilespmem:s10+$0x2A20];
	(pc) =	sbr.rel @p0 .LBB2_10-.Ltmp4, $4  }
0x108: {  	v9 =	vld [tilespmem:s10+$0x2A30]  }
0x109: {  	v8 =	vld [tilespmem:s10+$0x2A40]  }
0x10a: {  	v12 =	vadd.f32 v13, v6;
	v7 =	vld [tilespmem:s10+$0x2A50]  }
0x10b: {  	s18 =	sadd.s32 $0x200, s18;
	v11 =	vadd.f32 v14, v11;
	v6 =	vld [tilespmem:s10+$0x2A60]  }
0x10c: {  	v12 =	vmax.f32 v12, $0.0e+00;
	v5 =	vadd.f32 v5, v10;
	v63 =	vld [tilespmem:s10+$0x2A70]  }
0x10d: {  	[tilespmem:s10+$0x2A00] =	vst v12;
	v11 =	vmax.f32 v11, $0.0e+00;
	v4 =	vadd.f32 v4, v9  }
0x10e: {  	[tilespmem:s10+$0x2A10] =	vst v11;
	v5 =	vmax.f32 v5, $0.0e+00;
	v3 =	vadd.f32 v3, v8  }
0x10f: {  	[tilespmem:s10+$0x2A20] =	vst v5;
	v4 =	vmax.f32 v4, $0.0e+00;
	v2 =	vadd.f32 v2, v7  }
0x110: {  	[tilespmem:s10+$0x2A30] =	vst v4;
	v3 =	vmax.f32 v3, $0.0e+00;
	v1 =	vadd.f32 v1, v6  }
0x111: {  	[tilespmem:s10+$0x2A40] =	vst v3;
	v2 =	vmax.f32 v2, $0.0e+00;
	v0 =	vadd.f32 v0, v63  }
0x112: {  	[tilespmem:s10+$0x2A50] =	vst v2;
	v1 =	vmax.f32 v1, $0.0e+00  }
0x113: {  	[tilespmem:s10+$0x2A60] =	vst v1;
	v0 =	vmax.f32 v0, $0.0e+00  }
0x114: {  	[tilespmem:s10+$0x2A70] =	vst v0  }
0x115: {  	_ =	swait.ge [sflag:s16], $0x80  }
0x116: {  	[sflag:s16] =	ssyncset.done $0x0  }
0x117: {  	[sflag:s16] =	ssyncadd.s32 $0xFFFFFF80  }
0x118: {  	[spmem:s2] =	stream.indirect.scatter.add.f32 [tilespmem:s1], [sflag:$0x9], $0x80, s25, s29, $0xb8;
	[tilespmem:$0x1DE00] =	vst v63  }
0x119: {  	_ =	swait.ge [sflag:s22], $0x2800  }
0x11a: {  	[sflag:s22] =	ssyncset.done $0x0  }
0x11b: {  	[sflag:s22] =	ssyncadd.s32 $0xFFFFD800  }
0x11c: {  	[bflag:$0x0] =	sbarrier.arrive $0xFFFF  }
0x11d: {  	s18 =	rddreg [dreg:$0x4]  }
0x11e: {  	s21 =	rddreg [dreg:$0xb]  }
0x11f: {  	s19 =	rddreg [dreg:$0xd]  }
0x120: {  	[hbm:s21], [sflag:s18] =	dma.local [spmem:s19], $0x2780  }
0x121: {  	_ =	swait.ge [sflag:s22], $0x2780  }
0x122: {  	s20 =	sadd.s32 $0x1, s20;
	s28 =	rddreg [dreg:$0xc]  }
0x123: {  	p0 =	sne.s32 s20, s28  }
.Ltmp5:
0x124: {  	_ = 	snop;
	(pc) =	sbr.rel @p0 .LBB2_1-.Ltmp5, $3  }
0x125: {  	_ =	sdelay $0x1  }
0x126: {  	[sflag:s22] =	ssyncset.done $0x0  }
0x127: {  	[sflag:s22] =	ssyncadd.s32 $0xFFFFD880  }
0x128: {  	_ =	sfence.sel $0x180000  }
0x129: {  	[bflag:$0x0] =	sbarrier.arrive $0xFFFF  }
0x12a: {  	_ =	strace $0x9000004A  }
0x12b: {  	s0 =	stileid.u32;
	[bflag:$0x2] =	sbarrier.arrive $0xFFFF  }
0x12c: {  	p0 =	sne.s32 s0, $0x0;
	s0 =	rddreg [dreg:$0x2]  }
0x12d: {  	s0 =	sadd.s32 @!p0 $0x100000, s0  }
0x12e: {  	[sflag:s0] =	ssyncadd.tile.s32 @!p0 $0x1;
	_ =	shalt  }
.Lfunc_end2:
_tile_overlayer_lowered:
.L_overlay_start_2:
0x12f: {  	(tag) =	ssettag $0x2  }
0x130: {  	s0 =	rddreg [dreg:$0x0];
	s2 =	stileid.u32  }
0x131: {  	s1 =	rddreg [dreg:$0x1];
	p0 =	sne.s32 s2, $0x0  }
0x132: {  	s3 =	rddreg [dreg:$0x2];
	[bflag:$0x3] =	sbarrier.arrive $0xFFFF;
	s2 =	simm.s32 @!p0 $0x1C09  }
0x133: {  	[timem:s3], [sflag:s2] =	dma.local @!p0 [hbm:s0], s1  }
0x134: {  	s0 =	simm.s32 @!p0 $0x9  }
0x135: {  	_ =	swait.ge @!p0 [sflag:s0], s1  }
0x136: {  	s1 =	ssub.s32 @!p0 $0x0, s1;
	[sflag:s0] =	ssyncset.done @!p0 $0x0  }
0x137: {  	[sflag:s0] =	ssyncadd.s32 @!p0 s1  }
0x138: {  	[bflag:$0x3] =	sbarrier.arrive $0xFFFF  }
0x139: {  	_ =	shalt  }

// kernel: kernel.19.cloned.1.call-start
scs
__scs_entry_jumppad:
0x0: {  	(pc) =	sbr.rel $0x88, $3  }
0x1: {  	(tag) =	ssettag $0x0;
	lr =	simm.s32 $0x1  }
0x2: {  	[smem:$0x3F8A] =	sst lr;
	_ =	strace $0xD0000000  }
0x3: {  	_ = 	snop  }
0x4: {  	_ = 	snop  }
0x5: {  	_ = 	snop  }
0x6: {  	_ = 	snop  }
0x7: {  	_ = 	snop  }
__scs_overlays_trampoline_lowered:
0x8: {  	[smem:$0x3F99] =	sst s0  }
0x9: {  	[smem:$0x3F9A] =	sst s1  }
0xa: {  	[smem:$0x3F9B] =	sst s2  }
0xb: {  	[smem:$0x3F9C] =	sst s3  }
0xc: {  	[smem:$0x3F9D] =	sst s4  }
0xd: {  	[smem:$0x3F9E] =	sst s5  }
0xe: {  	[smem:$0x3F9F] =	sst s6  }
0xf: {  	[smem:$0x3FA0] =	sst s7  }
0x10: {  	[smem:$0x3FA1] =	sst s8  }
0x11: {  	[smem:$0x3FA2] =	sst s9;
	s0 =	simm.s32 @!p0 $0x0  }
0x12: {  	s1 =	sld [smem:$0x3F88];
	s0 =	simm.s32 @p0 $0x1  }
0x13: {  	[smem:$0x3FA3] =	sst s0;
	s0 =	simm.s32 @!p1 $0x0  }
0x14: {  	s2 =	sld [smem:$0x3F87];
	s0 =	simm.s32 @p1 $0x1  }
0x15: {  	[smem:$0x3FA4] =	sst s0;
	s0 =	simm.s32 @!p2 $0x0  }
0x16: {  	s3 =	sld [smem:$0x3FDB];
	s0 =	simm.s32 @p2 $0x1  }
0x17: {  	s4 =	simm.s32 $0x1BF5;
	[smem:$0x3FA6] =	sst s0  }
0x18: {  	s0 =	sld [smem:$0x3F89];
	_ =	swait.ge [sflag:s4], $0x0  }
0x19: {  	s7 =	sld [smem:$0x3F8A]  }
0x1a: {  	s8 =	sadd.s32 $0xFFFFE003, lr  }
0x1b: {  	s9 =	sadd.s32 $0xFFFFFEF7, lr;
	s5 =	simm.s32 $0xFFFFFFFF;
	p2 =	slt.u32 s8, $0xFFFFF086  }
0x1c: {  	p1 =	slt.u32 s9, $0xF7A;
	s5 =	simm.s32 @!p2 $0x0  }
0x1d: {  	s5 =	simm.s32 @p1 $0x1;
	p0 =	seq.s32 s7, s2  }
0x1e: {  	s7 =	smul.u32 @!p0 $0xF7A, s2;
	p2 =	seq.s32 @!p0 s5, $0x0  }
0x1f: {  	s9 =	smul.u32 $0xF7A, s1;
	s8 =	simm.s32 @!p0 $0x1BF5;
	p2 =	por !p2, p0  }
0x20: {  	[sflag:s8] =	ssyncset.s32 @!p0 $0xFFFFF086;
	s6 =	sadd.s32 @!p0 s3, s7;
	s7 =	simm.s32 @!p0 $0x108  }
0x21: {  	s3 =	sadd.s32 s3, s9;
	s6 =	sadd.s32 @!p0 $0x88, s6;
	s7 =	simm.s32 @p2 $0x1082  }
0x22: {  	[simem:s7], [sflag:s8] =	dma.local @!p0 [hbm:s6], $0xF7A  }
0x23: {  	s9 =	sor.u32 $0xD0000000, s2;
	s6 =	simm.s32 $0x108;
	_ =	swait.ge @!p0 [sflag:s8], $0x0  }
0x24: {  	s3 =	sadd.s32 $0x88, s3;
	s6 =	simm.s32 @!p1 $0x1082;
	[sflag:s4] =	ssyncset.s32 $0xFFFFF086  }
0x25: {  	[simem:s6], [sflag:s4] =	dma.local [hbm:s3], $0xF7A  }
0x26: {  	[smem:$0x3F8A] =	sst s1;
	(tag) =	ssettag s2;
	_ =	strace s9  }
0x27: {  	s1 =	sld [smem:$0x3F9A]  }
0x28: {  	s2 =	sld [smem:$0x3F9B]  }
0x29: {  	s4 =	sld [smem:$0x3F9D]  }
0x2a: {  	p0 =	seq.s32 s5, $0x0;
	s5 =	sld [smem:$0x3F9E]  }
0x2b: {  	s6 =	sld [smem:$0x3F9F]  }
0x2c: {  	s7 =	sld [smem:$0x3FA0]  }
0x2d: {  	s3 =	simm.s32 $0x108;
	s8 =	sld [smem:$0x3FA1]  }
0x2e: {  	s3 =	simm.s32 @!p0 $0x1082;
	s9 =	sld [smem:$0x3FA2]  }
0x2f: {  	lr =	sadd.s32 s0, s3;
	s0 =	sld [smem:$0x3F99]  }
0x30: {  	s3 =	sld [smem:$0x3F9C]  }
0x31: {  	[smem:$0x3FA5] =	sst s10  }
0x32: {  	s10 =	sld [smem:$0x3FA3];
	_ =	sdelay $0x3  }
0x33: {  	p0 =	seq.s32 s10, $0x1;
	s10 =	sld [smem:$0x3FA5];
	_ =	sdelay $0x3  }
0x34: {  	[smem:$0x3FA5] =	sst s10  }
0x35: {  	s10 =	sld [smem:$0x3FA4];
	_ =	sdelay $0x3  }
0x36: {  	p1 =	seq.s32 s10, $0x1;
	s10 =	sld [smem:$0x3FA5];
	_ =	sdelay $0x3  }
0x37: {  	[smem:$0x3FA5] =	sst s10  }
0x38: {  	s10 =	sld [smem:$0x3FA6]  }
0x39: {  	_ = 	snop;
	(pc) =	sbr.ind lr, $3  }
0x3a: {  	_ = 	snop  }
0x3b: {  	_ = 	snop  }
0x3c: {  	p2 =	seq.s32 s10, $0x1;
	s10 =	sld [smem:$0x3FA5]  }
0x3d: {  	_ =	shalt  }
0x3e: {  	_ =	shalt  }
0x3f: {  	_ =	shalt  }
0x40: {  	_ =	shalt  }
0x41: {  	_ =	shalt  }
0x42: {  	_ =	shalt  }
0x43: {  	_ =	shalt  }
0x44: {  	_ =	shalt  }
0x45: {  	_ =	shalt  }
0x46: {  	_ =	shalt  }
0x47: {  	_ =	shalt  }
0x48: {  	_ =	shalt  }
0x49: {  	_ =	shalt  }
0x4a: {  	_ =	shalt  }
0x4b: {  	_ =	shalt  }
0x4c: {  	_ =	shalt  }
0x4d: {  	_ =	shalt  }
0x4e: {  	_ =	shalt  }
0x4f: {  	_ =	shalt  }
0x50: {  	_ =	shalt  }
0x51: {  	_ =	shalt  }
0x52: {  	_ =	shalt  }
0x53: {  	_ =	shalt  }
0x54: {  	_ =	shalt  }
0x55: {  	_ =	shalt  }
0x56: {  	_ =	shalt  }
0x57: {  	_ =	shalt  }
0x58: {  	_ =	shalt  }
0x59: {  	_ =	shalt  }
0x5a: {  	_ =	shalt  }
0x5b: {  	_ =	shalt  }
0x5c: {  	_ =	shalt  }
0x5d: {  	_ =	shalt  }
0x5e: {  	_ =	shalt  }
0x5f: {  	_ =	shalt  }
0x60: {  	_ =	shalt  }
0x61: {  	_ =	shalt  }
0x62: {  	_ =	shalt  }
0x63: {  	_ =	shalt  }
0x64: {  	_ =	shalt  }
0x65: {  	_ =	shalt  }
0x66: {  	_ =	shalt  }
0x67: {  	_ =	shalt  }
0x68: {  	_ =	shalt  }
0x69: {  	_ =	shalt  }
0x6a: {  	_ =	shalt  }
0x6b: {  	_ =	shalt  }
0x6c: {  	_ =	shalt  }
0x6d: {  	_ =	shalt  }
0x6e: {  	_ =	shalt  }
0x6f: {  	_ =	shalt  }
0x70: {  	_ =	shalt  }
0x71: {  	_ =	shalt  }
0x72: {  	_ =	shalt  }
0x73: {  	_ =	shalt  }
0x74: {  	_ =	shalt  }
0x75: {  	_ =	shalt  }
0x76: {  	_ =	shalt  }
0x77: {  	_ =	shalt  }
0x78: {  	_ =	shalt  }
0x79: {  	_ =	shalt  }
0x7a: {  	_ =	shalt  }
0x7b: {  	_ =	shalt  }
0x7c: {  	_ =	shalt  }
0x7d: {  	_ =	shalt  }
0x7e: {  	_ =	shalt  }
0x7f: {  	_ =	shalt  }
0x80: {  	_ =	shalt  }
0x81: {  	_ =	shalt  }
0x82: {  	_ =	shalt  }
0x83: {  	_ =	shalt  }
0x84: {  	_ =	shalt  }
0x85: {  	_ =	shalt  }
0x86: {  	_ =	shalt  }
0x87: {  	_ =	shalt  }
.Lfunc_end0:
.L_simem_size_0:
called_computation.2_lowered:
.L_overlay_start_0:
0x88: {  	s2 =	sld [smem:$0x3FD9]  }
0x89: {  	s3 =	sld [smem:$0x3FFE];
	_ =	sdelay $0x1  }
0x8a: {  	s1 =	srdreg.scid  }
0x8b: {  	s0 =	sand.u32 $0x1, s1  }
0x8c: {  	s16 =	sshll.u32 s0, $0xA;
	s2 =	sadd.s32 s3, s2  }
0x8d: {  	s2 =	sadd.s32 s2, s16  }
0x8e: {  	[smem:$0x3FB1] =	sst s2  }
0x8f: {  	_ = 	snop  }
0x90: {  	(tm) =	ssettm $0x1  }
0x91: {  	s17 =	sld [smem:$0x3FFB];
	_ =	sdelay $0x3  }
0x92: {  	_ =	strace s17  }
0x93: {  	s2 =	sld [smem:$0x3FFC];
	_ =	sdelay $0x3  }
0x94: {  	_ =	strace s2  }
0x95: {  	s2 =	sld [smem:$0x3FFD];
	_ =	sdelay $0x3  }
0x96: {  	_ =	strace s2  }
0x97: {  	_ =	strace $0x8FFFFFFF  }
0x98: {  	s18 =	sld [smem:$0x3FDB];
	_ =	sdelay $0x1  }
0x99: {  	s19 =	simm.s32 $_scs_section_size  }
0x9a: {  	s4 =	simm.s32 $_size__tile_overlayer_lowered;
	s5 =	simm.s32 $_tile_overlayer_lowered  }
0x9b: {  	s22 =	simm.s32 $0x1BFF;
	s21 =	sshll.u32 s5, $0x1;
	s2 =	sadd.s32 s19, s18  }
0x9c: {  	s6 =	simm.s32 $0x0;
	s20 =	sshll.u32 s4, $0x1;
	s4 =	sadd.s32 s21, s2  }
0x9d: {  	[timem:s6], [sflag:s22] =	dma.local [hbm:s4], s20  }
0x9e: {  	_ =	swait.ge [sflag:s22], s20  }
0x9f: {  	s3 =	ssub.s32 $0x0, s20;
	[sflag:s22] =	ssyncset.done $0x0  }
0xa0: {  	[sflag:s22] =	ssyncadd.s32 s3;
	_ =	sdelay $0x1  }
0xa1: {  	s23 =	simm.s32 $0x1B8B  }
0xa2: {  	_ =	swait.ge [sflag:s23], $0x1  }
0xa3: {  	[sflag:s23] =	ssyncset.done $0x0  }
0xa4: {  	s25 =	simm.s32 $0x1B8E;
	s24 =	sld [smem:$0x3FFE];
	[sflag:s23] =	ssyncadd.s32 $0xFFFFFFFF  }
0xa5: {  	s26 =	simm.s32 $execute0_lowered;
	[smem:$0x3FD2] =	sst s25  }
0xa6: {  	s4 =	sshll.u32 s26, $0x1;
	_ =	strace $0x8000004C;
	[dreg:$0x1] =	wrdreg $0xFFFFFFFF  }
0xa7: {  	s28 =	simm.s32 $_size_execute0_lowered;
	s2 =	sadd.s32 s2, s4;
	[dreg:$0x0] =	wrdreg $0x0  }
0xa8: {  	s4 =	sshll.u32 s28, $0x1;
	[dreg:$0x2] =	wrdreg s2  }
0xa9: {  	[dreg:$0x3] =	wrdreg s4  }
0xaa: {  	[dreg:$0x4] =	wrdreg $0xC0  }
0xab: {  	_ =	task [dreg:s6], $0x5FFFF  }
0xac: {  	[dreg:$0x1] =	wrdreg $0xFFFFFFFF  }
0xad: {  	[dreg:$0x0] =	wrdreg $0x60  }
0xae: {  	[dreg:$0x2] =	wrdreg s24  }
0xaf: {  	[dreg:$0x3] =	wrdreg $0xA2000  }
0xb0: {  	[dreg:$0x4] =	wrdreg $0x9  }
0xb1: {  	_ =	task.clear_ibuf [dreg:s6], $0x5FFFF;
	_ =	strace $0x9000004C  }
0xb2: {  	s29 =	simm.s32 $0x9;
	_ =	strace $0x8000004E  }
0xb3: {  	_ =	swait.ge [sflag:s29], $0x1  }
0xb4: {  	[sflag:s29] =	ssyncadd.s32 $0xFFFFFFFF  }
0xb5: {  	_ =	strace $0x9000004E  }
0xb6: {  	_ =	sfence  }
0xb7: {  	s30 =	sld [smem:$0x0];
	_ =	sdelay $0x2  }
0xb8: {  	s31 =	sshll.u32 s1, $0xD;
	s1 =	sshrl.u32 s1, $0x2  }
0xb9: {  	s3 =	sand.u32 $0x4000, s31;
	s1 =	sadd.s32 s1, s30  }
0xba: {  	s0 =	sor.u32 s3, s0;
	s1 =	sshll.u32 s1, $0x11  }
0xbb: {  	s0 =	sor.u32 s1, s0  }
0xbc: {  	s0 =	sadd.s32 $0x8F2B, s0  }
0xbd: {  	[sflag:s0] =	ssyncadd.remote.s32 $0x1  }
0xbe: {  	_ =	sfence.sel $0xFFFF  }
0xbf: {  	[dreg:$0x0] =	wrdreg $0xFFFFFFFF;
	(pc) =	sbr.abs _section_cstart, $3  }
0xc0: {  	[dreg:$0x1] =	wrdreg $0xFFFFFFFF  }
0xc1: {  	_ =	task.clear_ibuf [dreg:s6], $0x2FFFF;
	_ =	strace $0x9FFFFFFF  }
0xc2: {  	(tm) =	ssettm $0x7FFFFFFF  }
0xc3: {  	_ =	shalt  }
tec
execute0_lowered:
.L_overlay_start_1:
0x0: {  	(tag) =	ssettag $0x1  }
0x1: {  	s0 =	rddreg [dreg:$0x0]  }
0x2: {  	s2 =	rddreg [dreg:$0x1]  }
0x3: {  	s3 =	simm.s32 $0x0;
	s13 =	stileid.u32;
	s1 =	srdreg.scid  }
0x4: {  	s29 =	simm.s32 $0x50;
	s30 =	simm.s32 $0x200;
	s31 =	simm.s32 $0x2  }
0x5: {  	s15 =	simm.s32 $0x6;
	s16 =	simm.s32 $0x4;
	[smem:$0x7FF] =	sst s3  }
0x6: {  	s8 =	smul.u32 $0x2780, s13;
	s1 =	sand.u32 $0x1, s1;
	s4 =	sadd.s32 $0x5000, s0  }
0x7: {  	s5 =	sadd.s32 $0x1407000, s0;
	s6 =	sadd.s32 $0x4E7000, s0;
	s7 =	sadd.s32 $0x4F7000, s0  }
0x8: {  	s11 =	sshll.u32 s13, $0x1;
	s12 =	smul.u32 $0x4F000, s13;
	s20 =	sshll.u32 s13, $0x6  }
0x9: {  	_ =	strace $0x8000004D;
	s9 =	smul.u32 $0x27800, s1;
	s17 =	ssub.s32 $0x2, s1  }
0xa: {  	s1 =	sor.u32 s1, s11;
	s10 =	sadd.s32 s8, s0;
	s18 =	sshrl.u32 s17, $0x1  }
0xb: {  	s19 =	sshrl.u32 s12, $0x2;
	s21 =	sshll.u32 s1, $0xB;
	s22 =	smul.u32 $0x140000, s1  }
0xc: {  	s11 =	sshll.u32 s1, $0xE;
	s8 =	sadd.s32 s8, s9;
	s9 =	ssub.s32 s17, s18  }
0xd: {  	s12 =	sadd.s32 s19, s2;
	s10 =	sadd.s32 $0x53400, s10;
	s18 =	sor.u32 $0x1C09, s20  }
0xe: {  	s14 =	sadd.s32 s6, s21;
	s23 =	sadd.s32 s7, s21;
	[dreg:$0x3] =	wrdreg s10  }
0xf: {  	s20 =	simm.s32 $0x0;
	s0 =	sadd.s32 s8, s0;
	[dreg:$0x5] =	wrdreg s14  }
0x10: {  	s8 =	smul.u32 $0x2800, s1;
	[dreg:$0x6] =	wrdreg s23;
	s10 =	sor.u32 $0x10, s21  }
0x11: {  	s1 =	smul.u32 $0x28000, s1;
	s13 =	sshrl.u32 s22, $0x3;
	s28 =	smax.u32 s9, $0x1  }
0x12: {  	s19 =	sshrl.u32 s12, $0x3;
	s22 =	simm.s32 $0x9;
	s23 =	simm.s32 $0x100  }
0x13: {  	s9 =	simm.s32 $0x7;
	s12 =	simm.s32 $0x5;
	[dreg:$0x4] =	wrdreg s18  }
0x14: {  	s14 =	simm.s32 $0x8;
	s24 =	sadd.s32 s6, s10;
	[dreg:$0xc] =	wrdreg s28  }
0x15: {  	s10 =	sadd.s32 s7, s10;
	s25 =	sadd.s32 s5, s13;
	[dreg:$0xd] =	wrdreg s19  }
0x16: {  	s0 =	sadd.s32 $0x7AC00, s0;
	s13 =	simm.s32 $0x3;
	[dreg:$0x7] =	wrdreg s24  }
0x17: {  	[dreg:$0x8] =	wrdreg s10;
	s1 =	sadd.s32 s5, s1;
	s17 =	sor.u32 $0x50, s8  }
0x18: {  	s26 =	sadd.s32 $0x27B00, s25;
	[dreg:$0xb] =	wrdreg s0;
	s24 =	simm.s32 $0x80  }
0x19: {  	s25 =	simm.s32 $0x180;
	s0 =	simm.s32 $0x7A00;
	[dreg:$0x9] =	wrdreg s1  }
0x1a: {  	[dreg:$0xa] =	wrdreg s26;
	s26 =	simm.s32 $0x1;
	s1 =	simm.s32 $0x2A00  }
.LBB2_1:
0x1b: {  	[dreg:$0xe] =	wrdreg s20  }
0x1c: {  	s10 =	rddreg [dreg:$0x3]  }
0x1d: {  	[spmem:s19], [sflag:s18] =	dma.local [hbm:s10], $0x2780  }
0x1e: {  	_ =	swait.ge [sflag:s22], $0x2780  }
0x1f: {  	[sflag:s22] =	ssyncset.done $0x0  }
0x20: {  	[sflag:s22] =	ssyncadd.s32 $0xFFFFD880  }
0x21: {  	[bflag:$0x0] =	sbarrier.arrive $0xFFFF  }
0x22: {  	s28 =	rddreg [dreg:$0x5]  }
0x23: {  	[tilespmem:s3], [sflag:$0x1] =	stream.linear.gather [hbm4b:s28+s3], $0x80, $0x38;
	[tilespmem:$0x1DE00] =	vst v63  }
0x24: {  	s18 =	rddreg [dreg:$0x6]  }
0x25: {  	[tilespmem:s23], [sflag:$0x3] =	stream.linear.gather [hbm4b:s18+s3], $0x80, $0x38;
	[tilespmem:$0x1DE00] =	vst v63  }
0x26: {  	s19 =	rddreg [dreg:$0x7]  }
0x27: {  	[tilespmem:s24], [sflag:$0x2] =	stream.linear.gather [hbm4b:s19+s3], $0x80, $0x38;
	[tilespmem:$0x1DE00] =	vst v63  }
0x28: {  	s20 =	rddreg [dreg:$0x8]  }
0x29: {  	[tilespmem:s25], [sflag:$0x4] =	stream.linear.gather [hbm4b:s20+s3], $0x80, $0x38;
	[tilespmem:$0x1DE00] =	vst v63  }
0x2a: {  	_ =	swait.ge [sflag:s26], $0x80  }
0x2b: {  	[sflag:s26] =	ssyncset.done $0x0  }
0x2c: {  	s28 =	simm.s32 $0x5200;
	s21 =	rddreg [dreg:$0x9];
	[sflag:s26] =	ssyncadd.s32 $0xFFFFFF80  }
0x2d: {  	[tilespmem:s28], [sflag:$0x7] =	stream.linear.gather [hbm4b:s21+s3], $0x2800, $0x38;
	[tilespmem:$0x1DE00] =	vst v63  }
0x2e: {  	s19 =	simm.s32 $0x0  }
0x2f: {  	[tilespmem:s30], [sflag:$0x5] =	stream.indirect.gather [hbm4b:s4+s29], $0x80, s3, s29, $0xb8;
	[tilespmem:$0x1DE00] =	vst v63  }
.LBB2_2:
0x30: {  	s10 =	smul.u32 $0xA0, s19;
	_ =	sdelay $0x1  }
0x31: {  	_ =	swait.ge [sflag:s31], $0x80;
	s10 =	sadd.s32 s10, s17  }
0x32: {  	s18 =	simm.s32 $0x0;
	[sflag:s31] =	ssyncset.done $0x0;
	s10 =	sshll.u32 s10, $0x4  }
0x33: {  	s21 =	sshll.u32 s19, $0x1;
	[sflag:s31] =	ssyncadd.s32 $0xFFFFFF80;
	s10 =	sadd.s32 s5, s10  }
0x34: {  	[tilespmem:s0], [sflag:$0x8] =	stream.linear.gather [hbm4b:s10+s18], $0x2800, $0x38;
	[tilespmem:$0x1DE00] =	vst v63  }
0x35: {  	s20 =	sadd.s32 $0x2, s21  }
0x36: {  	[tilespmem:s1], [sflag:$0x6] =	stream.indirect.gather [hbm4b:s4+s29], $0x80, s24, s29, $0xb8;
	[tilespmem:$0x1DE00] =	vst v63  }
0x37: {  	s10 =	sshll.u32 s20, $0x7;
	_ =	swait.ge [sflag:s9], $0x2800  }
0x38: {  	s21 =	sand.u32 $0x7C00, s10;
	[sflag:s9] =	ssyncset.done $0x0  }
0x39: {  	s10 =	sand.u32 $0x300, s10;
	s21 =	sadd.s32 s11, s21;
	[sflag:s9] =	ssyncadd.s32 $0xFFFFD800  }
0x3a: {  	s10 =	sor.u32 s10, s21;
	_ =	swait.ge [sflag:s12], $0x2800  }
0x3b: {  	s10 =	sshrl.u32 s10, $0x3;
	[sflag:s12] =	ssyncset.done $0x0  }
0x3c: {  	s21 =	simm.s32 $0x0;
	s28 =	sadd.s32 s6, s10;
	[sflag:s12] =	ssyncadd.s32 $0xFFFFD800  }
0x3d: {  	[tilespmem:s18], [sflag:$0x1] =	stream.linear.gather [hbm4b:s28+s18], $0x80, $0x38;
	[tilespmem:$0x1DE00] =	vst v63  }
0x3e: {  	v6 =	vld [tilespmem:s21+$0x5200]  }
0x3f: {  	v11 =	vld [tilespmem:s21+$0x5210]  }
0x40: {  	v5 =	vld [tilespmem:s21+$0x5220]  }
0x41: {  	v4 =	vld [tilespmem:s21+$0x5230]  }
0x42: {  	v3 =	vld [tilespmem:s21+$0x5240]  }
0x43: {  	v2 =	vld [tilespmem:s21+$0x5250]  }
0x44: {  	v1 =	vld [tilespmem:s21+$0x5260]  }
0x45: {  	v0 =	vld [tilespmem:s21+$0x5270]  }
0x46: {  	v12 =	vld [tilespmem:s21+$0x200]  }
0x47: {  	v13 =	vld [tilespmem:s21+$0x210]  }
0x48: {  	v10 =	vld [tilespmem:s21+$0x220]  }
0x49: {  	v9 =	vld [tilespmem:s21+$0x230]  }
0x4a: {  	v8 =	vld [tilespmem:s21+$0x240]  }
0x4b: {  	v7 =	vld [tilespmem:s21+$0x250];
	v12 =	vadd.f32 v6, v12  }
0x4c: {  	s18 =	simm.s32 $0x200;
	v11 =	vadd.f32 v11, v13;
	v6 =	vld [tilespmem:s21+$0x260]  }
.LBB2_3:
0x4d: {  	s28 =	sshra.s32 s18, $0x2;
	p0 =	sne.s32 s18, $0x9E00;
	v12 =	vmax.f32 v12, $0.0e+00;
	v5 =	vadd.f32 v5, v10;
	v10 =	vld [tilespmem:s21+$0x270]  }
0x4e: {  	v13 =	vld [tilespmem:s28+$0x5200];
	[tilespmem:s21+$0x200] =	vst v12;
	v11 =	vmax.f32 v11, $0.0e+00;
	v4 =	vadd.f32 v4, v9  }
0x4f: {  	v14 =	vld [tilespmem:s28+$0x5210];
	[tilespmem:s21+$0x210] =	vst v11;
	v9 =	vmax.f32 v5, $0.0e+00;
	v3 =	vadd.f32 v3, v8  }
0x50: {  	v5 =	vld [tilespmem:s28+$0x5220];
	[tilespmem:s21+$0x220] =	vst v9;
	v8 =	vmax.f32 v4, $0.0e+00;
	v2 =	vadd.f32 v2, v7  }
0x51: {  	v4 =	vld [tilespmem:s28+$0x5230];
	[tilespmem:s21+$0x230] =	vst v8;
	v7 =	vmax.f32 v3, $0.0e+00;
	v1 =	vadd.f32 v1, v6  }
0x52: {  	v3 =	vld [tilespmem:s28+$0x5240];
	[tilespmem:s21+$0x240] =	vst v7;
	v6 =	vmax.f32 v2, $0.0e+00;
	v0 =	vadd.f32 v0, v10  }
0x53: {  	v2 =	vld [tilespmem:s28+$0x5250];
	[tilespmem:s21+$0x250] =	vst v6;
	v6 =	vmax.f32 v1, $0.0e+00  }
0x54: {  	v1 =	vld [tilespmem:s28+$0x5260];
	[tilespmem:s21+$0x260] =	vst v6;
	v6 =	vmax.f32 v0, $0.0e+00  }
0x55: {  	v0 =	vld [tilespmem:s28+$0x5270];
	[tilespmem:s21+$0x270] =	vst v6;
	s21 =	smov.u32 s28  }
0x56: {  	v6 =	vld [tilespmem:s21+$0x200]  }
0x57: {  	v11 =	vld [tilespmem:s21+$0x210]  }
.Ltmp0:
0x58: {  	v10 =	vld [tilespmem:s21+$0x220];
	(pc) =	sbr.rel @p0 .LBB2_3-.Ltmp0, $4  }
0x59: {  	v9 =	vld [tilespmem:s21+$0x230]  }
0x5a: {  	v8 =	vld [tilespmem:s21+$0x240]  }
0x5b: {  	v12 =	vadd.f32 v13, v6;
	v7 =	vld [tilespmem:s21+$0x250]  }
0x5c: {  	s18 =	sadd.s32 $0x200, s18;
	v11 =	vadd.f32 v14, v11;
	v6 =	vld [tilespmem:s21+$0x260]  }
0x5d: {  	v12 =	vmax.f32 v12, $0.0e+00;
	v5 =	vadd.f32 v5, v10;
	v10 =	vld [tilespmem:s21+$0x270]  }
0x5e: {  	[tilespmem:s21+$0x200] =	vst v12;
	v11 =	vmax.f32 v11, $0.0e+00;
	v4 =	vadd.f32 v4, v9  }
0x5f: {  	[tilespmem:s21+$0x210] =	vst v11;
	v5 =	vmax.f32 v5, $0.0e+00;
	v3 =	vadd.f32 v3, v8  }
0x60: {  	[tilespmem:s21+$0x220] =	vst v5;
	v4 =	vmax.f32 v4, $0.0e+00;
	v2 =	vadd.f32 v2, v7  }
0x61: {  	[tilespmem:s21+$0x230] =	vst v4;
	v3 =	vmax.f32 v3, $0.0e+00;
	v1 =	vadd.f32 v1, v6  }
0x62: {  	[tilespmem:s21+$0x240] =	vst v3;
	v2 =	vmax.f32 v2, $0.0e+00;
	v0 =	vadd.f32 v0, v10  }
0x63: {  	[tilespmem:s21+$0x250] =	vst v2;
	v1 =	vmax.f32 v1, $0.0e+00  }
0x64: {  	[tilespmem:s21+$0x260] =	vst v1;
	v0 =	vmax.f32 v0, $0.0e+00  }
0x65: {  	[tilespmem:s21+$0x270] =	vst v0  }
0x66: {  	_ =	swait.ge [sflag:s13], $0x80  }
0x67: {  	[sflag:s13] =	ssyncset.done $0x0  }
0x68: {  	[sflag:s13] =	ssyncadd.s32 $0xFFFFFF80  }
0x69: {  	[spmem:s2] =	stream.indirect.scatter.add.f32 [tilespmem:s30], [sflag:$0x9], $0x80, s23, s29, $0xb8;
	[tilespmem:$0x1DE00] =	vst v63  }
0x6a: {  	_ =	swait.ge [sflag:s22], $0x2800  }
0x6b: {  	s10 =	sadd.s32 s7, s10;
	[sflag:s22] =	ssyncset.done $0x0  }
0x6c: {  	s18 =	simm.s32 $0x0;
	s20 =	smul.u32 $0x50, s20;
	[sflag:s22] =	ssyncadd.s32 $0xFFFFD800  }
0x6d: {  	[tilespmem:s23], [sflag:$0x3] =	stream.linear.gather [hbm4b:s10+s18], $0x80, $0x38;
	[tilespmem:$0x1DE00] =	vst v63  }
0x6e: {  	s21 =	sadd.s32 s8, s20;
	_ =	swait.ge [sflag:s26], $0x80  }
0x6f: {  	s10 =	sshll.u32 s21, $0x4;
	[sflag:s26] =	ssyncset.done $0x0  }
0x70: {  	s28 =	simm.s32 $0x5200;
	s10 =	sadd.s32 s5, s10;
	[sflag:s26] =	ssyncadd.s32 $0xFFFFFF80  }
0x71: {  	[tilespmem:s28], [sflag:$0x7] =	stream.linear.gather [hbm4b:s10+s18], $0x2800, $0x38;
	[tilespmem:$0x1DE00] =	vst v63  }
0x72: {  	s20 =	sshll.u32 s19, $0x8  }
0x73: {  	[tilespmem:s30], [sflag:$0x5] =	stream.indirect.gather [hbm4b:s4+s29], $0x80, s18, s29, $0xb8;
	[tilespmem:$0x1DE00] =	vst v63  }
0x74: {  	s10 =	sadd.s32 $0x180, s20;
	_ =	swait.ge [sflag:s14], $0x2800  }
0x75: {  	s21 =	sand.u32 $0x7C00, s10;
	[sflag:s14] =	ssyncset.done $0x0  }
0x76: {  	s10 =	sand.u32 $0x380, s10;
	s20 =	sadd.s32 s11, s21;
	[sflag:s14] =	ssyncadd.s32 $0xFFFFD800  }
0x77: {  	s10 =	sor.u32 s10, s20;
	_ =	swait.ge [sflag:s15], $0x2800  }
0x78: {  	s10 =	sshrl.u32 s10, $0x3;
	[sflag:s15] =	ssyncset.done $0x0  }
0x79: {  	s20 =	simm.s32 $0x0;
	s28 =	sadd.s32 s6, s10;
	[sflag:s15] =	ssyncadd.s32 $0xFFFFD800  }
0x7a: {  	[tilespmem:s24], [sflag:$0x2] =	stream.linear.gather [hbm4b:s28+s18], $0x80, $0x38;
	[tilespmem:$0x1DE00] =	vst v63  }
0x7b: {  	v6 =	vld [tilespmem:s20+$0x7A00]  }
0x7c: {  	v11 =	vld [tilespmem:s20+$0x7A10]  }
0x7d: {  	v5 =	vld [tilespmem:s20+$0x7A20]  }
0x7e: {  	v4 =	vld [tilespmem:s20+$0x7A30]  }
0x7f: {  	v3 =	vld [tilespmem:s20+$0x7A40]  }
0x80: {  	v2 =	vld [tilespmem:s20+$0x7A50]  }
0x81: {  	v1 =	vld [tilespmem:s20+$0x7A60]  }
0x82: {  	v0 =	vld [tilespmem:s20+$0x7A70]  }
0x83: {  	v12 =	vld [tilespmem:s20+$0x2A00]  }
0x84: {  	v13 =	vld [tilespmem:s20+$0x2A10]  }
0x85: {  	v10 =	vld [tilespmem:s20+$0x2A20]  }
0x86: {  	v9 =	vld [tilespmem:s20+$0x2A30]  }
0x87: {  	v8 =	vld [tilespmem:s20+$0x2A40]  }
0x88: {  	v7 =	vld [tilespmem:s20+$0x2A50];
	v12 =	vadd.f32 v6, v12  }
0x89: {  	s18 =	simm.s32 $0x200;
	v11 =	vadd.f32 v11, v13;
	v6 =	vld [tilespmem:s20+$0x2A60]  }
.LBB2_5:
0x8a: {  	s21 =	sshra.s32 s18, $0x2;
	p0 =	sne.s32 s18, $0x9E00;
	v12 =	vmax.f32 v12, $0.0e+00;
	v5 =	vadd.f32 v5, v10;
	v10 =	vld [tilespmem:s20+$0x2A70]  }
0x8b: {  	v13 =	vld [tilespmem:s21+$0x7A00];
	[tilespmem:s20+$0x2A00] =	vst v12;
	v11 =	vmax.f32 v11, $0.0e+00;
	v4 =	vadd.f32 v4, v9  }
0x8c: {  	v14 =	vld [tilespmem:s21+$0x7A10];
	[tilespmem:s20+$0x2A10] =	vst v11;
	v9 =	vmax.f32 v5, $0.0e+00;
	v3 =	vadd.f32 v3, v8  }
0x8d: {  	v5 =	vld [tilespmem:s21+$0x7A20];
	[tilespmem:s20+$0x2A20] =	vst v9;
	v8 =	vmax.f32 v4, $0.0e+00;
	v2 =	vadd.f32 v2, v7  }
0x8e: {  	v4 =	vld [tilespmem:s21+$0x7A30];
	[tilespmem:s20+$0x2A30] =	vst v8;
	v7 =	vmax.f32 v3, $0.0e+00;
	v1 =	vadd.f32 v1, v6  }
0x8f: {  	v3 =	vld [tilespmem:s21+$0x7A40];
	[tilespmem:s20+$0x2A40] =	vst v7;
	v6 =	vmax.f32 v2, $0.0e+00;
	v0 =	vadd.f32 v0, v10  }
0x90: {  	v2 =	vld [tilespmem:s21+$0x7A50];
	[tilespmem:s20+$0x2A50] =	vst v6;
	v6 =	vmax.f32 v1, $0.0e+00  }
0x91: {  	v1 =	vld [tilespmem:s21+$0x7A60];
	[tilespmem:s20+$0x2A60] =	vst v6;
	v6 =	vmax.f32 v0, $0.0e+00  }
0x92: {  	v0 =	vld [tilespmem:s21+$0x7A70];
	[tilespmem:s20+$0x2A70] =	vst v6;
	s20 =	smov.u32 s21  }
0x93: {  	v6 =	vld [tilespmem:s20+$0x2A00]  }
0x94: {  	v11 =	vld [tilespmem:s20+$0x2A10]  }
.Ltmp1:
0x95: {  	v10 =	vld [tilespmem:s20+$0x2A20];
	(pc) =	sbr.rel @p0 .LBB2_5-.Ltmp1, $4  }
0x96: {  	v9 =	vld [tilespmem:s20+$0x2A30]  }
0x97: {  	v8 =	vld [tilespmem:s20+$0x2A40]  }
0x98: {  	v12 =	vadd.f32 v13, v6;
	v7 =	vld [tilespmem:s20+$0x2A50]  }
0x99: {  	s18 =	sadd.s32 $0x200, s18;
	v11 =	vadd.f32 v14, v11;
	v6 =	vld [tilespmem:s20+$0x2A60]  }
0x9a: {  	v12 =	vmax.f32 v12, $0.0e+00;
	v5 =	vadd.f32 v5, v10;
	v63 =	vld [tilespmem:s20+$0x2A70]  }
0x9b: {  	[tilespmem:s20+$0x2A00] =	vst v12;
	v11 =	vmax.f32 v11, $0.0e+00;
	v4 =	vadd.f32 v4, v9  }
0x9c: {  	[tilespmem:s20+$0x2A10] =	vst v11;
	v5 =	vmax.f32 v5, $0.0e+00;
	v3 =	vadd.f32 v3, v8  }
0x9d: {  	[tilespmem:s20+$0x2A20] =	vst v5;
	v4 =	vmax.f32 v4, $0.0e+00;
	v2 =	vadd.f32 v2, v7  }
0x9e: {  	[tilespmem:s20+$0x2A30] =	vst v4;
	v3 =	vmax.f32 v3, $0.0e+00;
	v1 =	vadd.f32 v1, v6  }
0x9f: {  	[tilespmem:s20+$0x2A40] =	vst v3;
	v2 =	vmax.f32 v2, $0.0e+00;
	v0 =	vadd.f32 v0, v63  }
0xa0: {  	[tilespmem:s20+$0x2A50] =	vst v2;
	v1 =	vmax.f32 v1, $0.0e+00  }
0xa1: {  	[tilespmem:s20+$0x2A60] =	vst v1;
	v0 =	vmax.f32 v0, $0.0e+00  }
0xa2: {  	[tilespmem:s20+$0x2A70] =	vst v0  }
0xa3: {  	_ =	swait.ge [sflag:s16], $0x80  }
0xa4: {  	s19 =	sadd.s32 $0x1, s19;
	[sflag:s16] =	ssyncset.done $0x0  }
0xa5: {  	p0 =	sne.s32 s19, $0x3F;
	[sflag:s16] =	ssyncadd.s32 $0xFFFFFF80  }
0xa6: {  	[spmem:s2] =	stream.indirect.scatter.add.f32 [tilespmem:s1], [sflag:$0x9], $0x80, s25, s29, $0xb8;
	[tilespmem:$0x1DE00] =	vst v63  }
.Ltmp2:
0xa7: {  	_ = 	snop;
	(pc) =	sbr.rel @p0 .LBB2_2-.Ltmp2, $4  }
0xa8: {  	_ =	swait.ge [sflag:s22], $0x2800  }
0xa9: {  	[sflag:s22] =	ssyncset.done $0x0  }
0xaa: {  	s10 =	sadd.s32 s7, s10;
	[sflag:s22] =	ssyncadd.s32 $0xFFFFD800  }
0xab: {  	[tilespmem:s25], [sflag:$0x4] =	stream.linear.gather [hbm4b:s10+s3], $0x80, $0x38;
	[tilespmem:$0x1DE00] =	vst v63  }
0xac: {  	_ =	swait.ge [sflag:s31], $0x80  }
0xad: {  	[sflag:s31] =	ssyncset.done $0x0  }
0xae: {  	s10 =	simm.s32 $0x0;
	s18 =	rddreg [dreg:$0xa];
	[sflag:s31] =	ssyncadd.s32 $0xFFFFFF80  }
0xaf: {  	[tilespmem:s0], [sflag:$0x8] =	stream.linear.gather [hbm4b:s18+s10], $0x2800, $0x38;
	[tilespmem:$0x1DE00] =	vst v63  }
0xb0: {  	_ = 	snop  }
0xb1: {  	[tilespmem:s1], [sflag:$0x6] =	stream.indirect.gather [hbm4b:s4+s29], $0x80, s24, s29, $0xb8;
	[tilespmem:$0x1DE00] =	vst v63  }
0xb2: {  	_ =	swait.ge [sflag:s9], $0x2800  }
0xb3: {  	[sflag:s9] =	ssyncset.done $0x0  }
0xb4: {  	[sflag:s9] =	ssyncadd.s32 $0xFFFFD800  }
0xb5: {  	_ =	swait.ge [sflag:s12], $0x2800  }
0xb6: {  	[sflag:s12] =	ssyncset.done $0x0  }
0xb7: {  	s10 =	simm.s32 $0x0;
	[sflag:s12] =	ssyncadd.s32 $0xFFFFD800  }
0xb8: {  	v6 =	vld [tilespmem:s10+$0x5200]  }
0xb9: {  	v11 =	vld [tilespmem:s10+$0x5210]  }
0xba: {  	v5 =	vld [tilespmem:s10+$0x5220]  }
0xbb: {  	v4 =	vld [tilespmem:s10+$0x5230]  }
0xbc: {  	v3 =	vld [tilespmem:s10+$0x5240]  }
0xbd: {  	v2 =	vld [tilespmem:s10+$0x5250]  }
0xbe: {  	v1 =	vld [tilespmem:s10+$0x5260]  }
0xbf: {  	v0 =	vld [tilespmem:s10+$0x5270]  }
0xc0: {  	v12 =	vld [tilespmem:s10+$0x200]  }
0xc1: {  	v13 =	vld [tilespmem:s10+$0x210]  }
0xc2: {  	v10 =	vld [tilespmem:s10+$0x220]  }
0xc3: {  	v9 =	vld [tilespmem:s10+$0x230]  }
0xc4: {  	v8 =	vld [tilespmem:s10+$0x240]  }
0xc5: {  	v7 =	vld [tilespmem:s10+$0x250];
	v12 =	vadd.f32 v6, v12  }
0xc6: {  	s18 =	simm.s32 $0x200;
	v11 =	vadd.f32 v11, v13;
	v6 =	vld [tilespmem:s10+$0x260]  }
.LBB2_8:
0xc7: {  	s19 =	sshra.s32 s18, $0x2;
	p0 =	sne.s32 s18, $0x9E00;
	v12 =	vmax.f32 v12, $0.0e+00;
	v5 =	vadd.f32 v5, v10;
	v10 =	vld [tilespmem:s10+$0x270]  }
0xc8: {  	v13 =	vld [tilespmem:s19+$0x5200];
	[tilespmem:s10+$0x200] =	vst v12;
	v11 =	vmax.f32 v11, $0.0e+00;
	v4 =	vadd.f32 v4, v9  }
0xc9: {  	v14 =	vld [tilespmem:s19+$0x5210];
	[tilespmem:s10+$0x210] =	vst v11;
	v9 =	vmax.f32 v5, $0.0e+00;
	v3 =	vadd.f32 v3, v8  }
0xca: {  	v5 =	vld [tilespmem:s19+$0x5220];
	[tilespmem:s10+$0x220] =	vst v9;
	v8 =	vmax.f32 v4, $0.0e+00;
	v2 =	vadd.f32 v2, v7  }
0xcb: {  	v4 =	vld [tilespmem:s19+$0x5230];
	[tilespmem:s10+$0x230] =	vst v8;
	v7 =	vmax.f32 v3, $0.0e+00;
	v1 =	vadd.f32 v1, v6  }
0xcc: {  	v3 =	vld [tilespmem:s19+$0x5240];
	[tilespmem:s10+$0x240] =	vst v7;
	v6 =	vmax.f32 v2, $0.0e+00;
	v0 =	vadd.f32 v0, v10  }
0xcd: {  	v2 =	vld [tilespmem:s19+$0x5250];
	[tilespmem:s10+$0x250] =	vst v6;
	v6 =	vmax.f32 v1, $0.0e+00  }
0xce: {  	v1 =	vld [tilespmem:s19+$0x5260];
	[tilespmem:s10+$0x260] =	vst v6;
	v6 =	vmax.f32 v0, $0.0e+00  }
0xcf: {  	v0 =	vld [tilespmem:s19+$0x5270];
	[tilespmem:s10+$0x270] =	vst v6;
	s10 =	smov.u32 s19  }
0xd0: {  	v6 =	vld [tilespmem:s10+$0x200]  }
0xd1: {  	v11 =	vld [tilespmem:s10+$0x210]  }
.Ltmp3:
0xd2: {  	v10 =	vld [tilespmem:s10+$0x220];
	(pc) =	sbr.rel @p0 .LBB2_8-.Ltmp3, $4  }
0xd3: {  	v9 =	vld [tilespmem:s10+$0x230]  }
0xd4: {  	v8 =	vld [tilespmem:s10+$0x240]  }
0xd5: {  	v12 =	vadd.f32 v13, v6;
	v7 =	vld [tilespmem:s10+$0x250]  }
0xd6: {  	s18 =	sadd.s32 $0x200, s18;
	v11 =	vadd.f32 v14, v11;
	v6 =	vld [tilespmem:s10+$0x260]  }
0xd7: {  	v12 =	vmax.f32 v12, $0.0e+00;
	v5 =	vadd.f32 v5, v10;
	v10 =	vld [tilespmem:s10+$0x270]  }
0xd8: {  	[tilespmem:s10+$0x200] =	vst v12;
	v11 =	vmax.f32 v11, $0.0e+00;
	v4 =	vadd.f32 v4, v9  }
0xd9: {  	[tilespmem:s10+$0x210] =	vst v11;
	v5 =	vmax.f32 v5, $0.0e+00;
	v3 =	vadd.f32 v3, v8  }
0xda: {  	[tilespmem:s10+$0x220] =	vst v5;
	v4 =	vmax.f32 v4, $0.0e+00;
	v2 =	vadd.f32 v2, v7  }
0xdb: {  	[tilespmem:s10+$0x230] =	vst v4;
	v3 =	vmax.f32 v3, $0.0e+00;
	v1 =	vadd.f32 v1, v6  }
0xdc: {  	[tilespmem:s10+$0x240] =	vst v3;
	v2 =	vmax.f32 v2, $0.0e+00;
	v0 =	vadd.f32 v0, v10  }
0xdd: {  	[tilespmem:s10+$0x250] =	vst v2;
	v1 =	vmax.f32 v1, $0.0e+00  }
0xde: {  	[tilespmem:s10+$0x260] =	vst v1;
	v0 =	vmax.f32 v0, $0.0e+00  }
0xdf: {  	[tilespmem:s10+$0x270] =	vst v0  }
0xe0: {  	_ =	swait.ge [sflag:s13], $0x80  }
0xe1: {  	[sflag:s13] =	ssyncset.done $0x0  }
0xe2: {  	[sflag:s13] =	ssyncadd.s32 $0xFFFFFF80  }
0xe3: {  	[spmem:s2] =	stream.indirect.scatter.add.f32 [tilespmem:s30], [sflag:$0x9], $0x80, s23, s29, $0xb8;
	[tilespmem:$0x1DE00] =	vst v63  }
0xe4: {  	_ =	swait.ge [sflag:s22], $0x2800  }
0xe5: {  	[sflag:s22] =	ssyncset.done $0x0  }
0xe6: {  	[sflag:s22] =	ssyncadd.s32 $0xFFFFD800  }
0xe7: {  	_ =	swait.ge [sflag:s14], $0x2800  }
0xe8: {  	[sflag:s14] =	ssyncset.done $0x0  }
0xe9: {  	[sflag:s14] =	ssyncadd.s32 $0xFFFFD800  }
0xea: {  	_ =	swait.ge [sflag:s15], $0x2800  }
0xeb: {  	[sflag:s15] =	ssyncset.done $0x0  }
0xec: {  	s10 =	simm.s32 $0x0;
	[sflag:s15] =	ssyncadd.s32 $0xFFFFD800  }
0xed: {  	v6 =	vld [tilespmem:s10+$0x7A00]  }
0xee: {  	v11 =	vld [tilespmem:s10+$0x7A10]  }
0xef: {  	v5 =	vld [tilespmem:s10+$0x7A20]  }
0xf0: {  	v4 =	vld [tilespmem:s10+$0x7A30]  }
0xf1: {  	v3 =	vld [tilespmem:s10+$0x7A40]  }
0xf2: {  	v2 =	vld [tilespmem:s10+$0x7A50]  }
0xf3: {  	v1 =	vld [tilespmem:s10+$0x7A60]  }
0xf4: {  	v0 =	vld [tilespmem:s10+$0x7A70]  }
0xf5: {  	v12 =	vld [tilespmem:s10+$0x2A00]  }
0xf6: {  	v13 =	vld [tilespmem:s10+$0x2A10]  }
0xf7: {  	v10 =	vld [tilespmem:s10+$0x2A20]  }
0xf8: {  	v9 =	vld [tilespmem:s10+$0x2A30]  }
0xf9: {  	v8 =	vld [tilespmem:s10+$0x2A40]  }
0xfa: {  	v7 =	vld [tilespmem:s10+$0x2A50];
	v12 =	vadd.f32 v6, v12  }
0xfb: {  	s18 =	simm.s32 $0x200;
	s20 =	rddreg [dreg:$0xe];
	v11 =	vadd.f32 v11, v13;
	v6 =	vld [tilespmem:s10+$0x2A60]  }
.LBB2_10:
0xfc: {  	s19 =	sshra.s32 s18, $0x2;
	p0 =	sne.s32 s18, $0x9E00;
	v12 =	vmax.f32 v12, $0.0e+00;
	v5 =	vadd.f32 v5, v10;
	v10 =	vld [tilespmem:s10+$0x2A70]  }
0xfd: {  	v13 =	vld [tilespmem:s19+$0x7A00];
	[tilespmem:s10+$0x2A00] =	vst v12;
	v11 =	vmax.f32 v11, $0.0e+00;
	v4 =	vadd.f32 v4, v9  }
0xfe: {  	v14 =	vld [tilespmem:s19+$0x7A10];
	[tilespmem:s10+$0x2A10] =	vst v11;
	v9 =	vmax.f32 v5, $0.0e+00;
	v3 =	vadd.f32 v3, v8  }
0xff: {  	v5 =	vld [tilespmem:s19+$0x7A20];
	[tilespmem:s10+$0x2A20] =	vst v9;
	v8 =	vmax.f32 v4, $0.0e+00;
	v2 =	vadd.f32 v2, v7  }
0x100: {  	v4 =	vld [tilespmem:s19+$0x7A30];
	[tilespmem:s10+$0x2A30] =	vst v8;
	v7 =	vmax.f32 v3, $0.0e+00;
	v1 =	vadd.f32 v1, v6  }
0x101: {  	v3 =	vld [tilespmem:s19+$0x7A40];
	[tilespmem:s10+$0x2A40] =	vst v7;
	v6 =	vmax.f32 v2, $0.0e+00;
	v0 =	vadd.f32 v0, v10  }
0x102: {  	v2 =	vld [tilespmem:s19+$0x7A50];
	[tilespmem:s10+$0x2A50] =	vst v6;
	v6 =	vmax.f32 v1, $0.0e+00  }
0x103: {  	v1 =	vld [tilespmem:s19+$0x7A60];
	[tilespmem:s10+$0x2A60] =	vst v6;
	v6 =	vmax.f32 v0, $0.0e+00  }
0x104: {  	v0 =	vld [tilespmem:s19+$0x7A70];
	[tilespmem:s10+$0x2A70] =	vst v6;
	s10 =	smov.u32 s19  }
0x105: {  	v6 =	vld [tilespmem:s10+$0x2A00]  }
0x106: {  	v11 =	vld [tilespmem:s10+$0x2A10]  }
.Ltmp4:
0x107: {  	v10 =	vld [tilespmem:s10+$0x2A20];
	(pc) =	sbr.rel @p0 .LBB2_10-.Ltmp4, $4  }
0x108: {  	v9 =	vld [tilespmem:s10+$0x2A30]  }
0x109: {  	v8 =	vld [tilespmem:s10+$0x2A40]  }
0x10a: {  	v12 =	vadd.f32 v13, v6;
	v7 =	vld [tilespmem:s10+$0x2A50]  }
0x10b: {  	s18 =	sadd.s32 $0x200, s18;
	v11 =	vadd.f32 v14, v11;
	v6 =	vld [tilespmem:s10+$0x2A60]  }
0x10c: {  	v12 =	vmax.f32 v12, $0.0e+00;
	v5 =	vadd.f32 v5, v10;
	v63 =	vld [tilespmem:s10+$0x2A70]  }
0x10d: {  	[tilespmem:s10+$0x2A00] =	vst v12;
	v11 =	vmax.f32 v11, $0.0e+00;
	v4 =	vadd.f32 v4, v9  }
0x10e: {  	[tilespmem:s10+$0x2A10] =	vst v11;
	v5 =	vmax.f32 v5, $0.0e+00;
	v3 =	vadd.f32 v3, v8  }
0x10f: {  	[tilespmem:s10+$0x2A20] =	vst v5;
	v4 =	vmax.f32 v4, $0.0e+00;
	v2 =	vadd.f32 v2, v7  }
0x110: {  	[tilespmem:s10+$0x2A30] =	vst v4;
	v3 =	vmax.f32 v3, $0.0e+00;
	v1 =	vadd.f32 v1, v6  }
0x111: {  	[tilespmem:s10+$0x2A40] =	vst v3;
	v2 =	vmax.f32 v2, $0.0e+00;
	v0 =	vadd.f32 v0, v63  }
0x112: {  	[tilespmem:s10+$0x2A50] =	vst v2;
	v1 =	vmax.f32 v1, $0.0e+00  }
0x113: {  	[tilespmem:s10+$0x2A60] =	vst v1;
	v0 =	vmax.f32 v0, $0.0e+00  }
0x114: {  	[tilespmem:s10+$0x2A70] =	vst v0  }
0x115: {  	_ =	swait.ge [sflag:s16], $0x80  }
0x116: {  	[sflag:s16] =	ssyncset.done $0x0  }
0x117: {  	[sflag:s16] =	ssyncadd.s32 $0xFFFFFF80  }
0x118: {  	[spmem:s2] =	stream.indirect.scatter.add.f32 [tilespmem:s1], [sflag:$0x9], $0x80, s25, s29, $0xb8;
	[tilespmem:$0x1DE00] =	vst v63  }
0x119: {  	_ =	swait.ge [sflag:s22], $0x2800  }
0x11a: {  	[sflag:s22] =	ssyncset.done $0x0  }
0x11b: {  	[sflag:s22] =	ssyncadd.s32 $0xFFFFD800  }
0x11c: {  	[bflag:$0x0] =	sbarrier.arrive $0xFFFF  }
0x11d: {  	s18 =	rddreg [dreg:$0x4]  }
0x11e: {  	s21 =	rddreg [dreg:$0xb]  }
0x11f: {  	s19 =	rddreg [dreg:$0xd]  }
0x120: {  	[hbm:s21], [sflag:s18] =	dma.local [spmem:s19], $0x2780  }
0x121: {  	_ =	swait.ge [sflag:s22], $0x2780  }
0x122: {  	s20 =	sadd.s32 $0x1, s20;
	s28 =	rddreg [dreg:$0xc]  }
0x123: {  	p0 =	sne.s32 s20, s28  }
.Ltmp5:
0x124: {  	_ = 	snop;
	(pc) =	sbr.rel @p0 .LBB2_1-.Ltmp5, $3  }
0x125: {  	_ =	sdelay $0x1  }
0x126: {  	[sflag:s22] =	ssyncset.done $0x0  }
0x127: {  	[sflag:s22] =	ssyncadd.s32 $0xFFFFD880  }
0x128: {  	_ =	sfence.sel $0x180000  }
0x129: {  	[bflag:$0x0] =	sbarrier.arrive $0xFFFF  }
0x12a: {  	_ =	strace $0x9000004D  }
0x12b: {  	s0 =	stileid.u32;
	[bflag:$0x2] =	sbarrier.arrive $0xFFFF  }
0x12c: {  	p0 =	sne.s32 s0, $0x0;
	s0 =	rddreg [dreg:$0x2]  }
0x12d: {  	s0 =	sadd.s32 @!p0 $0x100000, s0  }
0x12e: {  	[sflag:s0] =	ssyncadd.tile.s32 @!p0 $0x1;
	_ =	shalt  }
.Lfunc_end2:
_tile_overlayer_lowered:
.L_overlay_start_2:
0x12f: {  	(tag) =	ssettag $0x2  }
0x130: {  	s0 =	rddreg [dreg:$0x0];
	s2 =	stileid.u32  }
0x131: {  	s1 =	rddreg [dreg:$0x1];
	p0 =	sne.s32 s2, $0x0  }
0x132: {  	s3 =	rddreg [dreg:$0x2];
	[bflag:$0x3] =	sbarrier.arrive $0xFFFF;
	s2 =	simm.s32 @!p0 $0x1C09  }
0x133: {  	[timem:s3], [sflag:s2] =	dma.local @!p0 [hbm:s0], s1  }
0x134: {  	s0 =	simm.s32 @!p0 $0x9  }
0x135: {  	_ =	swait.ge @!p0 [sflag:s0], s1  }
0x136: {  	s1 =	ssub.s32 @!p0 $0x0, s1;
	[sflag:s0] =	ssyncset.done @!p0 $0x0  }
0x137: {  	[sflag:s0] =	ssyncadd.s32 @!p0 s1  }
0x138: {  	[bflag:$0x3] =	sbarrier.arrive $0xFFFF  }
0x139: {  	_ =	shalt  }

</sc_bundles>
